<compile_context>
chip_gen: v7x
topology: tpu7x:2x2x1
jax: 0.10.2.dev20260603
libtpu: 0.0.44.dev20260713+nightly
codegen_flags: <defaults>
</compile_context>

<pallas_src>
import functools

import jax
import jax.numpy as jnp
from jax import lax
from jax.experimental import pallas as pl
from jax.experimental.pallas import tpu as pltpu
from jax.experimental.pallas import tpu_sc as plsc

N = 118
NP = 128
E = 372
EP = 384
TB = 128
L = 16


def _rsqrt_sc(d):
    ih = plsc.bitcast(d, jnp.int32)
    y = plsc.bitcast(jnp.int32(0x5F3759DF) - (ih >> 1), jnp.float32)
    for _ in range(3):
        y = y * (1.5 - 0.5 * d * y * y)
    return y


def _adj_body(src_hbm, dst_hbm, a_hbm, src_v, dst_v, deg_v, dis_v, a_v):
    wid = lax.axis_index("s") * 2 + lax.axis_index("c")

    @pl.when(wid == 0)
    def _():
        pltpu.sync_copy(src_hbm, src_v)
        pltpu.sync_copy(dst_hbm, dst_v)
        zeros = jnp.zeros((L,), jnp.float32)

        def _zero(i, _):
            a_v[pl.ds(pl.multiple_of(i * L, L), L)] = zeros
            return 0

        lax.fori_loop(0, (NP * NP) // L, _zero, 0)
        ones = jnp.full((L,), 1.0, jnp.float32)
        for i in range(NP // L):
            deg_v[pl.ds(i * L, L)] = ones
        for c in range(EP // L):
            e_id = lax.iota(jnp.int32, L) + (c * L)
            mask = e_id < E
            d = dst_v[pl.ds(c * L, L)]
            plsc.addupdate_scatter(deg_v, [d], ones, mask=mask)
        for i in range(NP // L):
            deg = deg_v[pl.ds(i * L, L)]
            dis_v[pl.ds(i * L, L)] = _rsqrt_sc(deg)
        for c in range(EP // L):
            e_id = lax.iota(jnp.int32, L) + (c * L)
            mask = e_id < E
            s = src_v[pl.ds(c * L, L)]
            d = dst_v[pl.ds(c * L, L)]
            dis_s = plsc.load_gather(dis_v, [s], mask=mask)
            dis_d = plsc.load_gather(dis_v, [d], mask=mask)
            plsc.addupdate_scatter(a_v, [d * NP + s], dis_s * dis_d, mask=mask)
        for i in range(NP // L):
            node = lax.iota(jnp.int32, L) + (i * L)
            dis = dis_v[pl.ds(i * L, L)]
            plsc.addupdate_scatter(a_v, [node * (NP + 1)], dis * dis,
                                   mask=node < N)
        pltpu.sync_copy(a_v, a_hbm)


def _build_adj(src_p, dst_p):
    mesh = plsc.VectorSubcoreMesh(core_axis_name="c", subcore_axis_name="s")
    k = functools.partial(
        pl.kernel,
        out_type=jax.ShapeDtypeStruct((NP * NP,), jnp.float32),
        mesh=mesh,
        scratch_types=[
            pltpu.VMEM((EP,), jnp.int32),
            pltpu.VMEM((EP,), jnp.int32),
            pltpu.VMEM((NP,), jnp.float32),
            pltpu.VMEM((NP,), jnp.float32),
            pltpu.VMEM((NP * NP,), jnp.float32),
        ],
        compiler_params=pltpu.CompilerParams(needs_layout_passes=False),
    )(_adj_body)
    return k(src_p, dst_p).reshape(NP, NP)


def _gcn_body(x_ref, a_ref, W1_ref, b1_ref, W2_ref, Wfc_ref, bias_ref,
              out_ref, A_scr, M_scr):
    @pl.when(pl.program_id(0) == 0)
    def _():
        A = a_ref[...][:N, :N]
        A_scr[...] = A
        M_scr[...] = lax.dot_general(Wfc_ref[...], A,
                                     (((1,), (0,)), ((), ())))

    A = A_scr[...]
    M = M_scr[...]
    W1 = W1_ref[...]
    W2 = W2_ref[...]
    b1 = b1_ref[...]
    bias = bias_ref[...]
    WV = 32
    for w in range(TB // WV):
        bs = range(w * WV, (w + 1) * WV)
        Y = [lax.dot_general(W1, x_ref[b], (((0,), (0,)), ((), ())))
             for b in bs]
        Z = [lax.dot_general(y, A, (((1,), (1,)), ((), ())))
             for y in Y]
        R = [jnp.maximum(z + b1, 0.0) for z in Z]
        T = [lax.dot_general(W2, r, (((0,), (0,)), ((), ())))
             for r in R]
        U = [lax.dot_general(M, t, (((1,), (1,)), ((), ())))
             for t in T]
        for j, b in enumerate(bs):
            out_ref[b] = U[j] + bias


def kernel(x, edge_index, W1, b1, W2, b2, Wfc, bfc):
    B, F, _ = x.shape
    ei = edge_index.astype(jnp.int32)
    src_p = jnp.zeros((EP,), jnp.int32).at[:E].set(ei[0])
    dst_p = jnp.zeros((EP,), jnp.int32).at[:E].set(ei[1])
    A_pad = _build_adj(src_p, dst_p)
    b1c = b1.reshape(W1.shape[1], 1)
    bias_out = (jnp.sum(Wfc, axis=1)[:, None] * b2[None, :]
                + bfc[:, None]).astype(jnp.float32)
    grid = (B // TB,)
    out = pl.pallas_call(
        _gcn_body,
        grid=grid,
        in_specs=[
            pl.BlockSpec((TB, F, N), lambda i: (i, 0, 0)),
            pl.BlockSpec((NP, NP), lambda i: (0, 0)),
            pl.BlockSpec(W1.shape, lambda i: (0, 0)),
            pl.BlockSpec((W1.shape[1], 1), lambda i: (0, 0)),
            pl.BlockSpec(W2.shape, lambda i: (0, 0)),
            pl.BlockSpec(Wfc.shape, lambda i: (0, 0)),
            pl.BlockSpec((54, 24), lambda i: (0, 0)),
        ],
        out_specs=pl.BlockSpec((TB, 54, 24), lambda i: (i, 0, 0)),
        out_shape=jax.ShapeDtypeStruct((B, 54, 24), jnp.float32),
        scratch_shapes=[
            pltpu.VMEM((N, N), jnp.float32),
            pltpu.VMEM((54, N), jnp.float32),
        ],
        compiler_params=pltpu.CompilerParams(
            dimension_semantics=("arbitrary",)),
    )(x, A_pad, W1, b1c, W2, Wfc, bias_out)
    return out

# --- scband reference (transcript-rebuilt; emitter-appended) ---
"""Pipeline reference for scband-gcn-87230785781866 (READ-ONLY COPY).

The authoritative reference and input builder live on the scoring server;
editing this copy changes nothing except your own understanding.
"""

import jax, jax.numpy as jnp
import numpy as np

NUM_NODES = 118


def setup_inputs(seed: int = 0) -> dict:
    key = jax.random.key(seed)
    ks = jax.random.split(key, 10)
    B, F_in, H, OUT2 = 4096, 128, 64, 24
    x = jax.random.normal(ks[0], (B, F_in, NUM_NODES), dtype=jnp.float32)
    edge_index = jax.random.randint(ks[1], (2, 372), 0, NUM_NODES)
    # GCNConv lin weights (xavier-like scale), stored as (in, out)
    W1 = jax.random.normal(ks[2], (F_in, H), dtype=jnp.float32) * float(np.sqrt(2.0 / (F_in + H)))
    b1 = jnp.zeros((H,), dtype=jnp.float32)
    W2 = jax.random.normal(ks[3], (H, OUT2), dtype=jnp.float32) * float(np.sqrt(2.0 / (H + OUT2)))
    b2 = jnp.zeros((OUT2,), dtype=jnp.float32)
    # fc: Linear(num_nodes=118 -> 54), torch convention weight (54, 118)
    Wfc = jax.random.normal(ks[4], (54, NUM_NODES), dtype=jnp.float32) * float(np.sqrt(2.0 / (54 + NUM_NODES)))
    bfc = jnp.zeros((54,), dtype=jnp.float32)
    return {"x": x, "edge_index": edge_index, "W1": W1, "b1": b1, "W2": W2, "b2": b2, "Wfc": Wfc, "bfc": bfc}


def _gcn_conv(x, src, dst, norm, W, b, n):
    h = x @ W
    msg = h[src] * norm[:, None]
    out = jnp.zeros((n, h.shape[1]), dtype=h.dtype).at[dst].add(msg)
    return out + b


def reference(x, edge_index, W1, b1, W2, b2, Wfc, bfc):
    B = x.shape[0]
    # (B, F, N) -> (B, N, F) -> (B*N, F)
    xt = jnp.transpose(x, (0, 2, 1)).reshape(-1, x.shape[1])
    # expand edge_index across batch with per-graph node offsets
    E = edge_index.shape[1]
    offsets = (jnp.arange(B, dtype=edge_index.dtype) * NUM_NODES)
    ei = jnp.tile(edge_index, (1, B)) + jnp.repeat(offsets, E)[None, :]
    n = B * NUM_NODES
    # GCN normalization with self-loops (PyG GCNConv default)
    loop = jnp.arange(n, dtype=ei.dtype)
    src = jnp.concatenate([ei[0], loop])
    dst = jnp.concatenate([ei[1], loop])
    deg = jnp.zeros((n,), dtype=xt.dtype).at[dst].add(1.0)
    dis = jnp.where(deg > 0, deg ** -0.5, 0.0)
    norm = dis[src] * dis[dst]
    h = _gcn_conv(xt, src, dst, norm, W1, b1, n)
    h = jax.nn.relu(h)
    # dropout is identity in eval mode
    h = _gcn_conv(h, src, dst, norm, W2, b2, n)
    h = h.reshape(B, NUM_NODES, 24).transpose(0, 2, 1)  # (B, 24, 118)
    out = h @ Wfc.T + bfc  # (B, 24, 54)
    return out.transpose(0, 2, 1)  # (B, 54, 24)

if __name__ == "__main__":
    import jax
    _d = setup_inputs()
    print(jax.jit(kernel)(*tuple(_d.values())))

</pallas_src>

<mosaic_0001>
#map = affine_map<(d0, d1) -> (0)>
module attributes {stable_mosaic.version = 14 : i64} {
  func.func @_adj_body(%arg0: i32, %arg1: i32, %arg2: memref<384xi32, #tpu.memory_space<hbm>>, %arg3: memref<384xi32, #tpu.memory_space<hbm>>, %arg4: memref<16384xf32, #tpu.memory_space<hbm>>, %arg5: memref<384xi32, #tpu.memory_space<vmem>>, %arg6: memref<384xi32, #tpu.memory_space<vmem>>, %arg7: memref<128xf32, #tpu.memory_space<vmem>>, %arg8: memref<128xf32, #tpu.memory_space<vmem>>, %arg9: memref<16384xf32, #tpu.memory_space<vmem>>) attributes {dimension_semantics = [#tpu.dimension_semantics<core_parallel>, #tpu.dimension_semantics<subcore_parallel>], iteration_bounds = array<i64: 2, 16>, scalar_prefetch = 0 : i64, scratch_operands = 5 : i64, tpu.core_type = #tpu.core_type<sc_vector_subcore>, window_params = [{transform_indices = #map}, {transform_indices = #map}, {transform_indices = #map}]} {
    %mul3A = arith.constant 2 : i32
    %mul3A_0 = arith.muli %arg1, %mul3A : i32
    %add3A = arith.addi %mul3A_0, %arg0 : i32
    %eq3A = arith.constant 0 : i32
    %eq3A_1 = arith.cmpi eq, %add3A, %eq3A : i32
    %convert_element_type3A = arith.extui %eq3A_1 : i1 to i32
    %cond3A = arith.constant 0 : i32
    %cond3A_2 = arith.cmpi ne, %convert_element_type3A, %cond3A : i32
    scf.if %cond3A_2 {
      "tpu.region"() ({
        %run_scoped3A = tpu.sem_alloc : memref<!tpu.dma_semaphore, #tpu.memory_space<semaphore_mem>>
        tpu.enqueue_dma source(%arg2 : memref<384xi32, #tpu.memory_space<hbm>>) target(%arg5 : memref<384xi32, #tpu.memory_space<vmem>>) target_semaphore(%run_scoped3A : memref<!tpu.dma_semaphore, #tpu.memory_space<semaphore_mem>>)
        tpu.wait_dma2 semaphore(%run_scoped3A : memref<!tpu.dma_semaphore, #tpu.memory_space<semaphore_mem>>) src(%arg2 : memref<384xi32, #tpu.memory_space<hbm>>) dst(%arg5 : memref<384xi32, #tpu.memory_space<vmem>>)
        tpu.yield
      }) : () -> ()
      "tpu.region"() ({
        %run_scoped3A = tpu.sem_alloc : memref<!tpu.dma_semaphore, #tpu.memory_space<semaphore_mem>>
        tpu.enqueue_dma source(%arg3 : memref<384xi32, #tpu.memory_space<hbm>>) target(%arg6 : memref<384xi32, #tpu.memory_space<vmem>>) target_semaphore(%run_scoped3A : memref<!tpu.dma_semaphore, #tpu.memory_space<semaphore_mem>>)
        tpu.wait_dma2 semaphore(%run_scoped3A : memref<!tpu.dma_semaphore, #tpu.memory_space<semaphore_mem>>) src(%arg3 : memref<384xi32, #tpu.memory_space<hbm>>) dst(%arg6 : memref<384xi32, #tpu.memory_space<vmem>>)
        tpu.yield
      }) : () -> ()
      %broadcast_in_dim3A = arith.constant 0.000000e+00 : f32
      %broadcast_in_dim3A_3 = vector.broadcast %broadcast_in_dim3A : f32 to vector<16xf32>
      %scan3A = arith.constant 0 : i32
      %scan3A_4 = arith.constant 0 : i32
      %scan3A_5 = arith.constant 1024 : i32
      %scan3A_6 = arith.addi %scan3A_4, %scan3A_5 : i32
      %scan3A_7 = arith.constant 1 : i32
      %scan3A_8 = scf.for %scan3A_1084 = %scan3A_4 to %scan3A_6 step %scan3A_7 iter_args(%scan3A_1085 = %scan3A) -> (i32)  : i32 {
        %mul3A_1086 = arith.constant 16 : i32
        %mul3A_1087 = arith.muli %scan3A_1084, %mul3A_1086 : i32
        %multiple_of3A = tpu.assume_multiple %mul3A_1087, 16 : i32
        %swap3A_1088 = arith.index_cast %multiple_of3A : i32 to index
        %swap3A_1089 = tpu.vector_load %arg9[%swap3A_1088] {strides = array<i32>} : memref<16384xf32, #tpu.memory_space<vmem>>, vector<16xf32>,
        tpu.vector_store %arg9[%swap3A_1088], %broadcast_in_dim3A_3 {strides = array<i32>} : memref<16384xf32, #tpu.memory_space<vmem>>, vector<16xf32>,
        %scan3A_1090 = arith.constant 0 : i32
        scf.yield %scan3A_1090 : i32
      }
      %scan3A_9 = arith.constant 1024 : i32
      %broadcast_in_dim3A_10 = arith.constant 1.000000e+00 : f32
      %broadcast_in_dim3A_11 = vector.broadcast %broadcast_in_dim3A_10 : f32 to vector<16xf32>
      %swap3A = arith.constant 0 : index
      %swap3A_12 = tpu.vector_load %arg7[%swap3A] {strides = array<i32>} : memref<128xf32, #tpu.memory_space<vmem>>, vector<16xf32>,
      tpu.vector_store %arg7[%swap3A], %broadcast_in_dim3A_11 {strides = array<i32>} : memref<128xf32, #tpu.memory_space<vmem>>, vector<16xf32>,
      %swap3A_13 = arith.constant 16 : index
      %swap3A_14 = tpu.vector_load %arg7[%swap3A_13] {strides = array<i32>} : memref<128xf32, #tpu.memory_space<vmem>>, vector<16xf32>,
      tpu.vector_store %arg7[%swap3A_13], %broadcast_in_dim3A_11 {strides = array<i32>} : memref<128xf32, #tpu.memory_space<vmem>>, vector<16xf32>,
      %swap3A_15 = arith.constant 32 : index
      %swap3A_16 = tpu.vector_load %arg7[%swap3A_15] {strides = array<i32>} : memref<128xf32, #tpu.memory_space<vmem>>, vector<16xf32>,
      tpu.vector_store %arg7[%swap3A_15], %broadcast_in_dim3A_11 {strides = array<i32>} : memref<128xf32, #tpu.memory_space<vmem>>, vector<16xf32>,
      %swap3A_17 = arith.constant 48 : index
      %swap3A_18 = tpu.vector_load %arg7[%swap3A_17] {strides = array<i32>} : memref<128xf32, #tpu.memory_space<vmem>>, vector<16xf32>,
      tpu.vector_store %arg7[%swap3A_17], %broadcast_in_dim3A_11 {strides = array<i32>} : memref<128xf32, #tpu.memory_space<vmem>>, vector<16xf32>,
      %swap3A_19 = arith.constant 64 : index
      %swap3A_20 = tpu.vector_load %arg7[%swap3A_19] {strides = array<i32>} : memref<128xf32, #tpu.memory_space<vmem>>, vector<16xf32>,
      tpu.vector_store %arg7[%swap3A_19], %broadcast_in_dim3A_11 {strides = array<i32>} : memref<128xf32, #tpu.memory_space<vmem>>, vector<16xf32>,
      %swap3A_21 = arith.constant 80 : index
      %swap3A_22 = tpu.vector_load %arg7[%swap3A_21] {strides = array<i32>} : memref<128xf32, #tpu.memory_space<vmem>>, vector<16xf32>,
      tpu.vector_store %arg7[%swap3A_21], %broadcast_in_dim3A_11 {strides = array<i32>} : memref<128xf32, #tpu.memory_space<vmem>>, vector<16xf32>,
      %swap3A_23 = arith.constant 96 : index
      %swap3A_24 = tpu.vector_load %arg7[%swap3A_23] {strides = array<i32>} : memref<128xf32, #tpu.memory_space<vmem>>, vector<16xf32>,
      tpu.vector_store %arg7[%swap3A_23], %broadcast_in_dim3A_11 {strides = array<i32>} : memref<128xf32, #tpu.memory_space<vmem>>, vector<16xf32>,
      %swap3A_25 = arith.constant 112 : index
      %swap3A_26 = tpu.vector_load %arg7[%swap3A_25] {strides = array<i32>} : memref<128xf32, #tpu.memory_space<vmem>>, vector<16xf32>,
      tpu.vector_store %arg7[%swap3A_25], %broadcast_in_dim3A_11 {strides = array<i32>} : memref<128xf32, #tpu.memory_space<vmem>>, vector<16xf32>,
      %iota3A = tpu.iota {dimensions = array<i32: 0>} : vector<16xi32>
      %add3A_27 = arith.constant 0 : i32
      %add3A_28 = vector.broadcast %add3A_27 : i32 to vector<16xi32>
      %add3A_29 = arith.addi %iota3A, %add3A_28 : vector<16xi32>
      %lt3A = arith.constant 372 : i32
      %lt3A_30 = vector.broadcast %lt3A : i32 to vector<16xi32>
      %lt3A_31 = arith.cmpi slt, %add3A_29, %lt3A_30 : vector<16xi32>
      %get3A = arith.constant 0 : index
      %get3A_32 = tpu.vector_load %arg6[%get3A] {strides = array<i32>} : memref<384xi32, #tpu.memory_space<vmem>>, vector<16xi32>,
      tpu.vector_store_idx %arg7[%get3A_32], %broadcast_in_dim3A_11 masked %lt3A_31 {add = true} : memref<128xf32, #tpu.memory_space<vmem>>[vector<16xi32>], vector<16xf32>, vector<16xi1>
      %iota3A_33 = tpu.iota {dimensions = array<i32: 0>} : vector<16xi32>
      %add3A_34 = arith.constant 16 : i32
      %add3A_35 = vector.broadcast %add3A_34 : i32 to vector<16xi32>
      %add3A_36 = arith.addi %iota3A_33, %add3A_35 : vector<16xi32>
      %lt3A_37 = arith.constant 372 : i32
      %lt3A_38 = vector.broadcast %lt3A_37 : i32 to vector<16xi32>
      %lt3A_39 = arith.cmpi slt, %add3A_36, %lt3A_38 : vector<16xi32>
      %get3A_40 = arith.constant 16 : index
      %get3A_41 = tpu.vector_load %arg6[%get3A_40] {strides = array<i32>} : memref<384xi32, #tpu.memory_space<vmem>>, vector<16xi32>,
      tpu.vector_store_idx %arg7[%get3A_41], %broadcast_in_dim3A_11 masked %lt3A_39 {add = true} : memref<128xf32, #tpu.memory_space<vmem>>[vector<16xi32>], vector<16xf32>, vector<16xi1>
      %iota3A_42 = tpu.iota {dimensions = array<i32: 0>} : vector<16xi32>
      %add3A_43 = arith.constant 32 : i32
      %add3A_44 = vector.broadcast %add3A_43 : i32 to vector<16xi32>
      %add3A_45 = arith.addi %iota3A_42, %add3A_44 : vector<16xi32>
      %lt3A_46 = arith.constant 372 : i32
      %lt3A_47 = vector.broadcast %lt3A_46 : i32 to vector<16xi32>
      %lt3A_48 = arith.cmpi slt, %add3A_45, %lt3A_47 : vector<16xi32>
      %get3A_49 = arith.constant 32 : index
      %get3A_50 = tpu.vector_load %arg6[%get3A_49] {strides = array<i32>} : memref<384xi32, #tpu.memory_space<vmem>>, vector<16xi32>,
      tpu.vector_store_idx %arg7[%get3A_50], %broadcast_in_dim3A_11 masked %lt3A_48 {add = true} : memref<128xf32, #tpu.memory_space<vmem>>[vector<16xi32>], vector<16xf32>, vector<16xi1>
      %iota3A_51 = tpu.iota {dimensions = array<i32: 0>} : vector<16xi32>
      %add3A_52 = arith.constant 48 : i32
      %add3A_53 = vector.broadcast %add3A_52 : i32 to vector<16xi32>
      %add3A_54 = arith.addi %iota3A_51, %add3A_53 : vector<16xi32>
      %lt3A_55 = arith.constant 372 : i32
      %lt3A_56 = vector.broadcast %lt3A_55 : i32 to vector<16xi32>
      %lt3A_57 = arith.cmpi slt, %add3A_54, %lt3A_56 : vector<16xi32>
      %get3A_58 = arith.constant 48 : index
      %get3A_59 = tpu.vector_load %arg6[%get3A_58] {strides = array<i32>} : memref<384xi32, #tpu.memory_space<vmem>>, vector<16xi32>,
      tpu.vector_store_idx %arg7[%get3A_59], %broadcast_in_dim3A_11 masked %lt3A_57 {add = true} : memref<128xf32, #tpu.memory_space<vmem>>[vector<16xi32>], vector<16xf32>, vector<16xi1>
      %iota3A_60 = tpu.iota {dimensions = array<i32: 0>} : vector<16xi32>
      %add3A_61 = arith.constant 64 : i32
      %add3A_62 = vector.broadcast %add3A_61 : i32 to vector<16xi32>
      %add3A_63 = arith.addi %iota3A_60, %add3A_62 : vector<16xi32>
      %lt3A_64 = arith.constant 372 : i32
      %lt3A_65 = vector.broadcast %lt3A_64 : i32 to vector<16xi32>
      %lt3A_66 = arith.cmpi slt, %add3A_63, %lt3A_65 : vector<16xi32>
      %get3A_67 = arith.constant 64 : index
      %get3A_68 = tpu.vector_load %arg6[%get3A_67] {strides = array<i32>} : memref<384xi32, #tpu.memory_space<vmem>>, vector<16xi32>,
      tpu.vector_store_idx %arg7[%get3A_68], %broadcast_in_dim3A_11 masked %lt3A_66 {add = true} : memref<128xf32, #tpu.memory_space<vmem>>[vector<16xi32>], vector<16xf32>, vector<16xi1>
      %iota3A_69 = tpu.iota {dimensions = array<i32: 0>} : vector<16xi32>
      %add3A_70 = arith.constant 80 : i32
      %add3A_71 = vector.broadcast %add3A_70 : i32 to vector<16xi32>
      %add3A_72 = arith.addi %iota3A_69, %add3A_71 : vector<16xi32>
      %lt3A_73 = arith.constant 372 : i32
      %lt3A_74 = vector.broadcast %lt3A_73 : i32 to vector<16xi32>
      %lt3A_75 = arith.cmpi slt, %add3A_72, %lt3A_74 : vector<16xi32>
      %get3A_76 = arith.constant 80 : index
      %get3A_77 = tpu.vector_load %arg6[%get3A_76] {strides = array<i32>} : memref<384xi32, #tpu.memory_space<vmem>>, vector<16xi32>,
      tpu.vector_store_idx %arg7[%get3A_77], %broadcast_in_dim3A_11 masked %lt3A_75 {add = true} : memref<128xf32, #tpu.memory_space<vmem>>[vector<16xi32>], vector<16xf32>, vector<16xi1>
      %iota3A_78 = tpu.iota {dimensions = array<i32: 0>} : vector<16xi32>
      %add3A_79 = arith.constant 96 : i32
      %add3A_80 = vector.broadcast %add3A_79 : i32 to vector<16xi32>
      %add3A_81 = arith.addi %iota3A_78, %add3A_80 : vector<16xi32>
      %lt3A_82 = arith.constant 372 : i32
      %lt3A_83 = vector.broadcast %lt3A_82 : i32 to vector<16xi32>
      %lt3A_84 = arith.cmpi slt, %add3A_81, %lt3A_83 : vector<16xi32>
      %get3A_85 = arith.constant 96 : index
      %get3A_86 = tpu.vector_load %arg6[%get3A_85] {strides = array<i32>} : memref<384xi32, #tpu.memory_space<vmem>>, vector<16xi32>,
      tpu.vector_store_idx %arg7[%get3A_86], %broadcast_in_dim3A_11 masked %lt3A_84 {add = true} : memref<128xf32, #tpu.memory_space<vmem>>[vector<16xi32>], vector<16xf32>, vector<16xi1>
      %iota3A_87 = tpu.iota {dimensions = array<i32: 0>} : vector<16xi32>
      %add3A_88 = arith.constant 112 : i32
      %add3A_89 = vector.broadcast %add3A_88 : i32 to vector<16xi32>
      %add3A_90 = arith.addi %iota3A_87, %add3A_89 : vector<16xi32>
      %lt3A_91 = arith.constant 372 : i32
      %lt3A_92 = vector.broadcast %lt3A_91 : i32 to vector<16xi32>
      %lt3A_93 = arith.cmpi slt, %add3A_90, %lt3A_92 : vector<16xi32>
      %get3A_94 = arith.constant 112 : index
      %get3A_95 = tpu.vector_load %arg6[%get3A_94] {strides = array<i32>} : memref<384xi32, #tpu.memory_space<vmem>>, vector<16xi32>,
      tpu.vector_store_idx %arg7[%get3A_95], %broadcast_in_dim3A_11 masked %lt3A_93 {add = true} : memref<128xf32, #tpu.memory_space<vmem>>[vector<16xi32>], vector<16xf32>, vector<16xi1>
      %iota3A_96 = tpu.iota {dimensions = array<i32: 0>} : vector<16xi32>
      %add3A_97 = arith.constant 128 : i32
      %add3A_98 = vector.broadcast %add3A_97 : i32 to vector<16xi32>
      %add3A_99 = arith.addi %iota3A_96, %add3A_98 : vector<16xi32>
      %lt3A_100 = arith.constant 372 : i32
      %lt3A_101 = vector.broadcast %lt3A_100 : i32 to vector<16xi32>
      %lt3A_102 = arith.cmpi slt, %add3A_99, %lt3A_101 : vector<16xi32>
      %get3A_103 = arith.constant 128 : index
      %get3A_104 = tpu.vector_load %arg6[%get3A_103] {strides = array<i32>} : memref<384xi32, #tpu.memory_space<vmem>>, vector<16xi32>,
      tpu.vector_store_idx %arg7[%get3A_104], %broadcast_in_dim3A_11 masked %lt3A_102 {add = true} : memref<128xf32, #tpu.memory_space<vmem>>[vector<16xi32>], vector<16xf32>, vector<16xi1>
      %iota3A_105 = tpu.iota {dimensions = array<i32: 0>} : vector<16xi32>
      %add3A_106 = arith.constant 144 : i32
      %add3A_107 = vector.broadcast %add3A_106 : i32 to vector<16xi32>
      %add3A_108 = arith.addi %iota3A_105, %add3A_107 : vector<16xi32>
      %lt3A_109 = arith.constant 372 : i32
      %lt3A_110 = vector.broadcast %lt3A_109 : i32 to vector<16xi32>
      %lt3A_111 = arith.cmpi slt, %add3A_108, %lt3A_110 : vector<16xi32>
      %get3A_112 = arith.constant 144 : index
      %get3A_113 = tpu.vector_load %arg6[%get3A_112] {strides = array<i32>} : memref<384xi32, #tpu.memory_space<vmem>>, vector<16xi32>,
      tpu.vector_store_idx %arg7[%get3A_113], %broadcast_in_dim3A_11 masked %lt3A_111 {add = true} : memref<128xf32, #tpu.memory_space<vmem>>[vector<16xi32>], vector<16xf32>, vector<16xi1>
      %iota3A_114 = tpu.iota {dimensions = array<i32: 0>} : vector<16xi32>
      %add3A_115 = arith.constant 160 : i32
      %add3A_116 = vector.broadcast %add3A_115 : i32 to vector<16xi32>
      %add3A_117 = arith.addi %iota3A_114, %add3A_116 : vector<16xi32>
      %lt3A_118 = arith.constant 372 : i32
      %lt3A_119 = vector.broadcast %lt3A_118 : i32 to vector<16xi32>
      %lt3A_120 = arith.cmpi slt, %add3A_117, %lt3A_119 : vector<16xi32>
      %get3A_121 = arith.constant 160 : index
      %get3A_122 = tpu.vector_load %arg6[%get3A_121] {strides = array<i32>} : memref<384xi32, #tpu.memory_space<vmem>>, vector<16xi32>,
      tpu.vector_store_idx %arg7[%get3A_122], %broadcast_in_dim3A_11 masked %lt3A_120 {add = true} : memref<128xf32, #tpu.memory_space<vmem>>[vector<16xi32>], vector<16xf32>, vector<16xi1>
      %iota3A_123 = tpu.iota {dimensions = array<i32: 0>} : vector<16xi32>
      %add3A_124 = arith.constant 176 : i32
      %add3A_125 = vector.broadcast %add3A_124 : i32 to vector<16xi32>
      %add3A_126 = arith.addi %iota3A_123, %add3A_125 : vector<16xi32>
      %lt3A_127 = arith.constant 372 : i32
      %lt3A_128 = vector.broadcast %lt3A_127 : i32 to vector<16xi32>
      %lt3A_129 = arith.cmpi slt, %add3A_126, %lt3A_128 : vector<16xi32>
      %get3A_130 = arith.constant 176 : index
      %get3A_131 = tpu.vector_load %arg6[%get3A_130] {strides = array<i32>} : memref<384xi32, #tpu.memory_space<vmem>>, vector<16xi32>,
      tpu.vector_store_idx %arg7[%get3A_131], %broadcast_in_dim3A_11 masked %lt3A_129 {add = true} : memref<128xf32, #tpu.memory_space<vmem>>[vector<16xi32>], vector<16xf32>, vector<16xi1>
      %iota3A_132 = tpu.iota {dimensions = array<i32: 0>} : vector<16xi32>
      %add3A_133 = arith.constant 192 : i32
      %add3A_134 = vector.broadcast %add3A_133 : i32 to vector<16xi32>
      %add3A_135 = arith.addi %iota3A_132, %add3A_134 : vector<16xi32>
      %lt3A_136 = arith.constant 372 : i32
      %lt3A_137 = vector.broadcast %lt3A_136 : i32 to vector<16xi32>
      %lt3A_138 = arith.cmpi slt, %add3A_135, %lt3A_137 : vector<16xi32>
      %get3A_139 = arith.constant 192 : index
      %get3A_140 = tpu.vector_load %arg6[%get3A_139] {strides = array<i32>} : memref<384xi32, #tpu.memory_space<vmem>>, vector<16xi32>,
      tpu.vector_store_idx %arg7[%get3A_140], %broadcast_in_dim3A_11 masked %lt3A_138 {add = true} : memref<128xf32, #tpu.memory_space<vmem>>[vector<16xi32>], vector<16xf32>, vector<16xi1>
      %iota3A_141 = tpu.iota {dimensions = array<i32: 0>} : vector<16xi32>
      %add3A_142 = arith.constant 208 : i32
      %add3A_143 = vector.broadcast %add3A_142 : i32 to vector<16xi32>
      %add3A_144 = arith.addi %iota3A_141, %add3A_143 : vector<16xi32>
      %lt3A_145 = arith.constant 372 : i32
      %lt3A_146 = vector.broadcast %lt3A_145 : i32 to vector<16xi32>
      %lt3A_147 = arith.cmpi slt, %add3A_144, %lt3A_146 : vector<16xi32>
      %get3A_148 = arith.constant 208 : index
      %get3A_149 = tpu.vector_load %arg6[%get3A_148] {strides = array<i32>} : memref<384xi32, #tpu.memory_space<vmem>>, vector<16xi32>,
      tpu.vector_store_idx %arg7[%get3A_149], %broadcast_in_dim3A_11 masked %lt3A_147 {add = true} : memref<128xf32, #tpu.memory_space<vmem>>[vector<16xi32>], vector<16xf32>, vector<16xi1>
      %iota3A_150 = tpu.iota {dimensions = array<i32: 0>} : vector<16xi32>
      %add3A_151 = arith.constant 224 : i32
      %add3A_152 = vector.broadcast %add3A_151 : i32 to vector<16xi32>
      %add3A_153 = arith.addi %iota3A_150, %add3A_152 : vector<16xi32>
      %lt3A_154 = arith.constant 372 : i32
      %lt3A_155 = vector.broadcast %lt3A_154 : i32 to vector<16xi32>
      %lt3A_156 = arith.cmpi slt, %add3A_153, %lt3A_155 : vector<16xi32>
      %get3A_157 = arith.constant 224 : index
      %get3A_158 = tpu.vector_load %arg6[%get3A_157] {strides = array<i32>} : memref<384xi32, #tpu.memory_space<vmem>>, vector<16xi32>,
      tpu.vector_store_idx %arg7[%get3A_158], %broadcast_in_dim3A_11 masked %lt3A_156 {add = true} : memref<128xf32, #tpu.memory_space<vmem>>[vector<16xi32>], vector<16xf32>, vector<16xi1>
      %iota3A_159 = tpu.iota {dimensions = array<i32: 0>} : vector<16xi32>
      %add3A_160 = arith.constant 240 : i32
      %add3A_161 = vector.broadcast %add3A_160 : i32 to vector<16xi32>
      %add3A_162 = arith.addi %iota3A_159, %add3A_161 : vector<16xi32>
      %lt3A_163 = arith.constant 372 : i32
      %lt3A_164 = vector.broadcast %lt3A_163 : i32 to vector<16xi32>
      %lt3A_165 = arith.cmpi slt, %add3A_162, %lt3A_164 : vector<16xi32>
      %get3A_166 = arith.constant 240 : index
      %get3A_167 = tpu.vector_load %arg6[%get3A_166] {strides = array<i32>} : memref<384xi32, #tpu.memory_space<vmem>>, vector<16xi32>,
      tpu.vector_store_idx %arg7[%get3A_167], %broadcast_in_dim3A_11 masked %lt3A_165 {add = true} : memref<128xf32, #tpu.memory_space<vmem>>[vector<16xi32>], vector<16xf32>, vector<16xi1>
      %iota3A_168 = tpu.iota {dimensions = array<i32: 0>} : vector<16xi32>
      %add3A_169 = arith.constant 256 : i32
      %add3A_170 = vector.broadcast %add3A_169 : i32 to vector<16xi32>
      %add3A_171 = arith.addi %iota3A_168, %add3A_170 : vector<16xi32>
      %lt3A_172 = arith.constant 372 : i32
      %lt3A_173 = vector.broadcast %lt3A_172 : i32 to vector<16xi32>
      %lt3A_174 = arith.cmpi slt, %add3A_171, %lt3A_173 : vector<16xi32>
      %get3A_175 = arith.constant 256 : index
      %get3A_176 = tpu.vector_load %arg6[%get3A_175] {strides = array<i32>} : memref<384xi32, #tpu.memory_space<vmem>>, vector<16xi32>,
      tpu.vector_store_idx %arg7[%get3A_176], %broadcast_in_dim3A_11 masked %lt3A_174 {add = true} : memref<128xf32, #tpu.memory_space<vmem>>[vector<16xi32>], vector<16xf32>, vector<16xi1>
      %iota3A_177 = tpu.iota {dimensions = array<i32: 0>} : vector<16xi32>
      %add3A_178 = arith.constant 272 : i32
      %add3A_179 = vector.broadcast %add3A_178 : i32 to vector<16xi32>
      %add3A_180 = arith.addi %iota3A_177, %add3A_179 : vector<16xi32>
      %lt3A_181 = arith.constant 372 : i32
      %lt3A_182 = vector.broadcast %lt3A_181 : i32 to vector<16xi32>
      %lt3A_183 = arith.cmpi slt, %add3A_180, %lt3A_182 : vector<16xi32>
      %get3A_184 = arith.constant 272 : index
      %get3A_185 = tpu.vector_load %arg6[%get3A_184] {strides = array<i32>} : memref<384xi32, #tpu.memory_space<vmem>>, vector<16xi32>,
      tpu.vector_store_idx %arg7[%get3A_185], %broadcast_in_dim3A_11 masked %lt3A_183 {add = true} : memref<128xf32, #tpu.memory_space<vmem>>[vector<16xi32>], vector<16xf32>, vector<16xi1>
      %iota3A_186 = tpu.iota {dimensions = array<i32: 0>} : vector<16xi32>
      %add3A_187 = arith.constant 288 : i32
      %add3A_188 = vector.broadcast %add3A_187 : i32 to vector<16xi32>
      %add3A_189 = arith.addi %iota3A_186, %add3A_188 : vector<16xi32>
      %lt3A_190 = arith.constant 372 : i32
      %lt3A_191 = vector.broadcast %lt3A_190 : i32 to vector<16xi32>
      %lt3A_192 = arith.cmpi slt, %add3A_189, %lt3A_191 : vector<16xi32>
      %get3A_193 = arith.constant 288 : index
      %get3A_194 = tpu.vector_load %arg6[%get3A_193] {strides = array<i32>} : memref<384xi32, #tpu.memory_space<vmem>>, vector<16xi32>,
      tpu.vector_store_idx %arg7[%get3A_194], %broadcast_in_dim3A_11 masked %lt3A_192 {add = true} : memref<128xf32, #tpu.memory_space<vmem>>[vector<16xi32>], vector<16xf32>, vector<16xi1>
      %iota3A_195 = tpu.iota {dimensions = array<i32: 0>} : vector<16xi32>
      %add3A_196 = arith.constant 304 : i32
      %add3A_197 = vector.broadcast %add3A_196 : i32 to vector<16xi32>
      %add3A_198 = arith.addi %iota3A_195, %add3A_197 : vector<16xi32>
      %lt3A_199 = arith.constant 372 : i32
      %lt3A_200 = vector.broadcast %lt3A_199 : i32 to vector<16xi32>
      %lt3A_201 = arith.cmpi slt, %add3A_198, %lt3A_200 : vector<16xi32>
      %get3A_202 = arith.constant 304 : index
      %get3A_203 = tpu.vector_load %arg6[%get3A_202] {strides = array<i32>} : memref<384xi32, #tpu.memory_space<vmem>>, vector<16xi32>,
      tpu.vector_store_idx %arg7[%get3A_203], %broadcast_in_dim3A_11 masked %lt3A_201 {add = true} : memref<128xf32, #tpu.memory_space<vmem>>[vector<16xi32>], vector<16xf32>, vector<16xi1>
      %iota3A_204 = tpu.iota {dimensions = array<i32: 0>} : vector<16xi32>
      %add3A_205 = arith.constant 320 : i32
      %add3A_206 = vector.broadcast %add3A_205 : i32 to vector<16xi32>
      %add3A_207 = arith.addi %iota3A_204, %add3A_206 : vector<16xi32>
      %lt3A_208 = arith.constant 372 : i32
      %lt3A_209 = vector.broadcast %lt3A_208 : i32 to vector<16xi32>
      %lt3A_210 = arith.cmpi slt, %add3A_207, %lt3A_209 : vector<16xi32>
      %get3A_211 = arith.constant 320 : index
      %get3A_212 = tpu.vector_load %arg6[%get3A_211] {strides = array<i32>} : memref<384xi32, #tpu.memory_space<vmem>>, vector<16xi32>,
      tpu.vector_store_idx %arg7[%get3A_212], %broadcast_in_dim3A_11 masked %lt3A_210 {add = true} : memref<128xf32, #tpu.memory_space<vmem>>[vector<16xi32>], vector<16xf32>, vector<16xi1>
      %iota3A_213 = tpu.iota {dimensions = array<i32: 0>} : vector<16xi32>
      %add3A_214 = arith.constant 336 : i32
      %add3A_215 = vector.broadcast %add3A_214 : i32 to vector<16xi32>
      %add3A_216 = arith.addi %iota3A_213, %add3A_215 : vector<16xi32>
      %lt3A_217 = arith.constant 372 : i32
      %lt3A_218 = vector.broadcast %lt3A_217 : i32 to vector<16xi32>
      %lt3A_219 = arith.cmpi slt, %add3A_216, %lt3A_218 : vector<16xi32>
      %get3A_220 = arith.constant 336 : index
      %get3A_221 = tpu.vector_load %arg6[%get3A_220] {strides = array<i32>} : memref<384xi32, #tpu.memory_space<vmem>>, vector<16xi32>,
      tpu.vector_store_idx %arg7[%get3A_221], %broadcast_in_dim3A_11 masked %lt3A_219 {add = true} : memref<128xf32, #tpu.memory_space<vmem>>[vector<16xi32>], vector<16xf32>, vector<16xi1>
      %iota3A_222 = tpu.iota {dimensions = array<i32: 0>} : vector<16xi32>
      %add3A_223 = arith.constant 352 : i32
      %add3A_224 = vector.broadcast %add3A_223 : i32 to vector<16xi32>
      %add3A_225 = arith.addi %iota3A_222, %add3A_224 : vector<16xi32>
      %lt3A_226 = arith.constant 372 : i32
      %lt3A_227 = vector.broadcast %lt3A_226 : i32 to vector<16xi32>
      %lt3A_228 = arith.cmpi slt, %add3A_225, %lt3A_227 : vector<16xi32>
      %get3A_229 = arith.constant 352 : index
      %get3A_230 = tpu.vector_load %arg6[%get3A_229] {strides = array<i32>} : memref<384xi32, #tpu.memory_space<vmem>>, vector<16xi32>,
      tpu.vector_store_idx %arg7[%get3A_230], %broadcast_in_dim3A_11 masked %lt3A_228 {add = true} : memref<128xf32, #tpu.memory_space<vmem>>[vector<16xi32>], vector<16xf32>, vector<16xi1>
      %iota3A_231 = tpu.iota {dimensions = array<i32: 0>} : vector<16xi32>
      %add3A_232 = arith.constant 368 : i32
      %add3A_233 = vector.broadcast %add3A_232 : i32 to vector<16xi32>
      %add3A_234 = arith.addi %iota3A_231, %add3A_233 : vector<16xi32>
      %lt3A_235 = arith.constant 372 : i32
      %lt3A_236 = vector.broadcast %lt3A_235 : i32 to vector<16xi32>
      %lt3A_237 = arith.cmpi slt, %add3A_234, %lt3A_236 : vector<16xi32>
      %get3A_238 = arith.constant 368 : index
      %get3A_239 = tpu.vector_load %arg6[%get3A_238] {strides = array<i32>} : memref<384xi32, #tpu.memory_space<vmem>>, vector<16xi32>,
      tpu.vector_store_idx %arg7[%get3A_239], %broadcast_in_dim3A_11 masked %lt3A_237 {add = true} : memref<128xf32, #tpu.memory_space<vmem>>[vector<16xi32>], vector<16xf32>, vector<16xi1>
      %get3A_240 = arith.constant 0 : index
      %get3A_241 = tpu.vector_load %arg7[%get3A_240] {strides = array<i32>} : memref<128xf32, #tpu.memory_space<vmem>>, vector<16xf32>,
      %bitcast3A = vector.bitcast %get3A_241 : vector<16xf32> to vector<16xi32>
      %shift_right_arithmetic3A = arith.constant 1 : i32
      %shift_right_arithmetic3A_242 = vector.broadcast %shift_right_arithmetic3A : i32 to vector<16xi32>
      %shift_right_arithmetic3A_243 = arith.shrsi %bitcast3A, %shift_right_arithmetic3A_242 : vector<16xi32>
      %sub3A = arith.constant 1597463007 : i32
      %sub3A_244 = vector.broadcast %sub3A : i32 to vector<16xi32>
      %sub3A_245 = arith.subi %sub3A_244, %shift_right_arithmetic3A_243 : vector<16xi32>
      %bitcast3A_246 = vector.bitcast %sub3A_245 : vector<16xi32> to vector<16xf32>
      %mul3A_247 = arith.constant 5.000000e-01 : f32
      %mul3A_248 = vector.broadcast %mul3A_247 : f32 to vector<16xf32>
      %mul3A_249 = arith.mulf %mul3A_248, %get3A_241 : vector<16xf32>
      %mul3A_250 = arith.mulf %mul3A_249, %bitcast3A_246 : vector<16xf32>
      %mul3A_251 = arith.mulf %mul3A_250, %bitcast3A_246 : vector<16xf32>
      %sub3A_252 = arith.constant 1.500000e+00 : f32
      %sub3A_253 = vector.broadcast %sub3A_252 : f32 to vector<16xf32>
      %sub3A_254 = arith.subf %sub3A_253, %mul3A_251 : vector<16xf32>
      %mul3A_255 = arith.mulf %bitcast3A_246, %sub3A_254 : vector<16xf32>
      %mul3A_256 = arith.constant 5.000000e-01 : f32
      %mul3A_257 = vector.broadcast %mul3A_256 : f32 to vector<16xf32>
      %mul3A_258 = arith.mulf %mul3A_257, %get3A_241 : vector<16xf32>
      %mul3A_259 = arith.mulf %mul3A_258, %mul3A_255 : vector<16xf32>
      %mul3A_260 = arith.mulf %mul3A_259, %mul3A_255 : vector<16xf32>
      %sub3A_261 = arith.constant 1.500000e+00 : f32
      %sub3A_262 = vector.broadcast %sub3A_261 : f32 to vector<16xf32>
      %sub3A_263 = arith.subf %sub3A_262, %mul3A_260 : vector<16xf32>
      %mul3A_264 = arith.mulf %mul3A_255, %sub3A_263 : vector<16xf32>
      %mul3A_265 = arith.constant 5.000000e-01 : f32
      %mul3A_266 = vector.broadcast %mul3A_265 : f32 to vector<16xf32>
      %mul3A_267 = arith.mulf %mul3A_266, %get3A_241 : vector<16xf32>
      %mul3A_268 = arith.mulf %mul3A_267, %mul3A_264 : vector<16xf32>
      %mul3A_269 = arith.mulf %mul3A_268, %mul3A_264 : vector<16xf32>
      %sub3A_270 = arith.constant 1.500000e+00 : f32
      %sub3A_271 = vector.broadcast %sub3A_270 : f32 to vector<16xf32>
      %sub3A_272 = arith.subf %sub3A_271, %mul3A_269 : vector<16xf32>
      %mul3A_273 = arith.mulf %mul3A_264, %sub3A_272 : vector<16xf32>
      %swap3A_274 = arith.constant 0 : index
      %swap3A_275 = tpu.vector_load %arg8[%swap3A_274] {strides = array<i32>} : memref<128xf32, #tpu.memory_space<vmem>>, vector<16xf32>,
      tpu.vector_store %arg8[%swap3A_274], %mul3A_273 {strides = array<i32>} : memref<128xf32, #tpu.memory_space<vmem>>, vector<16xf32>,
      %get3A_276 = arith.constant 16 : index
      %get3A_277 = tpu.vector_load %arg7[%get3A_276] {strides = array<i32>} : memref<128xf32, #tpu.memory_space<vmem>>, vector<16xf32>,
      %bitcast3A_278 = vector.bitcast %get3A_277 : vector<16xf32> to vector<16xi32>
      %shift_right_arithmetic3A_279 = arith.constant 1 : i32
      %shift_right_arithmetic3A_280 = vector.broadcast %shift_right_arithmetic3A_279 : i32 to vector<16xi32>
      %shift_right_arithmetic3A_281 = arith.shrsi %bitcast3A_278, %shift_right_arithmetic3A_280 : vector<16xi32>
      %sub3A_282 = arith.constant 1597463007 : i32
      %sub3A_283 = vector.broadcast %sub3A_282 : i32 to vector<16xi32>
      %sub3A_284 = arith.subi %sub3A_283, %shift_right_arithmetic3A_281 : vector<16xi32>
      %bitcast3A_285 = vector.bitcast %sub3A_284 : vector<16xi32> to vector<16xf32>
      %mul3A_286 = arith.constant 5.000000e-01 : f32
      %mul3A_287 = vector.broadcast %mul3A_286 : f32 to vector<16xf32>
      %mul3A_288 = arith.mulf %mul3A_287, %get3A_277 : vector<16xf32>
      %mul3A_289 = arith.mulf %mul3A_288, %bitcast3A_285 : vector<16xf32>
      %mul3A_290 = arith.mulf %mul3A_289, %bitcast3A_285 : vector<16xf32>
      %sub3A_291 = arith.constant 1.500000e+00 : f32
      %sub3A_292 = vector.broadcast %sub3A_291 : f32 to vector<16xf32>
      %sub3A_293 = arith.subf %sub3A_292, %mul3A_290 : vector<16xf32>
      %mul3A_294 = arith.mulf %bitcast3A_285, %sub3A_293 : vector<16xf32>
      %mul3A_295 = arith.constant 5.000000e-01 : f32
      %mul3A_296 = vector.broadcast %mul3A_295 : f32 to vector<16xf32>
      %mul3A_297 = arith.mulf %mul3A_296, %get3A_277 : vector<16xf32>
      %mul3A_298 = arith.mulf %mul3A_297, %mul3A_294 : vector<16xf32>
      %mul3A_299 = arith.mulf %mul3A_298, %mul3A_294 : vector<16xf32>
      %sub3A_300 = arith.constant 1.500000e+00 : f32
      %sub3A_301 = vector.broadcast %sub3A_300 : f32 to vector<16xf32>
      %sub3A_302 = arith.subf %sub3A_301, %mul3A_299 : vector<16xf32>
      %mul3A_303 = arith.mulf %mul3A_294, %sub3A_302 : vector<16xf32>
      %mul3A_304 = arith.constant 5.000000e-01 : f32
      %mul3A_305 = vector.broadcast %mul3A_304 : f32 to vector<16xf32>
      %mul3A_306 = arith.mulf %mul3A_305, %get3A_277 : vector<16xf32>
      %mul3A_307 = arith.mulf %mul3A_306, %mul3A_303 : vector<16xf32>
      %mul3A_308 = arith.mulf %mul3A_307, %mul3A_303 : vector<16xf32>
      %sub3A_309 = arith.constant 1.500000e+00 : f32
      %sub3A_310 = vector.broadcast %sub3A_309 : f32 to vector<16xf32>
      %sub3A_311 = arith.subf %sub3A_310, %mul3A_308 : vector<16xf32>
      %mul3A_312 = arith.mulf %mul3A_303, %sub3A_311 : vector<16xf32>
      %swap3A_313 = arith.constant 16 : index
      %swap3A_314 = tpu.vector_load %arg8[%swap3A_313] {strides = array<i32>} : memref<128xf32, #tpu.memory_space<vmem>>, vector<16xf32>,
      tpu.vector_store %arg8[%swap3A_313], %mul3A_312 {strides = array<i32>} : memref<128xf32, #tpu.memory_space<vmem>>, vector<16xf32>,
      %get3A_315 = arith.constant 32 : index
      %get3A_316 = tpu.vector_load %arg7[%get3A_315] {strides = array<i32>} : memref<128xf32, #tpu.memory_space<vmem>>, vector<16xf32>,
      %bitcast3A_317 = vector.bitcast %get3A_316 : vector<16xf32> to vector<16xi32>
      %shift_right_arithmetic3A_318 = arith.constant 1 : i32
      %shift_right_arithmetic3A_319 = vector.broadcast %shift_right_arithmetic3A_318 : i32 to vector<16xi32>
      %shift_right_arithmetic3A_320 = arith.shrsi %bitcast3A_317, %shift_right_arithmetic3A_319 : vector<16xi32>
      %sub3A_321 = arith.constant 1597463007 : i32
      %sub3A_322 = vector.broadcast %sub3A_321 : i32 to vector<16xi32>
      %sub3A_323 = arith.subi %sub3A_322, %shift_right_arithmetic3A_320 : vector<16xi32>
      %bitcast3A_324 = vector.bitcast %sub3A_323 : vector<16xi32> to vector<16xf32>
      %mul3A_325 = arith.constant 5.000000e-01 : f32
      %mul3A_326 = vector.broadcast %mul3A_325 : f32 to vector<16xf32>
      %mul3A_327 = arith.mulf %mul3A_326, %get3A_316 : vector<16xf32>
      %mul3A_328 = arith.mulf %mul3A_327, %bitcast3A_324 : vector<16xf32>
      %mul3A_329 = arith.mulf %mul3A_328, %bitcast3A_324 : vector<16xf32>
      %sub3A_330 = arith.constant 1.500000e+00 : f32
      %sub3A_331 = vector.broadcast %sub3A_330 : f32 to vector<16xf32>
      %sub3A_332 = arith.subf %sub3A_331, %mul3A_329 : vector<16xf32>
      %mul3A_333 = arith.mulf %bitcast3A_324, %sub3A_332 : vector<16xf32>
      %mul3A_334 = arith.constant 5.000000e-01 : f32
      %mul3A_335 = vector.broadcast %mul3A_334 : f32 to vector<16xf32>
      %mul3A_336 = arith.mulf %mul3A_335, %get3A_316 : vector<16xf32>
      %mul3A_337 = arith.mulf %mul3A_336, %mul3A_333 : vector<16xf32>
      %mul3A_338 = arith.mulf %mul3A_337, %mul3A_333 : vector<16xf32>
      %sub3A_339 = arith.constant 1.500000e+00 : f32
      %sub3A_340 = vector.broadcast %sub3A_339 : f32 to vector<16xf32>
      %sub3A_341 = arith.subf %sub3A_340, %mul3A_338 : vector<16xf32>
      %mul3A_342 = arith.mulf %mul3A_333, %sub3A_341 : vector<16xf32>
      %mul3A_343 = arith.constant 5.000000e-01 : f32
      %mul3A_344 = vector.broadcast %mul3A_343 : f32 to vector<16xf32>
      %mul3A_345 = arith.mulf %mul3A_344, %get3A_316 : vector<16xf32>
      %mul3A_346 = arith.mulf %mul3A_345, %mul3A_342 : vector<16xf32>
      %mul3A_347 = arith.mulf %mul3A_346, %mul3A_342 : vector<16xf32>
      %sub3A_348 = arith.constant 1.500000e+00 : f32
      %sub3A_349 = vector.broadcast %sub3A_348 : f32 to vector<16xf32>
      %sub3A_350 = arith.subf %sub3A_349, %mul3A_347 : vector<16xf32>
      %mul3A_351 = arith.mulf %mul3A_342, %sub3A_350 : vector<16xf32>
      %swap3A_352 = arith.constant 32 : index
      %swap3A_353 = tpu.vector_load %arg8[%swap3A_352] {strides = array<i32>} : memref<128xf32, #tpu.memory_space<vmem>>, vector<16xf32>,
      tpu.vector_store %arg8[%swap3A_352], %mul3A_351 {strides = array<i32>} : memref<128xf32, #tpu.memory_space<vmem>>, vector<16xf32>,
      %get3A_354 = arith.constant 48 : index
      %get3A_355 = tpu.vector_load %arg7[%get3A_354] {strides = array<i32>} : memref<128xf32, #tpu.memory_space<vmem>>, vector<16xf32>,
      %bitcast3A_356 = vector.bitcast %get3A_355 : vector<16xf32> to vector<16xi32>
      %shift_right_arithmetic3A_357 = arith.constant 1 : i32
      %shift_right_arithmetic3A_358 = vector.broadcast %shift_right_arithmetic3A_357 : i32 to vector<16xi32>
      %shift_right_arithmetic3A_359 = arith.shrsi %bitcast3A_356, %shift_right_arithmetic3A_358 : vector<16xi32>
      %sub3A_360 = arith.constant 1597463007 : i32
      %sub3A_361 = vector.broadcast %sub3A_360 : i32 to vector<16xi32>
      %sub3A_362 = arith.subi %sub3A_361, %shift_right_arithmetic3A_359 : vector<16xi32>
      %bitcast3A_363 = vector.bitcast %sub3A_362 : vector<16xi32> to vector<16xf32>
      %mul3A_364 = arith.constant 5.000000e-01 : f32
      %mul3A_365 = vector.broadcast %mul3A_364 : f32 to vector<16xf32>
      %mul3A_366 = arith.mulf %mul3A_365, %get3A_355 : vector<16xf32>
      %mul3A_367 = arith.mulf %mul3A_366, %bitcast3A_363 : vector<16xf32>
      %mul3A_368 = arith.mulf %mul3A_367, %bitcast3A_363 : vector<16xf32>
      %sub3A_369 = arith.constant 1.500000e+00 : f32
      %sub3A_370 = vector.broadcast %sub3A_369 : f32 to vector<16xf32>
      %sub3A_371 = arith.subf %sub3A_370, %mul3A_368 : vector<16xf32>
      %mul3A_372 = arith.mulf %bitcast3A_363, %sub3A_371 : vector<16xf32>
      %mul3A_373 = arith.constant 5.000000e-01 : f32
      %mul3A_374 = vector.broadcast %mul3A_373 : f32 to vector<16xf32>
      %mul3A_375 = arith.mulf %mul3A_374, %get3A_355 : vector<16xf32>
      %mul3A_376 = arith.mulf %mul3A_375, %mul3A_372 : vector<16xf32>
      %mul3A_377 = arith.mulf %mul3A_376, %mul3A_372 : vector<16xf32>
      %sub3A_378 = arith.constant 1.500000e+00 : f32
      %sub3A_379 = vector.broadcast %sub3A_378 : f32 to vector<16xf32>
      %sub3A_380 = arith.subf %sub3A_379, %mul3A_377 : vector<16xf32>
      %mul3A_381 = arith.mulf %mul3A_372, %sub3A_380 : vector<16xf32>
      %mul3A_382 = arith.constant 5.000000e-01 : f32
      %mul3A_383 = vector.broadcast %mul3A_382 : f32 to vector<16xf32>
      %mul3A_384 = arith.mulf %mul3A_383, %get3A_355 : vector<16xf32>
      %mul3A_385 = arith.mulf %mul3A_384, %mul3A_381 : vector<16xf32>
      %mul3A_386 = arith.mulf %mul3A_385, %mul3A_381 : vector<16xf32>
      %sub3A_387 = arith.constant 1.500000e+00 : f32
      %sub3A_388 = vector.broadcast %sub3A_387 : f32 to vector<16xf32>
      %sub3A_389 = arith.subf %sub3A_388, %mul3A_386 : vector<16xf32>
      %mul3A_390 = arith.mulf %mul3A_381, %sub3A_389 : vector<16xf32>
      %swap3A_391 = arith.constant 48 : index
      %swap3A_392 = tpu.vector_load %arg8[%swap3A_391] {strides = array<i32>} : memref<128xf32, #tpu.memory_space<vmem>>, vector<16xf32>,
      tpu.vector_store %arg8[%swap3A_391], %mul3A_390 {strides = array<i32>} : memref<128xf32, #tpu.memory_space<vmem>>, vector<16xf32>,
      %get3A_393 = arith.constant 64 : index
      %get3A_394 = tpu.vector_load %arg7[%get3A_393] {strides = array<i32>} : memref<128xf32, #tpu.memory_space<vmem>>, vector<16xf32>,
      %bitcast3A_395 = vector.bitcast %get3A_394 : vector<16xf32> to vector<16xi32>
      %shift_right_arithmetic3A_396 = arith.constant 1 : i32
      %shift_right_arithmetic3A_397 = vector.broadcast %shift_right_arithmetic3A_396 : i32 to vector<16xi32>
      %shift_right_arithmetic3A_398 = arith.shrsi %bitcast3A_395, %shift_right_arithmetic3A_397 : vector<16xi32>
      %sub3A_399 = arith.constant 1597463007 : i32
      %sub3A_400 = vector.broadcast %sub3A_399 : i32 to vector<16xi32>
      %sub3A_401 = arith.subi %sub3A_400, %shift_right_arithmetic3A_398 : vector<16xi32>
      %bitcast3A_402 = vector.bitcast %sub3A_401 : vector<16xi32> to vector<16xf32>
      %mul3A_403 = arith.constant 5.000000e-01 : f32
      %mul3A_404 = vector.broadcast %mul3A_403 : f32 to vector<16xf32>
      %mul3A_405 = arith.mulf %mul3A_404, %get3A_394 : vector<16xf32>
      %mul3A_406 = arith.mulf %mul3A_405, %bitcast3A_402 : vector<16xf32>
      %mul3A_407 = arith.mulf %mul3A_406, %bitcast3A_402 : vector<16xf32>
      %sub3A_408 = arith.constant 1.500000e+00 : f32
      %sub3A_409 = vector.broadcast %sub3A_408 : f32 to vector<16xf32>
      %sub3A_410 = arith.subf %sub3A_409, %mul3A_407 : vector<16xf32>
      %mul3A_411 = arith.mulf %bitcast3A_402, %sub3A_410 : vector<16xf32>
      %mul3A_412 = arith.constant 5.000000e-01 : f32
      %mul3A_413 = vector.broadcast %mul3A_412 : f32 to vector<16xf32>
      %mul3A_414 = arith.mulf %mul3A_413, %get3A_394 : vector<16xf32>
      %mul3A_415 = arith.mulf %mul3A_414, %mul3A_411 : vector<16xf32>
      %mul3A_416 = arith.mulf %mul3A_415, %mul3A_411 : vector<16xf32>
      %sub3A_417 = arith.constant 1.500000e+00 : f32
      %sub3A_418 = vector.broadcast %sub3A_417 : f32 to vector<16xf32>
      %sub3A_419 = arith.subf %sub3A_418, %mul3A_416 : vector<16xf32>
      %mul3A_420 = arith.mulf %mul3A_411, %sub3A_419 : vector<16xf32>
      %mul3A_421 = arith.constant 5.000000e-01 : f32
      %mul3A_422 = vector.broadcast %mul3A_421 : f32 to vector<16xf32>
      %mul3A_423 = arith.mulf %mul3A_422, %get3A_394 : vector<16xf32>
      %mul3A_424 = arith.mulf %mul3A_423, %mul3A_420 : vector<16xf32>
      %mul3A_425 = arith.mulf %mul3A_424, %mul3A_420 : vector<16xf32>
      %sub3A_426 = arith.constant 1.500000e+00 : f32
      %sub3A_427 = vector.broadcast %sub3A_426 : f32 to vector<16xf32>
      %sub3A_428 = arith.subf %sub3A_427, %mul3A_425 : vector<16xf32>
      %mul3A_429 = arith.mulf %mul3A_420, %sub3A_428 : vector<16xf32>
      %swap3A_430 = arith.constant 64 : index
      %swap3A_431 = tpu.vector_load %arg8[%swap3A_430] {strides = array<i32>} : memref<128xf32, #tpu.memory_space<vmem>>, vector<16xf32>,
      tpu.vector_store %arg8[%swap3A_430], %mul3A_429 {strides = array<i32>} : memref<128xf32, #tpu.memory_space<vmem>>, vector<16xf32>,
      %get3A_432 = arith.constant 80 : index
      %get3A_433 = tpu.vector_load %arg7[%get3A_432] {strides = array<i32>} : memref<128xf32, #tpu.memory_space<vmem>>, vector<16xf32>,
      %bitcast3A_434 = vector.bitcast %get3A_433 : vector<16xf32> to vector<16xi32>
      %shift_right_arithmetic3A_435 = arith.constant 1 : i32
      %shift_right_arithmetic3A_436 = vector.broadcast %shift_right_arithmetic3A_435 : i32 to vector<16xi32>
      %shift_right_arithmetic3A_437 = arith.shrsi %bitcast3A_434, %shift_right_arithmetic3A_436 : vector<16xi32>
      %sub3A_438 = arith.constant 1597463007 : i32
      %sub3A_439 = vector.broadcast %sub3A_438 : i32 to vector<16xi32>
      %sub3A_440 = arith.subi %sub3A_439, %shift_right_arithmetic3A_437 : vector<16xi32>
      %bitcast3A_441 = vector.bitcast %sub3A_440 : vector<16xi32> to vector<16xf32>
      %mul3A_442 = arith.constant 5.000000e-01 : f32
      %mul3A_443 = vector.broadcast %mul3A_442 : f32 to vector<16xf32>
      %mul3A_444 = arith.mulf %mul3A_443, %get3A_433 : vector<16xf32>
      %mul3A_445 = arith.mulf %mul3A_444, %bitcast3A_441 : vector<16xf32>
      %mul3A_446 = arith.mulf %mul3A_445, %bitcast3A_441 : vector<16xf32>
      %sub3A_447 = arith.constant 1.500000e+00 : f32
      %sub3A_448 = vector.broadcast %sub3A_447 : f32 to vector<16xf32>
      %sub3A_449 = arith.subf %sub3A_448, %mul3A_446 : vector<16xf32>
      %mul3A_450 = arith.mulf %bitcast3A_441, %sub3A_449 : vector<16xf32>
      %mul3A_451 = arith.constant 5.000000e-01 : f32
      %mul3A_452 = vector.broadcast %mul3A_451 : f32 to vector<16xf32>
      %mul3A_453 = arith.mulf %mul3A_452, %get3A_433 : vector<16xf32>
      %mul3A_454 = arith.mulf %mul3A_453, %mul3A_450 : vector<16xf32>
      %mul3A_455 = arith.mulf %mul3A_454, %mul3A_450 : vector<16xf32>
      %sub3A_456 = arith.constant 1.500000e+00 : f32
      %sub3A_457 = vector.broadcast %sub3A_456 : f32 to vector<16xf32>
      %sub3A_458 = arith.subf %sub3A_457, %mul3A_455 : vector<16xf32>
      %mul3A_459 = arith.mulf %mul3A_450, %sub3A_458 : vector<16xf32>
      %mul3A_460 = arith.constant 5.000000e-01 : f32
      %mul3A_461 = vector.broadcast %mul3A_460 : f32 to vector<16xf32>
      %mul3A_462 = arith.mulf %mul3A_461, %get3A_433 : vector<16xf32>
      %mul3A_463 = arith.mulf %mul3A_462, %mul3A_459 : vector<16xf32>
      %mul3A_464 = arith.mulf %mul3A_463, %mul3A_459 : vector<16xf32>
      %sub3A_465 = arith.constant 1.500000e+00 : f32
      %sub3A_466 = vector.broadcast %sub3A_465 : f32 to vector<16xf32>
      %sub3A_467 = arith.subf %sub3A_466, %mul3A_464 : vector<16xf32>
      %mul3A_468 = arith.mulf %mul3A_459, %sub3A_467 : vector<16xf32>
      %swap3A_469 = arith.constant 80 : index
      %swap3A_470 = tpu.vector_load %arg8[%swap3A_469] {strides = array<i32>} : memref<128xf32, #tpu.memory_space<vmem>>, vector<16xf32>,
      tpu.vector_store %arg8[%swap3A_469], %mul3A_468 {strides = array<i32>} : memref<128xf32, #tpu.memory_space<vmem>>, vector<16xf32>,
      %get3A_471 = arith.constant 96 : index
      %get3A_472 = tpu.vector_load %arg7[%get3A_471] {strides = array<i32>} : memref<128xf32, #tpu.memory_space<vmem>>, vector<16xf32>,
      %bitcast3A_473 = vector.bitcast %get3A_472 : vector<16xf32> to vector<16xi32>
      %shift_right_arithmetic3A_474 = arith.constant 1 : i32
      %shift_right_arithmetic3A_475 = vector.broadcast %shift_right_arithmetic3A_474 : i32 to vector<16xi32>
      %shift_right_arithmetic3A_476 = arith.shrsi %bitcast3A_473, %shift_right_arithmetic3A_475 : vector<16xi32>
      %sub3A_477 = arith.constant 1597463007 : i32
      %sub3A_478 = vector.broadcast %sub3A_477 : i32 to vector<16xi32>
      %sub3A_479 = arith.subi %sub3A_478, %shift_right_arithmetic3A_476 : vector<16xi32>
      %bitcast3A_480 = vector.bitcast %sub3A_479 : vector<16xi32> to vector<16xf32>
      %mul3A_481 = arith.constant 5.000000e-01 : f32
      %mul3A_482 = vector.broadcast %mul3A_481 : f32 to vector<16xf32>
      %mul3A_483 = arith.mulf %mul3A_482, %get3A_472 : vector<16xf32>
      %mul3A_484 = arith.mulf %mul3A_483, %bitcast3A_480 : vector<16xf32>
      %mul3A_485 = arith.mulf %mul3A_484, %bitcast3A_480 : vector<16xf32>
      %sub3A_486 = arith.constant 1.500000e+00 : f32
      %sub3A_487 = vector.broadcast %sub3A_486 : f32 to vector<16xf32>
      %sub3A_488 = arith.subf %sub3A_487, %mul3A_485 : vector<16xf32>
      %mul3A_489 = arith.mulf %bitcast3A_480, %sub3A_488 : vector<16xf32>
      %mul3A_490 = arith.constant 5.000000e-01 : f32
      %mul3A_491 = vector.broadcast %mul3A_490 : f32 to vector<16xf32>
      %mul3A_492 = arith.mulf %mul3A_491, %get3A_472 : vector<16xf32>
      %mul3A_493 = arith.mulf %mul3A_492, %mul3A_489 : vector<16xf32>
      %mul3A_494 = arith.mulf %mul3A_493, %mul3A_489 : vector<16xf32>
      %sub3A_495 = arith.constant 1.500000e+00 : f32
      %sub3A_496 = vector.broadcast %sub3A_495 : f32 to vector<16xf32>
      %sub3A_497 = arith.subf %sub3A_496, %mul3A_494 : vector<16xf32>
      %mul3A_498 = arith.mulf %mul3A_489, %sub3A_497 : vector<16xf32>
      %mul3A_499 = arith.constant 5.000000e-01 : f32
      %mul3A_500 = vector.broadcast %mul3A_499 : f32 to vector<16xf32>
      %mul3A_501 = arith.mulf %mul3A_500, %get3A_472 : vector<16xf32>
      %mul3A_502 = arith.mulf %mul3A_501, %mul3A_498 : vector<16xf32>
      %mul3A_503 = arith.mulf %mul3A_502, %mul3A_498 : vector<16xf32>
      %sub3A_504 = arith.constant 1.500000e+00 : f32
      %sub3A_505 = vector.broadcast %sub3A_504 : f32 to vector<16xf32>
      %sub3A_506 = arith.subf %sub3A_505, %mul3A_503 : vector<16xf32>
      %mul3A_507 = arith.mulf %mul3A_498, %sub3A_506 : vector<16xf32>
      %swap3A_508 = arith.constant 96 : index
      %swap3A_509 = tpu.vector_load %arg8[%swap3A_508] {strides = array<i32>} : memref<128xf32, #tpu.memory_space<vmem>>, vector<16xf32>,
      tpu.vector_store %arg8[%swap3A_508], %mul3A_507 {strides = array<i32>} : memref<128xf32, #tpu.memory_space<vmem>>, vector<16xf32>,
      %get3A_510 = arith.constant 112 : index
      %get3A_511 = tpu.vector_load %arg7[%get3A_510] {strides = array<i32>} : memref<128xf32, #tpu.memory_space<vmem>>, vector<16xf32>,
      %bitcast3A_512 = vector.bitcast %get3A_511 : vector<16xf32> to vector<16xi32>
      %shift_right_arithmetic3A_513 = arith.constant 1 : i32
      %shift_right_arithmetic3A_514 = vector.broadcast %shift_right_arithmetic3A_513 : i32 to vector<16xi32>
      %shift_right_arithmetic3A_515 = arith.shrsi %bitcast3A_512, %shift_right_arithmetic3A_514 : vector<16xi32>
      %sub3A_516 = arith.constant 1597463007 : i32
      %sub3A_517 = vector.broadcast %sub3A_516 : i32 to vector<16xi32>
      %sub3A_518 = arith.subi %sub3A_517, %shift_right_arithmetic3A_515 : vector<16xi32>
      %bitcast3A_519 = vector.bitcast %sub3A_518 : vector<16xi32> to vector<16xf32>
      %mul3A_520 = arith.constant 5.000000e-01 : f32
      %mul3A_521 = vector.broadcast %mul3A_520 : f32 to vector<16xf32>
      %mul3A_522 = arith.mulf %mul3A_521, %get3A_511 : vector<16xf32>
      %mul3A_523 = arith.mulf %mul3A_522, %bitcast3A_519 : vector<16xf32>
      %mul3A_524 = arith.mulf %mul3A_523, %bitcast3A_519 : vector<16xf32>
      %sub3A_525 = arith.constant 1.500000e+00 : f32
      %sub3A_526 = vector.broadcast %sub3A_525 : f32 to vector<16xf32>
      %sub3A_527 = arith.subf %sub3A_526, %mul3A_524 : vector<16xf32>
      %mul3A_528 = arith.mulf %bitcast3A_519, %sub3A_527 : vector<16xf32>
      %mul3A_529 = arith.constant 5.000000e-01 : f32
      %mul3A_530 = vector.broadcast %mul3A_529 : f32 to vector<16xf32>
      %mul3A_531 = arith.mulf %mul3A_530, %get3A_511 : vector<16xf32>
      %mul3A_532 = arith.mulf %mul3A_531, %mul3A_528 : vector<16xf32>
      %mul3A_533 = arith.mulf %mul3A_532, %mul3A_528 : vector<16xf32>
      %sub3A_534 = arith.constant 1.500000e+00 : f32
      %sub3A_535 = vector.broadcast %sub3A_534 : f32 to vector<16xf32>
      %sub3A_536 = arith.subf %sub3A_535, %mul3A_533 : vector<16xf32>
      %mul3A_537 = arith.mulf %mul3A_528, %sub3A_536 : vector<16xf32>
      %mul3A_538 = arith.constant 5.000000e-01 : f32
      %mul3A_539 = vector.broadcast %mul3A_538 : f32 to vector<16xf32>
      %mul3A_540 = arith.mulf %mul3A_539, %get3A_511 : vector<16xf32>
      %mul3A_541 = arith.mulf %mul3A_540, %mul3A_537 : vector<16xf32>
      %mul3A_542 = arith.mulf %mul3A_541, %mul3A_537 : vector<16xf32>
      %sub3A_543 = arith.constant 1.500000e+00 : f32
      %sub3A_544 = vector.broadcast %sub3A_543 : f32 to vector<16xf32>
      %sub3A_545 = arith.subf %sub3A_544, %mul3A_542 : vector<16xf32>
      %mul3A_546 = arith.mulf %mul3A_537, %sub3A_545 : vector<16xf32>
      %swap3A_547 = arith.constant 112 : index
      %swap3A_548 = tpu.vector_load %arg8[%swap3A_547] {strides = array<i32>} : memref<128xf32, #tpu.memory_space<vmem>>, vector<16xf32>,
      tpu.vector_store %arg8[%swap3A_547], %mul3A_546 {strides = array<i32>} : memref<128xf32, #tpu.memory_space<vmem>>, vector<16xf32>,
      %iota3A_549 = tpu.iota {dimensions = array<i32: 0>} : vector<16xi32>
      %add3A_550 = arith.constant 0 : i32
      %add3A_551 = vector.broadcast %add3A_550 : i32 to vector<16xi32>
      %add3A_552 = arith.addi %iota3A_549, %add3A_551 : vector<16xi32>
      %lt3A_553 = arith.constant 372 : i32
      %lt3A_554 = vector.broadcast %lt3A_553 : i32 to vector<16xi32>
      %lt3A_555 = arith.cmpi slt, %add3A_552, %lt3A_554 : vector<16xi32>
      %get3A_556 = arith.constant 0 : index
      %get3A_557 = tpu.vector_load %arg5[%get3A_556] {strides = array<i32>} : memref<384xi32, #tpu.memory_space<vmem>>, vector<16xi32>,
      %get3A_558 = arith.constant 0 : index
      %get3A_559 = tpu.vector_load %arg6[%get3A_558] {strides = array<i32>} : memref<384xi32, #tpu.memory_space<vmem>>, vector<16xi32>,
      %gather3A = tpu.vector_load_idx %arg8[%get3A_557] masked %lt3A_555 : memref<128xf32, #tpu.memory_space<vmem>>[vector<16xi32>], vector<16xf32>, vector<16xi1>
      %gather3A_560 = tpu.vector_load_idx %arg8[%get3A_559] masked %lt3A_555 : memref<128xf32, #tpu.memory_space<vmem>>[vector<16xi32>], vector<16xf32>, vector<16xi1>
      %mul3A_561 = arith.constant 128 : i32
      %mul3A_562 = vector.broadcast %mul3A_561 : i32 to vector<16xi32>
      %mul3A_563 = arith.muli %get3A_559, %mul3A_562 : vector<16xi32>
      %add3A_564 = arith.addi %mul3A_563, %get3A_557 : vector<16xi32>
      %mul3A_565 = arith.mulf %gather3A, %gather3A_560 : vector<16xf32>
      tpu.vector_store_idx %arg9[%add3A_564], %mul3A_565 masked %lt3A_555 {add = true} : memref<16384xf32, #tpu.memory_space<vmem>>[vector<16xi32>], vector<16xf32>, vector<16xi1>
      %iota3A_566 = tpu.iota {dimensions = array<i32: 0>} : vector<16xi32>
      %add3A_567 = arith.constant 16 : i32
      %add3A_568 = vector.broadcast %add3A_567 : i32 to vector<16xi32>
      %add3A_569 = arith.addi %iota3A_566, %add3A_568 : vector<16xi32>
      %lt3A_570 = arith.constant 372 : i32
      %lt3A_571 = vector.broadcast %lt3A_570 : i32 to vector<16xi32>
      %lt3A_572 = arith.cmpi slt, %add3A_569, %lt3A_571 : vector<16xi32>
      %get3A_573 = arith.constant 16 : index
      %get3A_574 = tpu.vector_load %arg5[%get3A_573] {strides = array<i32>} : memref<384xi32, #tpu.memory_space<vmem>>, vector<16xi32>,
      %get3A_575 = arith.constant 16 : index
      %get3A_576 = tpu.vector_load %arg6[%get3A_575] {strides = array<i32>} : memref<384xi32, #tpu.memory_space<vmem>>, vector<16xi32>,
      %gather3A_577 = tpu.vector_load_idx %arg8[%get3A_574] masked %lt3A_572 : memref<128xf32, #tpu.memory_space<vmem>>[vector<16xi32>], vector<16xf32>, vector<16xi1>
      %gather3A_578 = tpu.vector_load_idx %arg8[%get3A_576] masked %lt3A_572 : memref<128xf32, #tpu.memory_space<vmem>>[vector<16xi32>], vector<16xf32>, vector<16xi1>
      %mul3A_579 = arith.constant 128 : i32
      %mul3A_580 = vector.broadcast %mul3A_579 : i32 to vector<16xi32>
      %mul3A_581 = arith.muli %get3A_576, %mul3A_580 : vector<16xi32>
      %add3A_582 = arith.addi %mul3A_581, %get3A_574 : vector<16xi32>
      %mul3A_583 = arith.mulf %gather3A_577, %gather3A_578 : vector<16xf32>
      tpu.vector_store_idx %arg9[%add3A_582], %mul3A_583 masked %lt3A_572 {add = true} : memref<16384xf32, #tpu.memory_space<vmem>>[vector<16xi32>], vector<16xf32>, vector<16xi1>
      %iota3A_584 = tpu.iota {dimensions = array<i32: 0>} : vector<16xi32>
      %add3A_585 = arith.constant 32 : i32
      %add3A_586 = vector.broadcast %add3A_585 : i32 to vector<16xi32>
      %add3A_587 = arith.addi %iota3A_584, %add3A_586 : vector<16xi32>
      %lt3A_588 = arith.constant 372 : i32
      %lt3A_589 = vector.broadcast %lt3A_588 : i32 to vector<16xi32>
      %lt3A_590 = arith.cmpi slt, %add3A_587, %lt3A_589 : vector<16xi32>
      %get3A_591 = arith.constant 32 : index
      %get3A_592 = tpu.vector_load %arg5[%get3A_591] {strides = array<i32>} : memref<384xi32, #tpu.memory_space<vmem>>, vector<16xi32>,
      %get3A_593 = arith.constant 32 : index
      %get3A_594 = tpu.vector_load %arg6[%get3A_593] {strides = array<i32>} : memref<384xi32, #tpu.memory_space<vmem>>, vector<16xi32>,
      %gather3A_595 = tpu.vector_load_idx %arg8[%get3A_592] masked %lt3A_590 : memref<128xf32, #tpu.memory_space<vmem>>[vector<16xi32>], vector<16xf32>, vector<16xi1>
      %gather3A_596 = tpu.vector_load_idx %arg8[%get3A_594] masked %lt3A_590 : memref<128xf32, #tpu.memory_space<vmem>>[vector<16xi32>], vector<16xf32>, vector<16xi1>
      %mul3A_597 = arith.constant 128 : i32
      %mul3A_598 = vector.broadcast %mul3A_597 : i32 to vector<16xi32>
      %mul3A_599 = arith.muli %get3A_594, %mul3A_598 : vector<16xi32>
      %add3A_600 = arith.addi %mul3A_599, %get3A_592 : vector<16xi32>
      %mul3A_601 = arith.mulf %gather3A_595, %gather3A_596 : vector<16xf32>
      tpu.vector_store_idx %arg9[%add3A_600], %mul3A_601 masked %lt3A_590 {add = true} : memref<16384xf32, #tpu.memory_space<vmem>>[vector<16xi32>], vector<16xf32>, vector<16xi1>
      %iota3A_602 = tpu.iota {dimensions = array<i32: 0>} : vector<16xi32>
      %add3A_603 = arith.constant 48 : i32
      %add3A_604 = vector.broadcast %add3A_603 : i32 to vector<16xi32>
      %add3A_605 = arith.addi %iota3A_602, %add3A_604 : vector<16xi32>
      %lt3A_606 = arith.constant 372 : i32
      %lt3A_607 = vector.broadcast %lt3A_606 : i32 to vector<16xi32>
      %lt3A_608 = arith.cmpi slt, %add3A_605, %lt3A_607 : vector<16xi32>
      %get3A_609 = arith.constant 48 : index
      %get3A_610 = tpu.vector_load %arg5[%get3A_609] {strides = array<i32>} : memref<384xi32, #tpu.memory_space<vmem>>, vector<16xi32>,
      %get3A_611 = arith.constant 48 : index
      %get3A_612 = tpu.vector_load %arg6[%get3A_611] {strides = array<i32>} : memref<384xi32, #tpu.memory_space<vmem>>, vector<16xi32>,
      %gather3A_613 = tpu.vector_load_idx %arg8[%get3A_610] masked %lt3A_608 : memref<128xf32, #tpu.memory_space<vmem>>[vector<16xi32>], vector<16xf32>, vector<16xi1>
      %gather3A_614 = tpu.vector_load_idx %arg8[%get3A_612] masked %lt3A_608 : memref<128xf32, #tpu.memory_space<vmem>>[vector<16xi32>], vector<16xf32>, vector<16xi1>
      %mul3A_615 = arith.constant 128 : i32
      %mul3A_616 = vector.broadcast %mul3A_615 : i32 to vector<16xi32>
      %mul3A_617 = arith.muli %get3A_612, %mul3A_616 : vector<16xi32>
      %add3A_618 = arith.addi %mul3A_617, %get3A_610 : vector<16xi32>
      %mul3A_619 = arith.mulf %gather3A_613, %gather3A_614 : vector<16xf32>
      tpu.vector_store_idx %arg9[%add3A_618], %mul3A_619 masked %lt3A_608 {add = true} : memref<16384xf32, #tpu.memory_space<vmem>>[vector<16xi32>], vector<16xf32>, vector<16xi1>
      %iota3A_620 = tpu.iota {dimensions = array<i32: 0>} : vector<16xi32>
      %add3A_621 = arith.constant 64 : i32
      %add3A_622 = vector.broadcast %add3A_621 : i32 to vector<16xi32>
      %add3A_623 = arith.addi %iota3A_620, %add3A_622 : vector<16xi32>
      %lt3A_624 = arith.constant 372 : i32
      %lt3A_625 = vector.broadcast %lt3A_624 : i32 to vector<16xi32>
      %lt3A_626 = arith.cmpi slt, %add3A_623, %lt3A_625 : vector<16xi32>
      %get3A_627 = arith.constant 64 : index
      %get3A_628 = tpu.vector_load %arg5[%get3A_627] {strides = array<i32>} : memref<384xi32, #tpu.memory_space<vmem>>, vector<16xi32>,
      %get3A_629 = arith.constant 64 : index
      %get3A_630 = tpu.vector_load %arg6[%get3A_629] {strides = array<i32>} : memref<384xi32, #tpu.memory_space<vmem>>, vector<16xi32>,
      %gather3A_631 = tpu.vector_load_idx %arg8[%get3A_628] masked %lt3A_626 : memref<128xf32, #tpu.memory_space<vmem>>[vector<16xi32>], vector<16xf32>, vector<16xi1>
      %gather3A_632 = tpu.vector_load_idx %arg8[%get3A_630] masked %lt3A_626 : memref<128xf32, #tpu.memory_space<vmem>>[vector<16xi32>], vector<16xf32>, vector<16xi1>
      %mul3A_633 = arith.constant 128 : i32
      %mul3A_634 = vector.broadcast %mul3A_633 : i32 to vector<16xi32>
      %mul3A_635 = arith.muli %get3A_630, %mul3A_634 : vector<16xi32>
      %add3A_636 = arith.addi %mul3A_635, %get3A_628 : vector<16xi32>
      %mul3A_637 = arith.mulf %gather3A_631, %gather3A_632 : vector<16xf32>
      tpu.vector_store_idx %arg9[%add3A_636], %mul3A_637 masked %lt3A_626 {add = true} : memref<16384xf32, #tpu.memory_space<vmem>>[vector<16xi32>], vector<16xf32>, vector<16xi1>
      %iota3A_638 = tpu.iota {dimensions = array<i32: 0>} : vector<16xi32>
      %add3A_639 = arith.constant 80 : i32
      %add3A_640 = vector.broadcast %add3A_639 : i32 to vector<16xi32>
      %add3A_641 = arith.addi %iota3A_638, %add3A_640 : vector<16xi32>
      %lt3A_642 = arith.constant 372 : i32
      %lt3A_643 = vector.broadcast %lt3A_642 : i32 to vector<16xi32>
      %lt3A_644 = arith.cmpi slt, %add3A_641, %lt3A_643 : vector<16xi32>
      %get3A_645 = arith.constant 80 : index
      %get3A_646 = tpu.vector_load %arg5[%get3A_645] {strides = array<i32>} : memref<384xi32, #tpu.memory_space<vmem>>, vector<16xi32>,
      %get3A_647 = arith.constant 80 : index
      %get3A_648 = tpu.vector_load %arg6[%get3A_647] {strides = array<i32>} : memref<384xi32, #tpu.memory_space<vmem>>, vector<16xi32>,
      %gather3A_649 = tpu.vector_load_idx %arg8[%get3A_646] masked %lt3A_644 : memref<128xf32, #tpu.memory_space<vmem>>[vector<16xi32>], vector<16xf32>, vector<16xi1>
      %gather3A_650 = tpu.vector_load_idx %arg8[%get3A_648] masked %lt3A_644 : memref<128xf32, #tpu.memory_space<vmem>>[vector<16xi32>], vector<16xf32>, vector<16xi1>
      %mul3A_651 = arith.constant 128 : i32
      %mul3A_652 = vector.broadcast %mul3A_651 : i32 to vector<16xi32>
      %mul3A_653 = arith.muli %get3A_648, %mul3A_652 : vector<16xi32>
      %add3A_654 = arith.addi %mul3A_653, %get3A_646 : vector<16xi32>
      %mul3A_655 = arith.mulf %gather3A_649, %gather3A_650 : vector<16xf32>
      tpu.vector_store_idx %arg9[%add3A_654], %mul3A_655 masked %lt3A_644 {add = true} : memref<16384xf32, #tpu.memory_space<vmem>>[vector<16xi32>], vector<16xf32>, vector<16xi1>
      %iota3A_656 = tpu.iota {dimensions = array<i32: 0>} : vector<16xi32>
      %add3A_657 = arith.constant 96 : i32
      %add3A_658 = vector.broadcast %add3A_657 : i32 to vector<16xi32>
      %add3A_659 = arith.addi %iota3A_656, %add3A_658 : vector<16xi32>
      %lt3A_660 = arith.constant 372 : i32
      %lt3A_661 = vector.broadcast %lt3A_660 : i32 to vector<16xi32>
      %lt3A_662 = arith.cmpi slt, %add3A_659, %lt3A_661 : vector<16xi32>
      %get3A_663 = arith.constant 96 : index
      %get3A_664 = tpu.vector_load %arg5[%get3A_663] {strides = array<i32>} : memref<384xi32, #tpu.memory_space<vmem>>, vector<16xi32>,
      %get3A_665 = arith.constant 96 : index
      %get3A_666 = tpu.vector_load %arg6[%get3A_665] {strides = array<i32>} : memref<384xi32, #tpu.memory_space<vmem>>, vector<16xi32>,
      %gather3A_667 = tpu.vector_load_idx %arg8[%get3A_664] masked %lt3A_662 : memref<128xf32, #tpu.memory_space<vmem>>[vector<16xi32>], vector<16xf32>, vector<16xi1>
      %gather3A_668 = tpu.vector_load_idx %arg8[%get3A_666] masked %lt3A_662 : memref<128xf32, #tpu.memory_space<vmem>>[vector<16xi32>], vector<16xf32>, vector<16xi1>
      %mul3A_669 = arith.constant 128 : i32
      %mul3A_670 = vector.broadcast %mul3A_669 : i32 to vector<16xi32>
      %mul3A_671 = arith.muli %get3A_666, %mul3A_670 : vector<16xi32>
      %add3A_672 = arith.addi %mul3A_671, %get3A_664 : vector<16xi32>
      %mul3A_673 = arith.mulf %gather3A_667, %gather3A_668 : vector<16xf32>
      tpu.vector_store_idx %arg9[%add3A_672], %mul3A_673 masked %lt3A_662 {add = true} : memref<16384xf32, #tpu.memory_space<vmem>>[vector<16xi32>], vector<16xf32>, vector<16xi1>
      %iota3A_674 = tpu.iota {dimensions = array<i32: 0>} : vector<16xi32>
      %add3A_675 = arith.constant 112 : i32
      %add3A_676 = vector.broadcast %add3A_675 : i32 to vector<16xi32>
      %add3A_677 = arith.addi %iota3A_674, %add3A_676 : vector<16xi32>
      %lt3A_678 = arith.constant 372 : i32
      %lt3A_679 = vector.broadcast %lt3A_678 : i32 to vector<16xi32>
      %lt3A_680 = arith.cmpi slt, %add3A_677, %lt3A_679 : vector<16xi32>
      %get3A_681 = arith.constant 112 : index
      %get3A_682 = tpu.vector_load %arg5[%get3A_681] {strides = array<i32>} : memref<384xi32, #tpu.memory_space<vmem>>, vector<16xi32>,
      %get3A_683 = arith.constant 112 : index
      %get3A_684 = tpu.vector_load %arg6[%get3A_683] {strides = array<i32>} : memref<384xi32, #tpu.memory_space<vmem>>, vector<16xi32>,
      %gather3A_685 = tpu.vector_load_idx %arg8[%get3A_682] masked %lt3A_680 : memref<128xf32, #tpu.memory_space<vmem>>[vector<16xi32>], vector<16xf32>, vector<16xi1>
      %gather3A_686 = tpu.vector_load_idx %arg8[%get3A_684] masked %lt3A_680 : memref<128xf32, #tpu.memory_space<vmem>>[vector<16xi32>], vector<16xf32>, vector<16xi1>
      %mul3A_687 = arith.constant 128 : i32
      %mul3A_688 = vector.broadcast %mul3A_687 : i32 to vector<16xi32>
      %mul3A_689 = arith.muli %get3A_684, %mul3A_688 : vector<16xi32>
      %add3A_690 = arith.addi %mul3A_689, %get3A_682 : vector<16xi32>
      %mul3A_691 = arith.mulf %gather3A_685, %gather3A_686 : vector<16xf32>
      tpu.vector_store_idx %arg9[%add3A_690], %mul3A_691 masked %lt3A_680 {add = true} : memref<16384xf32, #tpu.memory_space<vmem>>[vector<16xi32>], vector<16xf32>, vector<16xi1>
      %iota3A_692 = tpu.iota {dimensions = array<i32: 0>} : vector<16xi32>
      %add3A_693 = arith.constant 128 : i32
      %add3A_694 = vector.broadcast %add3A_693 : i32 to vector<16xi32>
      %add3A_695 = arith.addi %iota3A_692, %add3A_694 : vector<16xi32>
      %lt3A_696 = arith.constant 372 : i32
      %lt3A_697 = vector.broadcast %lt3A_696 : i32 to vector<16xi32>
      %lt3A_698 = arith.cmpi slt, %add3A_695, %lt3A_697 : vector<16xi32>
      %get3A_699 = arith.constant 128 : index
      %get3A_700 = tpu.vector_load %arg5[%get3A_699] {strides = array<i32>} : memref<384xi32, #tpu.memory_space<vmem>>, vector<16xi32>,
      %get3A_701 = arith.constant 128 : index
      %get3A_702 = tpu.vector_load %arg6[%get3A_701] {strides = array<i32>} : memref<384xi32, #tpu.memory_space<vmem>>, vector<16xi32>,
      %gather3A_703 = tpu.vector_load_idx %arg8[%get3A_700] masked %lt3A_698 : memref<128xf32, #tpu.memory_space<vmem>>[vector<16xi32>], vector<16xf32>, vector<16xi1>
      %gather3A_704 = tpu.vector_load_idx %arg8[%get3A_702] masked %lt3A_698 : memref<128xf32, #tpu.memory_space<vmem>>[vector<16xi32>], vector<16xf32>, vector<16xi1>
      %mul3A_705 = arith.constant 128 : i32
      %mul3A_706 = vector.broadcast %mul3A_705 : i32 to vector<16xi32>
      %mul3A_707 = arith.muli %get3A_702, %mul3A_706 : vector<16xi32>
      %add3A_708 = arith.addi %mul3A_707, %get3A_700 : vector<16xi32>
      %mul3A_709 = arith.mulf %gather3A_703, %gather3A_704 : vector<16xf32>
      tpu.vector_store_idx %arg9[%add3A_708], %mul3A_709 masked %lt3A_698 {add = true} : memref<16384xf32, #tpu.memory_space<vmem>>[vector<16xi32>], vector<16xf32>, vector<16xi1>
      %iota3A_710 = tpu.iota {dimensions = array<i32: 0>} : vector<16xi32>
      %add3A_711 = arith.constant 144 : i32
      %add3A_712 = vector.broadcast %add3A_711 : i32 to vector<16xi32>
      %add3A_713 = arith.addi %iota3A_710, %add3A_712 : vector<16xi32>
      %lt3A_714 = arith.constant 372 : i32
      %lt3A_715 = vector.broadcast %lt3A_714 : i32 to vector<16xi32>
      %lt3A_716 = arith.cmpi slt, %add3A_713, %lt3A_715 : vector<16xi32>
      %get3A_717 = arith.constant 144 : index
      %get3A_718 = tpu.vector_load %arg5[%get3A_717] {strides = array<i32>} : memref<384xi32, #tpu.memory_space<vmem>>, vector<16xi32>,
      %get3A_719 = arith.constant 144 : index
      %get3A_720 = tpu.vector_load %arg6[%get3A_719] {strides = array<i32>} : memref<384xi32, #tpu.memory_space<vmem>>, vector<16xi32>,
      %gather3A_721 = tpu.vector_load_idx %arg8[%get3A_718] masked %lt3A_716 : memref<128xf32, #tpu.memory_space<vmem>>[vector<16xi32>], vector<16xf32>, vector<16xi1>
      %gather3A_722 = tpu.vector_load_idx %arg8[%get3A_720] masked %lt3A_716 : memref<128xf32, #tpu.memory_space<vmem>>[vector<16xi32>], vector<16xf32>, vector<16xi1>
      %mul3A_723 = arith.constant 128 : i32
      %mul3A_724 = vector.broadcast %mul3A_723 : i32 to vector<16xi32>
      %mul3A_725 = arith.muli %get3A_720, %mul3A_724 : vector<16xi32>
      %add3A_726 = arith.addi %mul3A_725, %get3A_718 : vector<16xi32>
      %mul3A_727 = arith.mulf %gather3A_721, %gather3A_722 : vector<16xf32>
      tpu.vector_store_idx %arg9[%add3A_726], %mul3A_727 masked %lt3A_716 {add = true} : memref<16384xf32, #tpu.memory_space<vmem>>[vector<16xi32>], vector<16xf32>, vector<16xi1>
      %iota3A_728 = tpu.iota {dimensions = array<i32: 0>} : vector<16xi32>
      %add3A_729 = arith.constant 160 : i32
      %add3A_730 = vector.broadcast %add3A_729 : i32 to vector<16xi32>
      %add3A_731 = arith.addi %iota3A_728, %add3A_730 : vector<16xi32>
      %lt3A_732 = arith.constant 372 : i32
      %lt3A_733 = vector.broadcast %lt3A_732 : i32 to vector<16xi32>
      %lt3A_734 = arith.cmpi slt, %add3A_731, %lt3A_733 : vector<16xi32>
      %get3A_735 = arith.constant 160 : index
      %get3A_736 = tpu.vector_load %arg5[%get3A_735] {strides = array<i32>} : memref<384xi32, #tpu.memory_space<vmem>>, vector<16xi32>,
      %get3A_737 = arith.constant 160 : index
      %get3A_738 = tpu.vector_load %arg6[%get3A_737] {strides = array<i32>} : memref<384xi32, #tpu.memory_space<vmem>>, vector<16xi32>,
      %gather3A_739 = tpu.vector_load_idx %arg8[%get3A_736] masked %lt3A_734 : memref<128xf32, #tpu.memory_space<vmem>>[vector<16xi32>], vector<16xf32>, vector<16xi1>
      %gather3A_740 = tpu.vector_load_idx %arg8[%get3A_738] masked %lt3A_734 : memref<128xf32, #tpu.memory_space<vmem>>[vector<16xi32>], vector<16xf32>, vector<16xi1>
      %mul3A_741 = arith.constant 128 : i32
      %mul3A_742 = vector.broadcast %mul3A_741 : i32 to vector<16xi32>
      %mul3A_743 = arith.muli %get3A_738, %mul3A_742 : vector<16xi32>
      %add3A_744 = arith.addi %mul3A_743, %get3A_736 : vector<16xi32>
      %mul3A_745 = arith.mulf %gather3A_739, %gather3A_740 : vector<16xf32>
      tpu.vector_store_idx %arg9[%add3A_744], %mul3A_745 masked %lt3A_734 {add = true} : memref<16384xf32, #tpu.memory_space<vmem>>[vector<16xi32>], vector<16xf32>, vector<16xi1>
      %iota3A_746 = tpu.iota {dimensions = array<i32: 0>} : vector<16xi32>
      %add3A_747 = arith.constant 176 : i32
      %add3A_748 = vector.broadcast %add3A_747 : i32 to vector<16xi32>
      %add3A_749 = arith.addi %iota3A_746, %add3A_748 : vector<16xi32>
      %lt3A_750 = arith.constant 372 : i32
      %lt3A_751 = vector.broadcast %lt3A_750 : i32 to vector<16xi32>
      %lt3A_752 = arith.cmpi slt, %add3A_749, %lt3A_751 : vector<16xi32>
      %get3A_753 = arith.constant 176 : index
      %get3A_754 = tpu.vector_load %arg5[%get3A_753] {strides = array<i32>} : memref<384xi32, #tpu.memory_space<vmem>>, vector<16xi32>,
      %get3A_755 = arith.constant 176 : index
      %get3A_756 = tpu.vector_load %arg6[%get3A_755] {strides = array<i32>} : memref<384xi32, #tpu.memory_space<vmem>>, vector<16xi32>,
      %gather3A_757 = tpu.vector_load_idx %arg8[%get3A_754] masked %lt3A_752 : memref<128xf32, #tpu.memory_space<vmem>>[vector<16xi32>], vector<16xf32>, vector<16xi1>
      %gather3A_758 = tpu.vector_load_idx %arg8[%get3A_756] masked %lt3A_752 : memref<128xf32, #tpu.memory_space<vmem>>[vector<16xi32>], vector<16xf32>, vector<16xi1>
      %mul3A_759 = arith.constant 128 : i32
      %mul3A_760 = vector.broadcast %mul3A_759 : i32 to vector<16xi32>
      %mul3A_761 = arith.muli %get3A_756, %mul3A_760 : vector<16xi32>
      %add3A_762 = arith.addi %mul3A_761, %get3A_754 : vector<16xi32>
      %mul3A_763 = arith.mulf %gather3A_757, %gather3A_758 : vector<16xf32>
      tpu.vector_store_idx %arg9[%add3A_762], %mul3A_763 masked %lt3A_752 {add = true} : memref<16384xf32, #tpu.memory_space<vmem>>[vector<16xi32>], vector<16xf32>, vector<16xi1>
      %iota3A_764 = tpu.iota {dimensions = array<i32: 0>} : vector<16xi32>
      %add3A_765 = arith.constant 192 : i32
      %add3A_766 = vector.broadcast %add3A_765 : i32 to vector<16xi32>
      %add3A_767 = arith.addi %iota3A_764, %add3A_766 : vector<16xi32>
      %lt3A_768 = arith.constant 372 : i32
      %lt3A_769 = vector.broadcast %lt3A_768 : i32 to vector<16xi32>
      %lt3A_770 = arith.cmpi slt, %add3A_767, %lt3A_769 : vector<16xi32>
      %get3A_771 = arith.constant 192 : index
      %get3A_772 = tpu.vector_load %arg5[%get3A_771] {strides = array<i32>} : memref<384xi32, #tpu.memory_space<vmem>>, vector<16xi32>,
      %get3A_773 = arith.constant 192 : index
      %get3A_774 = tpu.vector_load %arg6[%get3A_773] {strides = array<i32>} : memref<384xi32, #tpu.memory_space<vmem>>, vector<16xi32>,
      %gather3A_775 = tpu.vector_load_idx %arg8[%get3A_772] masked %lt3A_770 : memref<128xf32, #tpu.memory_space<vmem>>[vector<16xi32>], vector<16xf32>, vector<16xi1>
      %gather3A_776 = tpu.vector_load_idx %arg8[%get3A_774] masked %lt3A_770 : memref<128xf32, #tpu.memory_space<vmem>>[vector<16xi32>], vector<16xf32>, vector<16xi1>
      %mul3A_777 = arith.constant 128 : i32
      %mul3A_778 = vector.broadcast %mul3A_777 : i32 to vector<16xi32>
      %mul3A_779 = arith.muli %get3A_774, %mul3A_778 : vector<16xi32>
      %add3A_780 = arith.addi %mul3A_779, %get3A_772 : vector<16xi32>
      %mul3A_781 = arith.mulf %gather3A_775, %gather3A_776 : vector<16xf32>
      tpu.vector_store_idx %arg9[%add3A_780], %mul3A_781 masked %lt3A_770 {add = true} : memref<16384xf32, #tpu.memory_space<vmem>>[vector<16xi32>], vector<16xf32>, vector<16xi1>
      %iota3A_782 = tpu.iota {dimensions = array<i32: 0>} : vector<16xi32>
      %add3A_783 = arith.constant 208 : i32
      %add3A_784 = vector.broadcast %add3A_783 : i32 to vector<16xi32>
      %add3A_785 = arith.addi %iota3A_782, %add3A_784 : vector<16xi32>
      %lt3A_786 = arith.constant 372 : i32
      %lt3A_787 = vector.broadcast %lt3A_786 : i32 to vector<16xi32>
      %lt3A_788 = arith.cmpi slt, %add3A_785, %lt3A_787 : vector<16xi32>
      %get3A_789 = arith.constant 208 : index
      %get3A_790 = tpu.vector_load %arg5[%get3A_789] {strides = array<i32>} : memref<384xi32, #tpu.memory_space<vmem>>, vector<16xi32>,
      %get3A_791 = arith.constant 208 : index
      %get3A_792 = tpu.vector_load %arg6[%get3A_791] {strides = array<i32>} : memref<384xi32, #tpu.memory_space<vmem>>, vector<16xi32>,
      %gather3A_793 = tpu.vector_load_idx %arg8[%get3A_790] masked %lt3A_788 : memref<128xf32, #tpu.memory_space<vmem>>[vector<16xi32>], vector<16xf32>, vector<16xi1>
      %gather3A_794 = tpu.vector_load_idx %arg8[%get3A_792] masked %lt3A_788 : memref<128xf32, #tpu.memory_space<vmem>>[vector<16xi32>], vector<16xf32>, vector<16xi1>
      %mul3A_795 = arith.constant 128 : i32
      %mul3A_796 = vector.broadcast %mul3A_795 : i32 to vector<16xi32>
      %mul3A_797 = arith.muli %get3A_792, %mul3A_796 : vector<16xi32>
      %add3A_798 = arith.addi %mul3A_797, %get3A_790 : vector<16xi32>
      %mul3A_799 = arith.mulf %gather3A_793, %gather3A_794 : vector<16xf32>
      tpu.vector_store_idx %arg9[%add3A_798], %mul3A_799 masked %lt3A_788 {add = true} : memref<16384xf32, #tpu.memory_space<vmem>>[vector<16xi32>], vector<16xf32>, vector<16xi1>
      %iota3A_800 = tpu.iota {dimensions = array<i32: 0>} : vector<16xi32>
      %add3A_801 = arith.constant 224 : i32
      %add3A_802 = vector.broadcast %add3A_801 : i32 to vector<16xi32>
      %add3A_803 = arith.addi %iota3A_800, %add3A_802 : vector<16xi32>
      %lt3A_804 = arith.constant 372 : i32
      %lt3A_805 = vector.broadcast %lt3A_804 : i32 to vector<16xi32>
      %lt3A_806 = arith.cmpi slt, %add3A_803, %lt3A_805 : vector<16xi32>
      %get3A_807 = arith.constant 224 : index
      %get3A_808 = tpu.vector_load %arg5[%get3A_807] {strides = array<i32>} : memref<384xi32, #tpu.memory_space<vmem>>, vector<16xi32>,
      %get3A_809 = arith.constant 224 : index
      %get3A_810 = tpu.vector_load %arg6[%get3A_809] {strides = array<i32>} : memref<384xi32, #tpu.memory_space<vmem>>, vector<16xi32>,
      %gather3A_811 = tpu.vector_load_idx %arg8[%get3A_808] masked %lt3A_806 : memref<128xf32, #tpu.memory_space<vmem>>[vector<16xi32>], vector<16xf32>, vector<16xi1>
      %gather3A_812 = tpu.vector_load_idx %arg8[%get3A_810] masked %lt3A_806 : memref<128xf32, #tpu.memory_space<vmem>>[vector<16xi32>], vector<16xf32>, vector<16xi1>
      %mul3A_813 = arith.constant 128 : i32
      %mul3A_814 = vector.broadcast %mul3A_813 : i32 to vector<16xi32>
      %mul3A_815 = arith.muli %get3A_810, %mul3A_814 : vector<16xi32>
      %add3A_816 = arith.addi %mul3A_815, %get3A_808 : vector<16xi32>
      %mul3A_817 = arith.mulf %gather3A_811, %gather3A_812 : vector<16xf32>
      tpu.vector_store_idx %arg9[%add3A_816], %mul3A_817 masked %lt3A_806 {add = true} : memref<16384xf32, #tpu.memory_space<vmem>>[vector<16xi32>], vector<16xf32>, vector<16xi1>
      %iota3A_818 = tpu.iota {dimensions = array<i32: 0>} : vector<16xi32>
      %add3A_819 = arith.constant 240 : i32
      %add3A_820 = vector.broadcast %add3A_819 : i32 to vector<16xi32>
      %add3A_821 = arith.addi %iota3A_818, %add3A_820 : vector<16xi32>
      %lt3A_822 = arith.constant 372 : i32
      %lt3A_823 = vector.broadcast %lt3A_822 : i32 to vector<16xi32>
      %lt3A_824 = arith.cmpi slt, %add3A_821, %lt3A_823 : vector<16xi32>
      %get3A_825 = arith.constant 240 : index
      %get3A_826 = tpu.vector_load %arg5[%get3A_825] {strides = array<i32>} : memref<384xi32, #tpu.memory_space<vmem>>, vector<16xi32>,
      %get3A_827 = arith.constant 240 : index
      %get3A_828 = tpu.vector_load %arg6[%get3A_827] {strides = array<i32>} : memref<384xi32, #tpu.memory_space<vmem>>, vector<16xi32>,
      %gather3A_829 = tpu.vector_load_idx %arg8[%get3A_826] masked %lt3A_824 : memref<128xf32, #tpu.memory_space<vmem>>[vector<16xi32>], vector<16xf32>, vector<16xi1>
      %gather3A_830 = tpu.vector_load_idx %arg8[%get3A_828] masked %lt3A_824 : memref<128xf32, #tpu.memory_space<vmem>>[vector<16xi32>], vector<16xf32>, vector<16xi1>
      %mul3A_831 = arith.constant 128 : i32
      %mul3A_832 = vector.broadcast %mul3A_831 : i32 to vector<16xi32>
      %mul3A_833 = arith.muli %get3A_828, %mul3A_832 : vector<16xi32>
      %add3A_834 = arith.addi %mul3A_833, %get3A_826 : vector<16xi32>
      %mul3A_835 = arith.mulf %gather3A_829, %gather3A_830 : vector<16xf32>
      tpu.vector_store_idx %arg9[%add3A_834], %mul3A_835 masked %lt3A_824 {add = true} : memref<16384xf32, #tpu.memory_space<vmem>>[vector<16xi32>], vector<16xf32>, vector<16xi1>
      %iota3A_836 = tpu.iota {dimensions = array<i32: 0>} : vector<16xi32>
      %add3A_837 = arith.constant 256 : i32
      %add3A_838 = vector.broadcast %add3A_837 : i32 to vector<16xi32>
      %add3A_839 = arith.addi %iota3A_836, %add3A_838 : vector<16xi32>
      %lt3A_840 = arith.constant 372 : i32
      %lt3A_841 = vector.broadcast %lt3A_840 : i32 to vector<16xi32>
      %lt3A_842 = arith.cmpi slt, %add3A_839, %lt3A_841 : vector<16xi32>
      %get3A_843 = arith.constant 256 : index
      %get3A_844 = tpu.vector_load %arg5[%get3A_843] {strides = array<i32>} : memref<384xi32, #tpu.memory_space<vmem>>, vector<16xi32>,
      %get3A_845 = arith.constant 256 : index
      %get3A_846 = tpu.vector_load %arg6[%get3A_845] {strides = array<i32>} : memref<384xi32, #tpu.memory_space<vmem>>, vector<16xi32>,
      %gather3A_847 = tpu.vector_load_idx %arg8[%get3A_844] masked %lt3A_842 : memref<128xf32, #tpu.memory_space<vmem>>[vector<16xi32>], vector<16xf32>, vector<16xi1>
      %gather3A_848 = tpu.vector_load_idx %arg8[%get3A_846] masked %lt3A_842 : memref<128xf32, #tpu.memory_space<vmem>>[vector<16xi32>], vector<16xf32>, vector<16xi1>
      %mul3A_849 = arith.constant 128 : i32
      %mul3A_850 = vector.broadcast %mul3A_849 : i32 to vector<16xi32>
      %mul3A_851 = arith.muli %get3A_846, %mul3A_850 : vector<16xi32>
      %add3A_852 = arith.addi %mul3A_851, %get3A_844 : vector<16xi32>
      %mul3A_853 = arith.mulf %gather3A_847, %gather3A_848 : vector<16xf32>
      tpu.vector_store_idx %arg9[%add3A_852], %mul3A_853 masked %lt3A_842 {add = true} : memref<16384xf32, #tpu.memory_space<vmem>>[vector<16xi32>], vector<16xf32>, vector<16xi1>
      %iota3A_854 = tpu.iota {dimensions = array<i32: 0>} : vector<16xi32>
      %add3A_855 = arith.constant 272 : i32
      %add3A_856 = vector.broadcast %add3A_855 : i32 to vector<16xi32>
      %add3A_857 = arith.addi %iota3A_854, %add3A_856 : vector<16xi32>
      %lt3A_858 = arith.constant 372 : i32
      %lt3A_859 = vector.broadcast %lt3A_858 : i32 to vector<16xi32>
      %lt3A_860 = arith.cmpi slt, %add3A_857, %lt3A_859 : vector<16xi32>
      %get3A_861 = arith.constant 272 : index
      %get3A_862 = tpu.vector_load %arg5[%get3A_861] {strides = array<i32>} : memref<384xi32, #tpu.memory_space<vmem>>, vector<16xi32>,
      %get3A_863 = arith.constant 272 : index
      %get3A_864 = tpu.vector_load %arg6[%get3A_863] {strides = array<i32>} : memref<384xi32, #tpu.memory_space<vmem>>, vector<16xi32>,
      %gather3A_865 = tpu.vector_load_idx %arg8[%get3A_862] masked %lt3A_860 : memref<128xf32, #tpu.memory_space<vmem>>[vector<16xi32>], vector<16xf32>, vector<16xi1>
      %gather3A_866 = tpu.vector_load_idx %arg8[%get3A_864] masked %lt3A_860 : memref<128xf32, #tpu.memory_space<vmem>>[vector<16xi32>], vector<16xf32>, vector<16xi1>
      %mul3A_867 = arith.constant 128 : i32
      %mul3A_868 = vector.broadcast %mul3A_867 : i32 to vector<16xi32>
      %mul3A_869 = arith.muli %get3A_864, %mul3A_868 : vector<16xi32>
      %add3A_870 = arith.addi %mul3A_869, %get3A_862 : vector<16xi32>
      %mul3A_871 = arith.mulf %gather3A_865, %gather3A_866 : vector<16xf32>
      tpu.vector_store_idx %arg9[%add3A_870], %mul3A_871 masked %lt3A_860 {add = true} : memref<16384xf32, #tpu.memory_space<vmem>>[vector<16xi32>], vector<16xf32>, vector<16xi1>
      %iota3A_872 = tpu.iota {dimensions = array<i32: 0>} : vector<16xi32>
      %add3A_873 = arith.constant 288 : i32
      %add3A_874 = vector.broadcast %add3A_873 : i32 to vector<16xi32>
      %add3A_875 = arith.addi %iota3A_872, %add3A_874 : vector<16xi32>
      %lt3A_876 = arith.constant 372 : i32
      %lt3A_877 = vector.broadcast %lt3A_876 : i32 to vector<16xi32>
      %lt3A_878 = arith.cmpi slt, %add3A_875, %lt3A_877 : vector<16xi32>
      %get3A_879 = arith.constant 288 : index
      %get3A_880 = tpu.vector_load %arg5[%get3A_879] {strides = array<i32>} : memref<384xi32, #tpu.memory_space<vmem>>, vector<16xi32>,
      %get3A_881 = arith.constant 288 : index
      %get3A_882 = tpu.vector_load %arg6[%get3A_881] {strides = array<i32>} : memref<384xi32, #tpu.memory_space<vmem>>, vector<16xi32>,
      %gather3A_883 = tpu.vector_load_idx %arg8[%get3A_880] masked %lt3A_878 : memref<128xf32, #tpu.memory_space<vmem>>[vector<16xi32>], vector<16xf32>, vector<16xi1>
      %gather3A_884 = tpu.vector_load_idx %arg8[%get3A_882] masked %lt3A_878 : memref<128xf32, #tpu.memory_space<vmem>>[vector<16xi32>], vector<16xf32>, vector<16xi1>
      %mul3A_885 = arith.constant 128 : i32
      %mul3A_886 = vector.broadcast %mul3A_885 : i32 to vector<16xi32>
      %mul3A_887 = arith.muli %get3A_882, %mul3A_886 : vector<16xi32>
      %add3A_888 = arith.addi %mul3A_887, %get3A_880 : vector<16xi32>
      %mul3A_889 = arith.mulf %gather3A_883, %gather3A_884 : vector<16xf32>
      tpu.vector_store_idx %arg9[%add3A_888], %mul3A_889 masked %lt3A_878 {add = true} : memref<16384xf32, #tpu.memory_space<vmem>>[vector<16xi32>], vector<16xf32>, vector<16xi1>
      %iota3A_890 = tpu.iota {dimensions = array<i32: 0>} : vector<16xi32>
      %add3A_891 = arith.constant 304 : i32
      %add3A_892 = vector.broadcast %add3A_891 : i32 to vector<16xi32>
      %add3A_893 = arith.addi %iota3A_890, %add3A_892 : vector<16xi32>
      %lt3A_894 = arith.constant 372 : i32
      %lt3A_895 = vector.broadcast %lt3A_894 : i32 to vector<16xi32>
      %lt3A_896 = arith.cmpi slt, %add3A_893, %lt3A_895 : vector<16xi32>
      %get3A_897 = arith.constant 304 : index
      %get3A_898 = tpu.vector_load %arg5[%get3A_897] {strides = array<i32>} : memref<384xi32, #tpu.memory_space<vmem>>, vector<16xi32>,
      %get3A_899 = arith.constant 304 : index
      %get3A_900 = tpu.vector_load %arg6[%get3A_899] {strides = array<i32>} : memref<384xi32, #tpu.memory_space<vmem>>, vector<16xi32>,
      %gather3A_901 = tpu.vector_load_idx %arg8[%get3A_898] masked %lt3A_896 : memref<128xf32, #tpu.memory_space<vmem>>[vector<16xi32>], vector<16xf32>, vector<16xi1>
      %gather3A_902 = tpu.vector_load_idx %arg8[%get3A_900] masked %lt3A_896 : memref<128xf32, #tpu.memory_space<vmem>>[vector<16xi32>], vector<16xf32>, vector<16xi1>
      %mul3A_903 = arith.constant 128 : i32
      %mul3A_904 = vector.broadcast %mul3A_903 : i32 to vector<16xi32>
      %mul3A_905 = arith.muli %get3A_900, %mul3A_904 : vector<16xi32>
      %add3A_906 = arith.addi %mul3A_905, %get3A_898 : vector<16xi32>
      %mul3A_907 = arith.mulf %gather3A_901, %gather3A_902 : vector<16xf32>
      tpu.vector_store_idx %arg9[%add3A_906], %mul3A_907 masked %lt3A_896 {add = true} : memref<16384xf32, #tpu.memory_space<vmem>>[vector<16xi32>], vector<16xf32>, vector<16xi1>
      %iota3A_908 = tpu.iota {dimensions = array<i32: 0>} : vector<16xi32>
      %add3A_909 = arith.constant 320 : i32
      %add3A_910 = vector.broadcast %add3A_909 : i32 to vector<16xi32>
      %add3A_911 = arith.addi %iota3A_908, %add3A_910 : vector<16xi32>
      %lt3A_912 = arith.constant 372 : i32
      %lt3A_913 = vector.broadcast %lt3A_912 : i32 to vector<16xi32>
      %lt3A_914 = arith.cmpi slt, %add3A_911, %lt3A_913 : vector<16xi32>
      %get3A_915 = arith.constant 320 : index
      %get3A_916 = tpu.vector_load %arg5[%get3A_915] {strides = array<i32>} : memref<384xi32, #tpu.memory_space<vmem>>, vector<16xi32>,
      %get3A_917 = arith.constant 320 : index
      %get3A_918 = tpu.vector_load %arg6[%get3A_917] {strides = array<i32>} : memref<384xi32, #tpu.memory_space<vmem>>, vector<16xi32>,
      %gather3A_919 = tpu.vector_load_idx %arg8[%get3A_916] masked %lt3A_914 : memref<128xf32, #tpu.memory_space<vmem>>[vector<16xi32>], vector<16xf32>, vector<16xi1>
      %gather3A_920 = tpu.vector_load_idx %arg8[%get3A_918] masked %lt3A_914 : memref<128xf32, #tpu.memory_space<vmem>>[vector<16xi32>], vector<16xf32>, vector<16xi1>
      %mul3A_921 = arith.constant 128 : i32
      %mul3A_922 = vector.broadcast %mul3A_921 : i32 to vector<16xi32>
      %mul3A_923 = arith.muli %get3A_918, %mul3A_922 : vector<16xi32>
      %add3A_924 = arith.addi %mul3A_923, %get3A_916 : vector<16xi32>
      %mul3A_925 = arith.mulf %gather3A_919, %gather3A_920 : vector<16xf32>
      tpu.vector_store_idx %arg9[%add3A_924], %mul3A_925 masked %lt3A_914 {add = true} : memref<16384xf32, #tpu.memory_space<vmem>>[vector<16xi32>], vector<16xf32>, vector<16xi1>
      %iota3A_926 = tpu.iota {dimensions = array<i32: 0>} : vector<16xi32>
      %add3A_927 = arith.constant 336 : i32
      %add3A_928 = vector.broadcast %add3A_927 : i32 to vector<16xi32>
      %add3A_929 = arith.addi %iota3A_926, %add3A_928 : vector<16xi32>
      %lt3A_930 = arith.constant 372 : i32
      %lt3A_931 = vector.broadcast %lt3A_930 : i32 to vector<16xi32>
      %lt3A_932 = arith.cmpi slt, %add3A_929, %lt3A_931 : vector<16xi32>
      %get3A_933 = arith.constant 336 : index
      %get3A_934 = tpu.vector_load %arg5[%get3A_933] {strides = array<i32>} : memref<384xi32, #tpu.memory_space<vmem>>, vector<16xi32>,
      %get3A_935 = arith.constant 336 : index
      %get3A_936 = tpu.vector_load %arg6[%get3A_935] {strides = array<i32>} : memref<384xi32, #tpu.memory_space<vmem>>, vector<16xi32>,
      %gather3A_937 = tpu.vector_load_idx %arg8[%get3A_934] masked %lt3A_932 : memref<128xf32, #tpu.memory_space<vmem>>[vector<16xi32>], vector<16xf32>, vector<16xi1>
      %gather3A_938 = tpu.vector_load_idx %arg8[%get3A_936] masked %lt3A_932 : memref<128xf32, #tpu.memory_space<vmem>>[vector<16xi32>], vector<16xf32>, vector<16xi1>
      %mul3A_939 = arith.constant 128 : i32
      %mul3A_940 = vector.broadcast %mul3A_939 : i32 to vector<16xi32>
      %mul3A_941 = arith.muli %get3A_936, %mul3A_940 : vector<16xi32>
      %add3A_942 = arith.addi %mul3A_941, %get3A_934 : vector<16xi32>
      %mul3A_943 = arith.mulf %gather3A_937, %gather3A_938 : vector<16xf32>
      tpu.vector_store_idx %arg9[%add3A_942], %mul3A_943 masked %lt3A_932 {add = true} : memref<16384xf32, #tpu.memory_space<vmem>>[vector<16xi32>], vector<16xf32>, vector<16xi1>
      %iota3A_944 = tpu.iota {dimensions = array<i32: 0>} : vector<16xi32>
      %add3A_945 = arith.constant 352 : i32
      %add3A_946 = vector.broadcast %add3A_945 : i32 to vector<16xi32>
      %add3A_947 = arith.addi %iota3A_944, %add3A_946 : vector<16xi32>
      %lt3A_948 = arith.constant 372 : i32
      %lt3A_949 = vector.broadcast %lt3A_948 : i32 to vector<16xi32>
      %lt3A_950 = arith.cmpi slt, %add3A_947, %lt3A_949 : vector<16xi32>
      %get3A_951 = arith.constant 352 : index
      %get3A_952 = tpu.vector_load %arg5[%get3A_951] {strides = array<i32>} : memref<384xi32, #tpu.memory_space<vmem>>, vector<16xi32>,
      %get3A_953 = arith.constant 352 : index
      %get3A_954 = tpu.vector_load %arg6[%get3A_953] {strides = array<i32>} : memref<384xi32, #tpu.memory_space<vmem>>, vector<16xi32>,
      %gather3A_955 = tpu.vector_load_idx %arg8[%get3A_952] masked %lt3A_950 : memref<128xf32, #tpu.memory_space<vmem>>[vector<16xi32>], vector<16xf32>, vector<16xi1>
      %gather3A_956 = tpu.vector_load_idx %arg8[%get3A_954] masked %lt3A_950 : memref<128xf32, #tpu.memory_space<vmem>>[vector<16xi32>], vector<16xf32>, vector<16xi1>
      %mul3A_957 = arith.constant 128 : i32
      %mul3A_958 = vector.broadcast %mul3A_957 : i32 to vector<16xi32>
      %mul3A_959 = arith.muli %get3A_954, %mul3A_958 : vector<16xi32>
      %add3A_960 = arith.addi %mul3A_959, %get3A_952 : vector<16xi32>
      %mul3A_961 = arith.mulf %gather3A_955, %gather3A_956 : vector<16xf32>
      tpu.vector_store_idx %arg9[%add3A_960], %mul3A_961 masked %lt3A_950 {add = true} : memref<16384xf32, #tpu.memory_space<vmem>>[vector<16xi32>], vector<16xf32>, vector<16xi1>
      %iota3A_962 = tpu.iota {dimensions = array<i32: 0>} : vector<16xi32>
      %add3A_963 = arith.constant 368 : i32
      %add3A_964 = vector.broadcast %add3A_963 : i32 to vector<16xi32>
      %add3A_965 = arith.addi %iota3A_962, %add3A_964 : vector<16xi32>
      %lt3A_966 = arith.constant 372 : i32
      %lt3A_967 = vector.broadcast %lt3A_966 : i32 to vector<16xi32>
      %lt3A_968 = arith.cmpi slt, %add3A_965, %lt3A_967 : vector<16xi32>
      %get3A_969 = arith.constant 368 : index
      %get3A_970 = tpu.vector_load %arg5[%get3A_969] {strides = array<i32>} : memref<384xi32, #tpu.memory_space<vmem>>, vector<16xi32>,
      %get3A_971 = arith.constant 368 : index
      %get3A_972 = tpu.vector_load %arg6[%get3A_971] {strides = array<i32>} : memref<384xi32, #tpu.memory_space<vmem>>, vector<16xi32>,
      %gather3A_973 = tpu.vector_load_idx %arg8[%get3A_970] masked %lt3A_968 : memref<128xf32, #tpu.memory_space<vmem>>[vector<16xi32>], vector<16xf32>, vector<16xi1>
      %gather3A_974 = tpu.vector_load_idx %arg8[%get3A_972] masked %lt3A_968 : memref<128xf32, #tpu.memory_space<vmem>>[vector<16xi32>], vector<16xf32>, vector<16xi1>
      %mul3A_975 = arith.constant 128 : i32
      %mul3A_976 = vector.broadcast %mul3A_975 : i32 to vector<16xi32>
      %mul3A_977 = arith.muli %get3A_972, %mul3A_976 : vector<16xi32>
      %add3A_978 = arith.addi %mul3A_977, %get3A_970 : vector<16xi32>
      %mul3A_979 = arith.mulf %gather3A_973, %gather3A_974 : vector<16xf32>
      tpu.vector_store_idx %arg9[%add3A_978], %mul3A_979 masked %lt3A_968 {add = true} : memref<16384xf32, #tpu.memory_space<vmem>>[vector<16xi32>], vector<16xf32>, vector<16xi1>
      %iota3A_980 = tpu.iota {dimensions = array<i32: 0>} : vector<16xi32>
      %add3A_981 = arith.constant 0 : i32
      %add3A_982 = vector.broadcast %add3A_981 : i32 to vector<16xi32>
      %add3A_983 = arith.addi %iota3A_980, %add3A_982 : vector<16xi32>
      %get3A_984 = arith.constant 0 : index
      %get3A_985 = tpu.vector_load %arg8[%get3A_984] {strides = array<i32>} : memref<128xf32, #tpu.memory_space<vmem>>, vector<16xf32>,
      %mul3A_986 = arith.constant 129 : i32
      %mul3A_987 = vector.broadcast %mul3A_986 : i32 to vector<16xi32>
      %mul3A_988 = arith.muli %add3A_983, %mul3A_987 : vector<16xi32>
      %mul3A_989 = arith.mulf %get3A_985, %get3A_985 : vector<16xf32>
      %lt3A_990 = arith.constant 118 : i32
      %lt3A_991 = vector.broadcast %lt3A_990 : i32 to vector<16xi32>
      %lt3A_992 = arith.cmpi slt, %add3A_983, %lt3A_991 : vector<16xi32>
      tpu.vector_store_idx %arg9[%mul3A_988], %mul3A_989 masked %lt3A_992 {add = true} : memref<16384xf32, #tpu.memory_space<vmem>>[vector<16xi32>], vector<16xf32>, vector<16xi1>
      %iota3A_993 = tpu.iota {dimensions = array<i32: 0>} : vector<16xi32>
      %add3A_994 = arith.constant 16 : i32
      %add3A_995 = vector.broadcast %add3A_994 : i32 to vector<16xi32>
      %add3A_996 = arith.addi %iota3A_993, %add3A_995 : vector<16xi32>
      %get3A_997 = arith.constant 16 : index
      %get3A_998 = tpu.vector_load %arg8[%get3A_997] {strides = array<i32>} : memref<128xf32, #tpu.memory_space<vmem>>, vector<16xf32>,
      %mul3A_999 = arith.constant 129 : i32
      %mul3A_1000 = vector.broadcast %mul3A_999 : i32 to vector<16xi32>
      %mul3A_1001 = arith.muli %add3A_996, %mul3A_1000 : vector<16xi32>
      %mul3A_1002 = arith.mulf %get3A_998, %get3A_998 : vector<16xf32>
      %lt3A_1003 = arith.constant 118 : i32
      %lt3A_1004 = vector.broadcast %lt3A_1003 : i32 to vector<16xi32>
      %lt3A_1005 = arith.cmpi slt, %add3A_996, %lt3A_1004 : vector<16xi32>
      tpu.vector_store_idx %arg9[%mul3A_1001], %mul3A_1002 masked %lt3A_1005 {add = true} : memref<16384xf32, #tpu.memory_space<vmem>>[vector<16xi32>], vector<16xf32>, vector<16xi1>
      %iota3A_1006 = tpu.iota {dimensions = array<i32: 0>} : vector<16xi32>
      %add3A_1007 = arith.constant 32 : i32
      %add3A_1008 = vector.broadcast %add3A_1007 : i32 to vector<16xi32>
      %add3A_1009 = arith.addi %iota3A_1006, %add3A_1008 : vector<16xi32>
      %get3A_1010 = arith.constant 32 : index
      %get3A_1011 = tpu.vector_load %arg8[%get3A_1010] {strides = array<i32>} : memref<128xf32, #tpu.memory_space<vmem>>, vector<16xf32>,
      %mul3A_1012 = arith.constant 129 : i32
      %mul3A_1013 = vector.broadcast %mul3A_1012 : i32 to vector<16xi32>
      %mul3A_1014 = arith.muli %add3A_1009, %mul3A_1013 : vector<16xi32>
      %mul3A_1015 = arith.mulf %get3A_1011, %get3A_1011 : vector<16xf32>
      %lt3A_1016 = arith.constant 118 : i32
      %lt3A_1017 = vector.broadcast %lt3A_1016 : i32 to vector<16xi32>
      %lt3A_1018 = arith.cmpi slt, %add3A_1009, %lt3A_1017 : vector<16xi32>
      tpu.vector_store_idx %arg9[%mul3A_1014], %mul3A_1015 masked %lt3A_1018 {add = true} : memref<16384xf32, #tpu.memory_space<vmem>>[vector<16xi32>], vector<16xf32>, vector<16xi1>
      %iota3A_1019 = tpu.iota {dimensions = array<i32: 0>} : vector<16xi32>
      %add3A_1020 = arith.constant 48 : i32
      %add3A_1021 = vector.broadcast %add3A_1020 : i32 to vector<16xi32>
      %add3A_1022 = arith.addi %iota3A_1019, %add3A_1021 : vector<16xi32>
      %get3A_1023 = arith.constant 48 : index
      %get3A_1024 = tpu.vector_load %arg8[%get3A_1023] {strides = array<i32>} : memref<128xf32, #tpu.memory_space<vmem>>, vector<16xf32>,
      %mul3A_1025 = arith.constant 129 : i32
      %mul3A_1026 = vector.broadcast %mul3A_1025 : i32 to vector<16xi32>
      %mul3A_1027 = arith.muli %add3A_1022, %mul3A_1026 : vector<16xi32>
      %mul3A_1028 = arith.mulf %get3A_1024, %get3A_1024 : vector<16xf32>
      %lt3A_1029 = arith.constant 118 : i32
      %lt3A_1030 = vector.broadcast %lt3A_1029 : i32 to vector<16xi32>
      %lt3A_1031 = arith.cmpi slt, %add3A_1022, %lt3A_1030 : vector<16xi32>
      tpu.vector_store_idx %arg9[%mul3A_1027], %mul3A_1028 masked %lt3A_1031 {add = true} : memref<16384xf32, #tpu.memory_space<vmem>>[vector<16xi32>], vector<16xf32>, vector<16xi1>
      %iota3A_1032 = tpu.iota {dimensions = array<i32: 0>} : vector<16xi32>
      %add3A_1033 = arith.constant 64 : i32
      %add3A_1034 = vector.broadcast %add3A_1033 : i32 to vector<16xi32>
      %add3A_1035 = arith.addi %iota3A_1032, %add3A_1034 : vector<16xi32>
      %get3A_1036 = arith.constant 64 : index
      %get3A_1037 = tpu.vector_load %arg8[%get3A_1036] {strides = array<i32>} : memref<128xf32, #tpu.memory_space<vmem>>, vector<16xf32>,
      %mul3A_1038 = arith.constant 129 : i32
      %mul3A_1039 = vector.broadcast %mul3A_1038 : i32 to vector<16xi32>
      %mul3A_1040 = arith.muli %add3A_1035, %mul3A_1039 : vector<16xi32>
      %mul3A_1041 = arith.mulf %get3A_1037, %get3A_1037 : vector<16xf32>
      %lt3A_1042 = arith.constant 118 : i32
      %lt3A_1043 = vector.broadcast %lt3A_1042 : i32 to vector<16xi32>
      %lt3A_1044 = arith.cmpi slt, %add3A_1035, %lt3A_1043 : vector<16xi32>
      tpu.vector_store_idx %arg9[%mul3A_1040], %mul3A_1041 masked %lt3A_1044 {add = true} : memref<16384xf32, #tpu.memory_space<vmem>>[vector<16xi32>], vector<16xf32>, vector<16xi1>
      %iota3A_1045 = tpu.iota {dimensions = array<i32: 0>} : vector<16xi32>
      %add3A_1046 = arith.constant 80 : i32
      %add3A_1047 = vector.broadcast %add3A_1046 : i32 to vector<16xi32>
      %add3A_1048 = arith.addi %iota3A_1045, %add3A_1047 : vector<16xi32>
      %get3A_1049 = arith.constant 80 : index
      %get3A_1050 = tpu.vector_load %arg8[%get3A_1049] {strides = array<i32>} : memref<128xf32, #tpu.memory_space<vmem>>, vector<16xf32>,
      %mul3A_1051 = arith.constant 129 : i32
      %mul3A_1052 = vector.broadcast %mul3A_1051 : i32 to vector<16xi32>
      %mul3A_1053 = arith.muli %add3A_1048, %mul3A_1052 : vector<16xi32>
      %mul3A_1054 = arith.mulf %get3A_1050, %get3A_1050 : vector<16xf32>
      %lt3A_1055 = arith.constant 118 : i32
      %lt3A_1056 = vector.broadcast %lt3A_1055 : i32 to vector<16xi32>
      %lt3A_1057 = arith.cmpi slt, %add3A_1048, %lt3A_1056 : vector<16xi32>
      tpu.vector_store_idx %arg9[%mul3A_1053], %mul3A_1054 masked %lt3A_1057 {add = true} : memref<16384xf32, #tpu.memory_space<vmem>>[vector<16xi32>], vector<16xf32>, vector<16xi1>
      %iota3A_1058 = tpu.iota {dimensions = array<i32: 0>} : vector<16xi32>
      %add3A_1059 = arith.constant 96 : i32
      %add3A_1060 = vector.broadcast %add3A_1059 : i32 to vector<16xi32>
      %add3A_1061 = arith.addi %iota3A_1058, %add3A_1060 : vector<16xi32>
      %get3A_1062 = arith.constant 96 : index
      %get3A_1063 = tpu.vector_load %arg8[%get3A_1062] {strides = array<i32>} : memref<128xf32, #tpu.memory_space<vmem>>, vector<16xf32>,
      %mul3A_1064 = arith.constant 129 : i32
      %mul3A_1065 = vector.broadcast %mul3A_1064 : i32 to vector<16xi32>
      %mul3A_1066 = arith.muli %add3A_1061, %mul3A_1065 : vector<16xi32>
      %mul3A_1067 = arith.mulf %get3A_1063, %get3A_1063 : vector<16xf32>
      %lt3A_1068 = arith.constant 118 : i32
      %lt3A_1069 = vector.broadcast %lt3A_1068 : i32 to vector<16xi32>
      %lt3A_1070 = arith.cmpi slt, %add3A_1061, %lt3A_1069 : vector<16xi32>
      tpu.vector_store_idx %arg9[%mul3A_1066], %mul3A_1067 masked %lt3A_1070 {add = true} : memref<16384xf32, #tpu.memory_space<vmem>>[vector<16xi32>], vector<16xf32>, vector<16xi1>
      %iota3A_1071 = tpu.iota {dimensions = array<i32: 0>} : vector<16xi32>
      %add3A_1072 = arith.constant 112 : i32
      %add3A_1073 = vector.broadcast %add3A_1072 : i32 to vector<16xi32>
      %add3A_1074 = arith.addi %iota3A_1071, %add3A_1073 : vector<16xi32>
      %get3A_1075 = arith.constant 112 : index
      %get3A_1076 = tpu.vector_load %arg8[%get3A_1075] {strides = array<i32>} : memref<128xf32, #tpu.memory_space<vmem>>, vector<16xf32>,
      %mul3A_1077 = arith.constant 129 : i32
      %mul3A_1078 = vector.broadcast %mul3A_1077 : i32 to vector<16xi32>
      %mul3A_1079 = arith.muli %add3A_1074, %mul3A_1078 : vector<16xi32>
      %mul3A_1080 = arith.mulf %get3A_1076, %get3A_1076 : vector<16xf32>
      %lt3A_1081 = arith.constant 118 : i32
      %lt3A_1082 = vector.broadcast %lt3A_1081 : i32 to vector<16xi32>
      %lt3A_1083 = arith.cmpi slt, %add3A_1074, %lt3A_1082 : vector<16xi32>
      tpu.vector_store_idx %arg9[%mul3A_1079], %mul3A_1080 masked %lt3A_1083 {add = true} : memref<16384xf32, #tpu.memory_space<vmem>>[vector<16xi32>], vector<16xf32>, vector<16xi1>
      "tpu.region"() ({
        %run_scoped3A = tpu.sem_alloc : memref<!tpu.dma_semaphore, #tpu.memory_space<semaphore_mem>>
        tpu.enqueue_dma source(%arg9 : memref<16384xf32, #tpu.memory_space<vmem>>) target(%arg4 : memref<16384xf32, #tpu.memory_space<hbm>>) target_semaphore(%run_scoped3A : memref<!tpu.dma_semaphore, #tpu.memory_space<semaphore_mem>>)
        tpu.wait_dma2 semaphore(%run_scoped3A : memref<!tpu.dma_semaphore, #tpu.memory_space<semaphore_mem>>) src(%arg9 : memref<16384xf32, #tpu.memory_space<vmem>>) dst(%arg4 : memref<16384xf32, #tpu.memory_space<hbm>>)
        tpu.yield
      }) : () -> ()
    } else {
    }
    return
  }
}

module attributes {stable_mosaic.version = 14 : i64} {
  func.func @_gcn_body(%arg0: i32, %arg1: memref<128x128x118xf32, #tpu.memory_space<vmem>>, %arg2: memref<128x128xf32, #tpu.memory_space<vmem>>, %arg3: memref<128x64xf32, #tpu.memory_space<vmem>>, %arg4: memref<64x1xf32, #tpu.memory_space<vmem>>, %arg5: memref<64x24xf32, #tpu.memory_space<vmem>>, %arg6: memref<54x118xf32, #tpu.memory_space<vmem>>, %arg7: memref<54x24xf32, #tpu.memory_space<vmem>>, %arg8: memref<128x54x24xf32, #tpu.memory_space<vmem>>, %arg9: memref<118x118xf32, #tpu.memory_space<vmem>>, %arg10: memref<54x118xf32, #tpu.memory_space<vmem>>) attributes {dimension_semantics = [#tpu.dimension_semantics<arbitrary>], iteration_bounds = array<i64: 32>, scalar_prefetch = 0 : i64, scratch_operands = 2 : i64, tpu.core_type = #tpu.core_type<tc>, window_params = [{transform_indices = @transform_0, window_bounds = array<i64: 128, 128, 118>}, {pipeline_mode = #tpu.pipeline_mode<synchronous>, transform_indices = @transform_1, window_bounds = array<i64: 128, 128>}, {pipeline_mode = #tpu.pipeline_mode<synchronous>, transform_indices = @transform_2, window_bounds = array<i64: 128, 64>}, {pipeline_mode = #tpu.pipeline_mode<synchronous>, transform_indices = @transform_3, window_bounds = array<i64: 64, 1>}, {pipeline_mode = #tpu.pipeline_mode<synchronous>, transform_indices = @transform_4, window_bounds = array<i64: 64, 24>}, {pipeline_mode = #tpu.pipeline_mode<synchronous>, transform_indices = @transform_5, window_bounds = array<i64: 54, 118>}, {pipeline_mode = #tpu.pipeline_mode<synchronous>, transform_indices = @transform_6, window_bounds = array<i64: 54, 24>}, {transform_indices = @transform_7, window_bounds = array<i64: 128, 54, 24>}]} {
    %eq3A = arith.constant 0 : i32
    %eq3A_0 = arith.cmpi eq, %arg0, %eq3A : i32
    %convert_element_type3A = arith.extui %eq3A_0 : i1 to i32
    %cond3A = arith.constant 0 : i32
    %cond3A_1 = arith.cmpi ne, %convert_element_type3A, %cond3A : i32
    scf.if %cond3A_1 {
      %get3A_3215 = arith.constant 0 : index
      %get3A_3216 = arith.constant 0 : index
      %get3A_3217 = vector.load %arg2[%get3A_3215, %get3A_3216] : memref<128x128xf32, #tpu.memory_space<vmem>>, vector<128x128xf32>
      %slice3A = vector.extract_strided_slice %get3A_3217 {offsets = [0, 0], sizes = [118, 118], strides = [1, 1]} : vector<128x128xf32> to vector<118x118xf32>
      %swap3A_3218 = arith.constant 0 : index
      %swap3A_3219 = arith.constant 0 : index
      %swap3A_3220 = vector.load %arg9[%swap3A_3218, %swap3A_3219] : memref<118x118xf32, #tpu.memory_space<vmem>>, vector<118x118xf32>
      tpu.vector_store %arg9[%swap3A_3218, %swap3A_3219], %slice3A {strides = array<i32>} : memref<118x118xf32, #tpu.memory_space<vmem>>, vector<118x118xf32>,
      %get3A_3221 = arith.constant 0 : index
      %get3A_3222 = arith.constant 0 : index
      %get3A_3223 = vector.load %arg6[%get3A_3221, %get3A_3222] : memref<54x118xf32, #tpu.memory_space<vmem>>, vector<54x118xf32>
      %dot_general3A_3224 = arith.constant dense<0.000000e+00> : vector<54x118xf32>
      %dot_general3A_3225 = tpu.matmul %get3A_3223, %slice3A, %dot_general3A_3224 {dimension_numbers = #tpu.dot_dimension_numbers<[1], [0], [0], [1], [0, 0, 1, 1], [], []>, transpose_lhs_hint = false} : vector<54x118xf32>, vector<118x118xf32>, vector<54x118xf32> -> vector<54x118xf32>
      %swap3A_3226 = arith.constant 0 : index
      %swap3A_3227 = arith.constant 0 : index
      %swap3A_3228 = vector.load %arg10[%swap3A_3226, %swap3A_3227] : memref<54x118xf32, #tpu.memory_space<vmem>>, vector<54x118xf32>
      tpu.vector_store %arg10[%swap3A_3226, %swap3A_3227], %dot_general3A_3225 {strides = array<i32>} : memref<54x118xf32, #tpu.memory_space<vmem>>, vector<54x118xf32>,
    } else {
    }
    %get3A = arith.constant 0 : index
    %get3A_2 = arith.constant 0 : index
    %get3A_3 = vector.load %arg9[%get3A, %get3A_2] : memref<118x118xf32, #tpu.memory_space<vmem>>, vector<118x118xf32>
    %get3A_4 = arith.constant 0 : index
    %get3A_5 = arith.constant 0 : index
    %get3A_6 = vector.load %arg10[%get3A_4, %get3A_5] : memref<54x118xf32, #tpu.memory_space<vmem>>, vector<54x118xf32>
    %get3A_7 = arith.constant 0 : index
    %get3A_8 = arith.constant 0 : index
    %get3A_9 = vector.load %arg3[%get3A_7, %get3A_8] : memref<128x64xf32, #tpu.memory_space<vmem>>, vector<128x64xf32>
    %get3A_10 = arith.constant 0 : index
    %get3A_11 = arith.constant 0 : index
    %get3A_12 = vector.load %arg5[%get3A_10, %get3A_11] : memref<64x24xf32, #tpu.memory_space<vmem>>, vector<64x24xf32>
    %get3A_13 = arith.constant 0 : index
    %get3A_14 = arith.constant 0 : index
    %get3A_15 = vector.load %arg4[%get3A_13, %get3A_14] : memref<64x1xf32, #tpu.memory_space<vmem>>, vector<64x1xf32>
    %get3A_16 = arith.constant 0 : index
    %get3A_17 = arith.constant 0 : index
    %get3A_18 = vector.load %arg7[%get3A_16, %get3A_17] : memref<54x24xf32, #tpu.memory_space<vmem>>, vector<54x24xf32>
    %get3A_19 = arith.constant 0 : index
    %get3A_20 = arith.constant 0 : index
    %get3A_21 = arith.constant 0 : index
    %get3A_22 = vector.load %arg1[%get3A_19, %get3A_20, %get3A_21] : memref<128x128x118xf32, #tpu.memory_space<vmem>>, vector<1x128x118xf32>
    %get3A_23 = vector.shape_cast %get3A_22 : vector<1x128x118xf32> to vector<128x118xf32>
    %dot_general3A = arith.constant dense<0.000000e+00> : vector<64x118xf32>
    %dot_general3A_24 = tpu.matmul %get3A_9, %get3A_23, %dot_general3A {dimension_numbers = #tpu.dot_dimension_numbers<[0], [0], [1], [1], [0, 1, 1, 1], [], []>, transpose_lhs_hint = false} : vector<128x64xf32>, vector<128x118xf32>, vector<64x118xf32> -> vector<64x118xf32>
    %get3A_25 = arith.constant 1 : index
    %get3A_26 = arith.constant 0 : index
    %get3A_27 = arith.constant 0 : index
    %get3A_28 = vector.load %arg1[%get3A_25, %get3A_26, %get3A_27] : memref<128x128x118xf32, #tpu.memory_space<vmem>>, vector<1x128x118xf32>
    %get3A_29 = vector.shape_cast %get3A_28 : vector<1x128x118xf32> to vector<128x118xf32>
    %dot_general3A_30 = arith.constant dense<0.000000e+00> : vector<64x118xf32>
    %dot_general3A_31 = tpu.matmul %get3A_9, %get3A_29, %dot_general3A_30 {dimension_numbers = #tpu.dot_dimension_numbers<[0], [0], [1], [1], [0, 1, 1, 1], [], []>, transpose_lhs_hint = false} : vector<128x64xf32>, vector<128x118xf32>, vector<64x118xf32> -> vector<64x118xf32>
    %get3A_32 = arith.constant 2 : index
    %get3A_33 = arith.constant 0 : index
    %get3A_34 = arith.constant 0 : index
    %get3A_35 = vector.load %arg1[%get3A_32, %get3A_33, %get3A_34] : memref<128x128x118xf32, #tpu.memory_space<vmem>>, vector<1x128x118xf32>
    %get3A_36 = vector.shape_cast %get3A_35 : vector<1x128x118xf32> to vector<128x118xf32>
    %dot_general3A_37 = arith.constant dense<0.000000e+00> : vector<64x118xf32>
    %dot_general3A_38 = tpu.matmul %get3A_9, %get3A_36, %dot_general3A_37 {dimension_numbers = #tpu.dot_dimension_numbers<[0], [0], [1], [1], [0, 1, 1, 1], [], []>, transpose_lhs_hint = false} : vector<128x64xf32>, vector<128x118xf32>, vector<64x118xf32> -> vector<64x118xf32>
    %get3A_39 = arith.constant 3 : index
    %get3A_40 = arith.constant 0 : index
    %get3A_41 = arith.constant 0 : index
    %get3A_42 = vector.load %arg1[%get3A_39, %get3A_40, %get3A_41] : memref<128x128x118xf32, #tpu.memory_space<vmem>>, vector<1x128x118xf32>
    %get3A_43 = vector.shape_cast %get3A_42 : vector<1x128x118xf32> to vector<128x118xf32>
    %dot_general3A_44 = arith.constant dense<0.000000e+00> : vector<64x118xf32>
    %dot_general3A_45 = tpu.matmul %get3A_9, %get3A_43, %dot_general3A_44 {dimension_numbers = #tpu.dot_dimension_numbers<[0], [0], [1], [1], [0, 1, 1, 1], [], []>, transpose_lhs_hint = false} : vector<128x64xf32>, vector<128x118xf32>, vector<64x118xf32> -> vector<64x118xf32>
    %get3A_46 = arith.constant 4 : index
    %get3A_47 = arith.constant 0 : index
    %get3A_48 = arith.constant 0 : index
    %get3A_49 = vector.load %arg1[%get3A_46, %get3A_47, %get3A_48] : memref<128x128x118xf32, #tpu.memory_space<vmem>>, vector<1x128x118xf32>
    %get3A_50 = vector.shape_cast %get3A_49 : vector<1x128x118xf32> to vector<128x118xf32>
    %dot_general3A_51 = arith.constant dense<0.000000e+00> : vector<64x118xf32>
    %dot_general3A_52 = tpu.matmul %get3A_9, %get3A_50, %dot_general3A_51 {dimension_numbers = #tpu.dot_dimension_numbers<[0], [0], [1], [1], [0, 1, 1, 1], [], []>, transpose_lhs_hint = false} : vector<128x64xf32>, vector<128x118xf32>, vector<64x118xf32> -> vector<64x118xf32>
    %get3A_53 = arith.constant 5 : index
    %get3A_54 = arith.constant 0 : index
    %get3A_55 = arith.constant 0 : index
    %get3A_56 = vector.load %arg1[%get3A_53, %get3A_54, %get3A_55] : memref<128x128x118xf32, #tpu.memory_space<vmem>>, vector<1x128x118xf32>
    %get3A_57 = vector.shape_cast %get3A_56 : vector<1x128x118xf32> to vector<128x118xf32>
    %dot_general3A_58 = arith.constant dense<0.000000e+00> : vector<64x118xf32>
    %dot_general3A_59 = tpu.matmul %get3A_9, %get3A_57, %dot_general3A_58 {dimension_numbers = #tpu.dot_dimension_numbers<[0], [0], [1], [1], [0, 1, 1, 1], [], []>, transpose_lhs_hint = false} : vector<128x64xf32>, vector<128x118xf32>, vector<64x118xf32> -> vector<64x118xf32>
    %get3A_60 = arith.constant 6 : index
    %get3A_61 = arith.constant 0 : index
    %get3A_62 = arith.constant 0 : index
    %get3A_63 = vector.load %arg1[%get3A_60, %get3A_61, %get3A_62] : memref<128x128x118xf32, #tpu.memory_space<vmem>>, vector<1x128x118xf32>
    %get3A_64 = vector.shape_cast %get3A_63 : vector<1x128x118xf32> to vector<128x118xf32>
    %dot_general3A_65 = arith.constant dense<0.000000e+00> : vector<64x118xf32>
    %dot_general3A_66 = tpu.matmul %get3A_9, %get3A_64, %dot_general3A_65 {dimension_numbers = #tpu.dot_dimension_numbers<[0], [0], [1], [1], [0, 1, 1, 1], [], []>, transpose_lhs_hint = false} : vector<128x64xf32>, vector<128x118xf32>, vector<64x118xf32> -> vector<64x118xf32>
    %get3A_67 = arith.constant 7 : index
    %get3A_68 = arith.constant 0 : index
    %get3A_69 = arith.constant 0 : index
    %get3A_70 = vector.load %arg1[%get3A_67, %get3A_68, %get3A_69] : memref<128x128x118xf32, #tpu.memory_space<vmem>>, vector<1x128x118xf32>
    %get3A_71 = vector.shape_cast %get3A_70 : vector<1x128x118xf32> to vector<128x118xf32>
    %dot_general3A_72 = arith.constant dense<0.000000e+00> : vector<64x118xf32>
    %dot_general3A_73 = tpu.matmul %get3A_9, %get3A_71, %dot_general3A_72 {dimension_numbers = #tpu.dot_dimension_numbers<[0], [0], [1], [1], [0, 1, 1, 1], [], []>, transpose_lhs_hint = false} : vector<128x64xf32>, vector<128x118xf32>, vector<64x118xf32> -> vector<64x118xf32>
    %get3A_74 = arith.constant 8 : index
    %get3A_75 = arith.constant 0 : index
    %get3A_76 = arith.constant 0 : index
    %get3A_77 = vector.load %arg1[%get3A_74, %get3A_75, %get3A_76] : memref<128x128x118xf32, #tpu.memory_space<vmem>>, vector<1x128x118xf32>
    %get3A_78 = vector.shape_cast %get3A_77 : vector<1x128x118xf32> to vector<128x118xf32>
    %dot_general3A_79 = arith.constant dense<0.000000e+00> : vector<64x118xf32>
    %dot_general3A_80 = tpu.matmul %get3A_9, %get3A_78, %dot_general3A_79 {dimension_numbers = #tpu.dot_dimension_numbers<[0], [0], [1], [1], [0, 1, 1, 1], [], []>, transpose_lhs_hint = false} : vector<128x64xf32>, vector<128x118xf32>, vector<64x118xf32> -> vector<64x118xf32>
    %get3A_81 = arith.constant 9 : index
    %get3A_82 = arith.constant 0 : index
    %get3A_83 = arith.constant 0 : index
    %get3A_84 = vector.load %arg1[%get3A_81, %get3A_82, %get3A_83] : memref<128x128x118xf32, #tpu.memory_space<vmem>>, vector<1x128x118xf32>
    %get3A_85 = vector.shape_cast %get3A_84 : vector<1x128x118xf32> to vector<128x118xf32>
    %dot_general3A_86 = arith.constant dense<0.000000e+00> : vector<64x118xf32>
    %dot_general3A_87 = tpu.matmul %get3A_9, %get3A_85, %dot_general3A_86 {dimension_numbers = #tpu.dot_dimension_numbers<[0], [0], [1], [1], [0, 1, 1, 1], [], []>, transpose_lhs_hint = false} : vector<128x64xf32>, vector<128x118xf32>, vector<64x118xf32> -> vector<64x118xf32>
    %get3A_88 = arith.constant 10 : index
    %get3A_89 = arith.constant 0 : index
    %get3A_90 = arith.constant 0 : index
    %get3A_91 = vector.load %arg1[%get3A_88, %get3A_89, %get3A_90] : memref<128x128x118xf32, #tpu.memory_space<vmem>>, vector<1x128x118xf32>
    %get3A_92 = vector.shape_cast %get3A_91 : vector<1x128x118xf32> to vector<128x118xf32>
    %dot_general3A_93 = arith.constant dense<0.000000e+00> : vector<64x118xf32>
    %dot_general3A_94 = tpu.matmul %get3A_9, %get3A_92, %dot_general3A_93 {dimension_numbers = #tpu.dot_dimension_numbers<[0], [0], [1], [1], [0, 1, 1, 1], [], []>, transpose_lhs_hint = false} : vector<128x64xf32>, vector<128x118xf32>, vector<64x118xf32> -> vector<64x118xf32>
    %get3A_95 = arith.constant 11 : index
    %get3A_96 = arith.constant 0 : index
    %get3A_97 = arith.constant 0 : index
    %get3A_98 = vector.load %arg1[%get3A_95, %get3A_96, %get3A_97] : memref<128x128x118xf32, #tpu.memory_space<vmem>>, vector<1x128x118xf32>
    %get3A_99 = vector.shape_cast %get3A_98 : vector<1x128x118xf32> to vector<128x118xf32>
    %dot_general3A_100 = arith.constant dense<0.000000e+00> : vector<64x118xf32>
    %dot_general3A_101 = tpu.matmul %get3A_9, %get3A_99, %dot_general3A_100 {dimension_numbers = #tpu.dot_dimension_numbers<[0], [0], [1], [1], [0, 1, 1, 1], [], []>, transpose_lhs_hint = false} : vector<128x64xf32>, vector<128x118xf32>, vector<64x118xf32> -> vector<64x118xf32>
    %get3A_102 = arith.constant 12 : index
    %get3A_103 = arith.constant 0 : index
    %get3A_104 = arith.constant 0 : index
    %get3A_105 = vector.load %arg1[%get3A_102, %get3A_103, %get3A_104] : memref<128x128x118xf32, #tpu.memory_space<vmem>>, vector<1x128x118xf32>
    %get3A_106 = vector.shape_cast %get3A_105 : vector<1x128x118xf32> to vector<128x118xf32>
    %dot_general3A_107 = arith.constant dense<0.000000e+00> : vector<64x118xf32>
    %dot_general3A_108 = tpu.matmul %get3A_9, %get3A_106, %dot_general3A_107 {dimension_numbers = #tpu.dot_dimension_numbers<[0], [0], [1], [1], [0, 1, 1, 1], [], []>, transpose_lhs_hint = false} : vector<128x64xf32>, vector<128x118xf32>, vector<64x118xf32> -> vector<64x118xf32>
    %get3A_109 = arith.constant 13 : index
    %get3A_110 = arith.constant 0 : index
    %get3A_111 = arith.constant 0 : index
    %get3A_112 = vector.load %arg1[%get3A_109, %get3A_110, %get3A_111] : memref<128x128x118xf32, #tpu.memory_space<vmem>>, vector<1x128x118xf32>
    %get3A_113 = vector.shape_cast %get3A_112 : vector<1x128x118xf32> to vector<128x118xf32>
    %dot_general3A_114 = arith.constant dense<0.000000e+00> : vector<64x118xf32>
    %dot_general3A_115 = tpu.matmul %get3A_9, %get3A_113, %dot_general3A_114 {dimension_numbers = #tpu.dot_dimension_numbers<[0], [0], [1], [1], [0, 1, 1, 1], [], []>, transpose_lhs_hint = false} : vector<128x64xf32>, vector<128x118xf32>, vector<64x118xf32> -> vector<64x118xf32>
    %get3A_116 = arith.constant 14 : index
    %get3A_117 = arith.constant 0 : index
    %get3A_118 = arith.constant 0 : index
    %get3A_119 = vector.load %arg1[%get3A_116, %get3A_117, %get3A_118] : memref<128x128x118xf32, #tpu.memory_space<vmem>>, vector<1x128x118xf32>
    %get3A_120 = vector.shape_cast %get3A_119 : vector<1x128x118xf32> to vector<128x118xf32>
    %dot_general3A_121 = arith.constant dense<0.000000e+00> : vector<64x118xf32>
    %dot_general3A_122 = tpu.matmul %get3A_9, %get3A_120, %dot_general3A_121 {dimension_numbers = #tpu.dot_dimension_numbers<[0], [0], [1], [1], [0, 1, 1, 1], [], []>, transpose_lhs_hint = false} : vector<128x64xf32>, vector<128x118xf32>, vector<64x118xf32> -> vector<64x118xf32>
    %get3A_123 = arith.constant 15 : index
    %get3A_124 = arith.constant 0 : index
    %get3A_125 = arith.constant 0 : index
    %get3A_126 = vector.load %arg1[%get3A_123, %get3A_124, %get3A_125] : memref<128x128x118xf32, #tpu.memory_space<vmem>>, vector<1x128x118xf32>
    %get3A_127 = vector.shape_cast %get3A_126 : vector<1x128x118xf32> to vector<128x118xf32>
    %dot_general3A_128 = arith.constant dense<0.000000e+00> : vector<64x118xf32>
    %dot_general3A_129 = tpu.matmul %get3A_9, %get3A_127, %dot_general3A_128 {dimension_numbers = #tpu.dot_dimension_numbers<[0], [0], [1], [1], [0, 1, 1, 1], [], []>, transpose_lhs_hint = false} : vector<128x64xf32>, vector<128x118xf32>, vector<64x118xf32> -> vector<64x118xf32>
    %get3A_130 = arith.constant 16 : index
    %get3A_131 = arith.constant 0 : index
    %get3A_132 = arith.constant 0 : index
    %get3A_133 = vector.load %arg1[%get3A_130, %get3A_131, %get3A_132] : memref<128x128x118xf32, #tpu.memory_space<vmem>>, vector<1x128x118xf32>
    %get3A_134 = vector.shape_cast %get3A_133 : vector<1x128x118xf32> to vector<128x118xf32>
    %dot_general3A_135 = arith.constant dense<0.000000e+00> : vector<64x118xf32>
    %dot_general3A_136 = tpu.matmul %get3A_9, %get3A_134, %dot_general3A_135 {dimension_numbers = #tpu.dot_dimension_numbers<[0], [0], [1], [1], [0, 1, 1, 1], [], []>, transpose_lhs_hint = false} : vector<128x64xf32>, vector<128x118xf32>, vector<64x118xf32> -> vector<64x118xf32>
    %get3A_137 = arith.constant 17 : index
    %get3A_138 = arith.constant 0 : index
    %get3A_139 = arith.constant 0 : index
    %get3A_140 = vector.load %arg1[%get3A_137, %get3A_138, %get3A_139] : memref<128x128x118xf32, #tpu.memory_space<vmem>>, vector<1x128x118xf32>
    %get3A_141 = vector.shape_cast %get3A_140 : vector<1x128x118xf32> to vector<128x118xf32>
    %dot_general3A_142 = arith.constant dense<0.000000e+00> : vector<64x118xf32>
    %dot_general3A_143 = tpu.matmul %get3A_9, %get3A_141, %dot_general3A_142 {dimension_numbers = #tpu.dot_dimension_numbers<[0], [0], [1], [1], [0, 1, 1, 1], [], []>, transpose_lhs_hint = false} : vector<128x64xf32>, vector<128x118xf32>, vector<64x118xf32> -> vector<64x118xf32>
    %get3A_144 = arith.constant 18 : index
    %get3A_145 = arith.constant 0 : index
    %get3A_146 = arith.constant 0 : index
    %get3A_147 = vector.load %arg1[%get3A_144, %get3A_145, %get3A_146] : memref<128x128x118xf32, #tpu.memory_space<vmem>>, vector<1x128x118xf32>
    %get3A_148 = vector.shape_cast %get3A_147 : vector<1x128x118xf32> to vector<128x118xf32>
    %dot_general3A_149 = arith.constant dense<0.000000e+00> : vector<64x118xf32>
    %dot_general3A_150 = tpu.matmul %get3A_9, %get3A_148, %dot_general3A_149 {dimension_numbers = #tpu.dot_dimension_numbers<[0], [0], [1], [1], [0, 1, 1, 1], [], []>, transpose_lhs_hint = false} : vector<128x64xf32>, vector<128x118xf32>, vector<64x118xf32> -> vector<64x118xf32>
    %get3A_151 = arith.constant 19 : index
    %get3A_152 = arith.constant 0 : index
    %get3A_153 = arith.constant 0 : index
    %get3A_154 = vector.load %arg1[%get3A_151, %get3A_152, %get3A_153] : memref<128x128x118xf32, #tpu.memory_space<vmem>>, vector<1x128x118xf32>
    %get3A_155 = vector.shape_cast %get3A_154 : vector<1x128x118xf32> to vector<128x118xf32>
    %dot_general3A_156 = arith.constant dense<0.000000e+00> : vector<64x118xf32>
    %dot_general3A_157 = tpu.matmul %get3A_9, %get3A_155, %dot_general3A_156 {dimension_numbers = #tpu.dot_dimension_numbers<[0], [0], [1], [1], [0, 1, 1, 1], [], []>, transpose_lhs_hint = false} : vector<128x64xf32>, vector<128x118xf32>, vector<64x118xf32> -> vector<64x118xf32>
    %get3A_158 = arith.constant 20 : index
    %get3A_159 = arith.constant 0 : index
    %get3A_160 = arith.constant 0 : index
    %get3A_161 = vector.load %arg1[%get3A_158, %get3A_159, %get3A_160] : memref<128x128x118xf32, #tpu.memory_space<vmem>>, vector<1x128x118xf32>
    %get3A_162 = vector.shape_cast %get3A_161 : vector<1x128x118xf32> to vector<128x118xf32>
    %dot_general3A_163 = arith.constant dense<0.000000e+00> : vector<64x118xf32>
    %dot_general3A_164 = tpu.matmul %get3A_9, %get3A_162, %dot_general3A_163 {dimension_numbers = #tpu.dot_dimension_numbers<[0], [0], [1], [1], [0, 1, 1, 1], [], []>, transpose_lhs_hint = false} : vector<128x64xf32>, vector<128x118xf32>, vector<64x118xf32> -> vector<64x118xf32>
    %get3A_165 = arith.constant 21 : index
    %get3A_166 = arith.constant 0 : index
    %get3A_167 = arith.constant 0 : index
    %get3A_168 = vector.load %arg1[%get3A_165, %get3A_166, %get3A_167] : memref<128x128x118xf32, #tpu.memory_space<vmem>>, vector<1x128x118xf32>
    %get3A_169 = vector.shape_cast %get3A_168 : vector<1x128x118xf32> to vector<128x118xf32>
    %dot_general3A_170 = arith.constant dense<0.000000e+00> : vector<64x118xf32>
    %dot_general3A_171 = tpu.matmul %get3A_9, %get3A_169, %dot_general3A_170 {dimension_numbers = #tpu.dot_dimension_numbers<[0], [0], [1], [1], [0, 1, 1, 1], [], []>, transpose_lhs_hint = false} : vector<128x64xf32>, vector<128x118xf32>, vector<64x118xf32> -> vector<64x118xf32>
    %get3A_172 = arith.constant 22 : index
    %get3A_173 = arith.constant 0 : index
    %get3A_174 = arith.constant 0 : index
    %get3A_175 = vector.load %arg1[%get3A_172, %get3A_173, %get3A_174] : memref<128x128x118xf32, #tpu.memory_space<vmem>>, vector<1x128x118xf32>
    %get3A_176 = vector.shape_cast %get3A_175 : vector<1x128x118xf32> to vector<128x118xf32>
    %dot_general3A_177 = arith.constant dense<0.000000e+00> : vector<64x118xf32>
    %dot_general3A_178 = tpu.matmul %get3A_9, %get3A_176, %dot_general3A_177 {dimension_numbers = #tpu.dot_dimension_numbers<[0], [0], [1], [1], [0, 1, 1, 1], [], []>, transpose_lhs_hint = false} : vector<128x64xf32>, vector<128x118xf32>, vector<64x118xf32> -> vector<64x118xf32>
    %get3A_179 = arith.constant 23 : index
    %get3A_180 = arith.constant 0 : index
    %get3A_181 = arith.constant 0 : index
    %get3A_182 = vector.load %arg1[%get3A_179, %get3A_180, %get3A_181] : memref<128x128x118xf32, #tpu.memory_space<vmem>>, vector<1x128x118xf32>
    %get3A_183 = vector.shape_cast %get3A_182 : vector<1x128x118xf32> to vector<128x118xf32>
    %dot_general3A_184 = arith.constant dense<0.000000e+00> : vector<64x118xf32>
    %dot_general3A_185 = tpu.matmul %get3A_9, %get3A_183, %dot_general3A_184 {dimension_numbers = #tpu.dot_dimension_numbers<[0], [0], [1], [1], [0, 1, 1, 1], [], []>, transpose_lhs_hint = false} : vector<128x64xf32>, vector<128x118xf32>, vector<64x118xf32> -> vector<64x118xf32>
    %get3A_186 = arith.constant 24 : index
    %get3A_187 = arith.constant 0 : index
    %get3A_188 = arith.constant 0 : index
    %get3A_189 = vector.load %arg1[%get3A_186, %get3A_187, %get3A_188] : memref<128x128x118xf32, #tpu.memory_space<vmem>>, vector<1x128x118xf32>
    %get3A_190 = vector.shape_cast %get3A_189 : vector<1x128x118xf32> to vector<128x118xf32>
    %dot_general3A_191 = arith.constant dense<0.000000e+00> : vector<64x118xf32>
    %dot_general3A_192 = tpu.matmul %get3A_9, %get3A_190, %dot_general3A_191 {dimension_numbers = #tpu.dot_dimension_numbers<[0], [0], [1], [1], [0, 1, 1, 1], [], []>, transpose_lhs_hint = false} : vector<128x64xf32>, vector<128x118xf32>, vector<64x118xf32> -> vector<64x118xf32>
    %get3A_193 = arith.constant 25 : index
    %get3A_194 = arith.constant 0 : index
    %get3A_195 = arith.constant 0 : index
    %get3A_196 = vector.load %arg1[%get3A_193, %get3A_194, %get3A_195] : memref<128x128x118xf32, #tpu.memory_space<vmem>>, vector<1x128x118xf32>
    %get3A_197 = vector.shape_cast %get3A_196 : vector<1x128x118xf32> to vector<128x118xf32>
    %dot_general3A_198 = arith.constant dense<0.000000e+00> : vector<64x118xf32>
    %dot_general3A_199 = tpu.matmul %get3A_9, %get3A_197, %dot_general3A_198 {dimension_numbers = #tpu.dot_dimension_numbers<[0], [0], [1], [1], [0, 1, 1, 1], [], []>, transpose_lhs_hint = false} : vector<128x64xf32>, vector<128x118xf32>, vector<64x118xf32> -> vector<64x118xf32>
    %get3A_200 = arith.constant 26 : index
    %get3A_201 = arith.constant 0 : index
    %get3A_202 = arith.constant 0 : index
    %get3A_203 = vector.load %arg1[%get3A_200, %get3A_201, %get3A_202] : memref<128x128x118xf32, #tpu.memory_space<vmem>>, vector<1x128x118xf32>
    %get3A_204 = vector.shape_cast %get3A_203 : vector<1x128x118xf32> to vector<128x118xf32>
    %dot_general3A_205 = arith.constant dense<0.000000e+00> : vector<64x118xf32>
    %dot_general3A_206 = tpu.matmul %get3A_9, %get3A_204, %dot_general3A_205 {dimension_numbers = #tpu.dot_dimension_numbers<[0], [0], [1], [1], [0, 1, 1, 1], [], []>, transpose_lhs_hint = false} : vector<128x64xf32>, vector<128x118xf32>, vector<64x118xf32> -> vector<64x118xf32>
    %get3A_207 = arith.constant 27 : index
    %get3A_208 = arith.constant 0 : index
    %get3A_209 = arith.constant 0 : index
    %get3A_210 = vector.load %arg1[%get3A_207, %get3A_208, %get3A_209] : memref<128x128x118xf32, #tpu.memory_space<vmem>>, vector<1x128x118xf32>
    %get3A_211 = vector.shape_cast %get3A_210 : vector<1x128x118xf32> to vector<128x118xf32>
    %dot_general3A_212 = arith.constant dense<0.000000e+00> : vector<64x118xf32>
    %dot_general3A_213 = tpu.matmul %get3A_9, %get3A_211, %dot_general3A_212 {dimension_numbers = #tpu.dot_dimension_numbers<[0], [0], [1], [1], [0, 1, 1, 1], [], []>, transpose_lhs_hint = false} : vector<128x64xf32>, vector<128x118xf32>, vector<64x118xf32> -> vector<64x118xf32>
    %get3A_214 = arith.constant 28 : index
    %get3A_215 = arith.constant 0 : index
    %get3A_216 = arith.constant 0 : index
    %get3A_217 = vector.load %arg1[%get3A_214, %get3A_215, %get3A_216] : memref<128x128x118xf32, #tpu.memory_space<vmem>>, vector<1x128x118xf32>
    %get3A_218 = vector.shape_cast %get3A_217 : vector<1x128x118xf32> to vector<128x118xf32>
    %dot_general3A_219 = arith.constant dense<0.000000e+00> : vector<64x118xf32>
    %dot_general3A_220 = tpu.matmul %get3A_9, %get3A_218, %dot_general3A_219 {dimension_numbers = #tpu.dot_dimension_numbers<[0], [0], [1], [1], [0, 1, 1, 1], [], []>, transpose_lhs_hint = false} : vector<128x64xf32>, vector<128x118xf32>, vector<64x118xf32> -> vector<64x118xf32>
    %get3A_221 = arith.constant 29 : index
    %get3A_222 = arith.constant 0 : index
    %get3A_223 = arith.constant 0 : index
    %get3A_224 = vector.load %arg1[%get3A_221, %get3A_222, %get3A_223] : memref<128x128x118xf32, #tpu.memory_space<vmem>>, vector<1x128x118xf32>
    %get3A_225 = vector.shape_cast %get3A_224 : vector<1x128x118xf32> to vector<128x118xf32>
    %dot_general3A_226 = arith.constant dense<0.000000e+00> : vector<64x118xf32>
    %dot_general3A_227 = tpu.matmul %get3A_9, %get3A_225, %dot_general3A_226 {dimension_numbers = #tpu.dot_dimension_numbers<[0], [0], [1], [1], [0, 1, 1, 1], [], []>, transpose_lhs_hint = false} : vector<128x64xf32>, vector<128x118xf32>, vector<64x118xf32> -> vector<64x118xf32>
    %get3A_228 = arith.constant 30 : index
    %get3A_229 = arith.constant 0 : index
    %get3A_230 = arith.constant 0 : index
    %get3A_231 = vector.load %arg1[%get3A_228, %get3A_229, %get3A_230] : memref<128x128x118xf32, #tpu.memory_space<vmem>>, vector<1x128x118xf32>
    %get3A_232 = vector.shape_cast %get3A_231 : vector<1x128x118xf32> to vector<128x118xf32>
    %dot_general3A_233 = arith.constant dense<0.000000e+00> : vector<64x118xf32>
    %dot_general3A_234 = tpu.matmul %get3A_9, %get3A_232, %dot_general3A_233 {dimension_numbers = #tpu.dot_dimension_numbers<[0], [0], [1], [1], [0, 1, 1, 1], [], []>, transpose_lhs_hint = false} : vector<128x64xf32>, vector<128x118xf32>, vector<64x118xf32> -> vector<64x118xf32>
    %get3A_235 = arith.constant 31 : index
    %get3A_236 = arith.constant 0 : index
    %get3A_237 = arith.constant 0 : index
    %get3A_238 = vector.load %arg1[%get3A_235, %get3A_236, %get3A_237] : memref<128x128x118xf32, #tpu.memory_space<vmem>>, vector<1x128x118xf32>
    %get3A_239 = vector.shape_cast %get3A_238 : vector<1x128x118xf32> to vector<128x118xf32>
    %dot_general3A_240 = arith.constant dense<0.000000e+00> : vector<64x118xf32>
    %dot_general3A_241 = tpu.matmul %get3A_9, %get3A_239, %dot_general3A_240 {dimension_numbers = #tpu.dot_dimension_numbers<[0], [0], [1], [1], [0, 1, 1, 1], [], []>, transpose_lhs_hint = false} : vector<128x64xf32>, vector<128x118xf32>, vector<64x118xf32> -> vector<64x118xf32>
    %dot_general3A_242 = arith.constant dense<0.000000e+00> : vector<64x118xf32>
    %dot_general3A_243 = tpu.matmul %dot_general3A_24, %get3A_3, %dot_general3A_242 {dimension_numbers = #tpu.dot_dimension_numbers<[1], [1], [0], [0], [0, 0, 1, 0], [], []>, transpose_lhs_hint = false} : vector<64x118xf32>, vector<118x118xf32>, vector<64x118xf32> -> vector<64x118xf32>
    %dot_general3A_244 = arith.constant dense<0.000000e+00> : vector<64x118xf32>
    %dot_general3A_245 = tpu.matmul %dot_general3A_31, %get3A_3, %dot_general3A_244 {dimension_numbers = #tpu.dot_dimension_numbers<[1], [1], [0], [0], [0, 0, 1, 0], [], []>, transpose_lhs_hint = false} : vector<64x118xf32>, vector<118x118xf32>, vector<64x118xf32> -> vector<64x118xf32>
    %dot_general3A_246 = arith.constant dense<0.000000e+00> : vector<64x118xf32>
    %dot_general3A_247 = tpu.matmul %dot_general3A_38, %get3A_3, %dot_general3A_246 {dimension_numbers = #tpu.dot_dimension_numbers<[1], [1], [0], [0], [0, 0, 1, 0], [], []>, transpose_lhs_hint = false} : vector<64x118xf32>, vector<118x118xf32>, vector<64x118xf32> -> vector<64x118xf32>
    %dot_general3A_248 = arith.constant dense<0.000000e+00> : vector<64x118xf32>
    %dot_general3A_249 = tpu.matmul %dot_general3A_45, %get3A_3, %dot_general3A_248 {dimension_numbers = #tpu.dot_dimension_numbers<[1], [1], [0], [0], [0, 0, 1, 0], [], []>, transpose_lhs_hint = false} : vector<64x118xf32>, vector<118x118xf32>, vector<64x118xf32> -> vector<64x118xf32>
    %dot_general3A_250 = arith.constant dense<0.000000e+00> : vector<64x118xf32>
    %dot_general3A_251 = tpu.matmul %dot_general3A_52, %get3A_3, %dot_general3A_250 {dimension_numbers = #tpu.dot_dimension_numbers<[1], [1], [0], [0], [0, 0, 1, 0], [], []>, transpose_lhs_hint = false} : vector<64x118xf32>, vector<118x118xf32>, vector<64x118xf32> -> vector<64x118xf32>
    %dot_general3A_252 = arith.constant dense<0.000000e+00> : vector<64x118xf32>
    %dot_general3A_253 = tpu.matmul %dot_general3A_59, %get3A_3, %dot_general3A_252 {dimension_numbers = #tpu.dot_dimension_numbers<[1], [1], [0], [0], [0, 0, 1, 0], [], []>, transpose_lhs_hint = false} : vector<64x118xf32>, vector<118x118xf32>, vector<64x118xf32> -> vector<64x118xf32>
    %dot_general3A_254 = arith.constant dense<0.000000e+00> : vector<64x118xf32>
    %dot_general3A_255 = tpu.matmul %dot_general3A_66, %get3A_3, %dot_general3A_254 {dimension_numbers = #tpu.dot_dimension_numbers<[1], [1], [0], [0], [0, 0, 1, 0], [], []>, transpose_lhs_hint = false} : vector<64x118xf32>, vector<118x118xf32>, vector<64x118xf32> -> vector<64x118xf32>
    %dot_general3A_256 = arith.constant dense<0.000000e+00> : vector<64x118xf32>
    %dot_general3A_257 = tpu.matmul %dot_general3A_73, %get3A_3, %dot_general3A_256 {dimension_numbers = #tpu.dot_dimension_numbers<[1], [1], [0], [0], [0, 0, 1, 0], [], []>, transpose_lhs_hint = false} : vector<64x118xf32>, vector<118x118xf32>, vector<64x118xf32> -> vector<64x118xf32>
    %dot_general3A_258 = arith.constant dense<0.000000e+00> : vector<64x118xf32>
    %dot_general3A_259 = tpu.matmul %dot_general3A_80, %get3A_3, %dot_general3A_258 {dimension_numbers = #tpu.dot_dimension_numbers<[1], [1], [0], [0], [0, 0, 1, 0], [], []>, transpose_lhs_hint = false} : vector<64x118xf32>, vector<118x118xf32>, vector<64x118xf32> -> vector<64x118xf32>
    %dot_general3A_260 = arith.constant dense<0.000000e+00> : vector<64x118xf32>
    %dot_general3A_261 = tpu.matmul %dot_general3A_87, %get3A_3, %dot_general3A_260 {dimension_numbers = #tpu.dot_dimension_numbers<[1], [1], [0], [0], [0, 0, 1, 0], [], []>, transpose_lhs_hint = false} : vector<64x118xf32>, vector<118x118xf32>, vector<64x118xf32> -> vector<64x118xf32>
    %dot_general3A_262 = arith.constant dense<0.000000e+00> : vector<64x118xf32>
    %dot_general3A_263 = tpu.matmul %dot_general3A_94, %get3A_3, %dot_general3A_262 {dimension_numbers = #tpu.dot_dimension_numbers<[1], [1], [0], [0], [0, 0, 1, 0], [], []>, transpose_lhs_hint = false} : vector<64x118xf32>, vector<118x118xf32>, vector<64x118xf32> -> vector<64x118xf32>
    %dot_general3A_264 = arith.constant dense<0.000000e+00> : vector<64x118xf32>
    %dot_general3A_265 = tpu.matmul %dot_general3A_101, %get3A_3, %dot_general3A_264 {dimension_numbers = #tpu.dot_dimension_numbers<[1], [1], [0], [0], [0, 0, 1, 0], [], []>, transpose_lhs_hint = false} : vector<64x118xf32>, vector<118x118xf32>, vector<64x118xf32> -> vector<64x118xf32>
    %dot_general3A_266 = arith.constant dense<0.000000e+00> : vector<64x118xf32>
    %dot_general3A_267 = tpu.matmul %dot_general3A_108, %get3A_3, %dot_general3A_266 {dimension_numbers = #tpu.dot_dimension_numbers<[1], [1], [0], [0], [0, 0, 1, 0], [], []>, transpose_lhs_hint = false} : vector<64x118xf32>, vector<118x118xf32>, vector<64x118xf32> -> vector<64x118xf32>
    %dot_general3A_268 = arith.constant dense<0.000000e+00> : vector<64x118xf32>
    %dot_general3A_269 = tpu.matmul %dot_general3A_115, %get3A_3, %dot_general3A_268 {dimension_numbers = #tpu.dot_dimension_numbers<[1], [1], [0], [0], [0, 0, 1, 0], [], []>, transpose_lhs_hint = false} : vector<64x118xf32>, vector<118x118xf32>, vector<64x118xf32> -> vector<64x118xf32>
    %dot_general3A_270 = arith.constant dense<0.000000e+00> : vector<64x118xf32>
    %dot_general3A_271 = tpu.matmul %dot_general3A_122, %get3A_3, %dot_general3A_270 {dimension_numbers = #tpu.dot_dimension_numbers<[1], [1], [0], [0], [0, 0, 1, 0], [], []>, transpose_lhs_hint = false} : vector<64x118xf32>, vector<118x118xf32>, vector<64x118xf32> -> vector<64x118xf32>
    %dot_general3A_272 = arith.constant dense<0.000000e+00> : vector<64x118xf32>
    %dot_general3A_273 = tpu.matmul %dot_general3A_129, %get3A_3, %dot_general3A_272 {dimension_numbers = #tpu.dot_dimension_numbers<[1], [1], [0], [0], [0, 0, 1, 0], [], []>, transpose_lhs_hint = false} : vector<64x118xf32>, vector<118x118xf32>, vector<64x118xf32> -> vector<64x118xf32>
    %dot_general3A_274 = arith.constant dense<0.000000e+00> : vector<64x118xf32>
    %dot_general3A_275 = tpu.matmul %dot_general3A_136, %get3A_3, %dot_general3A_274 {dimension_numbers = #tpu.dot_dimension_numbers<[1], [1], [0], [0], [0, 0, 1, 0], [], []>, transpose_lhs_hint = false} : vector<64x118xf32>, vector<118x118xf32>, vector<64x118xf32> -> vector<64x118xf32>
    %dot_general3A_276 = arith.constant dense<0.000000e+00> : vector<64x118xf32>
    %dot_general3A_277 = tpu.matmul %dot_general3A_143, %get3A_3, %dot_general3A_276 {dimension_numbers = #tpu.dot_dimension_numbers<[1], [1], [0], [0], [0, 0, 1, 0], [], []>, transpose_lhs_hint = false} : vector<64x118xf32>, vector<118x118xf32>, vector<64x118xf32> -> vector<64x118xf32>
    %dot_general3A_278 = arith.constant dense<0.000000e+00> : vector<64x118xf32>
    %dot_general3A_279 = tpu.matmul %dot_general3A_150, %get3A_3, %dot_general3A_278 {dimension_numbers = #tpu.dot_dimension_numbers<[1], [1], [0], [0], [0, 0, 1, 0], [], []>, transpose_lhs_hint = false} : vector<64x118xf32>, vector<118x118xf32>, vector<64x118xf32> -> vector<64x118xf32>
    %dot_general3A_280 = arith.constant dense<0.000000e+00> : vector<64x118xf32>
    %dot_general3A_281 = tpu.matmul %dot_general3A_157, %get3A_3, %dot_general3A_280 {dimension_numbers = #tpu.dot_dimension_numbers<[1], [1], [0], [0], [0, 0, 1, 0], [], []>, transpose_lhs_hint = false} : vector<64x118xf32>, vector<118x118xf32>, vector<64x118xf32> -> vector<64x118xf32>
    %dot_general3A_282 = arith.constant dense<0.000000e+00> : vector<64x118xf32>
    %dot_general3A_283 = tpu.matmul %dot_general3A_164, %get3A_3, %dot_general3A_282 {dimension_numbers = #tpu.dot_dimension_numbers<[1], [1], [0], [0], [0, 0, 1, 0], [], []>, transpose_lhs_hint = false} : vector<64x118xf32>, vector<118x118xf32>, vector<64x118xf32> -> vector<64x118xf32>
    %dot_general3A_284 = arith.constant dense<0.000000e+00> : vector<64x118xf32>
    %dot_general3A_285 = tpu.matmul %dot_general3A_171, %get3A_3, %dot_general3A_284 {dimension_numbers = #tpu.dot_dimension_numbers<[1], [1], [0], [0], [0, 0, 1, 0], [], []>, transpose_lhs_hint = false} : vector<64x118xf32>, vector<118x118xf32>, vector<64x118xf32> -> vector<64x118xf32>
    %dot_general3A_286 = arith.constant dense<0.000000e+00> : vector<64x118xf32>
    %dot_general3A_287 = tpu.matmul %dot_general3A_178, %get3A_3, %dot_general3A_286 {dimension_numbers = #tpu.dot_dimension_numbers<[1], [1], [0], [0], [0, 0, 1, 0], [], []>, transpose_lhs_hint = false} : vector<64x118xf32>, vector<118x118xf32>, vector<64x118xf32> -> vector<64x118xf32>
    %dot_general3A_288 = arith.constant dense<0.000000e+00> : vector<64x118xf32>
    %dot_general3A_289 = tpu.matmul %dot_general3A_185, %get3A_3, %dot_general3A_288 {dimension_numbers = #tpu.dot_dimension_numbers<[1], [1], [0], [0], [0, 0, 1, 0], [], []>, transpose_lhs_hint = false} : vector<64x118xf32>, vector<118x118xf32>, vector<64x118xf32> -> vector<64x118xf32>
    %dot_general3A_290 = arith.constant dense<0.000000e+00> : vector<64x118xf32>
    %dot_general3A_291 = tpu.matmul %dot_general3A_192, %get3A_3, %dot_general3A_290 {dimension_numbers = #tpu.dot_dimension_numbers<[1], [1], [0], [0], [0, 0, 1, 0], [], []>, transpose_lhs_hint = false} : vector<64x118xf32>, vector<118x118xf32>, vector<64x118xf32> -> vector<64x118xf32>
    %dot_general3A_292 = arith.constant dense<0.000000e+00> : vector<64x118xf32>
    %dot_general3A_293 = tpu.matmul %dot_general3A_199, %get3A_3, %dot_general3A_292 {dimension_numbers = #tpu.dot_dimension_numbers<[1], [1], [0], [0], [0, 0, 1, 0], [], []>, transpose_lhs_hint = false} : vector<64x118xf32>, vector<118x118xf32>, vector<64x118xf32> -> vector<64x118xf32>
    %dot_general3A_294 = arith.constant dense<0.000000e+00> : vector<64x118xf32>
    %dot_general3A_295 = tpu.matmul %dot_general3A_206, %get3A_3, %dot_general3A_294 {dimension_numbers = #tpu.dot_dimension_numbers<[1], [1], [0], [0], [0, 0, 1, 0], [], []>, transpose_lhs_hint = false} : vector<64x118xf32>, vector<118x118xf32>, vector<64x118xf32> -> vector<64x118xf32>
    %dot_general3A_296 = arith.constant dense<0.000000e+00> : vector<64x118xf32>
    %dot_general3A_297 = tpu.matmul %dot_general3A_213, %get3A_3, %dot_general3A_296 {dimension_numbers = #tpu.dot_dimension_numbers<[1], [1], [0], [0], [0, 0, 1, 0], [], []>, transpose_lhs_hint = false} : vector<64x118xf32>, vector<118x118xf32>, vector<64x118xf32> -> vector<64x118xf32>
    %dot_general3A_298 = arith.constant dense<0.000000e+00> : vector<64x118xf32>
    %dot_general3A_299 = tpu.matmul %dot_general3A_220, %get3A_3, %dot_general3A_298 {dimension_numbers = #tpu.dot_dimension_numbers<[1], [1], [0], [0], [0, 0, 1, 0], [], []>, transpose_lhs_hint = false} : vector<64x118xf32>, vector<118x118xf32>, vector<64x118xf32> -> vector<64x118xf32>
    %dot_general3A_300 = arith.constant dense<0.000000e+00> : vector<64x118xf32>
    %dot_general3A_301 = tpu.matmul %dot_general3A_227, %get3A_3, %dot_general3A_300 {dimension_numbers = #tpu.dot_dimension_numbers<[1], [1], [0], [0], [0, 0, 1, 0], [], []>, transpose_lhs_hint = false} : vector<64x118xf32>, vector<118x118xf32>, vector<64x118xf32> -> vector<64x118xf32>
    %dot_general3A_302 = arith.constant dense<0.000000e+00> : vector<64x118xf32>
    %dot_general3A_303 = tpu.matmul %dot_general3A_234, %get3A_3, %dot_general3A_302 {dimension_numbers = #tpu.dot_dimension_numbers<[1], [1], [0], [0], [0, 0, 1, 0], [], []>, transpose_lhs_hint = false} : vector<64x118xf32>, vector<118x118xf32>, vector<64x118xf32> -> vector<64x118xf32>
    %dot_general3A_304 = arith.constant dense<0.000000e+00> : vector<64x118xf32>
    %dot_general3A_305 = tpu.matmul %dot_general3A_241, %get3A_3, %dot_general3A_304 {dimension_numbers = #tpu.dot_dimension_numbers<[1], [1], [0], [0], [0, 0, 1, 0], [], []>, transpose_lhs_hint = false} : vector<64x118xf32>, vector<118x118xf32>, vector<64x118xf32> -> vector<64x118xf32>
    %add3A = vector.broadcast %get3A_15 : vector<64x1xf32> to vector<64x118xf32>
    %add3A_306 = arith.addf %dot_general3A_243, %add3A : vector<64x118xf32>
    %max3A = arith.constant 0.000000e+00 : f32
    %max3A_307 = vector.broadcast %max3A : f32 to vector<64x118xf32>
    %max3A_308 = arith.maximumf %add3A_306, %max3A_307 : vector<64x118xf32>
    %add3A_309 = vector.broadcast %get3A_15 : vector<64x1xf32> to vector<64x118xf32>
    %add3A_310 = arith.addf %dot_general3A_245, %add3A_309 : vector<64x118xf32>
    %max3A_311 = arith.constant 0.000000e+00 : f32
    %max3A_312 = vector.broadcast %max3A_311 : f32 to vector<64x118xf32>
    %max3A_313 = arith.maximumf %add3A_310, %max3A_312 : vector<64x118xf32>
    %add3A_314 = vector.broadcast %get3A_15 : vector<64x1xf32> to vector<64x118xf32>
    %add3A_315 = arith.addf %dot_general3A_247, %add3A_314 : vector<64x118xf32>
    %max3A_316 = arith.constant 0.000000e+00 : f32
    %max3A_317 = vector.broadcast %max3A_316 : f32 to vector<64x118xf32>
    %max3A_318 = arith.maximumf %add3A_315, %max3A_317 : vector<64x118xf32>
    %add3A_319 = vector.broadcast %get3A_15 : vector<64x1xf32> to vector<64x118xf32>
    %add3A_320 = arith.addf %dot_general3A_249, %add3A_319 : vector<64x118xf32>
    %max3A_321 = arith.constant 0.000000e+00 : f32
    %max3A_322 = vector.broadcast %max3A_321 : f32 to vector<64x118xf32>
    %max3A_323 = arith.maximumf %add3A_320, %max3A_322 : vector<64x118xf32>
    %add3A_324 = vector.broadcast %get3A_15 : vector<64x1xf32> to vector<64x118xf32>
    %add3A_325 = arith.addf %dot_general3A_251, %add3A_324 : vector<64x118xf32>
    %max3A_326 = arith.constant 0.000000e+00 : f32
    %max3A_327 = vector.broadcast %max3A_326 : f32 to vector<64x118xf32>
    %max3A_328 = arith.maximumf %add3A_325, %max3A_327 : vector<64x118xf32>
    %add3A_329 = vector.broadcast %get3A_15 : vector<64x1xf32> to vector<64x118xf32>
    %add3A_330 = arith.addf %dot_general3A_253, %add3A_329 : vector<64x118xf32>
    %max3A_331 = arith.constant 0.000000e+00 : f32
    %max3A_332 = vector.broadcast %max3A_331 : f32 to vector<64x118xf32>
    %max3A_333 = arith.maximumf %add3A_330, %max3A_332 : vector<64x118xf32>
    %add3A_334 = vector.broadcast %get3A_15 : vector<64x1xf32> to vector<64x118xf32>
    %add3A_335 = arith.addf %dot_general3A_255, %add3A_334 : vector<64x118xf32>
    %max3A_336 = arith.constant 0.000000e+00 : f32
    %max3A_337 = vector.broadcast %max3A_336 : f32 to vector<64x118xf32>
    %max3A_338 = arith.maximumf %add3A_335, %max3A_337 : vector<64x118xf32>
    %add3A_339 = vector.broadcast %get3A_15 : vector<64x1xf32> to vector<64x118xf32>
    %add3A_340 = arith.addf %dot_general3A_257, %add3A_339 : vector<64x118xf32>
    %max3A_341 = arith.constant 0.000000e+00 : f32
    %max3A_342 = vector.broadcast %max3A_341 : f32 to vector<64x118xf32>
    %max3A_343 = arith.maximumf %add3A_340, %max3A_342 : vector<64x118xf32>
    %add3A_344 = vector.broadcast %get3A_15 : vector<64x1xf32> to vector<64x118xf32>
    %add3A_345 = arith.addf %dot_general3A_259, %add3A_344 : vector<64x118xf32>
    %max3A_346 = arith.constant 0.000000e+00 : f32
    %max3A_347 = vector.broadcast %max3A_346 : f32 to vector<64x118xf32>
    %max3A_348 = arith.maximumf %add3A_345, %max3A_347 : vector<64x118xf32>
    %add3A_349 = vector.broadcast %get3A_15 : vector<64x1xf32> to vector<64x118xf32>
    %add3A_350 = arith.addf %dot_general3A_261, %add3A_349 : vector<64x118xf32>
    %max3A_351 = arith.constant 0.000000e+00 : f32
    %max3A_352 = vector.broadcast %max3A_351 : f32 to vector<64x118xf32>
    %max3A_353 = arith.maximumf %add3A_350, %max3A_352 : vector<64x118xf32>
    %add3A_354 = vector.broadcast %get3A_15 : vector<64x1xf32> to vector<64x118xf32>
    %add3A_355 = arith.addf %dot_general3A_263, %add3A_354 : vector<64x118xf32>
    %max3A_356 = arith.constant 0.000000e+00 : f32
    %max3A_357 = vector.broadcast %max3A_356 : f32 to vector<64x118xf32>
    %max3A_358 = arith.maximumf %add3A_355, %max3A_357 : vector<64x118xf32>
    %add3A_359 = vector.broadcast %get3A_15 : vector<64x1xf32> to vector<64x118xf32>
    %add3A_360 = arith.addf %dot_general3A_265, %add3A_359 : vector<64x118xf32>
    %max3A_361 = arith.constant 0.000000e+00 : f32
    %max3A_362 = vector.broadcast %max3A_361 : f32 to vector<64x118xf32>
    %max3A_363 = arith.maximumf %add3A_360, %max3A_362 : vector<64x118xf32>
    %add3A_364 = vector.broadcast %get3A_15 : vector<64x1xf32> to vector<64x118xf32>
    %add3A_365 = arith.addf %dot_general3A_267, %add3A_364 : vector<64x118xf32>
    %max3A_366 = arith.constant 0.000000e+00 : f32
    %max3A_367 = vector.broadcast %max3A_366 : f32 to vector<64x118xf32>
    %max3A_368 = arith.maximumf %add3A_365, %max3A_367 : vector<64x118xf32>
    %add3A_369 = vector.broadcast %get3A_15 : vector<64x1xf32> to vector<64x118xf32>
    %add3A_370 = arith.addf %dot_general3A_269, %add3A_369 : vector<64x118xf32>
    %max3A_371 = arith.constant 0.000000e+00 : f32
    %max3A_372 = vector.broadcast %max3A_371 : f32 to vector<64x118xf32>
    %max3A_373 = arith.maximumf %add3A_370, %max3A_372 : vector<64x118xf32>
    %add3A_374 = vector.broadcast %get3A_15 : vector<64x1xf32> to vector<64x118xf32>
    %add3A_375 = arith.addf %dot_general3A_271, %add3A_374 : vector<64x118xf32>
    %max3A_376 = arith.constant 0.000000e+00 : f32
    %max3A_377 = vector.broadcast %max3A_376 : f32 to vector<64x118xf32>
    %max3A_378 = arith.maximumf %add3A_375, %max3A_377 : vector<64x118xf32>
    %add3A_379 = vector.broadcast %get3A_15 : vector<64x1xf32> to vector<64x118xf32>
    %add3A_380 = arith.addf %dot_general3A_273, %add3A_379 : vector<64x118xf32>
    %max3A_381 = arith.constant 0.000000e+00 : f32
    %max3A_382 = vector.broadcast %max3A_381 : f32 to vector<64x118xf32>
    %max3A_383 = arith.maximumf %add3A_380, %max3A_382 : vector<64x118xf32>
    %add3A_384 = vector.broadcast %get3A_15 : vector<64x1xf32> to vector<64x118xf32>
    %add3A_385 = arith.addf %dot_general3A_275, %add3A_384 : vector<64x118xf32>
    %max3A_386 = arith.constant 0.000000e+00 : f32
    %max3A_387 = vector.broadcast %max3A_386 : f32 to vector<64x118xf32>
    %max3A_388 = arith.maximumf %add3A_385, %max3A_387 : vector<64x118xf32>
    %add3A_389 = vector.broadcast %get3A_15 : vector<64x1xf32> to vector<64x118xf32>
    %add3A_390 = arith.addf %dot_general3A_277, %add3A_389 : vector<64x118xf32>
    %max3A_391 = arith.constant 0.000000e+00 : f32
    %max3A_392 = vector.broadcast %max3A_391 : f32 to vector<64x118xf32>
    %max3A_393 = arith.maximumf %add3A_390, %max3A_392 : vector<64x118xf32>
    %add3A_394 = vector.broadcast %get3A_15 : vector<64x1xf32> to vector<64x118xf32>
    %add3A_395 = arith.addf %dot_general3A_279, %add3A_394 : vector<64x118xf32>
    %max3A_396 = arith.constant 0.000000e+00 : f32
    %max3A_397 = vector.broadcast %max3A_396 : f32 to vector<64x118xf32>
    %max3A_398 = arith.maximumf %add3A_395, %max3A_397 : vector<64x118xf32>
    %add3A_399 = vector.broadcast %get3A_15 : vector<64x1xf32> to vector<64x118xf32>
    %add3A_400 = arith.addf %dot_general3A_281, %add3A_399 : vector<64x118xf32>
    %max3A_401 = arith.constant 0.000000e+00 : f32
    %max3A_402 = vector.broadcast %max3A_401 : f32 to vector<64x118xf32>
    %max3A_403 = arith.maximumf %add3A_400, %max3A_402 : vector<64x118xf32>
    %add3A_404 = vector.broadcast %get3A_15 : vector<64x1xf32> to vector<64x118xf32>
    %add3A_405 = arith.addf %dot_general3A_283, %add3A_404 : vector<64x118xf32>
    %max3A_406 = arith.constant 0.000000e+00 : f32
    %max3A_407 = vector.broadcast %max3A_406 : f32 to vector<64x118xf32>
    %max3A_408 = arith.maximumf %add3A_405, %max3A_407 : vector<64x118xf32>
    %add3A_409 = vector.broadcast %get3A_15 : vector<64x1xf32> to vector<64x118xf32>
    %add3A_410 = arith.addf %dot_general3A_285, %add3A_409 : vector<64x118xf32>
    %max3A_411 = arith.constant 0.000000e+00 : f32
    %max3A_412 = vector.broadcast %max3A_411 : f32 to vector<64x118xf32>
    %max3A_413 = arith.maximumf %add3A_410, %max3A_412 : vector<64x118xf32>
    %add3A_414 = vector.broadcast %get3A_15 : vector<64x1xf32> to vector<64x118xf32>
    %add3A_415 = arith.addf %dot_general3A_287, %add3A_414 : vector<64x118xf32>
    %max3A_416 = arith.constant 0.000000e+00 : f32
    %max3A_417 = vector.broadcast %max3A_416 : f32 to vector<64x118xf32>
    %max3A_418 = arith.maximumf %add3A_415, %max3A_417 : vector<64x118xf32>
    %add3A_419 = vector.broadcast %get3A_15 : vector<64x1xf32> to vector<64x118xf32>
    %add3A_420 = arith.addf %dot_general3A_289, %add3A_419 : vector<64x118xf32>
    %max3A_421 = arith.constant 0.000000e+00 : f32
    %max3A_422 = vector.broadcast %max3A_421 : f32 to vector<64x118xf32>
    %max3A_423 = arith.maximumf %add3A_420, %max3A_422 : vector<64x118xf32>
    %add3A_424 = vector.broadcast %get3A_15 : vector<64x1xf32> to vector<64x118xf32>
    %add3A_425 = arith.addf %dot_general3A_291, %add3A_424 : vector<64x118xf32>
    %max3A_426 = arith.constant 0.000000e+00 : f32
    %max3A_427 = vector.broadcast %max3A_426 : f32 to vector<64x118xf32>
    %max3A_428 = arith.maximumf %add3A_425, %max3A_427 : vector<64x118xf32>
    %add3A_429 = vector.broadcast %get3A_15 : vector<64x1xf32> to vector<64x118xf32>
    %add3A_430 = arith.addf %dot_general3A_293, %add3A_429 : vector<64x118xf32>
    %max3A_431 = arith.constant 0.000000e+00 : f32
    %max3A_432 = vector.broadcast %max3A_431 : f32 to vector<64x118xf32>
    %max3A_433 = arith.maximumf %add3A_430, %max3A_432 : vector<64x118xf32>
    %add3A_434 = vector.broadcast %get3A_15 : vector<64x1xf32> to vector<64x118xf32>
    %add3A_435 = arith.addf %dot_general3A_295, %add3A_434 : vector<64x118xf32>
    %max3A_436 = arith.constant 0.000000e+00 : f32
    %max3A_437 = vector.broadcast %max3A_436 : f32 to vector<64x118xf32>
    %max3A_438 = arith.maximumf %add3A_435, %max3A_437 : vector<64x118xf32>
    %add3A_439 = vector.broadcast %get3A_15 : vector<64x1xf32> to vector<64x118xf32>
    %add3A_440 = arith.addf %dot_general3A_297, %add3A_439 : vector<64x118xf32>
    %max3A_441 = arith.constant 0.000000e+00 : f32
    %max3A_442 = vector.broadcast %max3A_441 : f32 to vector<64x118xf32>
    %max3A_443 = arith.maximumf %add3A_440, %max3A_442 : vector<64x118xf32>
    %add3A_444 = vector.broadcast %get3A_15 : vector<64x1xf32> to vector<64x118xf32>
    %add3A_445 = arith.addf %dot_general3A_299, %add3A_444 : vector<64x118xf32>
    %max3A_446 = arith.constant 0.000000e+00 : f32
    %max3A_447 = vector.broadcast %max3A_446 : f32 to vector<64x118xf32>
    %max3A_448 = arith.maximumf %add3A_445, %max3A_447 : vector<64x118xf32>
    %add3A_449 = vector.broadcast %get3A_15 : vector<64x1xf32> to vector<64x118xf32>
    %add3A_450 = arith.addf %dot_general3A_301, %add3A_449 : vector<64x118xf32>
    %max3A_451 = arith.constant 0.000000e+00 : f32
    %max3A_452 = vector.broadcast %max3A_451 : f32 to vector<64x118xf32>
    %max3A_453 = arith.maximumf %add3A_450, %max3A_452 : vector<64x118xf32>
    %add3A_454 = vector.broadcast %get3A_15 : vector<64x1xf32> to vector<64x118xf32>
    %add3A_455 = arith.addf %dot_general3A_303, %add3A_454 : vector<64x118xf32>
    %max3A_456 = arith.constant 0.000000e+00 : f32
    %max3A_457 = vector.broadcast %max3A_456 : f32 to vector<64x118xf32>
    %max3A_458 = arith.maximumf %add3A_455, %max3A_457 : vector<64x118xf32>
    %add3A_459 = vector.broadcast %get3A_15 : vector<64x1xf32> to vector<64x118xf32>
    %add3A_460 = arith.addf %dot_general3A_305, %add3A_459 : vector<64x118xf32>
    %max3A_461 = arith.constant 0.000000e+00 : f32
    %max3A_462 = vector.broadcast %max3A_461 : f32 to vector<64x118xf32>
    %max3A_463 = arith.maximumf %add3A_460, %max3A_462 : vector<64x118xf32>
    %dot_general3A_464 = arith.constant dense<0.000000e+00> : vector<24x118xf32>
    %dot_general3A_465 = tpu.matmul %get3A_12, %max3A_308, %dot_general3A_464 {dimension_numbers = #tpu.dot_dimension_numbers<[0], [0], [1], [1], [0, 1, 1, 1], [], []>, transpose_lhs_hint = false} : vector<64x24xf32>, vector<64x118xf32>, vector<24x118xf32> -> vector<24x118xf32>
    %dot_general3A_466 = arith.constant dense<0.000000e+00> : vector<24x118xf32>
    %dot_general3A_467 = tpu.matmul %get3A_12, %max3A_313, %dot_general3A_466 {dimension_numbers = #tpu.dot_dimension_numbers<[0], [0], [1], [1], [0, 1, 1, 1], [], []>, transpose_lhs_hint = false} : vector<64x24xf32>, vector<64x118xf32>, vector<24x118xf32> -> vector<24x118xf32>
    %dot_general3A_468 = arith.constant dense<0.000000e+00> : vector<24x118xf32>
    %dot_general3A_469 = tpu.matmul %get3A_12, %max3A_318, %dot_general3A_468 {dimension_numbers = #tpu.dot_dimension_numbers<[0], [0], [1], [1], [0, 1, 1, 1], [], []>, transpose_lhs_hint = false} : vector<64x24xf32>, vector<64x118xf32>, vector<24x118xf32> -> vector<24x118xf32>
    %dot_general3A_470 = arith.constant dense<0.000000e+00> : vector<24x118xf32>
    %dot_general3A_471 = tpu.matmul %get3A_12, %max3A_323, %dot_general3A_470 {dimension_numbers = #tpu.dot_dimension_numbers<[0], [0], [1], [1], [0, 1, 1, 1], [], []>, transpose_lhs_hint = false} : vector<64x24xf32>, vector<64x118xf32>, vector<24x118xf32> -> vector<24x118xf32>
    %dot_general3A_472 = arith.constant dense<0.000000e+00> : vector<24x118xf32>
    %dot_general3A_473 = tpu.matmul %get3A_12, %max3A_328, %dot_general3A_472 {dimension_numbers = #tpu.dot_dimension_numbers<[0], [0], [1], [1], [0, 1, 1, 1], [], []>, transpose_lhs_hint = false} : vector<64x24xf32>, vector<64x118xf32>, vector<24x118xf32> -> vector<24x118xf32>
    %dot_general3A_474 = arith.constant dense<0.000000e+00> : vector<24x118xf32>
    %dot_general3A_475 = tpu.matmul %get3A_12, %max3A_333, %dot_general3A_474 {dimension_numbers = #tpu.dot_dimension_numbers<[0], [0], [1], [1], [0, 1, 1, 1], [], []>, transpose_lhs_hint = false} : vector<64x24xf32>, vector<64x118xf32>, vector<24x118xf32> -> vector<24x118xf32>
    %dot_general3A_476 = arith.constant dense<0.000000e+00> : vector<24x118xf32>
    %dot_general3A_477 = tpu.matmul %get3A_12, %max3A_338, %dot_general3A_476 {dimension_numbers = #tpu.dot_dimension_numbers<[0], [0], [1], [1], [0, 1, 1, 1], [], []>, transpose_lhs_hint = false} : vector<64x24xf32>, vector<64x118xf32>, vector<24x118xf32> -> vector<24x118xf32>
    %dot_general3A_478 = arith.constant dense<0.000000e+00> : vector<24x118xf32>
    %dot_general3A_479 = tpu.matmul %get3A_12, %max3A_343, %dot_general3A_478 {dimension_numbers = #tpu.dot_dimension_numbers<[0], [0], [1], [1], [0, 1, 1, 1], [], []>, transpose_lhs_hint = false} : vector<64x24xf32>, vector<64x118xf32>, vector<24x118xf32> -> vector<24x118xf32>
    %dot_general3A_480 = arith.constant dense<0.000000e+00> : vector<24x118xf32>
    %dot_general3A_481 = tpu.matmul %get3A_12, %max3A_348, %dot_general3A_480 {dimension_numbers = #tpu.dot_dimension_numbers<[0], [0], [1], [1], [0, 1, 1, 1], [], []>, transpose_lhs_hint = false} : vector<64x24xf32>, vector<64x118xf32>, vector<24x118xf32> -> vector<24x118xf32>
    %dot_general3A_482 = arith.constant dense<0.000000e+00> : vector<24x118xf32>
    %dot_general3A_483 = tpu.matmul %get3A_12, %max3A_353, %dot_general3A_482 {dimension_numbers = #tpu.dot_dimension_numbers<[0], [0], [1], [1], [0, 1, 1, 1], [], []>, transpose_lhs_hint = false} : vector<64x24xf32>, vector<64x118xf32>, vector<24x118xf32> -> vector<24x118xf32>
    %dot_general3A_484 = arith.constant dense<0.000000e+00> : vector<24x118xf32>
    %dot_general3A_485 = tpu.matmul %get3A_12, %max3A_358, %dot_general3A_484 {dimension_numbers = #tpu.dot_dimension_numbers<[0], [0], [1], [1], [0, 1, 1, 1], [], []>, transpose_lhs_hint = false} : vector<64x24xf32>, vector<64x118xf32>, vector<24x118xf32> -> vector<24x118xf32>
    %dot_general3A_486 = arith.constant dense<0.000000e+00> : vector<24x118xf32>
    %dot_general3A_487 = tpu.matmul %get3A_12, %max3A_363, %dot_general3A_486 {dimension_numbers = #tpu.dot_dimension_numbers<[0], [0], [1], [1], [0, 1, 1, 1], [], []>, transpose_lhs_hint = false} : vector<64x24xf32>, vector<64x118xf32>, vector<24x118xf32> -> vector<24x118xf32>
    %dot_general3A_488 = arith.constant dense<0.000000e+00> : vector<24x118xf32>
    %dot_general3A_489 = tpu.matmul %get3A_12, %max3A_368, %dot_general3A_488 {dimension_numbers = #tpu.dot_dimension_numbers<[0], [0], [1], [1], [0, 1, 1, 1], [], []>, transpose_lhs_hint = false} : vector<64x24xf32>, vector<64x118xf32>, vector<24x118xf32> -> vector<24x118xf32>
    %dot_general3A_490 = arith.constant dense<0.000000e+00> : vector<24x118xf32>
    %dot_general3A_491 = tpu.matmul %get3A_12, %max3A_373, %dot_general3A_490 {dimension_numbers = #tpu.dot_dimension_numbers<[0], [0], [1], [1], [0, 1, 1, 1], [], []>, transpose_lhs_hint = false} : vector<64x24xf32>, vector<64x118xf32>, vector<24x118xf32> -> vector<24x118xf32>
    %dot_general3A_492 = arith.constant dense<0.000000e+00> : vector<24x118xf32>
    %dot_general3A_493 = tpu.matmul %get3A_12, %max3A_378, %dot_general3A_492 {dimension_numbers = #tpu.dot_dimension_numbers<[0], [0], [1], [1], [0, 1, 1, 1], [], []>, transpose_lhs_hint = false} : vector<64x24xf32>, vector<64x118xf32>, vector<24x118xf32> -> vector<24x118xf32>
    %dot_general3A_494 = arith.constant dense<0.000000e+00> : vector<24x118xf32>
    %dot_general3A_495 = tpu.matmul %get3A_12, %max3A_383, %dot_general3A_494 {dimension_numbers = #tpu.dot_dimension_numbers<[0], [0], [1], [1], [0, 1, 1, 1], [], []>, transpose_lhs_hint = false} : vector<64x24xf32>, vector<64x118xf32>, vector<24x118xf32> -> vector<24x118xf32>
    %dot_general3A_496 = arith.constant dense<0.000000e+00> : vector<24x118xf32>
    %dot_general3A_497 = tpu.matmul %get3A_12, %max3A_388, %dot_general3A_496 {dimension_numbers = #tpu.dot_dimension_numbers<[0], [0], [1], [1], [0, 1, 1, 1], [], []>, transpose_lhs_hint = false} : vector<64x24xf32>, vector<64x118xf32>, vector<24x118xf32> -> vector<24x118xf32>
    %dot_general3A_498 = arith.constant dense<0.000000e+00> : vector<24x118xf32>
    %dot_general3A_499 = tpu.matmul %get3A_12, %max3A_393, %dot_general3A_498 {dimension_numbers = #tpu.dot_dimension_numbers<[0], [0], [1], [1], [0, 1, 1, 1], [], []>, transpose_lhs_hint = false} : vector<64x24xf32>, vector<64x118xf32>, vector<24x118xf32> -> vector<24x118xf32>
    %dot_general3A_500 = arith.constant dense<0.000000e+00> : vector<24x118xf32>
    %dot_general3A_501 = tpu.matmul %get3A_12, %max3A_398, %dot_general3A_500 {dimension_numbers = #tpu.dot_dimension_numbers<[0], [0], [1], [1], [0, 1, 1, 1], [], []>, transpose_lhs_hint = false} : vector<64x24xf32>, vector<64x118xf32>, vector<24x118xf32> -> vector<24x118xf32>
    %dot_general3A_502 = arith.constant dense<0.000000e+00> : vector<24x118xf32>
    %dot_general3A_503 = tpu.matmul %get3A_12, %max3A_403, %dot_general3A_502 {dimension_numbers = #tpu.dot_dimension_numbers<[0], [0], [1], [1], [0, 1, 1, 1], [], []>, transpose_lhs_hint = false} : vector<64x24xf32>, vector<64x118xf32>, vector<24x118xf32> -> vector<24x118xf32>
    %dot_general3A_504 = arith.constant dense<0.000000e+00> : vector<24x118xf32>
    %dot_general3A_505 = tpu.matmul %get3A_12, %max3A_408, %dot_general3A_504 {dimension_numbers = #tpu.dot_dimension_numbers<[0], [0], [1], [1], [0, 1, 1, 1], [], []>, transpose_lhs_hint = false} : vector<64x24xf32>, vector<64x118xf32>, vector<24x118xf32> -> vector<24x118xf32>
    %dot_general3A_506 = arith.constant dense<0.000000e+00> : vector<24x118xf32>
    %dot_general3A_507 = tpu.matmul %get3A_12, %max3A_413, %dot_general3A_506 {dimension_numbers = #tpu.dot_dimension_numbers<[0], [0], [1], [1], [0, 1, 1, 1], [], []>, transpose_lhs_hint = false} : vector<64x24xf32>, vector<64x118xf32>, vector<24x118xf32> -> vector<24x118xf32>
    %dot_general3A_508 = arith.constant dense<0.000000e+00> : vector<24x118xf32>
    %dot_general3A_509 = tpu.matmul %get3A_12, %max3A_418, %dot_general3A_508 {dimension_numbers = #tpu.dot_dimension_numbers<[0], [0], [1], [1], [0, 1, 1, 1], [], []>, transpose_lhs_hint = false} : vector<64x24xf32>, vector<64x118xf32>, vector<24x118xf32> -> vector<24x118xf32>
    %dot_general3A_510 = arith.constant dense<0.000000e+00> : vector<24x118xf32>
    %dot_general3A_511 = tpu.matmul %get3A_12, %max3A_423, %dot_general3A_510 {dimension_numbers = #tpu.dot_dimension_numbers<[0], [0], [1], [1], [0, 1, 1, 1], [], []>, transpose_lhs_hint = false} : vector<64x24xf32>, vector<64x118xf32>, vector<24x118xf32> -> vector<24x118xf32>
    %dot_general3A_512 = arith.constant dense<0.000000e+00> : vector<24x118xf32>
    %dot_general3A_513 = tpu.matmul %get3A_12, %max3A_428, %dot_general3A_512 {dimension_numbers = #tpu.dot_dimension_numbers<[0], [0], [1], [1], [0, 1, 1, 1], [], []>, transpose_lhs_hint = false} : vector<64x24xf32>, vector<64x118xf32>, vector<24x118xf32> -> vector<24x118xf32>
    %dot_general3A_514 = arith.constant dense<0.000000e+00> : vector<24x118xf32>
    %dot_general3A_515 = tpu.matmul %get3A_12, %max3A_433, %dot_general3A_514 {dimension_numbers = #tpu.dot_dimension_numbers<[0], [0], [1], [1], [0, 1, 1, 1], [], []>, transpose_lhs_hint = false} : vector<64x24xf32>, vector<64x118xf32>, vector<24x118xf32> -> vector<24x118xf32>
    %dot_general3A_516 = arith.constant dense<0.000000e+00> : vector<24x118xf32>
    %dot_general3A_517 = tpu.matmul %get3A_12, %max3A_438, %dot_general3A_516 {dimension_numbers = #tpu.dot_dimension_numbers<[0], [0], [1], [1], [0, 1, 1, 1], [], []>, transpose_lhs_hint = false} : vector<64x24xf32>, vector<64x118xf32>, vector<24x118xf32> -> vector<24x118xf32>
    %dot_general3A_518 = arith.constant dense<0.000000e+00> : vector<24x118xf32>
    %dot_general3A_519 = tpu.matmul %get3A_12, %max3A_443, %dot_general3A_518 {dimension_numbers = #tpu.dot_dimension_numbers<[0], [0], [1], [1], [0, 1, 1, 1], [], []>, transpose_lhs_hint = false} : vector<64x24xf32>, vector<64x118xf32>, vector<24x118xf32> -> vector<24x118xf32>
    %dot_general3A_520 = arith.constant dense<0.000000e+00> : vector<24x118xf32>
    %dot_general3A_521 = tpu.matmul %get3A_12, %max3A_448, %dot_general3A_520 {dimension_numbers = #tpu.dot_dimension_numbers<[0], [0], [1], [1], [0, 1, 1, 1], [], []>, transpose_lhs_hint = false} : vector<64x24xf32>, vector<64x118xf32>, vector<24x118xf32> -> vector<24x118xf32>
    %dot_general3A_522 = arith.constant dense<0.000000e+00> : vector<24x118xf32>
    %dot_general3A_523 = tpu.matmul %get3A_12, %max3A_453, %dot_general3A_522 {dimension_numbers = #tpu.dot_dimension_numbers<[0], [0], [1], [1], [0, 1, 1, 1], [], []>, transpose_lhs_hint = false} : vector<64x24xf32>, vector<64x118xf32>, vector<24x118xf32> -> vector<24x118xf32>
    %dot_general3A_524 = arith.constant dense<0.000000e+00> : vector<24x118xf32>
    %dot_general3A_525 = tpu.matmul %get3A_12, %max3A_458, %dot_general3A_524 {dimension_numbers = #tpu.dot_dimension_numbers<[0], [0], [1], [1], [0, 1, 1, 1], [], []>, transpose_lhs_hint = false} : vector<64x24xf32>, vector<64x118xf32>, vector<24x118xf32> -> vector<24x118xf32>
    %dot_general3A_526 = arith.constant dense<0.000000e+00> : vector<24x118xf32>
    %dot_general3A_527 = tpu.matmul %get3A_12, %max3A_463, %dot_general3A_526 {dimension_numbers = #tpu.dot_dimension_numbers<[0], [0], [1], [1], [0, 1, 1, 1], [], []>, transpose_lhs_hint = false} : vector<64x24xf32>, vector<64x118xf32>, vector<24x118xf32> -> vector<24x118xf32>
    %dot_general3A_528 = arith.constant dense<0.000000e+00> : vector<54x24xf32>
    %dot_general3A_529 = tpu.matmul %get3A_6, %dot_general3A_465, %dot_general3A_528 {dimension_numbers = #tpu.dot_dimension_numbers<[1], [1], [0], [0], [0, 0, 1, 0], [], []>, transpose_lhs_hint = false} : vector<54x118xf32>, vector<24x118xf32>, vector<54x24xf32> -> vector<54x24xf32>
    %dot_general3A_530 = arith.constant dense<0.000000e+00> : vector<54x24xf32>
    %dot_general3A_531 = tpu.matmul %get3A_6, %dot_general3A_467, %dot_general3A_530 {dimension_numbers = #tpu.dot_dimension_numbers<[1], [1], [0], [0], [0, 0, 1, 0], [], []>, transpose_lhs_hint = false} : vector<54x118xf32>, vector<24x118xf32>, vector<54x24xf32> -> vector<54x24xf32>
    %dot_general3A_532 = arith.constant dense<0.000000e+00> : vector<54x24xf32>
    %dot_general3A_533 = tpu.matmul %get3A_6, %dot_general3A_469, %dot_general3A_532 {dimension_numbers = #tpu.dot_dimension_numbers<[1], [1], [0], [0], [0, 0, 1, 0], [], []>, transpose_lhs_hint = false} : vector<54x118xf32>, vector<24x118xf32>, vector<54x24xf32> -> vector<54x24xf32>
    %dot_general3A_534 = arith.constant dense<0.000000e+00> : vector<54x24xf32>
    %dot_general3A_535 = tpu.matmul %get3A_6, %dot_general3A_471, %dot_general3A_534 {dimension_numbers = #tpu.dot_dimension_numbers<[1], [1], [0], [0], [0, 0, 1, 0], [], []>, transpose_lhs_hint = false} : vector<54x118xf32>, vector<24x118xf32>, vector<54x24xf32> -> vector<54x24xf32>
    %dot_general3A_536 = arith.constant dense<0.000000e+00> : vector<54x24xf32>
    %dot_general3A_537 = tpu.matmul %get3A_6, %dot_general3A_473, %dot_general3A_536 {dimension_numbers = #tpu.dot_dimension_numbers<[1], [1], [0], [0], [0, 0, 1, 0], [], []>, transpose_lhs_hint = false} : vector<54x118xf32>, vector<24x118xf32>, vector<54x24xf32> -> vector<54x24xf32>
    %dot_general3A_538 = arith.constant dense<0.000000e+00> : vector<54x24xf32>
    %dot_general3A_539 = tpu.matmul %get3A_6, %dot_general3A_475, %dot_general3A_538 {dimension_numbers = #tpu.dot_dimension_numbers<[1], [1], [0], [0], [0, 0, 1, 0], [], []>, transpose_lhs_hint = false} : vector<54x118xf32>, vector<24x118xf32>, vector<54x24xf32> -> vector<54x24xf32>
    %dot_general3A_540 = arith.constant dense<0.000000e+00> : vector<54x24xf32>
    %dot_general3A_541 = tpu.matmul %get3A_6, %dot_general3A_477, %dot_general3A_540 {dimension_numbers = #tpu.dot_dimension_numbers<[1], [1], [0], [0], [0, 0, 1, 0], [], []>, transpose_lhs_hint = false} : vector<54x118xf32>, vector<24x118xf32>, vector<54x24xf32> -> vector<54x24xf32>
    %dot_general3A_542 = arith.constant dense<0.000000e+00> : vector<54x24xf32>
    %dot_general3A_543 = tpu.matmul %get3A_6, %dot_general3A_479, %dot_general3A_542 {dimension_numbers = #tpu.dot_dimension_numbers<[1], [1], [0], [0], [0, 0, 1, 0], [], []>, transpose_lhs_hint = false} : vector<54x118xf32>, vector<24x118xf32>, vector<54x24xf32> -> vector<54x24xf32>
    %dot_general3A_544 = arith.constant dense<0.000000e+00> : vector<54x24xf32>
    %dot_general3A_545 = tpu.matmul %get3A_6, %dot_general3A_481, %dot_general3A_544 {dimension_numbers = #tpu.dot_dimension_numbers<[1], [1], [0], [0], [0, 0, 1, 0], [], []>, transpose_lhs_hint = false} : vector<54x118xf32>, vector<24x118xf32>, vector<54x24xf32> -> vector<54x24xf32>
    %dot_general3A_546 = arith.constant dense<0.000000e+00> : vector<54x24xf32>
    %dot_general3A_547 = tpu.matmul %get3A_6, %dot_general3A_483, %dot_general3A_546 {dimension_numbers = #tpu.dot_dimension_numbers<[1], [1], [0], [0], [0, 0, 1, 0], [], []>, transpose_lhs_hint = false} : vector<54x118xf32>, vector<24x118xf32>, vector<54x24xf32> -> vector<54x24xf32>
    %dot_general3A_548 = arith.constant dense<0.000000e+00> : vector<54x24xf32>
    %dot_general3A_549 = tpu.matmul %get3A_6, %dot_general3A_485, %dot_general3A_548 {dimension_numbers = #tpu.dot_dimension_numbers<[1], [1], [0], [0], [0, 0, 1, 0], [], []>, transpose_lhs_hint = false} : vector<54x118xf32>, vector<24x118xf32>, vector<54x24xf32> -> vector<54x24xf32>
    %dot_general3A_550 = arith.constant dense<0.000000e+00> : vector<54x24xf32>
    %dot_general3A_551 = tpu.matmul %get3A_6, %dot_general3A_487, %dot_general3A_550 {dimension_numbers = #tpu.dot_dimension_numbers<[1], [1], [0], [0], [0, 0, 1, 0], [], []>, transpose_lhs_hint = false} : vector<54x118xf32>, vector<24x118xf32>, vector<54x24xf32> -> vector<54x24xf32>
    %dot_general3A_552 = arith.constant dense<0.000000e+00> : vector<54x24xf32>
    %dot_general3A_553 = tpu.matmul %get3A_6, %dot_general3A_489, %dot_general3A_552 {dimension_numbers = #tpu.dot_dimension_numbers<[1], [1], [0], [0], [0, 0, 1, 0], [], []>, transpose_lhs_hint = false} : vector<54x118xf32>, vector<24x118xf32>, vector<54x24xf32> -> vector<54x24xf32>
    %dot_general3A_554 = arith.constant dense<0.000000e+00> : vector<54x24xf32>
    %dot_general3A_555 = tpu.matmul %get3A_6, %dot_general3A_491, %dot_general3A_554 {dimension_numbers = #tpu.dot_dimension_numbers<[1], [1], [0], [0], [0, 0, 1, 0], [], []>, transpose_lhs_hint = false} : vector<54x118xf32>, vector<24x118xf32>, vector<54x24xf32> -> vector<54x24xf32>
    %dot_general3A_556 = arith.constant dense<0.000000e+00> : vector<54x24xf32>
    %dot_general3A_557 = tpu.matmul %get3A_6, %dot_general3A_493, %dot_general3A_556 {dimension_numbers = #tpu.dot_dimension_numbers<[1], [1], [0], [0], [0, 0, 1, 0], [], []>, transpose_lhs_hint = false} : vector<54x118xf32>, vector<24x118xf32>, vector<54x24xf32> -> vector<54x24xf32>
    %dot_general3A_558 = arith.constant dense<0.000000e+00> : vector<54x24xf32>
    %dot_general3A_559 = tpu.matmul %get3A_6, %dot_general3A_495, %dot_general3A_558 {dimension_numbers = #tpu.dot_dimension_numbers<[1], [1], [0], [0], [0, 0, 1, 0], [], []>, transpose_lhs_hint = false} : vector<54x118xf32>, vector<24x118xf32>, vector<54x24xf32> -> vector<54x24xf32>
    %dot_general3A_560 = arith.constant dense<0.000000e+00> : vector<54x24xf32>
    %dot_general3A_561 = tpu.matmul %get3A_6, %dot_general3A_497, %dot_general3A_560 {dimension_numbers = #tpu.dot_dimension_numbers<[1], [1], [0], [0], [0, 0, 1, 0], [], []>, transpose_lhs_hint = false} : vector<54x118xf32>, vector<24x118xf32>, vector<54x24xf32> -> vector<54x24xf32>
    %dot_general3A_562 = arith.constant dense<0.000000e+00> : vector<54x24xf32>
    %dot_general3A_563 = tpu.matmul %get3A_6, %dot_general3A_499, %dot_general3A_562 {dimension_numbers = #tpu.dot_dimension_numbers<[1], [1], [0], [0], [0, 0, 1, 0], [], []>, transpose_lhs_hint = false} : vector<54x118xf32>, vector<24x118xf32>, vector<54x24xf32> -> vector<54x24xf32>
    %dot_general3A_564 = arith.constant dense<0.000000e+00> : vector<54x24xf32>
    %dot_general3A_565 = tpu.matmul %get3A_6, %dot_general3A_501, %dot_general3A_564 {dimension_numbers = #tpu.dot_dimension_numbers<[1], [1], [0], [0], [0, 0, 1, 0], [], []>, transpose_lhs_hint = false} : vector<54x118xf32>, vector<24x118xf32>, vector<54x24xf32> -> vector<54x24xf32>
    %dot_general3A_566 = arith.constant dense<0.000000e+00> : vector<54x24xf32>
    %dot_general3A_567 = tpu.matmul %get3A_6, %dot_general3A_503, %dot_general3A_566 {dimension_numbers = #tpu.dot_dimension_numbers<[1], [1], [0], [0], [0, 0, 1, 0], [], []>, transpose_lhs_hint = false} : vector<54x118xf32>, vector<24x118xf32>, vector<54x24xf32> -> vector<54x24xf32>
    %dot_general3A_568 = arith.constant dense<0.000000e+00> : vector<54x24xf32>
    %dot_general3A_569 = tpu.matmul %get3A_6, %dot_general3A_505, %dot_general3A_568 {dimension_numbers = #tpu.dot_dimension_numbers<[1], [1], [0], [0], [0, 0, 1, 0], [], []>, transpose_lhs_hint = false} : vector<54x118xf32>, vector<24x118xf32>, vector<54x24xf32> -> vector<54x24xf32>
    %dot_general3A_570 = arith.constant dense<0.000000e+00> : vector<54x24xf32>
    %dot_general3A_571 = tpu.matmul %get3A_6, %dot_general3A_507, %dot_general3A_570 {dimension_numbers = #tpu.dot_dimension_numbers<[1], [1], [0], [0], [0, 0, 1, 0], [], []>, transpose_lhs_hint = false} : vector<54x118xf32>, vector<24x118xf32>, vector<54x24xf32> -> vector<54x24xf32>
    %dot_general3A_572 = arith.constant dense<0.000000e+00> : vector<54x24xf32>
    %dot_general3A_573 = tpu.matmul %get3A_6, %dot_general3A_509, %dot_general3A_572 {dimension_numbers = #tpu.dot_dimension_numbers<[1], [1], [0], [0], [0, 0, 1, 0], [], []>, transpose_lhs_hint = false} : vector<54x118xf32>, vector<24x118xf32>, vector<54x24xf32> -> vector<54x24xf32>
    %dot_general3A_574 = arith.constant dense<0.000000e+00> : vector<54x24xf32>
    %dot_general3A_575 = tpu.matmul %get3A_6, %dot_general3A_511, %dot_general3A_574 {dimension_numbers = #tpu.dot_dimension_numbers<[1], [1], [0], [0], [0, 0, 1, 0], [], []>, transpose_lhs_hint = false} : vector<54x118xf32>, vector<24x118xf32>, vector<54x24xf32> -> vector<54x24xf32>
    %dot_general3A_576 = arith.constant dense<0.000000e+00> : vector<54x24xf32>
    %dot_general3A_577 = tpu.matmul %get3A_6, %dot_general3A_513, %dot_general3A_576 {dimension_numbers = #tpu.dot_dimension_numbers<[1], [1], [0], [0], [0, 0, 1, 0], [], []>, transpose_lhs_hint = false} : vector<54x118xf32>, vector<24x118xf32>, vector<54x24xf32> -> vector<54x24xf32>
    %dot_general3A_578 = arith.constant dense<0.000000e+00> : vector<54x24xf32>
    %dot_general3A_579 = tpu.matmul %get3A_6, %dot_general3A_515, %dot_general3A_578 {dimension_numbers = #tpu.dot_dimension_numbers<[1], [1], [0], [0], [0, 0, 1, 0], [], []>, transpose_lhs_hint = false} : vector<54x118xf32>, vector<24x118xf32>, vector<54x24xf32> -> vector<54x24xf32>
    %dot_general3A_580 = arith.constant dense<0.000000e+00> : vector<54x24xf32>
    %dot_general3A_581 = tpu.matmul %get3A_6, %dot_general3A_517, %dot_general3A_580 {dimension_numbers = #tpu.dot_dimension_numbers<[1], [1], [0], [0], [0, 0, 1, 0], [], []>, transpose_lhs_hint = false} : vector<54x118xf32>, vector<24x118xf32>, vector<54x24xf32> -> vector<54x24xf32>
    %dot_general3A_582 = arith.constant dense<0.000000e+00> : vector<54x24xf32>
    %dot_general3A_583 = tpu.matmul %get3A_6, %dot_general3A_519, %dot_general3A_582 {dimension_numbers = #tpu.dot_dimension_numbers<[1], [1], [0], [0], [0, 0, 1, 0], [], []>, transpose_lhs_hint = false} : vector<54x118xf32>, vector<24x118xf32>, vector<54x24xf32> -> vector<54x24xf32>
    %dot_general3A_584 = arith.constant dense<0.000000e+00> : vector<54x24xf32>
    %dot_general3A_585 = tpu.matmul %get3A_6, %dot_general3A_521, %dot_general3A_584 {dimension_numbers = #tpu.dot_dimension_numbers<[1], [1], [0], [0], [0, 0, 1, 0], [], []>, transpose_lhs_hint = false} : vector<54x118xf32>, vector<24x118xf32>, vector<54x24xf32> -> vector<54x24xf32>
    %dot_general3A_586 = arith.constant dense<0.000000e+00> : vector<54x24xf32>
    %dot_general3A_587 = tpu.matmul %get3A_6, %dot_general3A_523, %dot_general3A_586 {dimension_numbers = #tpu.dot_dimension_numbers<[1], [1], [0], [0], [0, 0, 1, 0], [], []>, transpose_lhs_hint = false} : vector<54x118xf32>, vector<24x118xf32>, vector<54x24xf32> -> vector<54x24xf32>
    %dot_general3A_588 = arith.constant dense<0.000000e+00> : vector<54x24xf32>
    %dot_general3A_589 = tpu.matmul %get3A_6, %dot_general3A_525, %dot_general3A_588 {dimension_numbers = #tpu.dot_dimension_numbers<[1], [1], [0], [0], [0, 0, 1, 0], [], []>, transpose_lhs_hint = false} : vector<54x118xf32>, vector<24x118xf32>, vector<54x24xf32> -> vector<54x24xf32>
    %dot_general3A_590 = arith.constant dense<0.000000e+00> : vector<54x24xf32>
    %dot_general3A_591 = tpu.matmul %get3A_6, %dot_general3A_527, %dot_general3A_590 {dimension_numbers = #tpu.dot_dimension_numbers<[1], [1], [0], [0], [0, 0, 1, 0], [], []>, transpose_lhs_hint = false} : vector<54x118xf32>, vector<24x118xf32>, vector<54x24xf32> -> vector<54x24xf32>
    %add3A_592 = arith.addf %dot_general3A_529, %get3A_18 : vector<54x24xf32>
    %swap3A = arith.constant 0 : index
    %swap3A_593 = arith.constant 0 : index
    %swap3A_594 = arith.constant 0 : index
    %swap3A_595 = vector.load %arg8[%swap3A, %swap3A_593, %swap3A_594] : memref<128x54x24xf32, #tpu.memory_space<vmem>>, vector<1x54x24xf32>
    %swap3A_596 = vector.shape_cast %swap3A_595 : vector<1x54x24xf32> to vector<54x24xf32>
    %swap3A_597 = vector.shape_cast %add3A_592 : vector<54x24xf32> to vector<1x54x24xf32>
    tpu.vector_store %arg8[%swap3A, %swap3A_593, %swap3A_594], %swap3A_597 {strides = array<i32>} : memref<128x54x24xf32, #tpu.memory_space<vmem>>, vector<1x54x24xf32>,
    %add3A_598 = arith.addf %dot_general3A_531, %get3A_18 : vector<54x24xf32>
    %swap3A_599 = arith.constant 1 : index
    %swap3A_600 = arith.constant 0 : index
    %swap3A_601 = arith.constant 0 : index
    %swap3A_602 = vector.load %arg8[%swap3A_599, %swap3A_600, %swap3A_601] : memref<128x54x24xf32, #tpu.memory_space<vmem>>, vector<1x54x24xf32>
    %swap3A_603 = vector.shape_cast %swap3A_602 : vector<1x54x24xf32> to vector<54x24xf32>
    %swap3A_604 = vector.shape_cast %add3A_598 : vector<54x24xf32> to vector<1x54x24xf32>
    tpu.vector_store %arg8[%swap3A_599, %swap3A_600, %swap3A_601], %swap3A_604 {strides = array<i32>} : memref<128x54x24xf32, #tpu.memory_space<vmem>>, vector<1x54x24xf32>,
    %add3A_605 = arith.addf %dot_general3A_533, %get3A_18 : vector<54x24xf32>
    %swap3A_606 = arith.constant 2 : index
    %swap3A_607 = arith.constant 0 : index
    %swap3A_608 = arith.constant 0 : index
    %swap3A_609 = vector.load %arg8[%swap3A_606, %swap3A_607, %swap3A_608] : memref<128x54x24xf32, #tpu.memory_space<vmem>>, vector<1x54x24xf32>
    %swap3A_610 = vector.shape_cast %swap3A_609 : vector<1x54x24xf32> to vector<54x24xf32>
    %swap3A_611 = vector.shape_cast %add3A_605 : vector<54x24xf32> to vector<1x54x24xf32>
    tpu.vector_store %arg8[%swap3A_606, %swap3A_607, %swap3A_608], %swap3A_611 {strides = array<i32>} : memref<128x54x24xf32, #tpu.memory_space<vmem>>, vector<1x54x24xf32>,
    %add3A_612 = arith.addf %dot_general3A_535, %get3A_18 : vector<54x24xf32>
    %swap3A_613 = arith.constant 3 : index
    %swap3A_614 = arith.constant 0 : index
    %swap3A_615 = arith.constant 0 : index
    %swap3A_616 = vector.load %arg8[%swap3A_613, %swap3A_614, %swap3A_615] : memref<128x54x24xf32, #tpu.memory_space<vmem>>, vector<1x54x24xf32>
    %swap3A_617 = vector.shape_cast %swap3A_616 : vector<1x54x24xf32> to vector<54x24xf32>
    %swap3A_618 = vector.shape_cast %add3A_612 : vector<54x24xf32> to vector<1x54x24xf32>
    tpu.vector_store %arg8[%swap3A_613, %swap3A_614, %swap3A_615], %swap3A_618 {strides = array<i32>} : memref<128x54x24xf32, #tpu.memory_space<vmem>>, vector<1x54x24xf32>,
    %add3A_619 = arith.addf %dot_general3A_537, %get3A_18 : vector<54x24xf32>
    %swap3A_620 = arith.constant 4 : index
    %swap3A_621 = arith.constant 0 : index
    %swap3A_622 = arith.constant 0 : index
    %swap3A_623 = vector.load %arg8[%swap3A_620, %swap3A_621, %swap3A_622] : memref<128x54x24xf32, #tpu.memory_space<vmem>>, vector<1x54x24xf32>
    %swap3A_624 = vector.shape_cast %swap3A_623 : vector<1x54x24xf32> to vector<54x24xf32>
    %swap3A_625 = vector.shape_cast %add3A_619 : vector<54x24xf32> to vector<1x54x24xf32>
    tpu.vector_store %arg8[%swap3A_620, %swap3A_621, %swap3A_622], %swap3A_625 {strides = array<i32>} : memref<128x54x24xf32, #tpu.memory_space<vmem>>, vector<1x54x24xf32>,
    %add3A_626 = arith.addf %dot_general3A_539, %get3A_18 : vector<54x24xf32>
    %swap3A_627 = arith.constant 5 : index
    %swap3A_628 = arith.constant 0 : index
    %swap3A_629 = arith.constant 0 : index
    %swap3A_630 = vector.load %arg8[%swap3A_627, %swap3A_628, %swap3A_629] : memref<128x54x24xf32, #tpu.memory_space<vmem>>, vector<1x54x24xf32>
    %swap3A_631 = vector.shape_cast %swap3A_630 : vector<1x54x24xf32> to vector<54x24xf32>
    %swap3A_632 = vector.shape_cast %add3A_626 : vector<54x24xf32> to vector<1x54x24xf32>
    tpu.vector_store %arg8[%swap3A_627, %swap3A_628, %swap3A_629], %swap3A_632 {strides = array<i32>} : memref<128x54x24xf32, #tpu.memory_space<vmem>>, vector<1x54x24xf32>,
    %add3A_633 = arith.addf %dot_general3A_541, %get3A_18 : vector<54x24xf32>
    %swap3A_634 = arith.constant 6 : index
    %swap3A_635 = arith.constant 0 : index
    %swap3A_636 = arith.constant 0 : index
    %swap3A_637 = vector.load %arg8[%swap3A_634, %swap3A_635, %swap3A_636] : memref<128x54x24xf32, #tpu.memory_space<vmem>>, vector<1x54x24xf32>
    %swap3A_638 = vector.shape_cast %swap3A_637 : vector<1x54x24xf32> to vector<54x24xf32>
    %swap3A_639 = vector.shape_cast %add3A_633 : vector<54x24xf32> to vector<1x54x24xf32>
    tpu.vector_store %arg8[%swap3A_634, %swap3A_635, %swap3A_636], %swap3A_639 {strides = array<i32>} : memref<128x54x24xf32, #tpu.memory_space<vmem>>, vector<1x54x24xf32>,
    %add3A_640 = arith.addf %dot_general3A_543, %get3A_18 : vector<54x24xf32>
    %swap3A_641 = arith.constant 7 : index
    %swap3A_642 = arith.constant 0 : index
    %swap3A_643 = arith.constant 0 : index
    %swap3A_644 = vector.load %arg8[%swap3A_641, %swap3A_642, %swap3A_643] : memref<128x54x24xf32, #tpu.memory_space<vmem>>, vector<1x54x24xf32>
    %swap3A_645 = vector.shape_cast %swap3A_644 : vector<1x54x24xf32> to vector<54x24xf32>
    %swap3A_646 = vector.shape_cast %add3A_640 : vector<54x24xf32> to vector<1x54x24xf32>
    tpu.vector_store %arg8[%swap3A_641, %swap3A_642, %swap3A_643], %swap3A_646 {strides = array<i32>} : memref<128x54x24xf32, #tpu.memory_space<vmem>>, vector<1x54x24xf32>,
    %add3A_647 = arith.addf %dot_general3A_545, %get3A_18 : vector<54x24xf32>
    %swap3A_648 = arith.constant 8 : index
    %swap3A_649 = arith.constant 0 : index
    %swap3A_650 = arith.constant 0 : index
    %swap3A_651 = vector.load %arg8[%swap3A_648, %swap3A_649, %swap3A_650] : memref<128x54x24xf32, #tpu.memory_space<vmem>>, vector<1x54x24xf32>
    %swap3A_652 = vector.shape_cast %swap3A_651 : vector<1x54x24xf32> to vector<54x24xf32>
    %swap3A_653 = vector.shape_cast %add3A_647 : vector<54x24xf32> to vector<1x54x24xf32>
    tpu.vector_store %arg8[%swap3A_648, %swap3A_649, %swap3A_650], %swap3A_653 {strides = array<i32>} : memref<128x54x24xf32, #tpu.memory_space<vmem>>, vector<1x54x24xf32>,
    %add3A_654 = arith.addf %dot_general3A_547, %get3A_18 : vector<54x24xf32>
    %swap3A_655 = arith.constant 9 : index
    %swap3A_656 = arith.constant 0 : index
    %swap3A_657 = arith.constant 0 : index
    %swap3A_658 = vector.load %arg8[%swap3A_655, %swap3A_656, %swap3A_657] : memref<128x54x24xf32, #tpu.memory_space<vmem>>, vector<1x54x24xf32>
    %swap3A_659 = vector.shape_cast %swap3A_658 : vector<1x54x24xf32> to vector<54x24xf32>
    %swap3A_660 = vector.shape_cast %add3A_654 : vector<54x24xf32> to vector<1x54x24xf32>
    tpu.vector_store %arg8[%swap3A_655, %swap3A_656, %swap3A_657], %swap3A_660 {strides = array<i32>} : memref<128x54x24xf32, #tpu.memory_space<vmem>>, vector<1x54x24xf32>,
    %add3A_661 = arith.addf %dot_general3A_549, %get3A_18 : vector<54x24xf32>
    %swap3A_662 = arith.constant 10 : index
    %swap3A_663 = arith.constant 0 : index
    %swap3A_664 = arith.constant 0 : index
    %swap3A_665 = vector.load %arg8[%swap3A_662, %swap3A_663, %swap3A_664] : memref<128x54x24xf32, #tpu.memory_space<vmem>>, vector<1x54x24xf32>
    %swap3A_666 = vector.shape_cast %swap3A_665 : vector<1x54x24xf32> to vector<54x24xf32>
    %swap3A_667 = vector.shape_cast %add3A_661 : vector<54x24xf32> to vector<1x54x24xf32>
    tpu.vector_store %arg8[%swap3A_662, %swap3A_663, %swap3A_664], %swap3A_667 {strides = array<i32>} : memref<128x54x24xf32, #tpu.memory_space<vmem>>, vector<1x54x24xf32>,
    %add3A_668 = arith.addf %dot_general3A_551, %get3A_18 : vector<54x24xf32>
    %swap3A_669 = arith.constant 11 : index
    %swap3A_670 = arith.constant 0 : index
    %swap3A_671 = arith.constant 0 : index
    %swap3A_672 = vector.load %arg8[%swap3A_669, %swap3A_670, %swap3A_671] : memref<128x54x24xf32, #tpu.memory_space<vmem>>, vector<1x54x24xf32>
    %swap3A_673 = vector.shape_cast %swap3A_672 : vector<1x54x24xf32> to vector<54x24xf32>
    %swap3A_674 = vector.shape_cast %add3A_668 : vector<54x24xf32> to vector<1x54x24xf32>
    tpu.vector_store %arg8[%swap3A_669, %swap3A_670, %swap3A_671], %swap3A_674 {strides = array<i32>} : memref<128x54x24xf32, #tpu.memory_space<vmem>>, vector<1x54x24xf32>,
    %add3A_675 = arith.addf %dot_general3A_553, %get3A_18 : vector<54x24xf32>
    %swap3A_676 = arith.constant 12 : index
    %swap3A_677 = arith.constant 0 : index
    %swap3A_678 = arith.constant 0 : index
    %swap3A_679 = vector.load %arg8[%swap3A_676, %swap3A_677, %swap3A_678] : memref<128x54x24xf32, #tpu.memory_space<vmem>>, vector<1x54x24xf32>
    %swap3A_680 = vector.shape_cast %swap3A_679 : vector<1x54x24xf32> to vector<54x24xf32>
    %swap3A_681 = vector.shape_cast %add3A_675 : vector<54x24xf32> to vector<1x54x24xf32>
    tpu.vector_store %arg8[%swap3A_676, %swap3A_677, %swap3A_678], %swap3A_681 {strides = array<i32>} : memref<128x54x24xf32, #tpu.memory_space<vmem>>, vector<1x54x24xf32>,
    %add3A_682 = arith.addf %dot_general3A_555, %get3A_18 : vector<54x24xf32>
    %swap3A_683 = arith.constant 13 : index
    %swap3A_684 = arith.constant 0 : index
    %swap3A_685 = arith.constant 0 : index
    %swap3A_686 = vector.load %arg8[%swap3A_683, %swap3A_684, %swap3A_685] : memref<128x54x24xf32, #tpu.memory_space<vmem>>, vector<1x54x24xf32>
    %swap3A_687 = vector.shape_cast %swap3A_686 : vector<1x54x24xf32> to vector<54x24xf32>
    %swap3A_688 = vector.shape_cast %add3A_682 : vector<54x24xf32> to vector<1x54x24xf32>
    tpu.vector_store %arg8[%swap3A_683, %swap3A_684, %swap3A_685], %swap3A_688 {strides = array<i32>} : memref<128x54x24xf32, #tpu.memory_space<vmem>>, vector<1x54x24xf32>,
    %add3A_689 = arith.addf %dot_general3A_557, %get3A_18 : vector<54x24xf32>
    %swap3A_690 = arith.constant 14 : index
    %swap3A_691 = arith.constant 0 : index
    %swap3A_692 = arith.constant 0 : index
    %swap3A_693 = vector.load %arg8[%swap3A_690, %swap3A_691, %swap3A_692] : memref<128x54x24xf32, #tpu.memory_space<vmem>>, vector<1x54x24xf32>
    %swap3A_694 = vector.shape_cast %swap3A_693 : vector<1x54x24xf32> to vector<54x24xf32>
    %swap3A_695 = vector.shape_cast %add3A_689 : vector<54x24xf32> to vector<1x54x24xf32>
    tpu.vector_store %arg8[%swap3A_690, %swap3A_691, %swap3A_692], %swap3A_695 {strides = array<i32>} : memref<128x54x24xf32, #tpu.memory_space<vmem>>, vector<1x54x24xf32>,
    %add3A_696 = arith.addf %dot_general3A_559, %get3A_18 : vector<54x24xf32>
    %swap3A_697 = arith.constant 15 : index
    %swap3A_698 = arith.constant 0 : index
    %swap3A_699 = arith.constant 0 : index
    %swap3A_700 = vector.load %arg8[%swap3A_697, %swap3A_698, %swap3A_699] : memref<128x54x24xf32, #tpu.memory_space<vmem>>, vector<1x54x24xf32>
    %swap3A_701 = vector.shape_cast %swap3A_700 : vector<1x54x24xf32> to vector<54x24xf32>
    %swap3A_702 = vector.shape_cast %add3A_696 : vector<54x24xf32> to vector<1x54x24xf32>
    tpu.vector_store %arg8[%swap3A_697, %swap3A_698, %swap3A_699], %swap3A_702 {strides = array<i32>} : memref<128x54x24xf32, #tpu.memory_space<vmem>>, vector<1x54x24xf32>,
    %add3A_703 = arith.addf %dot_general3A_561, %get3A_18 : vector<54x24xf32>
    %swap3A_704 = arith.constant 16 : index
    %swap3A_705 = arith.constant 0 : index
    %swap3A_706 = arith.constant 0 : index
    %swap3A_707 = vector.load %arg8[%swap3A_704, %swap3A_705, %swap3A_706] : memref<128x54x24xf32, #tpu.memory_space<vmem>>, vector<1x54x24xf32>
    %swap3A_708 = vector.shape_cast %swap3A_707 : vector<1x54x24xf32> to vector<54x24xf32>
    %swap3A_709 = vector.shape_cast %add3A_703 : vector<54x24xf32> to vector<1x54x24xf32>
    tpu.vector_store %arg8[%swap3A_704, %swap3A_705, %swap3A_706], %swap3A_709 {strides = array<i32>} : memref<128x54x24xf32, #tpu.memory_space<vmem>>, vector<1x54x24xf32>,
    %add3A_710 = arith.addf %dot_general3A_563, %get3A_18 : vector<54x24xf32>
    %swap3A_711 = arith.constant 17 : index
    %swap3A_712 = arith.constant 0 : index
    %swap3A_713 = arith.constant 0 : index
    %swap3A_714 = vector.load %arg8[%swap3A_711, %swap3A_712, %swap3A_713] : memref<128x54x24xf32, #tpu.memory_space<vmem>>, vector<1x54x24xf32>
    %swap3A_715 = vector.shape_cast %swap3A_714 : vector<1x54x24xf32> to vector<54x24xf32>
    %swap3A_716 = vector.shape_cast %add3A_710 : vector<54x24xf32> to vector<1x54x24xf32>
    tpu.vector_store %arg8[%swap3A_711, %swap3A_712, %swap3A_713], %swap3A_716 {strides = array<i32>} : memref<128x54x24xf32, #tpu.memory_space<vmem>>, vector<1x54x24xf32>,
    %add3A_717 = arith.addf %dot_general3A_565, %get3A_18 : vector<54x24xf32>
    %swap3A_718 = arith.constant 18 : index
    %swap3A_719 = arith.constant 0 : index
    %swap3A_720 = arith.constant 0 : index
    %swap3A_721 = vector.load %arg8[%swap3A_718, %swap3A_719, %swap3A_720] : memref<128x54x24xf32, #tpu.memory_space<vmem>>, vector<1x54x24xf32>
    %swap3A_722 = vector.shape_cast %swap3A_721 : vector<1x54x24xf32> to vector<54x24xf32>
    %swap3A_723 = vector.shape_cast %add3A_717 : vector<54x24xf32> to vector<1x54x24xf32>
    tpu.vector_store %arg8[%swap3A_718, %swap3A_719, %swap3A_720], %swap3A_723 {strides = array<i32>} : memref<128x54x24xf32, #tpu.memory_space<vmem>>, vector<1x54x24xf32>,
    %add3A_724 = arith.addf %dot_general3A_567, %get3A_18 : vector<54x24xf32>
    %swap3A_725 = arith.constant 19 : index
    %swap3A_726 = arith.constant 0 : index
    %swap3A_727 = arith.constant 0 : index
    %swap3A_728 = vector.load %arg8[%swap3A_725, %swap3A_726, %swap3A_727] : memref<128x54x24xf32, #tpu.memory_space<vmem>>, vector<1x54x24xf32>
    %swap3A_729 = vector.shape_cast %swap3A_728 : vector<1x54x24xf32> to vector<54x24xf32>
    %swap3A_730 = vector.shape_cast %add3A_724 : vector<54x24xf32> to vector<1x54x24xf32>
    tpu.vector_store %arg8[%swap3A_725, %swap3A_726, %swap3A_727], %swap3A_730 {strides = array<i32>} : memref<128x54x24xf32, #tpu.memory_space<vmem>>, vector<1x54x24xf32>,
    %add3A_731 = arith.addf %dot_general3A_569, %get3A_18 : vector<54x24xf32>
    %swap3A_732 = arith.constant 20 : index
    %swap3A_733 = arith.constant 0 : index
    %swap3A_734 = arith.constant 0 : index
    %swap3A_735 = vector.load %arg8[%swap3A_732, %swap3A_733, %swap3A_734] : memref<128x54x24xf32, #tpu.memory_space<vmem>>, vector<1x54x24xf32>
    %swap3A_736 = vector.shape_cast %swap3A_735 : vector<1x54x24xf32> to vector<54x24xf32>
    %swap3A_737 = vector.shape_cast %add3A_731 : vector<54x24xf32> to vector<1x54x24xf32>
    tpu.vector_store %arg8[%swap3A_732, %swap3A_733, %swap3A_734], %swap3A_737 {strides = array<i32>} : memref<128x54x24xf32, #tpu.memory_space<vmem>>, vector<1x54x24xf32>,
    %add3A_738 = arith.addf %dot_general3A_571, %get3A_18 : vector<54x24xf32>
    %swap3A_739 = arith.constant 21 : index
    %swap3A_740 = arith.constant 0 : index
    %swap3A_741 = arith.constant 0 : index
    %swap3A_742 = vector.load %arg8[%swap3A_739, %swap3A_740, %swap3A_741] : memref<128x54x24xf32, #tpu.memory_space<vmem>>, vector<1x54x24xf32>
    %swap3A_743 = vector.shape_cast %swap3A_742 : vector<1x54x24xf32> to vector<54x24xf32>
    %swap3A_744 = vector.shape_cast %add3A_738 : vector<54x24xf32> to vector<1x54x24xf32>
    tpu.vector_store %arg8[%swap3A_739, %swap3A_740, %swap3A_741], %swap3A_744 {strides = array<i32>} : memref<128x54x24xf32, #tpu.memory_space<vmem>>, vector<1x54x24xf32>,
    %add3A_745 = arith.addf %dot_general3A_573, %get3A_18 : vector<54x24xf32>
    %swap3A_746 = arith.constant 22 : index
    %swap3A_747 = arith.constant 0 : index
    %swap3A_748 = arith.constant 0 : index
    %swap3A_749 = vector.load %arg8[%swap3A_746, %swap3A_747, %swap3A_748] : memref<128x54x24xf32, #tpu.memory_space<vmem>>, vector<1x54x24xf32>
    %swap3A_750 = vector.shape_cast %swap3A_749 : vector<1x54x24xf32> to vector<54x24xf32>
    %swap3A_751 = vector.shape_cast %add3A_745 : vector<54x24xf32> to vector<1x54x24xf32>
    tpu.vector_store %arg8[%swap3A_746, %swap3A_747, %swap3A_748], %swap3A_751 {strides = array<i32>} : memref<128x54x24xf32, #tpu.memory_space<vmem>>, vector<1x54x24xf32>,
    %add3A_752 = arith.addf %dot_general3A_575, %get3A_18 : vector<54x24xf32>
    %swap3A_753 = arith.constant 23 : index
    %swap3A_754 = arith.constant 0 : index
    %swap3A_755 = arith.constant 0 : index
    %swap3A_756 = vector.load %arg8[%swap3A_753, %swap3A_754, %swap3A_755] : memref<128x54x24xf32, #tpu.memory_space<vmem>>, vector<1x54x24xf32>
    %swap3A_757 = vector.shape_cast %swap3A_756 : vector<1x54x24xf32> to vector<54x24xf32>
    %swap3A_758 = vector.shape_cast %add3A_752 : vector<54x24xf32> to vector<1x54x24xf32>
    tpu.vector_store %arg8[%swap3A_753, %swap3A_754, %swap3A_755], %swap3A_758 {strides = array<i32>} : memref<128x54x24xf32, #tpu.memory_space<vmem>>, vector<1x54x24xf32>,
    %add3A_759 = arith.addf %dot_general3A_577, %get3A_18 : vector<54x24xf32>
    %swap3A_760 = arith.constant 24 : index
    %swap3A_761 = arith.constant 0 : index
    %swap3A_762 = arith.constant 0 : index
    %swap3A_763 = vector.load %arg8[%swap3A_760, %swap3A_761, %swap3A_762] : memref<128x54x24xf32, #tpu.memory_space<vmem>>, vector<1x54x24xf32>
    %swap3A_764 = vector.shape_cast %swap3A_763 : vector<1x54x24xf32> to vector<54x24xf32>
    %swap3A_765 = vector.shape_cast %add3A_759 : vector<54x24xf32> to vector<1x54x24xf32>
    tpu.vector_store %arg8[%swap3A_760, %swap3A_761, %swap3A_762], %swap3A_765 {strides = array<i32>} : memref<128x54x24xf32, #tpu.memory_space<vmem>>, vector<1x54x24xf32>,
    %add3A_766 = arith.addf %dot_general3A_579, %get3A_18 : vector<54x24xf32>
    %swap3A_767 = arith.constant 25 : index
    %swap3A_768 = arith.constant 0 : index
    %swap3A_769 = arith.constant 0 : index
    %swap3A_770 = vector.load %arg8[%swap3A_767, %swap3A_768, %swap3A_769] : memref<128x54x24xf32, #tpu.memory_space<vmem>>, vector<1x54x24xf32>
    %swap3A_771 = vector.shape_cast %swap3A_770 : vector<1x54x24xf32> to vector<54x24xf32>
    %swap3A_772 = vector.shape_cast %add3A_766 : vector<54x24xf32> to vector<1x54x24xf32>
    tpu.vector_store %arg8[%swap3A_767, %swap3A_768, %swap3A_769], %swap3A_772 {strides = array<i32>} : memref<128x54x24xf32, #tpu.memory_space<vmem>>, vector<1x54x24xf32>,
    %add3A_773 = arith.addf %dot_general3A_581, %get3A_18 : vector<54x24xf32>
    %swap3A_774 = arith.constant 26 : index
    %swap3A_775 = arith.constant 0 : index
    %swap3A_776 = arith.constant 0 : index
    %swap3A_777 = vector.load %arg8[%swap3A_774, %swap3A_775, %swap3A_776] : memref<128x54x24xf32, #tpu.memory_space<vmem>>, vector<1x54x24xf32>
    %swap3A_778 = vector.shape_cast %swap3A_777 : vector<1x54x24xf32> to vector<54x24xf32>
    %swap3A_779 = vector.shape_cast %add3A_773 : vector<54x24xf32> to vector<1x54x24xf32>
    tpu.vector_store %arg8[%swap3A_774, %swap3A_775, %swap3A_776], %swap3A_779 {strides = array<i32>} : memref<128x54x24xf32, #tpu.memory_space<vmem>>, vector<1x54x24xf32>,
    %add3A_780 = arith.addf %dot_general3A_583, %get3A_18 : vector<54x24xf32>
    %swap3A_781 = arith.constant 27 : index
    %swap3A_782 = arith.constant 0 : index
    %swap3A_783 = arith.constant 0 : index
    %swap3A_784 = vector.load %arg8[%swap3A_781, %swap3A_782, %swap3A_783] : memref<128x54x24xf32, #tpu.memory_space<vmem>>, vector<1x54x24xf32>
    %swap3A_785 = vector.shape_cast %swap3A_784 : vector<1x54x24xf32> to vector<54x24xf32>
    %swap3A_786 = vector.shape_cast %add3A_780 : vector<54x24xf32> to vector<1x54x24xf32>
    tpu.vector_store %arg8[%swap3A_781, %swap3A_782, %swap3A_783], %swap3A_786 {strides = array<i32>} : memref<128x54x24xf32, #tpu.memory_space<vmem>>, vector<1x54x24xf32>,
    %add3A_787 = arith.addf %dot_general3A_585, %get3A_18 : vector<54x24xf32>
    %swap3A_788 = arith.constant 28 : index
    %swap3A_789 = arith.constant 0 : index
    %swap3A_790 = arith.constant 0 : index
    %swap3A_791 = vector.load %arg8[%swap3A_788, %swap3A_789, %swap3A_790] : memref<128x54x24xf32, #tpu.memory_space<vmem>>, vector<1x54x24xf32>
    %swap3A_792 = vector.shape_cast %swap3A_791 : vector<1x54x24xf32> to vector<54x24xf32>
    %swap3A_793 = vector.shape_cast %add3A_787 : vector<54x24xf32> to vector<1x54x24xf32>
    tpu.vector_store %arg8[%swap3A_788, %swap3A_789, %swap3A_790], %swap3A_793 {strides = array<i32>} : memref<128x54x24xf32, #tpu.memory_space<vmem>>, vector<1x54x24xf32>,
    %add3A_794 = arith.addf %dot_general3A_587, %get3A_18 : vector<54x24xf32>
    %swap3A_795 = arith.constant 29 : index
    %swap3A_796 = arith.constant 0 : index
    %swap3A_797 = arith.constant 0 : index
    %swap3A_798 = vector.load %arg8[%swap3A_795, %swap3A_796, %swap3A_797] : memref<128x54x24xf32, #tpu.memory_space<vmem>>, vector<1x54x24xf32>
    %swap3A_799 = vector.shape_cast %swap3A_798 : vector<1x54x24xf32> to vector<54x24xf32>
    %swap3A_800 = vector.shape_cast %add3A_794 : vector<54x24xf32> to vector<1x54x24xf32>
    tpu.vector_store %arg8[%swap3A_795, %swap3A_796, %swap3A_797], %swap3A_800 {strides = array<i32>} : memref<128x54x24xf32, #tpu.memory_space<vmem>>, vector<1x54x24xf32>,
    %add3A_801 = arith.addf %dot_general3A_589, %get3A_18 : vector<54x24xf32>
    %swap3A_802 = arith.constant 30 : index
    %swap3A_803 = arith.constant 0 : index
    %swap3A_804 = arith.constant 0 : index
    %swap3A_805 = vector.load %arg8[%swap3A_802, %swap3A_803, %swap3A_804] : memref<128x54x24xf32, #tpu.memory_space<vmem>>, vector<1x54x24xf32>
    %swap3A_806 = vector.shape_cast %swap3A_805 : vector<1x54x24xf32> to vector<54x24xf32>
    %swap3A_807 = vector.shape_cast %add3A_801 : vector<54x24xf32> to vector<1x54x24xf32>
    tpu.vector_store %arg8[%swap3A_802, %swap3A_803, %swap3A_804], %swap3A_807 {strides = array<i32>} : memref<128x54x24xf32, #tpu.memory_space<vmem>>, vector<1x54x24xf32>,
    %add3A_808 = arith.addf %dot_general3A_591, %get3A_18 : vector<54x24xf32>
    %swap3A_809 = arith.constant 31 : index
    %swap3A_810 = arith.constant 0 : index
    %swap3A_811 = arith.constant 0 : index
    %swap3A_812 = vector.load %arg8[%swap3A_809, %swap3A_810, %swap3A_811] : memref<128x54x24xf32, #tpu.memory_space<vmem>>, vector<1x54x24xf32>
    %swap3A_813 = vector.shape_cast %swap3A_812 : vector<1x54x24xf32> to vector<54x24xf32>
    %swap3A_814 = vector.shape_cast %add3A_808 : vector<54x24xf32> to vector<1x54x24xf32>
    tpu.vector_store %arg8[%swap3A_809, %swap3A_810, %swap3A_811], %swap3A_814 {strides = array<i32>} : memref<128x54x24xf32, #tpu.memory_space<vmem>>, vector<1x54x24xf32>,
    %get3A_815 = arith.constant 32 : index
    %get3A_816 = arith.constant 0 : index
    %get3A_817 = arith.constant 0 : index
    %get3A_818 = vector.load %arg1[%get3A_815, %get3A_816, %get3A_817] : memref<128x128x118xf32, #tpu.memory_space<vmem>>, vector<1x128x118xf32>
    %get3A_819 = vector.shape_cast %get3A_818 : vector<1x128x118xf32> to vector<128x118xf32>
    %dot_general3A_820 = arith.constant dense<0.000000e+00> : vector<64x118xf32>
    %dot_general3A_821 = tpu.matmul %get3A_9, %get3A_819, %dot_general3A_820 {dimension_numbers = #tpu.dot_dimension_numbers<[0], [0], [1], [1], [0, 1, 1, 1], [], []>, transpose_lhs_hint = false} : vector<128x64xf32>, vector<128x118xf32>, vector<64x118xf32> -> vector<64x118xf32>
    %get3A_822 = arith.constant 33 : index
    %get3A_823 = arith.constant 0 : index
    %get3A_824 = arith.constant 0 : index
    %get3A_825 = vector.load %arg1[%get3A_822, %get3A_823, %get3A_824] : memref<128x128x118xf32, #tpu.memory_space<vmem>>, vector<1x128x118xf32>
    %get3A_826 = vector.shape_cast %get3A_825 : vector<1x128x118xf32> to vector<128x118xf32>
    %dot_general3A_827 = arith.constant dense<0.000000e+00> : vector<64x118xf32>
    %dot_general3A_828 = tpu.matmul %get3A_9, %get3A_826, %dot_general3A_827 {dimension_numbers = #tpu.dot_dimension_numbers<[0], [0], [1], [1], [0, 1, 1, 1], [], []>, transpose_lhs_hint = false} : vector<128x64xf32>, vector<128x118xf32>, vector<64x118xf32> -> vector<64x118xf32>
    %get3A_829 = arith.constant 34 : index
    %get3A_830 = arith.constant 0 : index
    %get3A_831 = arith.constant 0 : index
    %get3A_832 = vector.load %arg1[%get3A_829, %get3A_830, %get3A_831] : memref<128x128x118xf32, #tpu.memory_space<vmem>>, vector<1x128x118xf32>
    %get3A_833 = vector.shape_cast %get3A_832 : vector<1x128x118xf32> to vector<128x118xf32>
    %dot_general3A_834 = arith.constant dense<0.000000e+00> : vector<64x118xf32>
    %dot_general3A_835 = tpu.matmul %get3A_9, %get3A_833, %dot_general3A_834 {dimension_numbers = #tpu.dot_dimension_numbers<[0], [0], [1], [1], [0, 1, 1, 1], [], []>, transpose_lhs_hint = false} : vector<128x64xf32>, vector<128x118xf32>, vector<64x118xf32> -> vector<64x118xf32>
    %get3A_836 = arith.constant 35 : index
    %get3A_837 = arith.constant 0 : index
    %get3A_838 = arith.constant 0 : index
    %get3A_839 = vector.load %arg1[%get3A_836, %get3A_837, %get3A_838] : memref<128x128x118xf32, #tpu.memory_space<vmem>>, vector<1x128x118xf32>
    %get3A_840 = vector.shape_cast %get3A_839 : vector<1x128x118xf32> to vector<128x118xf32>
    %dot_general3A_841 = arith.constant dense<0.000000e+00> : vector<64x118xf32>
    %dot_general3A_842 = tpu.matmul %get3A_9, %get3A_840, %dot_general3A_841 {dimension_numbers = #tpu.dot_dimension_numbers<[0], [0], [1], [1], [0, 1, 1, 1], [], []>, transpose_lhs_hint = false} : vector<128x64xf32>, vector<128x118xf32>, vector<64x118xf32> -> vector<64x118xf32>
    %get3A_843 = arith.constant 36 : index
    %get3A_844 = arith.constant 0 : index
    %get3A_845 = arith.constant 0 : index
    %get3A_846 = vector.load %arg1[%get3A_843, %get3A_844, %get3A_845] : memref<128x128x118xf32, #tpu.memory_space<vmem>>, vector<1x128x118xf32>
    %get3A_847 = vector.shape_cast %get3A_846 : vector<1x128x118xf32> to vector<128x118xf32>
    %dot_general3A_848 = arith.constant dense<0.000000e+00> : vector<64x118xf32>
    %dot_general3A_849 = tpu.matmul %get3A_9, %get3A_847, %dot_general3A_848 {dimension_numbers = #tpu.dot_dimension_numbers<[0], [0], [1], [1], [0, 1, 1, 1], [], []>, transpose_lhs_hint = false} : vector<128x64xf32>, vector<128x118xf32>, vector<64x118xf32> -> vector<64x118xf32>
    %get3A_850 = arith.constant 37 : index
    %get3A_851 = arith.constant 0 : index
    %get3A_852 = arith.constant 0 : index
    %get3A_853 = vector.load %arg1[%get3A_850, %get3A_851, %get3A_852] : memref<128x128x118xf32, #tpu.memory_space<vmem>>, vector<1x128x118xf32>
    %get3A_854 = vector.shape_cast %get3A_853 : vector<1x128x118xf32> to vector<128x118xf32>
    %dot_general3A_855 = arith.constant dense<0.000000e+00> : vector<64x118xf32>
    %dot_general3A_856 = tpu.matmul %get3A_9, %get3A_854, %dot_general3A_855 {dimension_numbers = #tpu.dot_dimension_numbers<[0], [0], [1], [1], [0, 1, 1, 1], [], []>, transpose_lhs_hint = false} : vector<128x64xf32>, vector<128x118xf32>, vector<64x118xf32> -> vector<64x118xf32>
    %get3A_857 = arith.constant 38 : index
    %get3A_858 = arith.constant 0 : index
    %get3A_859 = arith.constant 0 : index
    %get3A_860 = vector.load %arg1[%get3A_857, %get3A_858, %get3A_859] : memref<128x128x118xf32, #tpu.memory_space<vmem>>, vector<1x128x118xf32>
    %get3A_861 = vector.shape_cast %get3A_860 : vector<1x128x118xf32> to vector<128x118xf32>
    %dot_general3A_862 = arith.constant dense<0.000000e+00> : vector<64x118xf32>
    %dot_general3A_863 = tpu.matmul %get3A_9, %get3A_861, %dot_general3A_862 {dimension_numbers = #tpu.dot_dimension_numbers<[0], [0], [1], [1], [0, 1, 1, 1], [], []>, transpose_lhs_hint = false} : vector<128x64xf32>, vector<128x118xf32>, vector<64x118xf32> -> vector<64x118xf32>
    %get3A_864 = arith.constant 39 : index
    %get3A_865 = arith.constant 0 : index
    %get3A_866 = arith.constant 0 : index
    %get3A_867 = vector.load %arg1[%get3A_864, %get3A_865, %get3A_866] : memref<128x128x118xf32, #tpu.memory_space<vmem>>, vector<1x128x118xf32>
    %get3A_868 = vector.shape_cast %get3A_867 : vector<1x128x118xf32> to vector<128x118xf32>
    %dot_general3A_869 = arith.constant dense<0.000000e+00> : vector<64x118xf32>
    %dot_general3A_870 = tpu.matmul %get3A_9, %get3A_868, %dot_general3A_869 {dimension_numbers = #tpu.dot_dimension_numbers<[0], [0], [1], [1], [0, 1, 1, 1], [], []>, transpose_lhs_hint = false} : vector<128x64xf32>, vector<128x118xf32>, vector<64x118xf32> -> vector<64x118xf32>
    %get3A_871 = arith.constant 40 : index
    %get3A_872 = arith.constant 0 : index
    %get3A_873 = arith.constant 0 : index
    %get3A_874 = vector.load %arg1[%get3A_871, %get3A_872, %get3A_873] : memref<128x128x118xf32, #tpu.memory_space<vmem>>, vector<1x128x118xf32>
    %get3A_875 = vector.shape_cast %get3A_874 : vector<1x128x118xf32> to vector<128x118xf32>
    %dot_general3A_876 = arith.constant dense<0.000000e+00> : vector<64x118xf32>
    %dot_general3A_877 = tpu.matmul %get3A_9, %get3A_875, %dot_general3A_876 {dimension_numbers = #tpu.dot_dimension_numbers<[0], [0], [1], [1], [0, 1, 1, 1], [], []>, transpose_lhs_hint = false} : vector<128x64xf32>, vector<128x118xf32>, vector<64x118xf32> -> vector<64x118xf32>
    %get3A_878 = arith.constant 41 : index
    %get3A_879 = arith.constant 0 : index
    %get3A_880 = arith.constant 0 : index
    %get3A_881 = vector.load %arg1[%get3A_878, %get3A_879, %get3A_880] : memref<128x128x118xf32, #tpu.memory_space<vmem>>, vector<1x128x118xf32>
    %get3A_882 = vector.shape_cast %get3A_881 : vector<1x128x118xf32> to vector<128x118xf32>
    %dot_general3A_883 = arith.constant dense<0.000000e+00> : vector<64x118xf32>
    %dot_general3A_884 = tpu.matmul %get3A_9, %get3A_882, %dot_general3A_883 {dimension_numbers = #tpu.dot_dimension_numbers<[0], [0], [1], [1], [0, 1, 1, 1], [], []>, transpose_lhs_hint = false} : vector<128x64xf32>, vector<128x118xf32>, vector<64x118xf32> -> vector<64x118xf32>
    %get3A_885 = arith.constant 42 : index
    %get3A_886 = arith.constant 0 : index
    %get3A_887 = arith.constant 0 : index
    %get3A_888 = vector.load %arg1[%get3A_885, %get3A_886, %get3A_887] : memref<128x128x118xf32, #tpu.memory_space<vmem>>, vector<1x128x118xf32>
    %get3A_889 = vector.shape_cast %get3A_888 : vector<1x128x118xf32> to vector<128x118xf32>
    %dot_general3A_890 = arith.constant dense<0.000000e+00> : vector<64x118xf32>
    %dot_general3A_891 = tpu.matmul %get3A_9, %get3A_889, %dot_general3A_890 {dimension_numbers = #tpu.dot_dimension_numbers<[0], [0], [1], [1], [0, 1, 1, 1], [], []>, transpose_lhs_hint = false} : vector<128x64xf32>, vector<128x118xf32>, vector<64x118xf32> -> vector<64x118xf32>
    %get3A_892 = arith.constant 43 : index
    %get3A_893 = arith.constant 0 : index
    %get3A_894 = arith.constant 0 : index
    %get3A_895 = vector.load %arg1[%get3A_892, %get3A_893, %get3A_894] : memref<128x128x118xf32, #tpu.memory_space<vmem>>, vector<1x128x118xf32>
    %get3A_896 = vector.shape_cast %get3A_895 : vector<1x128x118xf32> to vector<128x118xf32>
    %dot_general3A_897 = arith.constant dense<0.000000e+00> : vector<64x118xf32>
    %dot_general3A_898 = tpu.matmul %get3A_9, %get3A_896, %dot_general3A_897 {dimension_numbers = #tpu.dot_dimension_numbers<[0], [0], [1], [1], [0, 1, 1, 1], [], []>, transpose_lhs_hint = false} : vector<128x64xf32>, vector<128x118xf32>, vector<64x118xf32> -> vector<64x118xf32>
    %get3A_899 = arith.constant 44 : index
    %get3A_900 = arith.constant 0 : index
    %get3A_901 = arith.constant 0 : index
    %get3A_902 = vector.load %arg1[%get3A_899, %get3A_900, %get3A_901] : memref<128x128x118xf32, #tpu.memory_space<vmem>>, vector<1x128x118xf32>
    %get3A_903 = vector.shape_cast %get3A_902 : vector<1x128x118xf32> to vector<128x118xf32>
    %dot_general3A_904 = arith.constant dense<0.000000e+00> : vector<64x118xf32>
    %dot_general3A_905 = tpu.matmul %get3A_9, %get3A_903, %dot_general3A_904 {dimension_numbers = #tpu.dot_dimension_numbers<[0], [0], [1], [1], [0, 1, 1, 1], [], []>, transpose_lhs_hint = false} : vector<128x64xf32>, vector<128x118xf32>, vector<64x118xf32> -> vector<64x118xf32>
    %get3A_906 = arith.constant 45 : index
    %get3A_907 = arith.constant 0 : index
    %get3A_908 = arith.constant 0 : index
    %get3A_909 = vector.load %arg1[%get3A_906, %get3A_907, %get3A_908] : memref<128x128x118xf32, #tpu.memory_space<vmem>>, vector<1x128x118xf32>
    %get3A_910 = vector.shape_cast %get3A_909 : vector<1x128x118xf32> to vector<128x118xf32>
    %dot_general3A_911 = arith.constant dense<0.000000e+00> : vector<64x118xf32>
    %dot_general3A_912 = tpu.matmul %get3A_9, %get3A_910, %dot_general3A_911 {dimension_numbers = #tpu.dot_dimension_numbers<[0], [0], [1], [1], [0, 1, 1, 1], [], []>, transpose_lhs_hint = false} : vector<128x64xf32>, vector<128x118xf32>, vector<64x118xf32> -> vector<64x118xf32>
    %get3A_913 = arith.constant 46 : index
    %get3A_914 = arith.constant 0 : index
    %get3A_915 = arith.constant 0 : index
    %get3A_916 = vector.load %arg1[%get3A_913, %get3A_914, %get3A_915] : memref<128x128x118xf32, #tpu.memory_space<vmem>>, vector<1x128x118xf32>
    %get3A_917 = vector.shape_cast %get3A_916 : vector<1x128x118xf32> to vector<128x118xf32>
    %dot_general3A_918 = arith.constant dense<0.000000e+00> : vector<64x118xf32>
    %dot_general3A_919 = tpu.matmul %get3A_9, %get3A_917, %dot_general3A_918 {dimension_numbers = #tpu.dot_dimension_numbers<[0], [0], [1], [1], [0, 1, 1, 1], [], []>, transpose_lhs_hint = false} : vector<128x64xf32>, vector<128x118xf32>, vector<64x118xf32> -> vector<64x118xf32>
    %get3A_920 = arith.constant 47 : index
    %get3A_921 = arith.constant 0 : index
    %get3A_922 = arith.constant 0 : index
    %get3A_923 = vector.load %arg1[%get3A_920, %get3A_921, %get3A_922] : memref<128x128x118xf32, #tpu.memory_space<vmem>>, vector<1x128x118xf32>
    %get3A_924 = vector.shape_cast %get3A_923 : vector<1x128x118xf32> to vector<128x118xf32>
    %dot_general3A_925 = arith.constant dense<0.000000e+00> : vector<64x118xf32>
    %dot_general3A_926 = tpu.matmul %get3A_9, %get3A_924, %dot_general3A_925 {dimension_numbers = #tpu.dot_dimension_numbers<[0], [0], [1], [1], [0, 1, 1, 1], [], []>, transpose_lhs_hint = false} : vector<128x64xf32>, vector<128x118xf32>, vector<64x118xf32> -> vector<64x118xf32>
    %get3A_927 = arith.constant 48 : index
    %get3A_928 = arith.constant 0 : index
    %get3A_929 = arith.constant 0 : index
    %get3A_930 = vector.load %arg1[%get3A_927, %get3A_928, %get3A_929] : memref<128x128x118xf32, #tpu.memory_space<vmem>>, vector<1x128x118xf32>
    %get3A_931 = vector.shape_cast %get3A_930 : vector<1x128x118xf32> to vector<128x118xf32>
    %dot_general3A_932 = arith.constant dense<0.000000e+00> : vector<64x118xf32>
    %dot_general3A_933 = tpu.matmul %get3A_9, %get3A_931, %dot_general3A_932 {dimension_numbers = #tpu.dot_dimension_numbers<[0], [0], [1], [1], [0, 1, 1, 1], [], []>, transpose_lhs_hint = false} : vector<128x64xf32>, vector<128x118xf32>, vector<64x118xf32> -> vector<64x118xf32>
    %get3A_934 = arith.constant 49 : index
    %get3A_935 = arith.constant 0 : index
    %get3A_936 = arith.constant 0 : index
    %get3A_937 = vector.load %arg1[%get3A_934, %get3A_935, %get3A_936] : memref<128x128x118xf32, #tpu.memory_space<vmem>>, vector<1x128x118xf32>
    %get3A_938 = vector.shape_cast %get3A_937 : vector<1x128x118xf32> to vector<128x118xf32>
    %dot_general3A_939 = arith.constant dense<0.000000e+00> : vector<64x118xf32>
    %dot_general3A_940 = tpu.matmul %get3A_9, %get3A_938, %dot_general3A_939 {dimension_numbers = #tpu.dot_dimension_numbers<[0], [0], [1], [1], [0, 1, 1, 1], [], []>, transpose_lhs_hint = false} : vector<128x64xf32>, vector<128x118xf32>, vector<64x118xf32> -> vector<64x118xf32>
    %get3A_941 = arith.constant 50 : index
    %get3A_942 = arith.constant 0 : index
    %get3A_943 = arith.constant 0 : index
    %get3A_944 = vector.load %arg1[%get3A_941, %get3A_942, %get3A_943] : memref<128x128x118xf32, #tpu.memory_space<vmem>>, vector<1x128x118xf32>
    %get3A_945 = vector.shape_cast %get3A_944 : vector<1x128x118xf32> to vector<128x118xf32>
    %dot_general3A_946 = arith.constant dense<0.000000e+00> : vector<64x118xf32>
    %dot_general3A_947 = tpu.matmul %get3A_9, %get3A_945, %dot_general3A_946 {dimension_numbers = #tpu.dot_dimension_numbers<[0], [0], [1], [1], [0, 1, 1, 1], [], []>, transpose_lhs_hint = false} : vector<128x64xf32>, vector<128x118xf32>, vector<64x118xf32> -> vector<64x118xf32>
    %get3A_948 = arith.constant 51 : index
    %get3A_949 = arith.constant 0 : index
    %get3A_950 = arith.constant 0 : index
    %get3A_951 = vector.load %arg1[%get3A_948, %get3A_949, %get3A_950] : memref<128x128x118xf32, #tpu.memory_space<vmem>>, vector<1x128x118xf32>
    %get3A_952 = vector.shape_cast %get3A_951 : vector<1x128x118xf32> to vector<128x118xf32>
    %dot_general3A_953 = arith.constant dense<0.000000e+00> : vector<64x118xf32>
    %dot_general3A_954 = tpu.matmul %get3A_9, %get3A_952, %dot_general3A_953 {dimension_numbers = #tpu.dot_dimension_numbers<[0], [0], [1], [1], [0, 1, 1, 1], [], []>, transpose_lhs_hint = false} : vector<128x64xf32>, vector<128x118xf32>, vector<64x118xf32> -> vector<64x118xf32>
    %get3A_955 = arith.constant 52 : index
    %get3A_956 = arith.constant 0 : index
    %get3A_957 = arith.constant 0 : index
    %get3A_958 = vector.load %arg1[%get3A_955, %get3A_956, %get3A_957] : memref<128x128x118xf32, #tpu.memory_space<vmem>>, vector<1x128x118xf32>
    %get3A_959 = vector.shape_cast %get3A_958 : vector<1x128x118xf32> to vector<128x118xf32>
    %dot_general3A_960 = arith.constant dense<0.000000e+00> : vector<64x118xf32>
    %dot_general3A_961 = tpu.matmul %get3A_9, %get3A_959, %dot_general3A_960 {dimension_numbers = #tpu.dot_dimension_numbers<[0], [0], [1], [1], [0, 1, 1, 1], [], []>, transpose_lhs_hint = false} : vector<128x64xf32>, vector<128x118xf32>, vector<64x118xf32> -> vector<64x118xf32>
    %get3A_962 = arith.constant 53 : index
    %get3A_963 = arith.constant 0 : index
    %get3A_964 = arith.constant 0 : index
    %get3A_965 = vector.load %arg1[%get3A_962, %get3A_963, %get3A_964] : memref<128x128x118xf32, #tpu.memory_space<vmem>>, vector<1x128x118xf32>
    %get3A_966 = vector.shape_cast %get3A_965 : vector<1x128x118xf32> to vector<128x118xf32>
    %dot_general3A_967 = arith.constant dense<0.000000e+00> : vector<64x118xf32>
    %dot_general3A_968 = tpu.matmul %get3A_9, %get3A_966, %dot_general3A_967 {dimension_numbers = #tpu.dot_dimension_numbers<[0], [0], [1], [1], [0, 1, 1, 1], [], []>, transpose_lhs_hint = false} : vector<128x64xf32>, vector<128x118xf32>, vector<64x118xf32> -> vector<64x118xf32>
    %get3A_969 = arith.constant 54 : index
    %get3A_970 = arith.constant 0 : index
    %get3A_971 = arith.constant 0 : index
    %get3A_972 = vector.load %arg1[%get3A_969, %get3A_970, %get3A_971] : memref<128x128x118xf32, #tpu.memory_space<vmem>>, vector<1x128x118xf32>
    %get3A_973 = vector.shape_cast %get3A_972 : vector<1x128x118xf32> to vector<128x118xf32>
    %dot_general3A_974 = arith.constant dense<0.000000e+00> : vector<64x118xf32>
    %dot_general3A_975 = tpu.matmul %get3A_9, %get3A_973, %dot_general3A_974 {dimension_numbers = #tpu.dot_dimension_numbers<[0], [0], [1], [1], [0, 1, 1, 1], [], []>, transpose_lhs_hint = false} : vector<128x64xf32>, vector<128x118xf32>, vector<64x118xf32> -> vector<64x118xf32>
    %get3A_976 = arith.constant 55 : index
    %get3A_977 = arith.constant 0 : index
    %get3A_978 = arith.constant 0 : index
    %get3A_979 = vector.load %arg1[%get3A_976, %get3A_977, %get3A_978] : memref<128x128x118xf32, #tpu.memory_space<vmem>>, vector<1x128x118xf32>
    %get3A_980 = vector.shape_cast %get3A_979 : vector<1x128x118xf32> to vector<128x118xf32>
    %dot_general3A_981 = arith.constant dense<0.000000e+00> : vector<64x118xf32>
    %dot_general3A_982 = tpu.matmul %get3A_9, %get3A_980, %dot_general3A_981 {dimension_numbers = #tpu.dot_dimension_numbers<[0], [0], [1], [1], [0, 1, 1, 1], [], []>, transpose_lhs_hint = false} : vector<128x64xf32>, vector<128x118xf32>, vector<64x118xf32> -> vector<64x118xf32>
    %get3A_983 = arith.constant 56 : index
    %get3A_984 = arith.constant 0 : index
    %get3A_985 = arith.constant 0 : index
    %get3A_986 = vector.load %arg1[%get3A_983, %get3A_984, %get3A_985] : memref<128x128x118xf32, #tpu.memory_space<vmem>>, vector<1x128x118xf32>
    %get3A_987 = vector.shape_cast %get3A_986 : vector<1x128x118xf32> to vector<128x118xf32>
    %dot_general3A_988 = arith.constant dense<0.000000e+00> : vector<64x118xf32>
    %dot_general3A_989 = tpu.matmul %get3A_9, %get3A_987, %dot_general3A_988 {dimension_numbers = #tpu.dot_dimension_numbers<[0], [0], [1], [1], [0, 1, 1, 1], [], []>, transpose_lhs_hint = false} : vector<128x64xf32>, vector<128x118xf32>, vector<64x118xf32> -> vector<64x118xf32>
    %get3A_990 = arith.constant 57 : index
    %get3A_991 = arith.constant 0 : index
    %get3A_992 = arith.constant 0 : index
    %get3A_993 = vector.load %arg1[%get3A_990, %get3A_991, %get3A_992] : memref<128x128x118xf32, #tpu.memory_space<vmem>>, vector<1x128x118xf32>
    %get3A_994 = vector.shape_cast %get3A_993 : vector<1x128x118xf32> to vector<128x118xf32>
    %dot_general3A_995 = arith.constant dense<0.000000e+00> : vector<64x118xf32>
    %dot_general3A_996 = tpu.matmul %get3A_9, %get3A_994, %dot_general3A_995 {dimension_numbers = #tpu.dot_dimension_numbers<[0], [0], [1], [1], [0, 1, 1, 1], [], []>, transpose_lhs_hint = false} : vector<128x64xf32>, vector<128x118xf32>, vector<64x118xf32> -> vector<64x118xf32>
    %get3A_997 = arith.constant 58 : index
    %get3A_998 = arith.constant 0 : index
    %get3A_999 = arith.constant 0 : index
    %get3A_1000 = vector.load %arg1[%get3A_997, %get3A_998, %get3A_999] : memref<128x128x118xf32, #tpu.memory_space<vmem>>, vector<1x128x118xf32>
    %get3A_1001 = vector.shape_cast %get3A_1000 : vector<1x128x118xf32> to vector<128x118xf32>
    %dot_general3A_1002 = arith.constant dense<0.000000e+00> : vector<64x118xf32>
    %dot_general3A_1003 = tpu.matmul %get3A_9, %get3A_1001, %dot_general3A_1002 {dimension_numbers = #tpu.dot_dimension_numbers<[0], [0], [1], [1], [0, 1, 1, 1], [], []>, transpose_lhs_hint = false} : vector<128x64xf32>, vector<128x118xf32>, vector<64x118xf32> -> vector<64x118xf32>
    %get3A_1004 = arith.constant 59 : index
    %get3A_1005 = arith.constant 0 : index
    %get3A_1006 = arith.constant 0 : index
    %get3A_1007 = vector.load %arg1[%get3A_1004, %get3A_1005, %get3A_1006] : memref<128x128x118xf32, #tpu.memory_space<vmem>>, vector<1x128x118xf32>
    %get3A_1008 = vector.shape_cast %get3A_1007 : vector<1x128x118xf32> to vector<128x118xf32>
    %dot_general3A_1009 = arith.constant dense<0.000000e+00> : vector<64x118xf32>
    %dot_general3A_1010 = tpu.matmul %get3A_9, %get3A_1008, %dot_general3A_1009 {dimension_numbers = #tpu.dot_dimension_numbers<[0], [0], [1], [1], [0, 1, 1, 1], [], []>, transpose_lhs_hint = false} : vector<128x64xf32>, vector<128x118xf32>, vector<64x118xf32> -> vector<64x118xf32>
    %get3A_1011 = arith.constant 60 : index
    %get3A_1012 = arith.constant 0 : index
    %get3A_1013 = arith.constant 0 : index
    %get3A_1014 = vector.load %arg1[%get3A_1011, %get3A_1012, %get3A_1013] : memref<128x128x118xf32, #tpu.memory_space<vmem>>, vector<1x128x118xf32>
    %get3A_1015 = vector.shape_cast %get3A_1014 : vector<1x128x118xf32> to vector<128x118xf32>
    %dot_general3A_1016 = arith.constant dense<0.000000e+00> : vector<64x118xf32>
    %dot_general3A_1017 = tpu.matmul %get3A_9, %get3A_1015, %dot_general3A_1016 {dimension_numbers = #tpu.dot_dimension_numbers<[0], [0], [1], [1], [0, 1, 1, 1], [], []>, transpose_lhs_hint = false} : vector<128x64xf32>, vector<128x118xf32>, vector<64x118xf32> -> vector<64x118xf32>
    %get3A_1018 = arith.constant 61 : index
    %get3A_1019 = arith.constant 0 : index
    %get3A_1020 = arith.constant 0 : index
    %get3A_1021 = vector.load %arg1[%get3A_1018, %get3A_1019, %get3A_1020] : memref<128x128x118xf32, #tpu.memory_space<vmem>>, vector<1x128x118xf32>
    %get3A_1022 = vector.shape_cast %get3A_1021 : vector<1x128x118xf32> to vector<128x118xf32>
    %dot_general3A_1023 = arith.constant dense<0.000000e+00> : vector<64x118xf32>
    %dot_general3A_1024 = tpu.matmul %get3A_9, %get3A_1022, %dot_general3A_1023 {dimension_numbers = #tpu.dot_dimension_numbers<[0], [0], [1], [1], [0, 1, 1, 1], [], []>, transpose_lhs_hint = false} : vector<128x64xf32>, vector<128x118xf32>, vector<64x118xf32> -> vector<64x118xf32>
    %get3A_1025 = arith.constant 62 : index
    %get3A_1026 = arith.constant 0 : index
    %get3A_1027 = arith.constant 0 : index
    %get3A_1028 = vector.load %arg1[%get3A_1025, %get3A_1026, %get3A_1027] : memref<128x128x118xf32, #tpu.memory_space<vmem>>, vector<1x128x118xf32>
    %get3A_1029 = vector.shape_cast %get3A_1028 : vector<1x128x118xf32> to vector<128x118xf32>
    %dot_general3A_1030 = arith.constant dense<0.000000e+00> : vector<64x118xf32>
    %dot_general3A_1031 = tpu.matmul %get3A_9, %get3A_1029, %dot_general3A_1030 {dimension_numbers = #tpu.dot_dimension_numbers<[0], [0], [1], [1], [0, 1, 1, 1], [], []>, transpose_lhs_hint = false} : vector<128x64xf32>, vector<128x118xf32>, vector<64x118xf32> -> vector<64x118xf32>
    %get3A_1032 = arith.constant 63 : index
    %get3A_1033 = arith.constant 0 : index
    %get3A_1034 = arith.constant 0 : index
    %get3A_1035 = vector.load %arg1[%get3A_1032, %get3A_1033, %get3A_1034] : memref<128x128x118xf32, #tpu.memory_space<vmem>>, vector<1x128x118xf32>
    %get3A_1036 = vector.shape_cast %get3A_1035 : vector<1x128x118xf32> to vector<128x118xf32>
    %dot_general3A_1037 = arith.constant dense<0.000000e+00> : vector<64x118xf32>
    %dot_general3A_1038 = tpu.matmul %get3A_9, %get3A_1036, %dot_general3A_1037 {dimension_numbers = #tpu.dot_dimension_numbers<[0], [0], [1], [1], [0, 1, 1, 1], [], []>, transpose_lhs_hint = false} : vector<128x64xf32>, vector<128x118xf32>, vector<64x118xf32> -> vector<64x118xf32>
    %dot_general3A_1039 = arith.constant dense<0.000000e+00> : vector<64x118xf32>
    %dot_general3A_1040 = tpu.matmul %dot_general3A_821, %get3A_3, %dot_general3A_1039 {dimension_numbers = #tpu.dot_dimension_numbers<[1], [1], [0], [0], [0, 0, 1, 0], [], []>, transpose_lhs_hint = false} : vector<64x118xf32>, vector<118x118xf32>, vector<64x118xf32> -> vector<64x118xf32>
    %dot_general3A_1041 = arith.constant dense<0.000000e+00> : vector<64x118xf32>
    %dot_general3A_1042 = tpu.matmul %dot_general3A_828, %get3A_3, %dot_general3A_1041 {dimension_numbers = #tpu.dot_dimension_numbers<[1], [1], [0], [0], [0, 0, 1, 0], [], []>, transpose_lhs_hint = false} : vector<64x118xf32>, vector<118x118xf32>, vector<64x118xf32> -> vector<64x118xf32>
    %dot_general3A_1043 = arith.constant dense<0.000000e+00> : vector<64x118xf32>
    %dot_general3A_1044 = tpu.matmul %dot_general3A_835, %get3A_3, %dot_general3A_1043 {dimension_numbers = #tpu.dot_dimension_numbers<[1], [1], [0], [0], [0, 0, 1, 0], [], []>, transpose_lhs_hint = false} : vector<64x118xf32>, vector<118x118xf32>, vector<64x118xf32> -> vector<64x118xf32>
    %dot_general3A_1045 = arith.constant dense<0.000000e+00> : vector<64x118xf32>
    %dot_general3A_1046 = tpu.matmul %dot_general3A_842, %get3A_3, %dot_general3A_1045 {dimension_numbers = #tpu.dot_dimension_numbers<[1], [1], [0], [0], [0, 0, 1, 0], [], []>, transpose_lhs_hint = false} : vector<64x118xf32>, vector<118x118xf32>, vector<64x118xf32> -> vector<64x118xf32>
    %dot_general3A_1047 = arith.constant dense<0.000000e+00> : vector<64x118xf32>
    %dot_general3A_1048 = tpu.matmul %dot_general3A_849, %get3A_3, %dot_general3A_1047 {dimension_numbers = #tpu.dot_dimension_numbers<[1], [1], [0], [0], [0, 0, 1, 0], [], []>, transpose_lhs_hint = false} : vector<64x118xf32>, vector<118x118xf32>, vector<64x118xf32> -> vector<64x118xf32>
    %dot_general3A_1049 = arith.constant dense<0.000000e+00> : vector<64x118xf32>
    %dot_general3A_1050 = tpu.matmul %dot_general3A_856, %get3A_3, %dot_general3A_1049 {dimension_numbers = #tpu.dot_dimension_numbers<[1], [1], [0], [0], [0, 0, 1, 0], [], []>, transpose_lhs_hint = false} : vector<64x118xf32>, vector<118x118xf32>, vector<64x118xf32> -> vector<64x118xf32>
    %dot_general3A_1051 = arith.constant dense<0.000000e+00> : vector<64x118xf32>
    %dot_general3A_1052 = tpu.matmul %dot_general3A_863, %get3A_3, %dot_general3A_1051 {dimension_numbers = #tpu.dot_dimension_numbers<[1], [1], [0], [0], [0, 0, 1, 0], [], []>, transpose_lhs_hint = false} : vector<64x118xf32>, vector<118x118xf32>, vector<64x118xf32> -> vector<64x118xf32>
    %dot_general3A_1053 = arith.constant dense<0.000000e+00> : vector<64x118xf32>
    %dot_general3A_1054 = tpu.matmul %dot_general3A_870, %get3A_3, %dot_general3A_1053 {dimension_numbers = #tpu.dot_dimension_numbers<[1], [1], [0], [0], [0, 0, 1, 0], [], []>, transpose_lhs_hint = false} : vector<64x118xf32>, vector<118x118xf32>, vector<64x118xf32> -> vector<64x118xf32>
    %dot_general3A_1055 = arith.constant dense<0.000000e+00> : vector<64x118xf32>
    %dot_general3A_1056 = tpu.matmul %dot_general3A_877, %get3A_3, %dot_general3A_1055 {dimension_numbers = #tpu.dot_dimension_numbers<[1], [1], [0], [0], [0, 0, 1, 0], [], []>, transpose_lhs_hint = false} : vector<64x118xf32>, vector<118x118xf32>, vector<64x118xf32> -> vector<64x118xf32>
    %dot_general3A_1057 = arith.constant dense<0.000000e+00> : vector<64x118xf32>
    %dot_general3A_1058 = tpu.matmul %dot_general3A_884, %get3A_3, %dot_general3A_1057 {dimension_numbers = #tpu.dot_dimension_numbers<[1], [1], [0], [0], [0, 0, 1, 0], [], []>, transpose_lhs_hint = false} : vector<64x118xf32>, vector<118x118xf32>, vector<64x118xf32> -> vector<64x118xf32>
    %dot_general3A_1059 = arith.constant dense<0.000000e+00> : vector<64x118xf32>
    %dot_general3A_1060 = tpu.matmul %dot_general3A_891, %get3A_3, %dot_general3A_1059 {dimension_numbers = #tpu.dot_dimension_numbers<[1], [1], [0], [0], [0, 0, 1, 0], [], []>, transpose_lhs_hint = false} : vector<64x118xf32>, vector<118x118xf32>, vector<64x118xf32> -> vector<64x118xf32>
    %dot_general3A_1061 = arith.constant dense<0.000000e+00> : vector<64x118xf32>
    %dot_general3A_1062 = tpu.matmul %dot_general3A_898, %get3A_3, %dot_general3A_1061 {dimension_numbers = #tpu.dot_dimension_numbers<[1], [1], [0], [0], [0, 0, 1, 0], [], []>, transpose_lhs_hint = false} : vector<64x118xf32>, vector<118x118xf32>, vector<64x118xf32> -> vector<64x118xf32>
    %dot_general3A_1063 = arith.constant dense<0.000000e+00> : vector<64x118xf32>
    %dot_general3A_1064 = tpu.matmul %dot_general3A_905, %get3A_3, %dot_general3A_1063 {dimension_numbers = #tpu.dot_dimension_numbers<[1], [1], [0], [0], [0, 0, 1, 0], [], []>, transpose_lhs_hint = false} : vector<64x118xf32>, vector<118x118xf32>, vector<64x118xf32> -> vector<64x118xf32>
    %dot_general3A_1065 = arith.constant dense<0.000000e+00> : vector<64x118xf32>
    %dot_general3A_1066 = tpu.matmul %dot_general3A_912, %get3A_3, %dot_general3A_1065 {dimension_numbers = #tpu.dot_dimension_numbers<[1], [1], [0], [0], [0, 0, 1, 0], [], []>, transpose_lhs_hint = false} : vector<64x118xf32>, vector<118x118xf32>, vector<64x118xf32> -> vector<64x118xf32>
    %dot_general3A_1067 = arith.constant dense<0.000000e+00> : vector<64x118xf32>
    %dot_general3A_1068 = tpu.matmul %dot_general3A_919, %get3A_3, %dot_general3A_1067 {dimension_numbers = #tpu.dot_dimension_numbers<[1], [1], [0], [0], [0, 0, 1, 0], [], []>, transpose_lhs_hint = false} : vector<64x118xf32>, vector<118x118xf32>, vector<64x118xf32> -> vector<64x118xf32>
    %dot_general3A_1069 = arith.constant dense<0.000000e+00> : vector<64x118xf32>
    %dot_general3A_1070 = tpu.matmul %dot_general3A_926, %get3A_3, %dot_general3A_1069 {dimension_numbers = #tpu.dot_dimension_numbers<[1], [1], [0], [0], [0, 0, 1, 0], [], []>, transpose_lhs_hint = false} : vector<64x118xf32>, vector<118x118xf32>, vector<64x118xf32> -> vector<64x118xf32>
    %dot_general3A_1071 = arith.constant dense<0.000000e+00> : vector<64x118xf32>
    %dot_general3A_1072 = tpu.matmul %dot_general3A_933, %get3A_3, %dot_general3A_1071 {dimension_numbers = #tpu.dot_dimension_numbers<[1], [1], [0], [0], [0, 0, 1, 0], [], []>, transpose_lhs_hint = false} : vector<64x118xf32>, vector<118x118xf32>, vector<64x118xf32> -> vector<64x118xf32>
    %dot_general3A_1073 = arith.constant dense<0.000000e+00> : vector<64x118xf32>
    %dot_general3A_1074 = tpu.matmul %dot_general3A_940, %get3A_3, %dot_general3A_1073 {dimension_numbers = #tpu.dot_dimension_numbers<[1], [1], [0], [0], [0, 0, 1, 0], [], []>, transpose_lhs_hint = false} : vector<64x118xf32>, vector<118x118xf32>, vector<64x118xf32> -> vector<64x118xf32>
    %dot_general3A_1075 = arith.constant dense<0.000000e+00> : vector<64x118xf32>
    %dot_general3A_1076 = tpu.matmul %dot_general3A_947, %get3A_3, %dot_general3A_1075 {dimension_numbers = #tpu.dot_dimension_numbers<[1], [1], [0], [0], [0, 0, 1, 0], [], []>, transpose_lhs_hint = false} : vector<64x118xf32>, vector<118x118xf32>, vector<64x118xf32> -> vector<64x118xf32>
    %dot_general3A_1077 = arith.constant dense<0.000000e+00> : vector<64x118xf32>
    %dot_general3A_1078 = tpu.matmul %dot_general3A_954, %get3A_3, %dot_general3A_1077 {dimension_numbers = #tpu.dot_dimension_numbers<[1], [1], [0], [0], [0, 0, 1, 0], [], []>, transpose_lhs_hint = false} : vector<64x118xf32>, vector<118x118xf32>, vector<64x118xf32> -> vector<64x118xf32>
    %dot_general3A_1079 = arith.constant dense<0.000000e+00> : vector<64x118xf32>
    %dot_general3A_1080 = tpu.matmul %dot_general3A_961, %get3A_3, %dot_general3A_1079 {dimension_numbers = #tpu.dot_dimension_numbers<[1], [1], [0], [0], [0, 0, 1, 0], [], []>, transpose_lhs_hint = false} : vector<64x118xf32>, vector<118x118xf32>, vector<64x118xf32> -> vector<64x118xf32>
    %dot_general3A_1081 = arith.constant dense<0.000000e+00> : vector<64x118xf32>
    %dot_general3A_1082 = tpu.matmul %dot_general3A_968, %get3A_3, %dot_general3A_1081 {dimension_numbers = #tpu.dot_dimension_numbers<[1], [1], [0], [0], [0, 0, 1, 0], [], []>, transpose_lhs_hint = false} : vector<64x118xf32>, vector<118x118xf32>, vector<64x118xf32> -> vector<64x118xf32>
    %dot_general3A_1083 = arith.constant dense<0.000000e+00> : vector<64x118xf32>
    %dot_general3A_1084 = tpu.matmul %dot_general3A_975, %get3A_3, %dot_general3A_1083 {dimension_numbers = #tpu.dot_dimension_numbers<[1], [1], [0], [0], [0, 0, 1, 0], [], []>, transpose_lhs_hint = false} : vector<64x118xf32>, vector<118x118xf32>, vector<64x118xf32> -> vector<64x118xf32>
    %dot_general3A_1085 = arith.constant dense<0.000000e+00> : vector<64x118xf32>
    %dot_general3A_1086 = tpu.matmul %dot_general3A_982, %get3A_3, %dot_general3A_1085 {dimension_numbers = #tpu.dot_dimension_numbers<[1], [1], [0], [0], [0, 0, 1, 0], [], []>, transpose_lhs_hint = false} : vector<64x118xf32>, vector<118x118xf32>, vector<64x118xf32> -> vector<64x118xf32>
    %dot_general3A_1087 = arith.constant dense<0.000000e+00> : vector<64x118xf32>
    %dot_general3A_1088 = tpu.matmul %dot_general3A_989, %get3A_3, %dot_general3A_1087 {dimension_numbers = #tpu.dot_dimension_numbers<[1], [1], [0], [0], [0, 0, 1, 0], [], []>, transpose_lhs_hint = false} : vector<64x118xf32>, vector<118x118xf32>, vector<64x118xf32> -> vector<64x118xf32>
    %dot_general3A_1089 = arith.constant dense<0.000000e+00> : vector<64x118xf32>
    %dot_general3A_1090 = tpu.matmul %dot_general3A_996, %get3A_3, %dot_general3A_1089 {dimension_numbers = #tpu.dot_dimension_numbers<[1], [1], [0], [0], [0, 0, 1, 0], [], []>, transpose_lhs_hint = false} : vector<64x118xf32>, vector<118x118xf32>, vector<64x118xf32> -> vector<64x118xf32>
    %dot_general3A_1091 = arith.constant dense<0.000000e+00> : vector<64x118xf32>
    %dot_general3A_1092 = tpu.matmul %dot_general3A_1003, %get3A_3, %dot_general3A_1091 {dimension_numbers = #tpu.dot_dimension_numbers<[1], [1], [0], [0], [0, 0, 1, 0], [], []>, transpose_lhs_hint = false} : vector<64x118xf32>, vector<118x118xf32>, vector<64x118xf32> -> vector<64x118xf32>
    %dot_general3A_1093 = arith.constant dense<0.000000e+00> : vector<64x118xf32>
    %dot_general3A_1094 = tpu.matmul %dot_general3A_1010, %get3A_3, %dot_general3A_1093 {dimension_numbers = #tpu.dot_dimension_numbers<[1], [1], [0], [0], [0, 0, 1, 0], [], []>, transpose_lhs_hint = false} : vector<64x118xf32>, vector<118x118xf32>, vector<64x118xf32> -> vector<64x118xf32>
    %dot_general3A_1095 = arith.constant dense<0.000000e+00> : vector<64x118xf32>
    %dot_general3A_1096 = tpu.matmul %dot_general3A_1017, %get3A_3, %dot_general3A_1095 {dimension_numbers = #tpu.dot_dimension_numbers<[1], [1], [0], [0], [0, 0, 1, 0], [], []>, transpose_lhs_hint = false} : vector<64x118xf32>, vector<118x118xf32>, vector<64x118xf32> -> vector<64x118xf32>
    %dot_general3A_1097 = arith.constant dense<0.000000e+00> : vector<64x118xf32>
    %dot_general3A_1098 = tpu.matmul %dot_general3A_1024, %get3A_3, %dot_general3A_1097 {dimension_numbers = #tpu.dot_dimension_numbers<[1], [1], [0], [0], [0, 0, 1, 0], [], []>, transpose_lhs_hint = false} : vector<64x118xf32>, vector<118x118xf32>, vector<64x118xf32> -> vector<64x118xf32>
    %dot_general3A_1099 = arith.constant dense<0.000000e+00> : vector<64x118xf32>
    %dot_general3A_1100 = tpu.matmul %dot_general3A_1031, %get3A_3, %dot_general3A_1099 {dimension_numbers = #tpu.dot_dimension_numbers<[1], [1], [0], [0], [0, 0, 1, 0], [], []>, transpose_lhs_hint = false} : vector<64x118xf32>, vector<118x118xf32>, vector<64x118xf32> -> vector<64x118xf32>
    %dot_general3A_1101 = arith.constant dense<0.000000e+00> : vector<64x118xf32>
    %dot_general3A_1102 = tpu.matmul %dot_general3A_1038, %get3A_3, %dot_general3A_1101 {dimension_numbers = #tpu.dot_dimension_numbers<[1], [1], [0], [0], [0, 0, 1, 0], [], []>, transpose_lhs_hint = false} : vector<64x118xf32>, vector<118x118xf32>, vector<64x118xf32> -> vector<64x118xf32>
    %add3A_1103 = vector.broadcast %get3A_15 : vector<64x1xf32> to vector<64x118xf32>
    %add3A_1104 = arith.addf %dot_general3A_1040, %add3A_1103 : vector<64x118xf32>
    %max3A_1105 = arith.constant 0.000000e+00 : f32
    %max3A_1106 = vector.broadcast %max3A_1105 : f32 to vector<64x118xf32>
    %max3A_1107 = arith.maximumf %add3A_1104, %max3A_1106 : vector<64x118xf32>
    %add3A_1108 = vector.broadcast %get3A_15 : vector<64x1xf32> to vector<64x118xf32>
    %add3A_1109 = arith.addf %dot_general3A_1042, %add3A_1108 : vector<64x118xf32>
    %max3A_1110 = arith.constant 0.000000e+00 : f32
    %max3A_1111 = vector.broadcast %max3A_1110 : f32 to vector<64x118xf32>
    %max3A_1112 = arith.maximumf %add3A_1109, %max3A_1111 : vector<64x118xf32>
    %add3A_1113 = vector.broadcast %get3A_15 : vector<64x1xf32> to vector<64x118xf32>
    %add3A_1114 = arith.addf %dot_general3A_1044, %add3A_1113 : vector<64x118xf32>
    %max3A_1115 = arith.constant 0.000000e+00 : f32
    %max3A_1116 = vector.broadcast %max3A_1115 : f32 to vector<64x118xf32>
    %max3A_1117 = arith.maximumf %add3A_1114, %max3A_1116 : vector<64x118xf32>
    %add3A_1118 = vector.broadcast %get3A_15 : vector<64x1xf32> to vector<64x118xf32>
    %add3A_1119 = arith.addf %dot_general3A_1046, %add3A_1118 : vector<64x118xf32>
    %max3A_1120 = arith.constant 0.000000e+00 : f32
    %max3A_1121 = vector.broadcast %max3A_1120 : f32 to vector<64x118xf32>
    %max3A_1122 = arith.maximumf %add3A_1119, %max3A_1121 : vector<64x118xf32>
    %add3A_1123 = vector.broadcast %get3A_15 : vector<64x1xf32> to vector<64x118xf32>
    %add3A_1124 = arith.addf %dot_general3A_1048, %add3A_1123 : vector<64x118xf32>
    %max3A_1125 = arith.constant 0.000000e+00 : f32
    %max3A_1126 = vector.broadcast %max3A_1125 : f32 to vector<64x118xf32>
    %max3A_1127 = arith.maximumf %add3A_1124, %max3A_1126 : vector<64x118xf32>
    %add3A_1128 = vector.broadcast %get3A_15 : vector<64x1xf32> to vector<64x118xf32>
    %add3A_1129 = arith.addf %dot_general3A_1050, %add3A_1128 : vector<64x118xf32>
    %max3A_1130 = arith.constant 0.000000e+00 : f32
    %max3A_1131 = vector.broadcast %max3A_1130 : f32 to vector<64x118xf32>
    %max3A_1132 = arith.maximumf %add3A_1129, %max3A_1131 : vector<64x118xf32>
    %add3A_1133 = vector.broadcast %get3A_15 : vector<64x1xf32> to vector<64x118xf32>
    %add3A_1134 = arith.addf %dot_general3A_1052, %add3A_1133 : vector<64x118xf32>
    %max3A_1135 = arith.constant 0.000000e+00 : f32
    %max3A_1136 = vector.broadcast %max3A_1135 : f32 to vector<64x118xf32>
    %max3A_1137 = arith.maximumf %add3A_1134, %max3A_1136 : vector<64x118xf32>
    %add3A_1138 = vector.broadcast %get3A_15 : vector<64x1xf32> to vector<64x118xf32>
    %add3A_1139 = arith.addf %dot_general3A_1054, %add3A_1138 : vector<64x118xf32>
    %max3A_1140 = arith.constant 0.000000e+00 : f32
    %max3A_1141 = vector.broadcast %max3A_1140 : f32 to vector<64x118xf32>
    %max3A_1142 = arith.maximumf %add3A_1139, %max3A_1141 : vector<64x118xf32>
    %add3A_1143 = vector.broadcast %get3A_15 : vector<64x1xf32> to vector<64x118xf32>
    %add3A_1144 = arith.addf %dot_general3A_1056, %add3A_1143 : vector<64x118xf32>
    %max3A_1145 = arith.constant 0.000000e+00 : f32
    %max3A_1146 = vector.broadcast %max3A_1145 : f32 to vector<64x118xf32>
    %max3A_1147 = arith.maximumf %add3A_1144, %max3A_1146 : vector<64x118xf32>
    %add3A_1148 = vector.broadcast %get3A_15 : vector<64x1xf32> to vector<64x118xf32>
    %add3A_1149 = arith.addf %dot_general3A_1058, %add3A_1148 : vector<64x118xf32>
    %max3A_1150 = arith.constant 0.000000e+00 : f32
    %max3A_1151 = vector.broadcast %max3A_1150 : f32 to vector<64x118xf32>
    %max3A_1152 = arith.maximumf %add3A_1149, %max3A_1151 : vector<64x118xf32>
    %add3A_1153 = vector.broadcast %get3A_15 : vector<64x1xf32> to vector<64x118xf32>
    %add3A_1154 = arith.addf %dot_general3A_1060, %add3A_1153 : vector<64x118xf32>
    %max3A_1155 = arith.constant 0.000000e+00 : f32
    %max3A_1156 = vector.broadcast %max3A_1155 : f32 to vector<64x118xf32>
    %max3A_1157 = arith.maximumf %add3A_1154, %max3A_1156 : vector<64x118xf32>
    %add3A_1158 = vector.broadcast %get3A_15 : vector<64x1xf32> to vector<64x118xf32>
    %add3A_1159 = arith.addf %dot_general3A_1062, %add3A_1158 : vector<64x118xf32>
    %max3A_1160 = arith.constant 0.000000e+00 : f32
    %max3A_1161 = vector.broadcast %max3A_1160 : f32 to vector<64x118xf32>
    %max3A_1162 = arith.maximumf %add3A_1159, %max3A_1161 : vector<64x118xf32>
    %add3A_1163 = vector.broadcast %get3A_15 : vector<64x1xf32> to vector<64x118xf32>
    %add3A_1164 = arith.addf %dot_general3A_1064, %add3A_1163 : vector<64x118xf32>
    %max3A_1165 = arith.constant 0.000000e+00 : f32
    %max3A_1166 = vector.broadcast %max3A_1165 : f32 to vector<64x118xf32>
    %max3A_1167 = arith.maximumf %add3A_1164, %max3A_1166 : vector<64x118xf32>
    %add3A_1168 = vector.broadcast %get3A_15 : vector<64x1xf32> to vector<64x118xf32>
    %add3A_1169 = arith.addf %dot_general3A_1066, %add3A_1168 : vector<64x118xf32>
    %max3A_1170 = arith.constant 0.000000e+00 : f32
    %max3A_1171 = vector.broadcast %max3A_1170 : f32 to vector<64x118xf32>
    %max3A_1172 = arith.maximumf %add3A_1169, %max3A_1171 : vector<64x118xf32>
    %add3A_1173 = vector.broadcast %get3A_15 : vector<64x1xf32> to vector<64x118xf32>
    %add3A_1174 = arith.addf %dot_general3A_1068, %add3A_1173 : vector<64x118xf32>
    %max3A_1175 = arith.constant 0.000000e+00 : f32
    %max3A_1176 = vector.broadcast %max3A_1175 : f32 to vector<64x118xf32>
    %max3A_1177 = arith.maximumf %add3A_1174, %max3A_1176 : vector<64x118xf32>
    %add3A_1178 = vector.broadcast %get3A_15 : vector<64x1xf32> to vector<64x118xf32>
    %add3A_1179 = arith.addf %dot_general3A_1070, %add3A_1178 : vector<64x118xf32>
    %max3A_1180 = arith.constant 0.000000e+00 : f32
    %max3A_1181 = vector.broadcast %max3A_1180 : f32 to vector<64x118xf32>
    %max3A_1182 = arith.maximumf %add3A_1179, %max3A_1181 : vector<64x118xf32>
    %add3A_1183 = vector.broadcast %get3A_15 : vector<64x1xf32> to vector<64x118xf32>
    %add3A_1184 = arith.addf %dot_general3A_1072, %add3A_1183 : vector<64x118xf32>
    %max3A_1185 = arith.constant 0.000000e+00 : f32
    %max3A_1186 = vector.broadcast %max3A_1185 : f32 to vector<64x118xf32>
    %max3A_1187 = arith.maximumf %add3A_1184, %max3A_1186 : vector<64x118xf32>
    %add3A_1188 = vector.broadcast %get3A_15 : vector<64x1xf32> to vector<64x118xf32>
    %add3A_1189 = arith.addf %dot_general3A_1074, %add3A_1188 : vector<64x118xf32>
    %max3A_1190 = arith.constant 0.000000e+00 : f32
    %max3A_1191 = vector.broadcast %max3A_1190 : f32 to vector<64x118xf32>
    %max3A_1192 = arith.maximumf %add3A_1189, %max3A_1191 : vector<64x118xf32>
    %add3A_1193 = vector.broadcast %get3A_15 : vector<64x1xf32> to vector<64x118xf32>
    %add3A_1194 = arith.addf %dot_general3A_1076, %add3A_1193 : vector<64x118xf32>
    %max3A_1195 = arith.constant 0.000000e+00 : f32
    %max3A_1196 = vector.broadcast %max3A_1195 : f32 to vector<64x118xf32>
    %max3A_1197 = arith.maximumf %add3A_1194, %max3A_1196 : vector<64x118xf32>
    %add3A_1198 = vector.broadcast %get3A_15 : vector<64x1xf32> to vector<64x118xf32>
    %add3A_1199 = arith.addf %dot_general3A_1078, %add3A_1198 : vector<64x118xf32>
    %max3A_1200 = arith.constant 0.000000e+00 : f32
    %max3A_1201 = vector.broadcast %max3A_1200 : f32 to vector<64x118xf32>
    %max3A_1202 = arith.maximumf %add3A_1199, %max3A_1201 : vector<64x118xf32>
    %add3A_1203 = vector.broadcast %get3A_15 : vector<64x1xf32> to vector<64x118xf32>
    %add3A_1204 = arith.addf %dot_general3A_1080, %add3A_1203 : vector<64x118xf32>
    %max3A_1205 = arith.constant 0.000000e+00 : f32
    %max3A_1206 = vector.broadcast %max3A_1205 : f32 to vector<64x118xf32>
    %max3A_1207 = arith.maximumf %add3A_1204, %max3A_1206 : vector<64x118xf32>
    %add3A_1208 = vector.broadcast %get3A_15 : vector<64x1xf32> to vector<64x118xf32>
    %add3A_1209 = arith.addf %dot_general3A_1082, %add3A_1208 : vector<64x118xf32>
    %max3A_1210 = arith.constant 0.000000e+00 : f32
    %max3A_1211 = vector.broadcast %max3A_1210 : f32 to vector<64x118xf32>
    %max3A_1212 = arith.maximumf %add3A_1209, %max3A_1211 : vector<64x118xf32>
    %add3A_1213 = vector.broadcast %get3A_15 : vector<64x1xf32> to vector<64x118xf32>
    %add3A_1214 = arith.addf %dot_general3A_1084, %add3A_1213 : vector<64x118xf32>
    %max3A_1215 = arith.constant 0.000000e+00 : f32
    %max3A_1216 = vector.broadcast %max3A_1215 : f32 to vector<64x118xf32>
    %max3A_1217 = arith.maximumf %add3A_1214, %max3A_1216 : vector<64x118xf32>
    %add3A_1218 = vector.broadcast %get3A_15 : vector<64x1xf32> to vector<64x118xf32>
    %add3A_1219 = arith.addf %dot_general3A_1086, %add3A_1218 : vector<64x118xf32>
    %max3A_1220 = arith.constant 0.000000e+00 : f32
    %max3A_1221 = vector.broadcast %max3A_1220 : f32 to vector<64x118xf32>
    %max3A_1222 = arith.maximumf %add3A_1219, %max3A_1221 : vector<64x118xf32>
    %add3A_1223 = vector.broadcast %get3A_15 : vector<64x1xf32> to vector<64x118xf32>
    %add3A_1224 = arith.addf %dot_general3A_1088, %add3A_1223 : vector<64x118xf32>
    %max3A_1225 = arith.constant 0.000000e+00 : f32
    %max3A_1226 = vector.broadcast %max3A_1225 : f32 to vector<64x118xf32>
    %max3A_1227 = arith.maximumf %add3A_1224, %max3A_1226 : vector<64x118xf32>
    %add3A_1228 = vector.broadcast %get3A_15 : vector<64x1xf32> to vector<64x118xf32>
    %add3A_1229 = arith.addf %dot_general3A_1090, %add3A_1228 : vector<64x118xf32>
    %max3A_1230 = arith.constant 0.000000e+00 : f32
    %max3A_1231 = vector.broadcast %max3A_1230 : f32 to vector<64x118xf32>
    %max3A_1232 = arith.maximumf %add3A_1229, %max3A_1231 : vector<64x118xf32>
    %add3A_1233 = vector.broadcast %get3A_15 : vector<64x1xf32> to vector<64x118xf32>
    %add3A_1234 = arith.addf %dot_general3A_1092, %add3A_1233 : vector<64x118xf32>
    %max3A_1235 = arith.constant 0.000000e+00 : f32
    %max3A_1236 = vector.broadcast %max3A_1235 : f32 to vector<64x118xf32>
    %max3A_1237 = arith.maximumf %add3A_1234, %max3A_1236 : vector<64x118xf32>
    %add3A_1238 = vector.broadcast %get3A_15 : vector<64x1xf32> to vector<64x118xf32>
    %add3A_1239 = arith.addf %dot_general3A_1094, %add3A_1238 : vector<64x118xf32>
    %max3A_1240 = arith.constant 0.000000e+00 : f32
    %max3A_1241 = vector.broadcast %max3A_1240 : f32 to vector<64x118xf32>
    %max3A_1242 = arith.maximumf %add3A_1239, %max3A_1241 : vector<64x118xf32>
    %add3A_1243 = vector.broadcast %get3A_15 : vector<64x1xf32> to vector<64x118xf32>
    %add3A_1244 = arith.addf %dot_general3A_1096, %add3A_1243 : vector<64x118xf32>
    %max3A_1245 = arith.constant 0.000000e+00 : f32
    %max3A_1246 = vector.broadcast %max3A_1245 : f32 to vector<64x118xf32>
    %max3A_1247 = arith.maximumf %add3A_1244, %max3A_1246 : vector<64x118xf32>
    %add3A_1248 = vector.broadcast %get3A_15 : vector<64x1xf32> to vector<64x118xf32>
    %add3A_1249 = arith.addf %dot_general3A_1098, %add3A_1248 : vector<64x118xf32>
    %max3A_1250 = arith.constant 0.000000e+00 : f32
    %max3A_1251 = vector.broadcast %max3A_1250 : f32 to vector<64x118xf32>
    %max3A_1252 = arith.maximumf %add3A_1249, %max3A_1251 : vector<64x118xf32>
    %add3A_1253 = vector.broadcast %get3A_15 : vector<64x1xf32> to vector<64x118xf32>
    %add3A_1254 = arith.addf %dot_general3A_1100, %add3A_1253 : vector<64x118xf32>
    %max3A_1255 = arith.constant 0.000000e+00 : f32
    %max3A_1256 = vector.broadcast %max3A_1255 : f32 to vector<64x118xf32>
    %max3A_1257 = arith.maximumf %add3A_1254, %max3A_1256 : vector<64x118xf32>
    %add3A_1258 = vector.broadcast %get3A_15 : vector<64x1xf32> to vector<64x118xf32>
    %add3A_1259 = arith.addf %dot_general3A_1102, %add3A_1258 : vector<64x118xf32>
    %max3A_1260 = arith.constant 0.000000e+00 : f32
    %max3A_1261 = vector.broadcast %max3A_1260 : f32 to vector<64x118xf32>
    %max3A_1262 = arith.maximumf %add3A_1259, %max3A_1261 : vector<64x118xf32>
    %dot_general3A_1263 = arith.constant dense<0.000000e+00> : vector<24x118xf32>
    %dot_general3A_1264 = tpu.matmul %get3A_12, %max3A_1107, %dot_general3A_1263 {dimension_numbers = #tpu.dot_dimension_numbers<[0], [0], [1], [1], [0, 1, 1, 1], [], []>, transpose_lhs_hint = false} : vector<64x24xf32>, vector<64x118xf32>, vector<24x118xf32> -> vector<24x118xf32>
    %dot_general3A_1265 = arith.constant dense<0.000000e+00> : vector<24x118xf32>
    %dot_general3A_1266 = tpu.matmul %get3A_12, %max3A_1112, %dot_general3A_1265 {dimension_numbers = #tpu.dot_dimension_numbers<[0], [0], [1], [1], [0, 1, 1, 1], [], []>, transpose_lhs_hint = false} : vector<64x24xf32>, vector<64x118xf32>, vector<24x118xf32> -> vector<24x118xf32>
    %dot_general3A_1267 = arith.constant dense<0.000000e+00> : vector<24x118xf32>
    %dot_general3A_1268 = tpu.matmul %get3A_12, %max3A_1117, %dot_general3A_1267 {dimension_numbers = #tpu.dot_dimension_numbers<[0], [0], [1], [1], [0, 1, 1, 1], [], []>, transpose_lhs_hint = false} : vector<64x24xf32>, vector<64x118xf32>, vector<24x118xf32> -> vector<24x118xf32>
    %dot_general3A_1269 = arith.constant dense<0.000000e+00> : vector<24x118xf32>
    %dot_general3A_1270 = tpu.matmul %get3A_12, %max3A_1122, %dot_general3A_1269 {dimension_numbers = #tpu.dot_dimension_numbers<[0], [0], [1], [1], [0, 1, 1, 1], [], []>, transpose_lhs_hint = false} : vector<64x24xf32>, vector<64x118xf32>, vector<24x118xf32> -> vector<24x118xf32>
    %dot_general3A_1271 = arith.constant dense<0.000000e+00> : vector<24x118xf32>
    %dot_general3A_1272 = tpu.matmul %get3A_12, %max3A_1127, %dot_general3A_1271 {dimension_numbers = #tpu.dot_dimension_numbers<[0], [0], [1], [1], [0, 1, 1, 1], [], []>, transpose_lhs_hint = false} : vector<64x24xf32>, vector<64x118xf32>, vector<24x118xf32> -> vector<24x118xf32>
    %dot_general3A_1273 = arith.constant dense<0.000000e+00> : vector<24x118xf32>
    %dot_general3A_1274 = tpu.matmul %get3A_12, %max3A_1132, %dot_general3A_1273 {dimension_numbers = #tpu.dot_dimension_numbers<[0], [0], [1], [1], [0, 1, 1, 1], [], []>, transpose_lhs_hint = false} : vector<64x24xf32>, vector<64x118xf32>, vector<24x118xf32> -> vector<24x118xf32>
    %dot_general3A_1275 = arith.constant dense<0.000000e+00> : vector<24x118xf32>
    %dot_general3A_1276 = tpu.matmul %get3A_12, %max3A_1137, %dot_general3A_1275 {dimension_numbers = #tpu.dot_dimension_numbers<[0], [0], [1], [1], [0, 1, 1, 1], [], []>, transpose_lhs_hint = false} : vector<64x24xf32>, vector<64x118xf32>, vector<24x118xf32> -> vector<24x118xf32>
    %dot_general3A_1277 = arith.constant dense<0.000000e+00> : vector<24x118xf32>
    %dot_general3A_1278 = tpu.matmul %get3A_12, %max3A_1142, %dot_general3A_1277 {dimension_numbers = #tpu.dot_dimension_numbers<[0], [0], [1], [1], [0, 1, 1, 1], [], []>, transpose_lhs_hint = false} : vector<64x24xf32>, vector<64x118xf32>, vector<24x118xf32> -> vector<24x118xf32>
    %dot_general3A_1279 = arith.constant dense<0.000000e+00> : vector<24x118xf32>
    %dot_general3A_1280 = tpu.matmul %get3A_12, %max3A_1147, %dot_general3A_1279 {dimension_numbers = #tpu.dot_dimension_numbers<[0], [0], [1], [1], [0, 1, 1, 1], [], []>, transpose_lhs_hint = false} : vector<64x24xf32>, vector<64x118xf32>, vector<24x118xf32> -> vector<24x118xf32>
    %dot_general3A_1281 = arith.constant dense<0.000000e+00> : vector<24x118xf32>
    %dot_general3A_1282 = tpu.matmul %get3A_12, %max3A_1152, %dot_general3A_1281 {dimension_numbers = #tpu.dot_dimension_numbers<[0], [0], [1], [1], [0, 1, 1, 1], [], []>, transpose_lhs_hint = false} : vector<64x24xf32>, vector<64x118xf32>, vector<24x118xf32> -> vector<24x118xf32>
    %dot_general3A_1283 = arith.constant dense<0.000000e+00> : vector<24x118xf32>
    %dot_general3A_1284 = tpu.matmul %get3A_12, %max3A_1157, %dot_general3A_1283 {dimension_numbers = #tpu.dot_dimension_numbers<[0], [0], [1], [1], [0, 1, 1, 1], [], []>, transpose_lhs_hint = false} : vector<64x24xf32>, vector<64x118xf32>, vector<24x118xf32> -> vector<24x118xf32>
    %dot_general3A_1285 = arith.constant dense<0.000000e+00> : vector<24x118xf32>
    %dot_general3A_1286 = tpu.matmul %get3A_12, %max3A_1162, %dot_general3A_1285 {dimension_numbers = #tpu.dot_dimension_numbers<[0], [0], [1], [1], [0, 1, 1, 1], [], []>, transpose_lhs_hint = false} : vector<64x24xf32>, vector<64x118xf32>, vector<24x118xf32> -> vector<24x118xf32>
    %dot_general3A_1287 = arith.constant dense<0.000000e+00> : vector<24x118xf32>
    %dot_general3A_1288 = tpu.matmul %get3A_12, %max3A_1167, %dot_general3A_1287 {dimension_numbers = #tpu.dot_dimension_numbers<[0], [0], [1], [1], [0, 1, 1, 1], [], []>, transpose_lhs_hint = false} : vector<64x24xf32>, vector<64x118xf32>, vector<24x118xf32> -> vector<24x118xf32>
    %dot_general3A_1289 = arith.constant dense<0.000000e+00> : vector<24x118xf32>
    %dot_general3A_1290 = tpu.matmul %get3A_12, %max3A_1172, %dot_general3A_1289 {dimension_numbers = #tpu.dot_dimension_numbers<[0], [0], [1], [1], [0, 1, 1, 1], [], []>, transpose_lhs_hint = false} : vector<64x24xf32>, vector<64x118xf32>, vector<24x118xf32> -> vector<24x118xf32>
    %dot_general3A_1291 = arith.constant dense<0.000000e+00> : vector<24x118xf32>
    %dot_general3A_1292 = tpu.matmul %get3A_12, %max3A_1177, %dot_general3A_1291 {dimension_numbers = #tpu.dot_dimension_numbers<[0], [0], [1], [1], [0, 1, 1, 1], [], []>, transpose_lhs_hint = false} : vector<64x24xf32>, vector<64x118xf32>, vector<24x118xf32> -> vector<24x118xf32>
    %dot_general3A_1293 = arith.constant dense<0.000000e+00> : vector<24x118xf32>
    %dot_general3A_1294 = tpu.matmul %get3A_12, %max3A_1182, %dot_general3A_1293 {dimension_numbers = #tpu.dot_dimension_numbers<[0], [0], [1], [1], [0, 1, 1, 1], [], []>, transpose_lhs_hint = false} : vector<64x24xf32>, vector<64x118xf32>, vector<24x118xf32> -> vector<24x118xf32>
    %dot_general3A_1295 = arith.constant dense<0.000000e+00> : vector<24x118xf32>
    %dot_general3A_1296 = tpu.matmul %get3A_12, %max3A_1187, %dot_general3A_1295 {dimension_numbers = #tpu.dot_dimension_numbers<[0], [0], [1], [1], [0, 1, 1, 1], [], []>, transpose_lhs_hint = false} : vector<64x24xf32>, vector<64x118xf32>, vector<24x118xf32> -> vector<24x118xf32>
    %dot_general3A_1297 = arith.constant dense<0.000000e+00> : vector<24x118xf32>
    %dot_general3A_1298 = tpu.matmul %get3A_12, %max3A_1192, %dot_general3A_1297 {dimension_numbers = #tpu.dot_dimension_numbers<[0], [0], [1], [1], [0, 1, 1, 1], [], []>, transpose_lhs_hint = false} : vector<64x24xf32>, vector<64x118xf32>, vector<24x118xf32> -> vector<24x118xf32>
    %dot_general3A_1299 = arith.constant dense<0.000000e+00> : vector<24x118xf32>
    %dot_general3A_1300 = tpu.matmul %get3A_12, %max3A_1197, %dot_general3A_1299 {dimension_numbers = #tpu.dot_dimension_numbers<[0], [0], [1], [1], [0, 1, 1, 1], [], []>, transpose_lhs_hint = false} : vector<64x24xf32>, vector<64x118xf32>, vector<24x118xf32> -> vector<24x118xf32>
    %dot_general3A_1301 = arith.constant dense<0.000000e+00> : vector<24x118xf32>
    %dot_general3A_1302 = tpu.matmul %get3A_12, %max3A_1202, %dot_general3A_1301 {dimension_numbers = #tpu.dot_dimension_numbers<[0], [0], [1], [1], [0, 1, 1, 1], [], []>, transpose_lhs_hint = false} : vector<64x24xf32>, vector<64x118xf32>, vector<24x118xf32> -> vector<24x118xf32>
    %dot_general3A_1303 = arith.constant dense<0.000000e+00> : vector<24x118xf32>
    %dot_general3A_1304 = tpu.matmul %get3A_12, %max3A_1207, %dot_general3A_1303 {dimension_numbers = #tpu.dot_dimension_numbers<[0], [0], [1], [1], [0, 1, 1, 1], [], []>, transpose_lhs_hint = false} : vector<64x24xf32>, vector<64x118xf32>, vector<24x118xf32> -> vector<24x118xf32>
    %dot_general3A_1305 = arith.constant dense<0.000000e+00> : vector<24x118xf32>
    %dot_general3A_1306 = tpu.matmul %get3A_12, %max3A_1212, %dot_general3A_1305 {dimension_numbers = #tpu.dot_dimension_numbers<[0], [0], [1], [1], [0, 1, 1, 1], [], []>, transpose_lhs_hint = false} : vector<64x24xf32>, vector<64x118xf32>, vector<24x118xf32> -> vector<24x118xf32>
    %dot_general3A_1307 = arith.constant dense<0.000000e+00> : vector<24x118xf32>
    %dot_general3A_1308 = tpu.matmul %get3A_12, %max3A_1217, %dot_general3A_1307 {dimension_numbers = #tpu.dot_dimension_numbers<[0], [0], [1], [1], [0, 1, 1, 1], [], []>, transpose_lhs_hint = false} : vector<64x24xf32>, vector<64x118xf32>, vector<24x118xf32> -> vector<24x118xf32>
    %dot_general3A_1309 = arith.constant dense<0.000000e+00> : vector<24x118xf32>
    %dot_general3A_1310 = tpu.matmul %get3A_12, %max3A_1222, %dot_general3A_1309 {dimension_numbers = #tpu.dot_dimension_numbers<[0], [0], [1], [1], [0, 1, 1, 1], [], []>, transpose_lhs_hint = false} : vector<64x24xf32>, vector<64x118xf32>, vector<24x118xf32> -> vector<24x118xf32>
    %dot_general3A_1311 = arith.constant dense<0.000000e+00> : vector<24x118xf32>
    %dot_general3A_1312 = tpu.matmul %get3A_12, %max3A_1227, %dot_general3A_1311 {dimension_numbers = #tpu.dot_dimension_numbers<[0], [0], [1], [1], [0, 1, 1, 1], [], []>, transpose_lhs_hint = false} : vector<64x24xf32>, vector<64x118xf32>, vector<24x118xf32> -> vector<24x118xf32>
    %dot_general3A_1313 = arith.constant dense<0.000000e+00> : vector<24x118xf32>
    %dot_general3A_1314 = tpu.matmul %get3A_12, %max3A_1232, %dot_general3A_1313 {dimension_numbers = #tpu.dot_dimension_numbers<[0], [0], [1], [1], [0, 1, 1, 1], [], []>, transpose_lhs_hint = false} : vector<64x24xf32>, vector<64x118xf32>, vector<24x118xf32> -> vector<24x118xf32>
    %dot_general3A_1315 = arith.constant dense<0.000000e+00> : vector<24x118xf32>
    %dot_general3A_1316 = tpu.matmul %get3A_12, %max3A_1237, %dot_general3A_1315 {dimension_numbers = #tpu.dot_dimension_numbers<[0], [0], [1], [1], [0, 1, 1, 1], [], []>, transpose_lhs_hint = false} : vector<64x24xf32>, vector<64x118xf32>, vector<24x118xf32> -> vector<24x118xf32>
    %dot_general3A_1317 = arith.constant dense<0.000000e+00> : vector<24x118xf32>
    %dot_general3A_1318 = tpu.matmul %get3A_12, %max3A_1242, %dot_general3A_1317 {dimension_numbers = #tpu.dot_dimension_numbers<[0], [0], [1], [1], [0, 1, 1, 1], [], []>, transpose_lhs_hint = false} : vector<64x24xf32>, vector<64x118xf32>, vector<24x118xf32> -> vector<24x118xf32>
    %dot_general3A_1319 = arith.constant dense<0.000000e+00> : vector<24x118xf32>
    %dot_general3A_1320 = tpu.matmul %get3A_12, %max3A_1247, %dot_general3A_1319 {dimension_numbers = #tpu.dot_dimension_numbers<[0], [0], [1], [1], [0, 1, 1, 1], [], []>, transpose_lhs_hint = false} : vector<64x24xf32>, vector<64x118xf32>, vector<24x118xf32> -> vector<24x118xf32>
    %dot_general3A_1321 = arith.constant dense<0.000000e+00> : vector<24x118xf32>
    %dot_general3A_1322 = tpu.matmul %get3A_12, %max3A_1252, %dot_general3A_1321 {dimension_numbers = #tpu.dot_dimension_numbers<[0], [0], [1], [1], [0, 1, 1, 1], [], []>, transpose_lhs_hint = false} : vector<64x24xf32>, vector<64x118xf32>, vector<24x118xf32> -> vector<24x118xf32>
    %dot_general3A_1323 = arith.constant dense<0.000000e+00> : vector<24x118xf32>
    %dot_general3A_1324 = tpu.matmul %get3A_12, %max3A_1257, %dot_general3A_1323 {dimension_numbers = #tpu.dot_dimension_numbers<[0], [0], [1], [1], [0, 1, 1, 1], [], []>, transpose_lhs_hint = false} : vector<64x24xf32>, vector<64x118xf32>, vector<24x118xf32> -> vector<24x118xf32>
    %dot_general3A_1325 = arith.constant dense<0.000000e+00> : vector<24x118xf32>
    %dot_general3A_1326 = tpu.matmul %get3A_12, %max3A_1262, %dot_general3A_1325 {dimension_numbers = #tpu.dot_dimension_numbers<[0], [0], [1], [1], [0, 1, 1, 1], [], []>, transpose_lhs_hint = false} : vector<64x24xf32>, vector<64x118xf32>, vector<24x118xf32> -> vector<24x118xf32>
    %dot_general3A_1327 = arith.constant dense<0.000000e+00> : vector<54x24xf32>
    %dot_general3A_1328 = tpu.matmul %get3A_6, %dot_general3A_1264, %dot_general3A_1327 {dimension_numbers = #tpu.dot_dimension_numbers<[1], [1], [0], [0], [0, 0, 1, 0], [], []>, transpose_lhs_hint = false} : vector<54x118xf32>, vector<24x118xf32>, vector<54x24xf32> -> vector<54x24xf32>
    %dot_general3A_1329 = arith.constant dense<0.000000e+00> : vector<54x24xf32>
    %dot_general3A_1330 = tpu.matmul %get3A_6, %dot_general3A_1266, %dot_general3A_1329 {dimension_numbers = #tpu.dot_dimension_numbers<[1], [1], [0], [0], [0, 0, 1, 0], [], []>, transpose_lhs_hint = false} : vector<54x118xf32>, vector<24x118xf32>, vector<54x24xf32> -> vector<54x24xf32>
    %dot_general3A_1331 = arith.constant dense<0.000000e+00> : vector<54x24xf32>
    %dot_general3A_1332 = tpu.matmul %get3A_6, %dot_general3A_1268, %dot_general3A_1331 {dimension_numbers = #tpu.dot_dimension_numbers<[1], [1], [0], [0], [0, 0, 1, 0], [], []>, transpose_lhs_hint = false} : vector<54x118xf32>, vector<24x118xf32>, vector<54x24xf32> -> vector<54x24xf32>
    %dot_general3A_1333 = arith.constant dense<0.000000e+00> : vector<54x24xf32>
    %dot_general3A_1334 = tpu.matmul %get3A_6, %dot_general3A_1270, %dot_general3A_1333 {dimension_numbers = #tpu.dot_dimension_numbers<[1], [1], [0], [0], [0, 0, 1, 0], [], []>, transpose_lhs_hint = false} : vector<54x118xf32>, vector<24x118xf32>, vector<54x24xf32> -> vector<54x24xf32>
    %dot_general3A_1335 = arith.constant dense<0.000000e+00> : vector<54x24xf32>
    %dot_general3A_1336 = tpu.matmul %get3A_6, %dot_general3A_1272, %dot_general3A_1335 {dimension_numbers = #tpu.dot_dimension_numbers<[1], [1], [0], [0], [0, 0, 1, 0], [], []>, transpose_lhs_hint = false} : vector<54x118xf32>, vector<24x118xf32>, vector<54x24xf32> -> vector<54x24xf32>
    %dot_general3A_1337 = arith.constant dense<0.000000e+00> : vector<54x24xf32>
    %dot_general3A_1338 = tpu.matmul %get3A_6, %dot_general3A_1274, %dot_general3A_1337 {dimension_numbers = #tpu.dot_dimension_numbers<[1], [1], [0], [0], [0, 0, 1, 0], [], []>, transpose_lhs_hint = false} : vector<54x118xf32>, vector<24x118xf32>, vector<54x24xf32> -> vector<54x24xf32>
    %dot_general3A_1339 = arith.constant dense<0.000000e+00> : vector<54x24xf32>
    %dot_general3A_1340 = tpu.matmul %get3A_6, %dot_general3A_1276, %dot_general3A_1339 {dimension_numbers = #tpu.dot_dimension_numbers<[1], [1], [0], [0], [0, 0, 1, 0], [], []>, transpose_lhs_hint = false} : vector<54x118xf32>, vector<24x118xf32>, vector<54x24xf32> -> vector<54x24xf32>
    %dot_general3A_1341 = arith.constant dense<0.000000e+00> : vector<54x24xf32>
    %dot_general3A_1342 = tpu.matmul %get3A_6, %dot_general3A_1278, %dot_general3A_1341 {dimension_numbers = #tpu.dot_dimension_numbers<[1], [1], [0], [0], [0, 0, 1, 0], [], []>, transpose_lhs_hint = false} : vector<54x118xf32>, vector<24x118xf32>, vector<54x24xf32> -> vector<54x24xf32>
    %dot_general3A_1343 = arith.constant dense<0.000000e+00> : vector<54x24xf32>
    %dot_general3A_1344 = tpu.matmul %get3A_6, %dot_general3A_1280, %dot_general3A_1343 {dimension_numbers = #tpu.dot_dimension_numbers<[1], [1], [0], [0], [0, 0, 1, 0], [], []>, transpose_lhs_hint = false} : vector<54x118xf32>, vector<24x118xf32>, vector<54x24xf32> -> vector<54x24xf32>
    %dot_general3A_1345 = arith.constant dense<0.000000e+00> : vector<54x24xf32>
    %dot_general3A_1346 = tpu.matmul %get3A_6, %dot_general3A_1282, %dot_general3A_1345 {dimension_numbers = #tpu.dot_dimension_numbers<[1], [1], [0], [0], [0, 0, 1, 0], [], []>, transpose_lhs_hint = false} : vector<54x118xf32>, vector<24x118xf32>, vector<54x24xf32> -> vector<54x24xf32>
    %dot_general3A_1347 = arith.constant dense<0.000000e+00> : vector<54x24xf32>
    %dot_general3A_1348 = tpu.matmul %get3A_6, %dot_general3A_1284, %dot_general3A_1347 {dimension_numbers = #tpu.dot_dimension_numbers<[1], [1], [0], [0], [0, 0, 1, 0], [], []>, transpose_lhs_hint = false} : vector<54x118xf32>, vector<24x118xf32>, vector<54x24xf32> -> vector<54x24xf32>
    %dot_general3A_1349 = arith.constant dense<0.000000e+00> : vector<54x24xf32>
    %dot_general3A_1350 = tpu.matmul %get3A_6, %dot_general3A_1286, %dot_general3A_1349 {dimension_numbers = #tpu.dot_dimension_numbers<[1], [1], [0], [0], [0, 0, 1, 0], [], []>, transpose_lhs_hint = false} : vector<54x118xf32>, vector<24x118xf32>, vector<54x24xf32> -> vector<54x24xf32>
    %dot_general3A_1351 = arith.constant dense<0.000000e+00> : vector<54x24xf32>
    %dot_general3A_1352 = tpu.matmul %get3A_6, %dot_general3A_1288, %dot_general3A_1351 {dimension_numbers = #tpu.dot_dimension_numbers<[1], [1], [0], [0], [0, 0, 1, 0], [], []>, transpose_lhs_hint = false} : vector<54x118xf32>, vector<24x118xf32>, vector<54x24xf32> -> vector<54x24xf32>
    %dot_general3A_1353 = arith.constant dense<0.000000e+00> : vector<54x24xf32>
    %dot_general3A_1354 = tpu.matmul %get3A_6, %dot_general3A_1290, %dot_general3A_1353 {dimension_numbers = #tpu.dot_dimension_numbers<[1], [1], [0], [0], [0, 0, 1, 0], [], []>, transpose_lhs_hint = false} : vector<54x118xf32>, vector<24x118xf32>, vector<54x24xf32> -> vector<54x24xf32>
    %dot_general3A_1355 = arith.constant dense<0.000000e+00> : vector<54x24xf32>
    %dot_general3A_1356 = tpu.matmul %get3A_6, %dot_general3A_1292, %dot_general3A_1355 {dimension_numbers = #tpu.dot_dimension_numbers<[1], [1], [0], [0], [0, 0, 1, 0], [], []>, transpose_lhs_hint = false} : vector<54x118xf32>, vector<24x118xf32>, vector<54x24xf32> -> vector<54x24xf32>
    %dot_general3A_1357 = arith.constant dense<0.000000e+00> : vector<54x24xf32>
    %dot_general3A_1358 = tpu.matmul %get3A_6, %dot_general3A_1294, %dot_general3A_1357 {dimension_numbers = #tpu.dot_dimension_numbers<[1], [1], [0], [0], [0, 0, 1, 0], [], []>, transpose_lhs_hint = false} : vector<54x118xf32>, vector<24x118xf32>, vector<54x24xf32> -> vector<54x24xf32>
    %dot_general3A_1359 = arith.constant dense<0.000000e+00> : vector<54x24xf32>
    %dot_general3A_1360 = tpu.matmul %get3A_6, %dot_general3A_1296, %dot_general3A_1359 {dimension_numbers = #tpu.dot_dimension_numbers<[1], [1], [0], [0], [0, 0, 1, 0], [], []>, transpose_lhs_hint = false} : vector<54x118xf32>, vector<24x118xf32>, vector<54x24xf32> -> vector<54x24xf32>
    %dot_general3A_1361 = arith.constant dense<0.000000e+00> : vector<54x24xf32>
    %dot_general3A_1362 = tpu.matmul %get3A_6, %dot_general3A_1298, %dot_general3A_1361 {dimension_numbers = #tpu.dot_dimension_numbers<[1], [1], [0], [0], [0, 0, 1, 0], [], []>, transpose_lhs_hint = false} : vector<54x118xf32>, vector<24x118xf32>, vector<54x24xf32> -> vector<54x24xf32>
    %dot_general3A_1363 = arith.constant dense<0.000000e+00> : vector<54x24xf32>
    %dot_general3A_1364 = tpu.matmul %get3A_6, %dot_general3A_1300, %dot_general3A_1363 {dimension_numbers = #tpu.dot_dimension_numbers<[1], [1], [0], [0], [0, 0, 1, 0], [], []>, transpose_lhs_hint = false} : vector<54x118xf32>, vector<24x118xf32>, vector<54x24xf32> -> vector<54x24xf32>
    %dot_general3A_1365 = arith.constant dense<0.000000e+00> : vector<54x24xf32>
    %dot_general3A_1366 = tpu.matmul %get3A_6, %dot_general3A_1302, %dot_general3A_1365 {dimension_numbers = #tpu.dot_dimension_numbers<[1], [1], [0], [0], [0, 0, 1, 0], [], []>, transpose_lhs_hint = false} : vector<54x118xf32>, vector<24x118xf32>, vector<54x24xf32> -> vector<54x24xf32>
    %dot_general3A_1367 = arith.constant dense<0.000000e+00> : vector<54x24xf32>
    %dot_general3A_1368 = tpu.matmul %get3A_6, %dot_general3A_1304, %dot_general3A_1367 {dimension_numbers = #tpu.dot_dimension_numbers<[1], [1], [0], [0], [0, 0, 1, 0], [], []>, transpose_lhs_hint = false} : vector<54x118xf32>, vector<24x118xf32>, vector<54x24xf32> -> vector<54x24xf32>
    %dot_general3A_1369 = arith.constant dense<0.000000e+00> : vector<54x24xf32>
    %dot_general3A_1370 = tpu.matmul %get3A_6, %dot_general3A_1306, %dot_general3A_1369 {dimension_numbers = #tpu.dot_dimension_numbers<[1], [1], [0], [0], [0, 0, 1, 0], [], []>, transpose_lhs_hint = false} : vector<54x118xf32>, vector<24x118xf32>, vector<54x24xf32> -> vector<54x24xf32>
    %dot_general3A_1371 = arith.constant dense<0.000000e+00> : vector<54x24xf32>
    %dot_general3A_1372 = tpu.matmul %get3A_6, %dot_general3A_1308, %dot_general3A_1371 {dimension_numbers = #tpu.dot_dimension_numbers<[1], [1], [0], [0], [0, 0, 1, 0], [], []>, transpose_lhs_hint = false} : vector<54x118xf32>, vector<24x118xf32>, vector<54x24xf32> -> vector<54x24xf32>
    %dot_general3A_1373 = arith.constant dense<0.000000e+00> : vector<54x24xf32>
    %dot_general3A_1374 = tpu.matmul %get3A_6, %dot_general3A_1310, %dot_general3A_1373 {dimension_numbers = #tpu.dot_dimension_numbers<[1], [1], [0], [0], [0, 0, 1, 0], [], []>, transpose_lhs_hint = false} : vector<54x118xf32>, vector<24x118xf32>, vector<54x24xf32> -> vector<54x24xf32>
    %dot_general3A_1375 = arith.constant dense<0.000000e+00> : vector<54x24xf32>
    %dot_general3A_1376 = tpu.matmul %get3A_6, %dot_general3A_1312, %dot_general3A_1375 {dimension_numbers = #tpu.dot_dimension_numbers<[1], [1], [0], [0], [0, 0, 1, 0], [], []>, transpose_lhs_hint = false} : vector<54x118xf32>, vector<24x118xf32>, vector<54x24xf32> -> vector<54x24xf32>
    %dot_general3A_1377 = arith.constant dense<0.000000e+00> : vector<54x24xf32>
    %dot_general3A_1378 = tpu.matmul %get3A_6, %dot_general3A_1314, %dot_general3A_1377 {dimension_numbers = #tpu.dot_dimension_numbers<[1], [1], [0], [0], [0, 0, 1, 0], [], []>, transpose_lhs_hint = false} : vector<54x118xf32>, vector<24x118xf32>, vector<54x24xf32> -> vector<54x24xf32>
    %dot_general3A_1379 = arith.constant dense<0.000000e+00> : vector<54x24xf32>
    %dot_general3A_1380 = tpu.matmul %get3A_6, %dot_general3A_1316, %dot_general3A_1379 {dimension_numbers = #tpu.dot_dimension_numbers<[1], [1], [0], [0], [0, 0, 1, 0], [], []>, transpose_lhs_hint = false} : vector<54x118xf32>, vector<24x118xf32>, vector<54x24xf32> -> vector<54x24xf32>
    %dot_general3A_1381 = arith.constant dense<0.000000e+00> : vector<54x24xf32>
    %dot_general3A_1382 = tpu.matmul %get3A_6, %dot_general3A_1318, %dot_general3A_1381 {dimension_numbers = #tpu.dot_dimension_numbers<[1], [1], [0], [0], [0, 0, 1, 0], [], []>, transpose_lhs_hint = false} : vector<54x118xf32>, vector<24x118xf32>, vector<54x24xf32> -> vector<54x24xf32>
    %dot_general3A_1383 = arith.constant dense<0.000000e+00> : vector<54x24xf32>
    %dot_general3A_1384 = tpu.matmul %get3A_6, %dot_general3A_1320, %dot_general3A_1383 {dimension_numbers = #tpu.dot_dimension_numbers<[1], [1], [0], [0], [0, 0, 1, 0], [], []>, transpose_lhs_hint = false} : vector<54x118xf32>, vector<24x118xf32>, vector<54x24xf32> -> vector<54x24xf32>
    %dot_general3A_1385 = arith.constant dense<0.000000e+00> : vector<54x24xf32>
    %dot_general3A_1386 = tpu.matmul %get3A_6, %dot_general3A_1322, %dot_general3A_1385 {dimension_numbers = #tpu.dot_dimension_numbers<[1], [1], [0], [0], [0, 0, 1, 0], [], []>, transpose_lhs_hint = false} : vector<54x118xf32>, vector<24x118xf32>, vector<54x24xf32> -> vector<54x24xf32>
    %dot_general3A_1387 = arith.constant dense<0.000000e+00> : vector<54x24xf32>
    %dot_general3A_1388 = tpu.matmul %get3A_6, %dot_general3A_1324, %dot_general3A_1387 {dimension_numbers = #tpu.dot_dimension_numbers<[1], [1], [0], [0], [0, 0, 1, 0], [], []>, transpose_lhs_hint = false} : vector<54x118xf32>, vector<24x118xf32>, vector<54x24xf32> -> vector<54x24xf32>
    %dot_general3A_1389 = arith.constant dense<0.000000e+00> : vector<54x24xf32>
    %dot_general3A_1390 = tpu.matmul %get3A_6, %dot_general3A_1326, %dot_general3A_1389 {dimension_numbers = #tpu.dot_dimension_numbers<[1], [1], [0], [0], [0, 0, 1, 0], [], []>, transpose_lhs_hint = false} : vector<54x118xf32>, vector<24x118xf32>, vector<54x24xf32> -> vector<54x24xf32>
    %add3A_1391 = arith.addf %dot_general3A_1328, %get3A_18 : vector<54x24xf32>
    %swap3A_1392 = arith.constant 32 : index
    %swap3A_1393 = arith.constant 0 : index
    %swap3A_1394 = arith.constant 0 : index
    %swap3A_1395 = vector.load %arg8[%swap3A_1392, %swap3A_1393, %swap3A_1394] : memref<128x54x24xf32, #tpu.memory_space<vmem>>, vector<1x54x24xf32>
    %swap3A_1396 = vector.shape_cast %swap3A_1395 : vector<1x54x24xf32> to vector<54x24xf32>
    %swap3A_1397 = vector.shape_cast %add3A_1391 : vector<54x24xf32> to vector<1x54x24xf32>
    tpu.vector_store %arg8[%swap3A_1392, %swap3A_1393, %swap3A_1394], %swap3A_1397 {strides = array<i32>} : memref<128x54x24xf32, #tpu.memory_space<vmem>>, vector<1x54x24xf32>,
    %add3A_1398 = arith.addf %dot_general3A_1330, %get3A_18 : vector<54x24xf32>
    %swap3A_1399 = arith.constant 33 : index
    %swap3A_1400 = arith.constant 0 : index
    %swap3A_1401 = arith.constant 0 : index
    %swap3A_1402 = vector.load %arg8[%swap3A_1399, %swap3A_1400, %swap3A_1401] : memref<128x54x24xf32, #tpu.memory_space<vmem>>, vector<1x54x24xf32>
    %swap3A_1403 = vector.shape_cast %swap3A_1402 : vector<1x54x24xf32> to vector<54x24xf32>
    %swap3A_1404 = vector.shape_cast %add3A_1398 : vector<54x24xf32> to vector<1x54x24xf32>
    tpu.vector_store %arg8[%swap3A_1399, %swap3A_1400, %swap3A_1401], %swap3A_1404 {strides = array<i32>} : memref<128x54x24xf32, #tpu.memory_space<vmem>>, vector<1x54x24xf32>,
    %add3A_1405 = arith.addf %dot_general3A_1332, %get3A_18 : vector<54x24xf32>
    %swap3A_1406 = arith.constant 34 : index
    %swap3A_1407 = arith.constant 0 : index
    %swap3A_1408 = arith.constant 0 : index
    %swap3A_1409 = vector.load %arg8[%swap3A_1406, %swap3A_1407, %swap3A_1408] : memref<128x54x24xf32, #tpu.memory_space<vmem>>, vector<1x54x24xf32>
    %swap3A_1410 = vector.shape_cast %swap3A_1409 : vector<1x54x24xf32> to vector<54x24xf32>
    %swap3A_1411 = vector.shape_cast %add3A_1405 : vector<54x24xf32> to vector<1x54x24xf32>
    tpu.vector_store %arg8[%swap3A_1406, %swap3A_1407, %swap3A_1408], %swap3A_1411 {strides = array<i32>} : memref<128x54x24xf32, #tpu.memory_space<vmem>>, vector<1x54x24xf32>,
    %add3A_1412 = arith.addf %dot_general3A_1334, %get3A_18 : vector<54x24xf32>
    %swap3A_1413 = arith.constant 35 : index
    %swap3A_1414 = arith.constant 0 : index
    %swap3A_1415 = arith.constant 0 : index
    %swap3A_1416 = vector.load %arg8[%swap3A_1413, %swap3A_1414, %swap3A_1415] : memref<128x54x24xf32, #tpu.memory_space<vmem>>, vector<1x54x24xf32>
    %swap3A_1417 = vector.shape_cast %swap3A_1416 : vector<1x54x24xf32> to vector<54x24xf32>
    %swap3A_1418 = vector.shape_cast %add3A_1412 : vector<54x24xf32> to vector<1x54x24xf32>
    tpu.vector_store %arg8[%swap3A_1413, %swap3A_1414, %swap3A_1415], %swap3A_1418 {strides = array<i32>} : memref<128x54x24xf32, #tpu.memory_space<vmem>>, vector<1x54x24xf32>,
    %add3A_1419 = arith.addf %dot_general3A_1336, %get3A_18 : vector<54x24xf32>
    %swap3A_1420 = arith.constant 36 : index
    %swap3A_1421 = arith.constant 0 : index
    %swap3A_1422 = arith.constant 0 : index
    %swap3A_1423 = vector.load %arg8[%swap3A_1420, %swap3A_1421, %swap3A_1422] : memref<128x54x24xf32, #tpu.memory_space<vmem>>, vector<1x54x24xf32>
    %swap3A_1424 = vector.shape_cast %swap3A_1423 : vector<1x54x24xf32> to vector<54x24xf32>
    %swap3A_1425 = vector.shape_cast %add3A_1419 : vector<54x24xf32> to vector<1x54x24xf32>
    tpu.vector_store %arg8[%swap3A_1420, %swap3A_1421, %swap3A_1422], %swap3A_1425 {strides = array<i32>} : memref<128x54x24xf32, #tpu.memory_space<vmem>>, vector<1x54x24xf32>,
    %add3A_1426 = arith.addf %dot_general3A_1338, %get3A_18 : vector<54x24xf32>
    %swap3A_1427 = arith.constant 37 : index
    %swap3A_1428 = arith.constant 0 : index
    %swap3A_1429 = arith.constant 0 : index
    %swap3A_1430 = vector.load %arg8[%swap3A_1427, %swap3A_1428, %swap3A_1429] : memref<128x54x24xf32, #tpu.memory_space<vmem>>, vector<1x54x24xf32>
    %swap3A_1431 = vector.shape_cast %swap3A_1430 : vector<1x54x24xf32> to vector<54x24xf32>
    %swap3A_1432 = vector.shape_cast %add3A_1426 : vector<54x24xf32> to vector<1x54x24xf32>
    tpu.vector_store %arg8[%swap3A_1427, %swap3A_1428, %swap3A_1429], %swap3A_1432 {strides = array<i32>} : memref<128x54x24xf32, #tpu.memory_space<vmem>>, vector<1x54x24xf32>,
    %add3A_1433 = arith.addf %dot_general3A_1340, %get3A_18 : vector<54x24xf32>
    %swap3A_1434 = arith.constant 38 : index
    %swap3A_1435 = arith.constant 0 : index
    %swap3A_1436 = arith.constant 0 : index
    %swap3A_1437 = vector.load %arg8[%swap3A_1434, %swap3A_1435, %swap3A_1436] : memref<128x54x24xf32, #tpu.memory_space<vmem>>, vector<1x54x24xf32>
    %swap3A_1438 = vector.shape_cast %swap3A_1437 : vector<1x54x24xf32> to vector<54x24xf32>
    %swap3A_1439 = vector.shape_cast %add3A_1433 : vector<54x24xf32> to vector<1x54x24xf32>
    tpu.vector_store %arg8[%swap3A_1434, %swap3A_1435, %swap3A_1436], %swap3A_1439 {strides = array<i32>} : memref<128x54x24xf32, #tpu.memory_space<vmem>>, vector<1x54x24xf32>,
    %add3A_1440 = arith.addf %dot_general3A_1342, %get3A_18 : vector<54x24xf32>
    %swap3A_1441 = arith.constant 39 : index
    %swap3A_1442 = arith.constant 0 : index
    %swap3A_1443 = arith.constant 0 : index
    %swap3A_1444 = vector.load %arg8[%swap3A_1441, %swap3A_1442, %swap3A_1443] : memref<128x54x24xf32, #tpu.memory_space<vmem>>, vector<1x54x24xf32>
    %swap3A_1445 = vector.shape_cast %swap3A_1444 : vector<1x54x24xf32> to vector<54x24xf32>
    %swap3A_1446 = vector.shape_cast %add3A_1440 : vector<54x24xf32> to vector<1x54x24xf32>
    tpu.vector_store %arg8[%swap3A_1441, %swap3A_1442, %swap3A_1443], %swap3A_1446 {strides = array<i32>} : memref<128x54x24xf32, #tpu.memory_space<vmem>>, vector<1x54x24xf32>,
    %add3A_1447 = arith.addf %dot_general3A_1344, %get3A_18 : vector<54x24xf32>
    %swap3A_1448 = arith.constant 40 : index
    %swap3A_1449 = arith.constant 0 : index
    %swap3A_1450 = arith.constant 0 : index
    %swap3A_1451 = vector.load %arg8[%swap3A_1448, %swap3A_1449, %swap3A_1450] : memref<128x54x24xf32, #tpu.memory_space<vmem>>, vector<1x54x24xf32>
    %swap3A_1452 = vector.shape_cast %swap3A_1451 : vector<1x54x24xf32> to vector<54x24xf32>
    %swap3A_1453 = vector.shape_cast %add3A_1447 : vector<54x24xf32> to vector<1x54x24xf32>
    tpu.vector_store %arg8[%swap3A_1448, %swap3A_1449, %swap3A_1450], %swap3A_1453 {strides = array<i32>} : memref<128x54x24xf32, #tpu.memory_space<vmem>>, vector<1x54x24xf32>,
    %add3A_1454 = arith.addf %dot_general3A_1346, %get3A_18 : vector<54x24xf32>
    %swap3A_1455 = arith.constant 41 : index
    %swap3A_1456 = arith.constant 0 : index
    %swap3A_1457 = arith.constant 0 : index
    %swap3A_1458 = vector.load %arg8[%swap3A_1455, %swap3A_1456, %swap3A_1457] : memref<128x54x24xf32, #tpu.memory_space<vmem>>, vector<1x54x24xf32>
    %swap3A_1459 = vector.shape_cast %swap3A_1458 : vector<1x54x24xf32> to vector<54x24xf32>
    %swap3A_1460 = vector.shape_cast %add3A_1454 : vector<54x24xf32> to vector<1x54x24xf32>
    tpu.vector_store %arg8[%swap3A_1455, %swap3A_1456, %swap3A_1457], %swap3A_1460 {strides = array<i32>} : memref<128x54x24xf32, #tpu.memory_space<vmem>>, vector<1x54x24xf32>,
    %add3A_1461 = arith.addf %dot_general3A_1348, %get3A_18 : vector<54x24xf32>
    %swap3A_1462 = arith.constant 42 : index
    %swap3A_1463 = arith.constant 0 : index
    %swap3A_1464 = arith.constant 0 : index
    %swap3A_1465 = vector.load %arg8[%swap3A_1462, %swap3A_1463, %swap3A_1464] : memref<128x54x24xf32, #tpu.memory_space<vmem>>, vector<1x54x24xf32>
    %swap3A_1466 = vector.shape_cast %swap3A_1465 : vector<1x54x24xf32> to vector<54x24xf32>
    %swap3A_1467 = vector.shape_cast %add3A_1461 : vector<54x24xf32> to vector<1x54x24xf32>
    tpu.vector_store %arg8[%swap3A_1462, %swap3A_1463, %swap3A_1464], %swap3A_1467 {strides = array<i32>} : memref<128x54x24xf32, #tpu.memory_space<vmem>>, vector<1x54x24xf32>,
    %add3A_1468 = arith.addf %dot_general3A_1350, %get3A_18 : vector<54x24xf32>
    %swap3A_1469 = arith.constant 43 : index
    %swap3A_1470 = arith.constant 0 : index
    %swap3A_1471 = arith.constant 0 : index
    %swap3A_1472 = vector.load %arg8[%swap3A_1469, %swap3A_1470, %swap3A_1471] : memref<128x54x24xf32, #tpu.memory_space<vmem>>, vector<1x54x24xf32>
    %swap3A_1473 = vector.shape_cast %swap3A_1472 : vector<1x54x24xf32> to vector<54x24xf32>
    %swap3A_1474 = vector.shape_cast %add3A_1468 : vector<54x24xf32> to vector<1x54x24xf32>
    tpu.vector_store %arg8[%swap3A_1469, %swap3A_1470, %swap3A_1471], %swap3A_1474 {strides = array<i32>} : memref<128x54x24xf32, #tpu.memory_space<vmem>>, vector<1x54x24xf32>,
    %add3A_1475 = arith.addf %dot_general3A_1352, %get3A_18 : vector<54x24xf32>
    %swap3A_1476 = arith.constant 44 : index
    %swap3A_1477 = arith.constant 0 : index
    %swap3A_1478 = arith.constant 0 : index
    %swap3A_1479 = vector.load %arg8[%swap3A_1476, %swap3A_1477, %swap3A_1478] : memref<128x54x24xf32, #tpu.memory_space<vmem>>, vector<1x54x24xf32>
    %swap3A_1480 = vector.shape_cast %swap3A_1479 : vector<1x54x24xf32> to vector<54x24xf32>
    %swap3A_1481 = vector.shape_cast %add3A_1475 : vector<54x24xf32> to vector<1x54x24xf32>
    tpu.vector_store %arg8[%swap3A_1476, %swap3A_1477, %swap3A_1478], %swap3A_1481 {strides = array<i32>} : memref<128x54x24xf32, #tpu.memory_space<vmem>>, vector<1x54x24xf32>,
    %add3A_1482 = arith.addf %dot_general3A_1354, %get3A_18 : vector<54x24xf32>
    %swap3A_1483 = arith.constant 45 : index
    %swap3A_1484 = arith.constant 0 : index
    %swap3A_1485 = arith.constant 0 : index
    %swap3A_1486 = vector.load %arg8[%swap3A_1483, %swap3A_1484, %swap3A_1485] : memref<128x54x24xf32, #tpu.memory_space<vmem>>, vector<1x54x24xf32>
    %swap3A_1487 = vector.shape_cast %swap3A_1486 : vector<1x54x24xf32> to vector<54x24xf32>
    %swap3A_1488 = vector.shape_cast %add3A_1482 : vector<54x24xf32> to vector<1x54x24xf32>
    tpu.vector_store %arg8[%swap3A_1483, %swap3A_1484, %swap3A_1485], %swap3A_1488 {strides = array<i32>} : memref<128x54x24xf32, #tpu.memory_space<vmem>>, vector<1x54x24xf32>,
    %add3A_1489 = arith.addf %dot_general3A_1356, %get3A_18 : vector<54x24xf32>
    %swap3A_1490 = arith.constant 46 : index
    %swap3A_1491 = arith.constant 0 : index
    %swap3A_1492 = arith.constant 0 : index
    %swap3A_1493 = vector.load %arg8[%swap3A_1490, %swap3A_1491, %swap3A_1492] : memref<128x54x24xf32, #tpu.memory_space<vmem>>, vector<1x54x24xf32>
    %swap3A_1494 = vector.shape_cast %swap3A_1493 : vector<1x54x24xf32> to vector<54x24xf32>
    %swap3A_1495 = vector.shape_cast %add3A_1489 : vector<54x24xf32> to vector<1x54x24xf32>
    tpu.vector_store %arg8[%swap3A_1490, %swap3A_1491, %swap3A_1492], %swap3A_1495 {strides = array<i32>} : memref<128x54x24xf32, #tpu.memory_space<vmem>>, vector<1x54x24xf32>,
    %add3A_1496 = arith.addf %dot_general3A_1358, %get3A_18 : vector<54x24xf32>
    %swap3A_1497 = arith.constant 47 : index
    %swap3A_1498 = arith.constant 0 : index
    %swap3A_1499 = arith.constant 0 : index
    %swap3A_1500 = vector.load %arg8[%swap3A_1497, %swap3A_1498, %swap3A_1499] : memref<128x54x24xf32, #tpu.memory_space<vmem>>, vector<1x54x24xf32>
    %swap3A_1501 = vector.shape_cast %swap3A_1500 : vector<1x54x24xf32> to vector<54x24xf32>
    %swap3A_1502 = vector.shape_cast %add3A_1496 : vector<54x24xf32> to vector<1x54x24xf32>
    tpu.vector_store %arg8[%swap3A_1497, %swap3A_1498, %swap3A_1499], %swap3A_1502 {strides = array<i32>} : memref<128x54x24xf32, #tpu.memory_space<vmem>>, vector<1x54x24xf32>,
    %add3A_1503 = arith.addf %dot_general3A_1360, %get3A_18 : vector<54x24xf32>
    %swap3A_1504 = arith.constant 48 : index
    %swap3A_1505 = arith.constant 0 : index
    %swap3A_1506 = arith.constant 0 : index
    %swap3A_1507 = vector.load %arg8[%swap3A_1504, %swap3A_1505, %swap3A_1506] : memref<128x54x24xf32, #tpu.memory_space<vmem>>, vector<1x54x24xf32>
    %swap3A_1508 = vector.shape_cast %swap3A_1507 : vector<1x54x24xf32> to vector<54x24xf32>
    %swap3A_1509 = vector.shape_cast %add3A_1503 : vector<54x24xf32> to vector<1x54x24xf32>
    tpu.vector_store %arg8[%swap3A_1504, %swap3A_1505, %swap3A_1506], %swap3A_1509 {strides = array<i32>} : memref<128x54x24xf32, #tpu.memory_space<vmem>>, vector<1x54x24xf32>,
    %add3A_1510 = arith.addf %dot_general3A_1362, %get3A_18 : vector<54x24xf32>
    %swap3A_1511 = arith.constant 49 : index
    %swap3A_1512 = arith.constant 0 : index
    %swap3A_1513 = arith.constant 0 : index
    %swap3A_1514 = vector.load %arg8[%swap3A_1511, %swap3A_1512, %swap3A_1513] : memref<128x54x24xf32, #tpu.memory_space<vmem>>, vector<1x54x24xf32>
    %swap3A_1515 = vector.shape_cast %swap3A_1514 : vector<1x54x24xf32> to vector<54x24xf32>
    %swap3A_1516 = vector.shape_cast %add3A_1510 : vector<54x24xf32> to vector<1x54x24xf32>
    tpu.vector_store %arg8[%swap3A_1511, %swap3A_1512, %swap3A_1513], %swap3A_1516 {strides = array<i32>} : memref<128x54x24xf32, #tpu.memory_space<vmem>>, vector<1x54x24xf32>,
    %add3A_1517 = arith.addf %dot_general3A_1364, %get3A_18 : vector<54x24xf32>
    %swap3A_1518 = arith.constant 50 : index
    %swap3A_1519 = arith.constant 0 : index
    %swap3A_1520 = arith.constant 0 : index
    %swap3A_1521 = vector.load %arg8[%swap3A_1518, %swap3A_1519, %swap3A_1520] : memref<128x54x24xf32, #tpu.memory_space<vmem>>, vector<1x54x24xf32>
    %swap3A_1522 = vector.shape_cast %swap3A_1521 : vector<1x54x24xf32> to vector<54x24xf32>
    %swap3A_1523 = vector.shape_cast %add3A_1517 : vector<54x24xf32> to vector<1x54x24xf32>
    tpu.vector_store %arg8[%swap3A_1518, %swap3A_1519, %swap3A_1520], %swap3A_1523 {strides = array<i32>} : memref<128x54x24xf32, #tpu.memory_space<vmem>>, vector<1x54x24xf32>,
    %add3A_1524 = arith.addf %dot_general3A_1366, %get3A_18 : vector<54x24xf32>
    %swap3A_1525 = arith.constant 51 : index
    %swap3A_1526 = arith.constant 0 : index
    %swap3A_1527 = arith.constant 0 : index
    %swap3A_1528 = vector.load %arg8[%swap3A_1525, %swap3A_1526, %swap3A_1527] : memref<128x54x24xf32, #tpu.memory_space<vmem>>, vector<1x54x24xf32>
    %swap3A_1529 = vector.shape_cast %swap3A_1528 : vector<1x54x24xf32> to vector<54x24xf32>
    %swap3A_1530 = vector.shape_cast %add3A_1524 : vector<54x24xf32> to vector<1x54x24xf32>
    tpu.vector_store %arg8[%swap3A_1525, %swap3A_1526, %swap3A_1527], %swap3A_1530 {strides = array<i32>} : memref<128x54x24xf32, #tpu.memory_space<vmem>>, vector<1x54x24xf32>,
    %add3A_1531 = arith.addf %dot_general3A_1368, %get3A_18 : vector<54x24xf32>
    %swap3A_1532 = arith.constant 52 : index
    %swap3A_1533 = arith.constant 0 : index
    %swap3A_1534 = arith.constant 0 : index
    %swap3A_1535 = vector.load %arg8[%swap3A_1532, %swap3A_1533, %swap3A_1534] : memref<128x54x24xf32, #tpu.memory_space<vmem>>, vector<1x54x24xf32>
    %swap3A_1536 = vector.shape_cast %swap3A_1535 : vector<1x54x24xf32> to vector<54x24xf32>
    %swap3A_1537 = vector.shape_cast %add3A_1531 : vector<54x24xf32> to vector<1x54x24xf32>
    tpu.vector_store %arg8[%swap3A_1532, %swap3A_1533, %swap3A_1534], %swap3A_1537 {strides = array<i32>} : memref<128x54x24xf32, #tpu.memory_space<vmem>>, vector<1x54x24xf32>,
    %add3A_1538 = arith.addf %dot_general3A_1370, %get3A_18 : vector<54x24xf32>
    %swap3A_1539 = arith.constant 53 : index
    %swap3A_1540 = arith.constant 0 : index
    %swap3A_1541 = arith.constant 0 : index
    %swap3A_1542 = vector.load %arg8[%swap3A_1539, %swap3A_1540, %swap3A_1541] : memref<128x54x24xf32, #tpu.memory_space<vmem>>, vector<1x54x24xf32>
    %swap3A_1543 = vector.shape_cast %swap3A_1542 : vector<1x54x24xf32> to vector<54x24xf32>
    %swap3A_1544 = vector.shape_cast %add3A_1538 : vector<54x24xf32> to vector<1x54x24xf32>
    tpu.vector_store %arg8[%swap3A_1539, %swap3A_1540, %swap3A_1541], %swap3A_1544 {strides = array<i32>} : memref<128x54x24xf32, #tpu.memory_space<vmem>>, vector<1x54x24xf32>,
    %add3A_1545 = arith.addf %dot_general3A_1372, %get3A_18 : vector<54x24xf32>
    %swap3A_1546 = arith.constant 54 : index
    %swap3A_1547 = arith.constant 0 : index
    %swap3A_1548 = arith.constant 0 : index
    %swap3A_1549 = vector.load %arg8[%swap3A_1546, %swap3A_1547, %swap3A_1548] : memref<128x54x24xf32, #tpu.memory_space<vmem>>, vector<1x54x24xf32>
    %swap3A_1550 = vector.shape_cast %swap3A_1549 : vector<1x54x24xf32> to vector<54x24xf32>
    %swap3A_1551 = vector.shape_cast %add3A_1545 : vector<54x24xf32> to vector<1x54x24xf32>
    tpu.vector_store %arg8[%swap3A_1546, %swap3A_1547, %swap3A_1548], %swap3A_1551 {strides = array<i32>} : memref<128x54x24xf32, #tpu.memory_space<vmem>>, vector<1x54x24xf32>,
    %add3A_1552 = arith.addf %dot_general3A_1374, %get3A_18 : vector<54x24xf32>
    %swap3A_1553 = arith.constant 55 : index
    %swap3A_1554 = arith.constant 0 : index
    %swap3A_1555 = arith.constant 0 : index
    %swap3A_1556 = vector.load %arg8[%swap3A_1553, %swap3A_1554, %swap3A_1555] : memref<128x54x24xf32, #tpu.memory_space<vmem>>, vector<1x54x24xf32>
    %swap3A_1557 = vector.shape_cast %swap3A_1556 : vector<1x54x24xf32> to vector<54x24xf32>
    %swap3A_1558 = vector.shape_cast %add3A_1552 : vector<54x24xf32> to vector<1x54x24xf32>
    tpu.vector_store %arg8[%swap3A_1553, %swap3A_1554, %swap3A_1555], %swap3A_1558 {strides = array<i32>} : memref<128x54x24xf32, #tpu.memory_space<vmem>>, vector<1x54x24xf32>,
    %add3A_1559 = arith.addf %dot_general3A_1376, %get3A_18 : vector<54x24xf32>
    %swap3A_1560 = arith.constant 56 : index
    %swap3A_1561 = arith.constant 0 : index
    %swap3A_1562 = arith.constant 0 : index
    %swap3A_1563 = vector.load %arg8[%swap3A_1560, %swap3A_1561, %swap3A_1562] : memref<128x54x24xf32, #tpu.memory_space<vmem>>, vector<1x54x24xf32>
    %swap3A_1564 = vector.shape_cast %swap3A_1563 : vector<1x54x24xf32> to vector<54x24xf32>
    %swap3A_1565 = vector.shape_cast %add3A_1559 : vector<54x24xf32> to vector<1x54x24xf32>
    tpu.vector_store %arg8[%swap3A_1560, %swap3A_1561, %swap3A_1562], %swap3A_1565 {strides = array<i32>} : memref<128x54x24xf32, #tpu.memory_space<vmem>>, vector<1x54x24xf32>,
    %add3A_1566 = arith.addf %dot_general3A_1378, %get3A_18 : vector<54x24xf32>
    %swap3A_1567 = arith.constant 57 : index
    %swap3A_1568 = arith.constant 0 : index
    %swap3A_1569 = arith.constant 0 : index
    %swap3A_1570 = vector.load %arg8[%swap3A_1567, %swap3A_1568, %swap3A_1569] : memref<128x54x24xf32, #tpu.memory_space<vmem>>, vector<1x54x24xf32>
    %swap3A_1571 = vector.shape_cast %swap3A_1570 : vector<1x54x24xf32> to vector<54x24xf32>
    %swap3A_1572 = vector.shape_cast %add3A_1566 : vector<54x24xf32> to vector<1x54x24xf32>
    tpu.vector_store %arg8[%swap3A_1567, %swap3A_1568, %swap3A_1569], %swap3A_1572 {strides = array<i32>} : memref<128x54x24xf32, #tpu.memory_space<vmem>>, vector<1x54x24xf32>,
    %add3A_1573 = arith.addf %dot_general3A_1380, %get3A_18 : vector<54x24xf32>
    %swap3A_1574 = arith.constant 58 : index
    %swap3A_1575 = arith.constant 0 : index
    %swap3A_1576 = arith.constant 0 : index
    %swap3A_1577 = vector.load %arg8[%swap3A_1574, %swap3A_1575, %swap3A_1576] : memref<128x54x24xf32, #tpu.memory_space<vmem>>, vector<1x54x24xf32>
    %swap3A_1578 = vector.shape_cast %swap3A_1577 : vector<1x54x24xf32> to vector<54x24xf32>
    %swap3A_1579 = vector.shape_cast %add3A_1573 : vector<54x24xf32> to vector<1x54x24xf32>
    tpu.vector_store %arg8[%swap3A_1574, %swap3A_1575, %swap3A_1576], %swap3A_1579 {strides = array<i32>} : memref<128x54x24xf32, #tpu.memory_space<vmem>>, vector<1x54x24xf32>,
    %add3A_1580 = arith.addf %dot_general3A_1382, %get3A_18 : vector<54x24xf32>
    %swap3A_1581 = arith.constant 59 : index
    %swap3A_1582 = arith.constant 0 : index
    %swap3A_1583 = arith.constant 0 : index
    %swap3A_1584 = vector.load %arg8[%swap3A_1581, %swap3A_1582, %swap3A_1583] : memref<128x54x24xf32, #tpu.memory_space<vmem>>, vector<1x54x24xf32>
    %swap3A_1585 = vector.shape_cast %swap3A_1584 : vector<1x54x24xf32> to vector<54x24xf32>
    %swap3A_1586 = vector.shape_cast %add3A_1580 : vector<54x24xf32> to vector<1x54x24xf32>
    tpu.vector_store %arg8[%swap3A_1581, %swap3A_1582, %swap3A_1583], %swap3A_1586 {strides = array<i32>} : memref<128x54x24xf32, #tpu.memory_space<vmem>>, vector<1x54x24xf32>,
    %add3A_1587 = arith.addf %dot_general3A_1384, %get3A_18 : vector<54x24xf32>
    %swap3A_1588 = arith.constant 60 : index
    %swap3A_1589 = arith.constant 0 : index
    %swap3A_1590 = arith.constant 0 : index
    %swap3A_1591 = vector.load %arg8[%swap3A_1588, %swap3A_1589, %swap3A_1590] : memref<128x54x24xf32, #tpu.memory_space<vmem>>, vector<1x54x24xf32>
    %swap3A_1592 = vector.shape_cast %swap3A_1591 : vector<1x54x24xf32> to vector<54x24xf32>
    %swap3A_1593 = vector.shape_cast %add3A_1587 : vector<54x24xf32> to vector<1x54x24xf32>
    tpu.vector_store %arg8[%swap3A_1588, %swap3A_1589, %swap3A_1590], %swap3A_1593 {strides = array<i32>} : memref<128x54x24xf32, #tpu.memory_space<vmem>>, vector<1x54x24xf32>,
    %add3A_1594 = arith.addf %dot_general3A_1386, %get3A_18 : vector<54x24xf32>
    %swap3A_1595 = arith.constant 61 : index
    %swap3A_1596 = arith.constant 0 : index
    %swap3A_1597 = arith.constant 0 : index
    %swap3A_1598 = vector.load %arg8[%swap3A_1595, %swap3A_1596, %swap3A_1597] : memref<128x54x24xf32, #tpu.memory_space<vmem>>, vector<1x54x24xf32>
    %swap3A_1599 = vector.shape_cast %swap3A_1598 : vector<1x54x24xf32> to vector<54x24xf32>
    %swap3A_1600 = vector.shape_cast %add3A_1594 : vector<54x24xf32> to vector<1x54x24xf32>
    tpu.vector_store %arg8[%swap3A_1595, %swap3A_1596, %swap3A_1597], %swap3A_1600 {strides = array<i32>} : memref<128x54x24xf32, #tpu.memory_space<vmem>>, vector<1x54x24xf32>,
    %add3A_1601 = arith.addf %dot_general3A_1388, %get3A_18 : vector<54x24xf32>
    %swap3A_1602 = arith.constant 62 : index
    %swap3A_1603 = arith.constant 0 : index
    %swap3A_1604 = arith.constant 0 : index
    %swap3A_1605 = vector.load %arg8[%swap3A_1602, %swap3A_1603, %swap3A_1604] : memref<128x54x24xf32, #tpu.memory_space<vmem>>, vector<1x54x24xf32>
    %swap3A_1606 = vector.shape_cast %swap3A_1605 : vector<1x54x24xf32> to vector<54x24xf32>
    %swap3A_1607 = vector.shape_cast %add3A_1601 : vector<54x24xf32> to vector<1x54x24xf32>
    tpu.vector_store %arg8[%swap3A_1602, %swap3A_1603, %swap3A_1604], %swap3A_1607 {strides = array<i32>} : memref<128x54x24xf32, #tpu.memory_space<vmem>>, vector<1x54x24xf32>,
    %add3A_1608 = arith.addf %dot_general3A_1390, %get3A_18 : vector<54x24xf32>
    %swap3A_1609 = arith.constant 63 : index
    %swap3A_1610 = arith.constant 0 : index
    %swap3A_1611 = arith.constant 0 : index
    %swap3A_1612 = vector.load %arg8[%swap3A_1609, %swap3A_1610, %swap3A_1611] : memref<128x54x24xf32, #tpu.memory_space<vmem>>, vector<1x54x24xf32>
    %swap3A_1613 = vector.shape_cast %swap3A_1612 : vector<1x54x24xf32> to vector<54x24xf32>
    %swap3A_1614 = vector.shape_cast %add3A_1608 : vector<54x24xf32> to vector<1x54x24xf32>
    tpu.vector_store %arg8[%swap3A_1609, %swap3A_1610, %swap3A_1611], %swap3A_1614 {strides = array<i32>} : memref<128x54x24xf32, #tpu.memory_space<vmem>>, vector<1x54x24xf32>,
    %get3A_1615 = arith.constant 64 : index
    %get3A_1616 = arith.constant 0 : index
    %get3A_1617 = arith.constant 0 : index
    %get3A_1618 = vector.load %arg1[%get3A_1615, %get3A_1616, %get3A_1617] : memref<128x128x118xf32, #tpu.memory_space<vmem>>, vector<1x128x118xf32>
    %get3A_1619 = vector.shape_cast %get3A_1618 : vector<1x128x118xf32> to vector<128x118xf32>
    %dot_general3A_1620 = arith.constant dense<0.000000e+00> : vector<64x118xf32>
    %dot_general3A_1621 = tpu.matmul %get3A_9, %get3A_1619, %dot_general3A_1620 {dimension_numbers = #tpu.dot_dimension_numbers<[0], [0], [1], [1], [0, 1, 1, 1], [], []>, transpose_lhs_hint = false} : vector<128x64xf32>, vector<128x118xf32>, vector<64x118xf32> -> vector<64x118xf32>
    %get3A_1622 = arith.constant 65 : index
    %get3A_1623 = arith.constant 0 : index
    %get3A_1624 = arith.constant 0 : index
    %get3A_1625 = vector.load %arg1[%get3A_1622, %get3A_1623, %get3A_1624] : memref<128x128x118xf32, #tpu.memory_space<vmem>>, vector<1x128x118xf32>
    %get3A_1626 = vector.shape_cast %get3A_1625 : vector<1x128x118xf32> to vector<128x118xf32>
    %dot_general3A_1627 = arith.constant dense<0.000000e+00> : vector<64x118xf32>
    %dot_general3A_1628 = tpu.matmul %get3A_9, %get3A_1626, %dot_general3A_1627 {dimension_numbers = #tpu.dot_dimension_numbers<[0], [0], [1], [1], [0, 1, 1, 1], [], []>, transpose_lhs_hint = false} : vector<128x64xf32>, vector<128x118xf32>, vector<64x118xf32> -> vector<64x118xf32>
    %get3A_1629 = arith.constant 66 : index
    %get3A_1630 = arith.constant 0 : index
    %get3A_1631 = arith.constant 0 : index
    %get3A_1632 = vector.load %arg1[%get3A_1629, %get3A_1630, %get3A_1631] : memref<128x128x118xf32, #tpu.memory_space<vmem>>, vector<1x128x118xf32>
    %get3A_1633 = vector.shape_cast %get3A_1632 : vector<1x128x118xf32> to vector<128x118xf32>
    %dot_general3A_1634 = arith.constant dense<0.000000e+00> : vector<64x118xf32>
    %dot_general3A_1635 = tpu.matmul %get3A_9, %get3A_1633, %dot_general3A_1634 {dimension_numbers = #tpu.dot_dimension_numbers<[0], [0], [1], [1], [0, 1, 1, 1], [], []>, transpose_lhs_hint = false} : vector<128x64xf32>, vector<128x118xf32>, vector<64x118xf32> -> vector<64x118xf32>
    %get3A_1636 = arith.constant 67 : index
    %get3A_1637 = arith.constant 0 : index
    %get3A_1638 = arith.constant 0 : index
    %get3A_1639 = vector.load %arg1[%get3A_1636, %get3A_1637, %get3A_1638] : memref<128x128x118xf32, #tpu.memory_space<vmem>>, vector<1x128x118xf32>
    %get3A_1640 = vector.shape_cast %get3A_1639 : vector<1x128x118xf32> to vector<128x118xf32>
    %dot_general3A_1641 = arith.constant dense<0.000000e+00> : vector<64x118xf32>
    %dot_general3A_1642 = tpu.matmul %get3A_9, %get3A_1640, %dot_general3A_1641 {dimension_numbers = #tpu.dot_dimension_numbers<[0], [0], [1], [1], [0, 1, 1, 1], [], []>, transpose_lhs_hint = false} : vector<128x64xf32>, vector<128x118xf32>, vector<64x118xf32> -> vector<64x118xf32>
    %get3A_1643 = arith.constant 68 : index
    %get3A_1644 = arith.constant 0 : index
    %get3A_1645 = arith.constant 0 : index
    %get3A_1646 = vector.load %arg1[%get3A_1643, %get3A_1644, %get3A_1645] : memref<128x128x118xf32, #tpu.memory_space<vmem>>, vector<1x128x118xf32>
    %get3A_1647 = vector.shape_cast %get3A_1646 : vector<1x128x118xf32> to vector<128x118xf32>
    %dot_general3A_1648 = arith.constant dense<0.000000e+00> : vector<64x118xf32>
    %dot_general3A_1649 = tpu.matmul %get3A_9, %get3A_1647, %dot_general3A_1648 {dimension_numbers = #tpu.dot_dimension_numbers<[0], [0], [1], [1], [0, 1, 1, 1], [], []>, transpose_lhs_hint = false} : vector<128x64xf32>, vector<128x118xf32>, vector<64x118xf32> -> vector<64x118xf32>
    %get3A_1650 = arith.constant 69 : index
    %get3A_1651 = arith.constant 0 : index
    %get3A_1652 = arith.constant 0 : index
    %get3A_1653 = vector.load %arg1[%get3A_1650, %get3A_1651, %get3A_1652] : memref<128x128x118xf32, #tpu.memory_space<vmem>>, vector<1x128x118xf32>
    %get3A_1654 = vector.shape_cast %get3A_1653 : vector<1x128x118xf32> to vector<128x118xf32>
    %dot_general3A_1655 = arith.constant dense<0.000000e+00> : vector<64x118xf32>
    %dot_general3A_1656 = tpu.matmul %get3A_9, %get3A_1654, %dot_general3A_1655 {dimension_numbers = #tpu.dot_dimension_numbers<[0], [0], [1], [1], [0, 1, 1, 1], [], []>, transpose_lhs_hint = false} : vector<128x64xf32>, vector<128x118xf32>, vector<64x118xf32> -> vector<64x118xf32>
    %get3A_1657 = arith.constant 70 : index
    %get3A_1658 = arith.constant 0 : index
    %get3A_1659 = arith.constant 0 : index
    %get3A_1660 = vector.load %arg1[%get3A_1657, %get3A_1658, %get3A_1659] : memref<128x128x118xf32, #tpu.memory_space<vmem>>, vector<1x128x118xf32>
    %get3A_1661 = vector.shape_cast %get3A_1660 : vector<1x128x118xf32> to vector<128x118xf32>
    %dot_general3A_1662 = arith.constant dense<0.000000e+00> : vector<64x118xf32>
    %dot_general3A_1663 = tpu.matmul %get3A_9, %get3A_1661, %dot_general3A_1662 {dimension_numbers = #tpu.dot_dimension_numbers<[0], [0], [1], [1], [0, 1, 1, 1], [], []>, transpose_lhs_hint = false} : vector<128x64xf32>, vector<128x118xf32>, vector<64x118xf32> -> vector<64x118xf32>
    %get3A_1664 = arith.constant 71 : index
    %get3A_1665 = arith.constant 0 : index
    %get3A_1666 = arith.constant 0 : index
    %get3A_1667 = vector.load %arg1[%get3A_1664, %get3A_1665, %get3A_1666] : memref<128x128x118xf32, #tpu.memory_space<vmem>>, vector<1x128x118xf32>
    %get3A_1668 = vector.shape_cast %get3A_1667 : vector<1x128x118xf32> to vector<128x118xf32>
    %dot_general3A_1669 = arith.constant dense<0.000000e+00> : vector<64x118xf32>
    %dot_general3A_1670 = tpu.matmul %get3A_9, %get3A_1668, %dot_general3A_1669 {dimension_numbers = #tpu.dot_dimension_numbers<[0], [0], [1], [1], [0, 1, 1, 1], [], []>, transpose_lhs_hint = false} : vector<128x64xf32>, vector<128x118xf32>, vector<64x118xf32> -> vector<64x118xf32>
    %get3A_1671 = arith.constant 72 : index
    %get3A_1672 = arith.constant 0 : index
    %get3A_1673 = arith.constant 0 : index
    %get3A_1674 = vector.load %arg1[%get3A_1671, %get3A_1672, %get3A_1673] : memref<128x128x118xf32, #tpu.memory_space<vmem>>, vector<1x128x118xf32>
    %get3A_1675 = vector.shape_cast %get3A_1674 : vector<1x128x118xf32> to vector<128x118xf32>
    %dot_general3A_1676 = arith.constant dense<0.000000e+00> : vector<64x118xf32>
    %dot_general3A_1677 = tpu.matmul %get3A_9, %get3A_1675, %dot_general3A_1676 {dimension_numbers = #tpu.dot_dimension_numbers<[0], [0], [1], [1], [0, 1, 1, 1], [], []>, transpose_lhs_hint = false} : vector<128x64xf32>, vector<128x118xf32>, vector<64x118xf32> -> vector<64x118xf32>
    %get3A_1678 = arith.constant 73 : index
    %get3A_1679 = arith.constant 0 : index
    %get3A_1680 = arith.constant 0 : index
    %get3A_1681 = vector.load %arg1[%get3A_1678, %get3A_1679, %get3A_1680] : memref<128x128x118xf32, #tpu.memory_space<vmem>>, vector<1x128x118xf32>
    %get3A_1682 = vector.shape_cast %get3A_1681 : vector<1x128x118xf32> to vector<128x118xf32>
    %dot_general3A_1683 = arith.constant dense<0.000000e+00> : vector<64x118xf32>
    %dot_general3A_1684 = tpu.matmul %get3A_9, %get3A_1682, %dot_general3A_1683 {dimension_numbers = #tpu.dot_dimension_numbers<[0], [0], [1], [1], [0, 1, 1, 1], [], []>, transpose_lhs_hint = false} : vector<128x64xf32>, vector<128x118xf32>, vector<64x118xf32> -> vector<64x118xf32>
    %get3A_1685 = arith.constant 74 : index
    %get3A_1686 = arith.constant 0 : index
    %get3A_1687 = arith.constant 0 : index
    %get3A_1688 = vector.load %arg1[%get3A_1685, %get3A_1686, %get3A_1687] : memref<128x128x118xf32, #tpu.memory_space<vmem>>, vector<1x128x118xf32>
    %get3A_1689 = vector.shape_cast %get3A_1688 : vector<1x128x118xf32> to vector<128x118xf32>
    %dot_general3A_1690 = arith.constant dense<0.000000e+00> : vector<64x118xf32>
    %dot_general3A_1691 = tpu.matmul %get3A_9, %get3A_1689, %dot_general3A_1690 {dimension_numbers = #tpu.dot_dimension_numbers<[0], [0], [1], [1], [0, 1, 1, 1], [], []>, transpose_lhs_hint = false} : vector<128x64xf32>, vector<128x118xf32>, vector<64x118xf32> -> vector<64x118xf32>
    %get3A_1692 = arith.constant 75 : index
    %get3A_1693 = arith.constant 0 : index
    %get3A_1694 = arith.constant 0 : index
    %get3A_1695 = vector.load %arg1[%get3A_1692, %get3A_1693, %get3A_1694] : memref<128x128x118xf32, #tpu.memory_space<vmem>>, vector<1x128x118xf32>
    %get3A_1696 = vector.shape_cast %get3A_1695 : vector<1x128x118xf32> to vector<128x118xf32>
    %dot_general3A_1697 = arith.constant dense<0.000000e+00> : vector<64x118xf32>
    %dot_general3A_1698 = tpu.matmul %get3A_9, %get3A_1696, %dot_general3A_1697 {dimension_numbers = #tpu.dot_dimension_numbers<[0], [0], [1], [1], [0, 1, 1, 1], [], []>, transpose_lhs_hint = false} : vector<128x64xf32>, vector<128x118xf32>, vector<64x118xf32> -> vector<64x118xf32>
    %get3A_1699 = arith.constant 76 : index
    %get3A_1700 = arith.constant 0 : index
    %get3A_1701 = arith.constant 0 : index
    %get3A_1702 = vector.load %arg1[%get3A_1699, %get3A_1700, %get3A_1701] : memref<128x128x118xf32, #tpu.memory_space<vmem>>, vector<1x128x118xf32>
    %get3A_1703 = vector.shape_cast %get3A_1702 : vector<1x128x118xf32> to vector<128x118xf32>
    %dot_general3A_1704 = arith.constant dense<0.000000e+00> : vector<64x118xf32>
    %dot_general3A_1705 = tpu.matmul %get3A_9, %get3A_1703, %dot_general3A_1704 {dimension_numbers = #tpu.dot_dimension_numbers<[0], [0], [1], [1], [0, 1, 1, 1], [], []>, transpose_lhs_hint = false} : vector<128x64xf32>, vector<128x118xf32>, vector<64x118xf32> -> vector<64x118xf32>
    %get3A_1706 = arith.constant 77 : index
    %get3A_1707 = arith.constant 0 : index
    %get3A_1708 = arith.constant 0 : index
    %get3A_1709 = vector.load %arg1[%get3A_1706, %get3A_1707, %get3A_1708] : memref<128x128x118xf32, #tpu.memory_space<vmem>>, vector<1x128x118xf32>
    %get3A_1710 = vector.shape_cast %get3A_1709 : vector<1x128x118xf32> to vector<128x118xf32>
    %dot_general3A_1711 = arith.constant dense<0.000000e+00> : vector<64x118xf32>
    %dot_general3A_1712 = tpu.matmul %get3A_9, %get3A_1710, %dot_general3A_1711 {dimension_numbers = #tpu.dot_dimension_numbers<[0], [0], [1], [1], [0, 1, 1, 1], [], []>, transpose_lhs_hint = false} : vector<128x64xf32>, vector<128x118xf32>, vector<64x118xf32> -> vector<64x118xf32>
    %get3A_1713 = arith.constant 78 : index
    %get3A_1714 = arith.constant 0 : index
    %get3A_1715 = arith.constant 0 : index
    %get3A_1716 = vector.load %arg1[%get3A_1713, %get3A_1714, %get3A_1715] : memref<128x128x118xf32, #tpu.memory_space<vmem>>, vector<1x128x118xf32>
    %get3A_1717 = vector.shape_cast %get3A_1716 : vector<1x128x118xf32> to vector<128x118xf32>
    %dot_general3A_1718 = arith.constant dense<0.000000e+00> : vector<64x118xf32>
    %dot_general3A_1719 = tpu.matmul %get3A_9, %get3A_1717, %dot_general3A_1718 {dimension_numbers = #tpu.dot_dimension_numbers<[0], [0], [1], [1], [0, 1, 1, 1], [], []>, transpose_lhs_hint = false} : vector<128x64xf32>, vector<128x118xf32>, vector<64x118xf32> -> vector<64x118xf32>
    %get3A_1720 = arith.constant 79 : index
    %get3A_1721 = arith.constant 0 : index
    %get3A_1722 = arith.constant 0 : index
    %get3A_1723 = vector.load %arg1[%get3A_1720, %get3A_1721, %get3A_1722] : memref<128x128x118xf32, #tpu.memory_space<vmem>>, vector<1x128x118xf32>
    %get3A_1724 = vector.shape_cast %get3A_1723 : vector<1x128x118xf32> to vector<128x118xf32>
    %dot_general3A_1725 = arith.constant dense<0.000000e+00> : vector<64x118xf32>
    %dot_general3A_1726 = tpu.matmul %get3A_9, %get3A_1724, %dot_general3A_1725 {dimension_numbers = #tpu.dot_dimension_numbers<[0], [0], [1], [1], [0, 1, 1, 1], [], []>, transpose_lhs_hint = false} : vector<128x64xf32>, vector<128x118xf32>, vector<64x118xf32> -> vector<64x118xf32>
    %get3A_1727 = arith.constant 80 : index
    %get3A_1728 = arith.constant 0 : index
    %get3A_1729 = arith.constant 0 : index
    %get3A_1730 = vector.load %arg1[%get3A_1727, %get3A_1728, %get3A_1729] : memref<128x128x118xf32, #tpu.memory_space<vmem>>, vector<1x128x118xf32>
    %get3A_1731 = vector.shape_cast %get3A_1730 : vector<1x128x118xf32> to vector<128x118xf32>
    %dot_general3A_1732 = arith.constant dense<0.000000e+00> : vector<64x118xf32>
    %dot_general3A_1733 = tpu.matmul %get3A_9, %get3A_1731, %dot_general3A_1732 {dimension_numbers = #tpu.dot_dimension_numbers<[0], [0], [1], [1], [0, 1, 1, 1], [], []>, transpose_lhs_hint = false} : vector<128x64xf32>, vector<128x118xf32>, vector<64x118xf32> -> vector<64x118xf32>
    %get3A_1734 = arith.constant 81 : index
    %get3A_1735 = arith.constant 0 : index
    %get3A_1736 = arith.constant 0 : index
    %get3A_1737 = vector.load %arg1[%get3A_1734, %get3A_1735, %get3A_1736] : memref<128x128x118xf32, #tpu.memory_space<vmem>>, vector<1x128x118xf32>
    %get3A_1738 = vector.shape_cast %get3A_1737 : vector<1x128x118xf32> to vector<128x118xf32>
    %dot_general3A_1739 = arith.constant dense<0.000000e+00> : vector<64x118xf32>
    %dot_general3A_1740 = tpu.matmul %get3A_9, %get3A_1738, %dot_general3A_1739 {dimension_numbers = #tpu.dot_dimension_numbers<[0], [0], [1], [1], [0, 1, 1, 1], [], []>, transpose_lhs_hint = false} : vector<128x64xf32>, vector<128x118xf32>, vector<64x118xf32> -> vector<64x118xf32>
    %get3A_1741 = arith.constant 82 : index
    %get3A_1742 = arith.constant 0 : index
    %get3A_1743 = arith.constant 0 : index
    %get3A_1744 = vector.load %arg1[%get3A_1741, %get3A_1742, %get3A_1743] : memref<128x128x118xf32, #tpu.memory_space<vmem>>, vector<1x128x118xf32>
    %get3A_1745 = vector.shape_cast %get3A_1744 : vector<1x128x118xf32> to vector<128x118xf32>
    %dot_general3A_1746 = arith.constant dense<0.000000e+00> : vector<64x118xf32>
    %dot_general3A_1747 = tpu.matmul %get3A_9, %get3A_1745, %dot_general3A_1746 {dimension_numbers = #tpu.dot_dimension_numbers<[0], [0], [1], [1], [0, 1, 1, 1], [], []>, transpose_lhs_hint = false} : vector<128x64xf32>, vector<128x118xf32>, vector<64x118xf32> -> vector<64x118xf32>
    %get3A_1748 = arith.constant 83 : index
    %get3A_1749 = arith.constant 0 : index
    %get3A_1750 = arith.constant 0 : index
    %get3A_1751 = vector.load %arg1[%get3A_1748, %get3A_1749, %get3A_1750] : memref<128x128x118xf32, #tpu.memory_space<vmem>>, vector<1x128x118xf32>
    %get3A_1752 = vector.shape_cast %get3A_1751 : vector<1x128x118xf32> to vector<128x118xf32>
    %dot_general3A_1753 = arith.constant dense<0.000000e+00> : vector<64x118xf32>
    %dot_general3A_1754 = tpu.matmul %get3A_9, %get3A_1752, %dot_general3A_1753 {dimension_numbers = #tpu.dot_dimension_numbers<[0], [0], [1], [1], [0, 1, 1, 1], [], []>, transpose_lhs_hint = false} : vector<128x64xf32>, vector<128x118xf32>, vector<64x118xf32> -> vector<64x118xf32>
    %get3A_1755 = arith.constant 84 : index
    %get3A_1756 = arith.constant 0 : index
    %get3A_1757 = arith.constant 0 : index
    %get3A_1758 = vector.load %arg1[%get3A_1755, %get3A_1756, %get3A_1757] : memref<128x128x118xf32, #tpu.memory_space<vmem>>, vector<1x128x118xf32>
    %get3A_1759 = vector.shape_cast %get3A_1758 : vector<1x128x118xf32> to vector<128x118xf32>
    %dot_general3A_1760 = arith.constant dense<0.000000e+00> : vector<64x118xf32>
    %dot_general3A_1761 = tpu.matmul %get3A_9, %get3A_1759, %dot_general3A_1760 {dimension_numbers = #tpu.dot_dimension_numbers<[0], [0], [1], [1], [0, 1, 1, 1], [], []>, transpose_lhs_hint = false} : vector<128x64xf32>, vector<128x118xf32>, vector<64x118xf32> -> vector<64x118xf32>
    %get3A_1762 = arith.constant 85 : index
    %get3A_1763 = arith.constant 0 : index
    %get3A_1764 = arith.constant 0 : index
    %get3A_1765 = vector.load %arg1[%get3A_1762, %get3A_1763, %get3A_1764] : memref<128x128x118xf32, #tpu.memory_space<vmem>>, vector<1x128x118xf32>
    %get3A_1766 = vector.shape_cast %get3A_1765 : vector<1x128x118xf32> to vector<128x118xf32>
    %dot_general3A_1767 = arith.constant dense<0.000000e+00> : vector<64x118xf32>
    %dot_general3A_1768 = tpu.matmul %get3A_9, %get3A_1766, %dot_general3A_1767 {dimension_numbers = #tpu.dot_dimension_numbers<[0], [0], [1], [1], [0, 1, 1, 1], [], []>, transpose_lhs_hint = false} : vector<128x64xf32>, vector<128x118xf32>, vector<64x118xf32> -> vector<64x118xf32>
    %get3A_1769 = arith.constant 86 : index
    %get3A_1770 = arith.constant 0 : index
    %get3A_1771 = arith.constant 0 : index
    %get3A_1772 = vector.load %arg1[%get3A_1769, %get3A_1770, %get3A_1771] : memref<128x128x118xf32, #tpu.memory_space<vmem>>, vector<1x128x118xf32>
    %get3A_1773 = vector.shape_cast %get3A_1772 : vector<1x128x118xf32> to vector<128x118xf32>
    %dot_general3A_1774 = arith.constant dense<0.000000e+00> : vector<64x118xf32>
    %dot_general3A_1775 = tpu.matmul %get3A_9, %get3A_1773, %dot_general3A_1774 {dimension_numbers = #tpu.dot_dimension_numbers<[0], [0], [1], [1], [0, 1, 1, 1], [], []>, transpose_lhs_hint = false} : vector<128x64xf32>, vector<128x118xf32>, vector<64x118xf32> -> vector<64x118xf32>
    %get3A_1776 = arith.constant 87 : index
    %get3A_1777 = arith.constant 0 : index
    %get3A_1778 = arith.constant 0 : index
    %get3A_1779 = vector.load %arg1[%get3A_1776, %get3A_1777, %get3A_1778] : memref<128x128x118xf32, #tpu.memory_space<vmem>>, vector<1x128x118xf32>
    %get3A_1780 = vector.shape_cast %get3A_1779 : vector<1x128x118xf32> to vector<128x118xf32>
    %dot_general3A_1781 = arith.constant dense<0.000000e+00> : vector<64x118xf32>
    %dot_general3A_1782 = tpu.matmul %get3A_9, %get3A_1780, %dot_general3A_1781 {dimension_numbers = #tpu.dot_dimension_numbers<[0], [0], [1], [1], [0, 1, 1, 1], [], []>, transpose_lhs_hint = false} : vector<128x64xf32>, vector<128x118xf32>, vector<64x118xf32> -> vector<64x118xf32>
    %get3A_1783 = arith.constant 88 : index
    %get3A_1784 = arith.constant 0 : index
    %get3A_1785 = arith.constant 0 : index
    %get3A_1786 = vector.load %arg1[%get3A_1783, %get3A_1784, %get3A_1785] : memref<128x128x118xf32, #tpu.memory_space<vmem>>, vector<1x128x118xf32>
    %get3A_1787 = vector.shape_cast %get3A_1786 : vector<1x128x118xf32> to vector<128x118xf32>
    %dot_general3A_1788 = arith.constant dense<0.000000e+00> : vector<64x118xf32>
    %dot_general3A_1789 = tpu.matmul %get3A_9, %get3A_1787, %dot_general3A_1788 {dimension_numbers = #tpu.dot_dimension_numbers<[0], [0], [1], [1], [0, 1, 1, 1], [], []>, transpose_lhs_hint = false} : vector<128x64xf32>, vector<128x118xf32>, vector<64x118xf32> -> vector<64x118xf32>
    %get3A_1790 = arith.constant 89 : index
    %get3A_1791 = arith.constant 0 : index
    %get3A_1792 = arith.constant 0 : index
    %get3A_1793 = vector.load %arg1[%get3A_1790, %get3A_1791, %get3A_1792] : memref<128x128x118xf32, #tpu.memory_space<vmem>>, vector<1x128x118xf32>
    %get3A_1794 = vector.shape_cast %get3A_1793 : vector<1x128x118xf32> to vector<128x118xf32>
    %dot_general3A_1795 = arith.constant dense<0.000000e+00> : vector<64x118xf32>
    %dot_general3A_1796 = tpu.matmul %get3A_9, %get3A_1794, %dot_general3A_1795 {dimension_numbers = #tpu.dot_dimension_numbers<[0], [0], [1], [1], [0, 1, 1, 1], [], []>, transpose_lhs_hint = false} : vector<128x64xf32>, vector<128x118xf32>, vector<64x118xf32> -> vector<64x118xf32>
    %get3A_1797 = arith.constant 90 : index
    %get3A_1798 = arith.constant 0 : index
    %get3A_1799 = arith.constant 0 : index
    %get3A_1800 = vector.load %arg1[%get3A_1797, %get3A_1798, %get3A_1799] : memref<128x128x118xf32, #tpu.memory_space<vmem>>, vector<1x128x118xf32>
    %get3A_1801 = vector.shape_cast %get3A_1800 : vector<1x128x118xf32> to vector<128x118xf32>
    %dot_general3A_1802 = arith.constant dense<0.000000e+00> : vector<64x118xf32>
    %dot_general3A_1803 = tpu.matmul %get3A_9, %get3A_1801, %dot_general3A_1802 {dimension_numbers = #tpu.dot_dimension_numbers<[0], [0], [1], [1], [0, 1, 1, 1], [], []>, transpose_lhs_hint = false} : vector<128x64xf32>, vector<128x118xf32>, vector<64x118xf32> -> vector<64x118xf32>
    %get3A_1804 = arith.constant 91 : index
    %get3A_1805 = arith.constant 0 : index
    %get3A_1806 = arith.constant 0 : index
    %get3A_1807 = vector.load %arg1[%get3A_1804, %get3A_1805, %get3A_1806] : memref<128x128x118xf32, #tpu.memory_space<vmem>>, vector<1x128x118xf32>
    %get3A_1808 = vector.shape_cast %get3A_1807 : vector<1x128x118xf32> to vector<128x118xf32>
    %dot_general3A_1809 = arith.constant dense<0.000000e+00> : vector<64x118xf32>
    %dot_general3A_1810 = tpu.matmul %get3A_9, %get3A_1808, %dot_general3A_1809 {dimension_numbers = #tpu.dot_dimension_numbers<[0], [0], [1], [1], [0, 1, 1, 1], [], []>, transpose_lhs_hint = false} : vector<128x64xf32>, vector<128x118xf32>, vector<64x118xf32> -> vector<64x118xf32>
    %get3A_1811 = arith.constant 92 : index
    %get3A_1812 = arith.constant 0 : index
    %get3A_1813 = arith.constant 0 : index
    %get3A_1814 = vector.load %arg1[%get3A_1811, %get3A_1812, %get3A_1813] : memref<128x128x118xf32, #tpu.memory_space<vmem>>, vector<1x128x118xf32>
    %get3A_1815 = vector.shape_cast %get3A_1814 : vector<1x128x118xf32> to vector<128x118xf32>
    %dot_general3A_1816 = arith.constant dense<0.000000e+00> : vector<64x118xf32>
    %dot_general3A_1817 = tpu.matmul %get3A_9, %get3A_1815, %dot_general3A_1816 {dimension_numbers = #tpu.dot_dimension_numbers<[0], [0], [1], [1], [0, 1, 1, 1], [], []>, transpose_lhs_hint = false} : vector<128x64xf32>, vector<128x118xf32>, vector<64x118xf32> -> vector<64x118xf32>
    %get3A_1818 = arith.constant 93 : index
    %get3A_1819 = arith.constant 0 : index
    %get3A_1820 = arith.constant 0 : index
    %get3A_1821 = vector.load %arg1[%get3A_1818, %get3A_1819, %get3A_1820] : memref<128x128x118xf32, #tpu.memory_space<vmem>>, vector<1x128x118xf32>
    %get3A_1822 = vector.shape_cast %get3A_1821 : vector<1x128x118xf32> to vector<128x118xf32>
    %dot_general3A_1823 = arith.constant dense<0.000000e+00> : vector<64x118xf32>
    %dot_general3A_1824 = tpu.matmul %get3A_9, %get3A_1822, %dot_general3A_1823 {dimension_numbers = #tpu.dot_dimension_numbers<[0], [0], [1], [1], [0, 1, 1, 1], [], []>, transpose_lhs_hint = false} : vector<128x64xf32>, vector<128x118xf32>, vector<64x118xf32> -> vector<64x118xf32>
    %get3A_1825 = arith.constant 94 : index
    %get3A_1826 = arith.constant 0 : index
    %get3A_1827 = arith.constant 0 : index
    %get3A_1828 = vector.load %arg1[%get3A_1825, %get3A_1826, %get3A_1827] : memref<128x128x118xf32, #tpu.memory_space<vmem>>, vector<1x128x118xf32>
    %get3A_1829 = vector.shape_cast %get3A_1828 : vector<1x128x118xf32> to vector<128x118xf32>
    %dot_general3A_1830 = arith.constant dense<0.000000e+00> : vector<64x118xf32>
    %dot_general3A_1831 = tpu.matmul %get3A_9, %get3A_1829, %dot_general3A_1830 {dimension_numbers = #tpu.dot_dimension_numbers<[0], [0], [1], [1], [0, 1, 1, 1], [], []>, transpose_lhs_hint = false} : vector<128x64xf32>, vector<128x118xf32>, vector<64x118xf32> -> vector<64x118xf32>
    %get3A_1832 = arith.constant 95 : index
    %get3A_1833 = arith.constant 0 : index
    %get3A_1834 = arith.constant 0 : index
    %get3A_1835 = vector.load %arg1[%get3A_1832, %get3A_1833, %get3A_1834] : memref<128x128x118xf32, #tpu.memory_space<vmem>>, vector<1x128x118xf32>
    %get3A_1836 = vector.shape_cast %get3A_1835 : vector<1x128x118xf32> to vector<128x118xf32>
    %dot_general3A_1837 = arith.constant dense<0.000000e+00> : vector<64x118xf32>
    %dot_general3A_1838 = tpu.matmul %get3A_9, %get3A_1836, %dot_general3A_1837 {dimension_numbers = #tpu.dot_dimension_numbers<[0], [0], [1], [1], [0, 1, 1, 1], [], []>, transpose_lhs_hint = false} : vector<128x64xf32>, vector<128x118xf32>, vector<64x118xf32> -> vector<64x118xf32>
    %dot_general3A_1839 = arith.constant dense<0.000000e+00> : vector<64x118xf32>
    %dot_general3A_1840 = tpu.matmul %dot_general3A_1621, %get3A_3, %dot_general3A_1839 {dimension_numbers = #tpu.dot_dimension_numbers<[1], [1], [0], [0], [0, 0, 1, 0], [], []>, transpose_lhs_hint = false} : vector<64x118xf32>, vector<118x118xf32>, vector<64x118xf32> -> vector<64x118xf32>
    %dot_general3A_1841 = arith.constant dense<0.000000e+00> : vector<64x118xf32>
    %dot_general3A_1842 = tpu.matmul %dot_general3A_1628, %get3A_3, %dot_general3A_1841 {dimension_numbers = #tpu.dot_dimension_numbers<[1], [1], [0], [0], [0, 0, 1, 0], [], []>, transpose_lhs_hint = false} : vector<64x118xf32>, vector<118x118xf32>, vector<64x118xf32> -> vector<64x118xf32>
    %dot_general3A_1843 = arith.constant dense<0.000000e+00> : vector<64x118xf32>
    %dot_general3A_1844 = tpu.matmul %dot_general3A_1635, %get3A_3, %dot_general3A_1843 {dimension_numbers = #tpu.dot_dimension_numbers<[1], [1], [0], [0], [0, 0, 1, 0], [], []>, transpose_lhs_hint = false} : vector<64x118xf32>, vector<118x118xf32>, vector<64x118xf32> -> vector<64x118xf32>
    %dot_general3A_1845 = arith.constant dense<0.000000e+00> : vector<64x118xf32>
    %dot_general3A_1846 = tpu.matmul %dot_general3A_1642, %get3A_3, %dot_general3A_1845 {dimension_numbers = #tpu.dot_dimension_numbers<[1], [1], [0], [0], [0, 0, 1, 0], [], []>, transpose_lhs_hint = false} : vector<64x118xf32>, vector<118x118xf32>, vector<64x118xf32> -> vector<64x118xf32>
    %dot_general3A_1847 = arith.constant dense<0.000000e+00> : vector<64x118xf32>
    %dot_general3A_1848 = tpu.matmul %dot_general3A_1649, %get3A_3, %dot_general3A_1847 {dimension_numbers = #tpu.dot_dimension_numbers<[1], [1], [0], [0], [0, 0, 1, 0], [], []>, transpose_lhs_hint = false} : vector<64x118xf32>, vector<118x118xf32>, vector<64x118xf32> -> vector<64x118xf32>
    %dot_general3A_1849 = arith.constant dense<0.000000e+00> : vector<64x118xf32>
    %dot_general3A_1850 = tpu.matmul %dot_general3A_1656, %get3A_3, %dot_general3A_1849 {dimension_numbers = #tpu.dot_dimension_numbers<[1], [1], [0], [0], [0, 0, 1, 0], [], []>, transpose_lhs_hint = false} : vector<64x118xf32>, vector<118x118xf32>, vector<64x118xf32> -> vector<64x118xf32>
    %dot_general3A_1851 = arith.constant dense<0.000000e+00> : vector<64x118xf32>
    %dot_general3A_1852 = tpu.matmul %dot_general3A_1663, %get3A_3, %dot_general3A_1851 {dimension_numbers = #tpu.dot_dimension_numbers<[1], [1], [0], [0], [0, 0, 1, 0], [], []>, transpose_lhs_hint = false} : vector<64x118xf32>, vector<118x118xf32>, vector<64x118xf32> -> vector<64x118xf32>
    %dot_general3A_1853 = arith.constant dense<0.000000e+00> : vector<64x118xf32>
    %dot_general3A_1854 = tpu.matmul %dot_general3A_1670, %get3A_3, %dot_general3A_1853 {dimension_numbers = #tpu.dot_dimension_numbers<[1], [1], [0], [0], [0, 0, 1, 0], [], []>, transpose_lhs_hint = false} : vector<64x118xf32>, vector<118x118xf32>, vector<64x118xf32> -> vector<64x118xf32>
    %dot_general3A_1855 = arith.constant dense<0.000000e+00> : vector<64x118xf32>
    %dot_general3A_1856 = tpu.matmul %dot_general3A_1677, %get3A_3, %dot_general3A_1855 {dimension_numbers = #tpu.dot_dimension_numbers<[1], [1], [0], [0], [0, 0, 1, 0], [], []>, transpose_lhs_hint = false} : vector<64x118xf32>, vector<118x118xf32>, vector<64x118xf32> -> vector<64x118xf32>
    %dot_general3A_1857 = arith.constant dense<0.000000e+00> : vector<64x118xf32>
    %dot_general3A_1858 = tpu.matmul %dot_general3A_1684, %get3A_3, %dot_general3A_1857 {dimension_numbers = #tpu.dot_dimension_numbers<[1], [1], [0], [0], [0, 0, 1, 0], [], []>, transpose_lhs_hint = false} : vector<64x118xf32>, vector<118x118xf32>, vector<64x118xf32> -> vector<64x118xf32>
    %dot_general3A_1859 = arith.constant dense<0.000000e+00> : vector<64x118xf32>
    %dot_general3A_1860 = tpu.matmul %dot_general3A_1691, %get3A_3, %dot_general3A_1859 {dimension_numbers = #tpu.dot_dimension_numbers<[1], [1], [0], [0], [0, 0, 1, 0], [], []>, transpose_lhs_hint = false} : vector<64x118xf32>, vector<118x118xf32>, vector<64x118xf32> -> vector<64x118xf32>
    %dot_general3A_1861 = arith.constant dense<0.000000e+00> : vector<64x118xf32>
    %dot_general3A_1862 = tpu.matmul %dot_general3A_1698, %get3A_3, %dot_general3A_1861 {dimension_numbers = #tpu.dot_dimension_numbers<[1], [1], [0], [0], [0, 0, 1, 0], [], []>, transpose_lhs_hint = false} : vector<64x118xf32>, vector<118x118xf32>, vector<64x118xf32> -> vector<64x118xf32>
    %dot_general3A_1863 = arith.constant dense<0.000000e+00> : vector<64x118xf32>
    %dot_general3A_1864 = tpu.matmul %dot_general3A_1705, %get3A_3, %dot_general3A_1863 {dimension_numbers = #tpu.dot_dimension_numbers<[1], [1], [0], [0], [0, 0, 1, 0], [], []>, transpose_lhs_hint = false} : vector<64x118xf32>, vector<118x118xf32>, vector<64x118xf32> -> vector<64x118xf32>
    %dot_general3A_1865 = arith.constant dense<0.000000e+00> : vector<64x118xf32>
    %dot_general3A_1866 = tpu.matmul %dot_general3A_1712, %get3A_3, %dot_general3A_1865 {dimension_numbers = #tpu.dot_dimension_numbers<[1], [1], [0], [0], [0, 0, 1, 0], [], []>, transpose_lhs_hint = false} : vector<64x118xf32>, vector<118x118xf32>, vector<64x118xf32> -> vector<64x118xf32>
    %dot_general3A_1867 = arith.constant dense<0.000000e+00> : vector<64x118xf32>
    %dot_general3A_1868 = tpu.matmul %dot_general3A_1719, %get3A_3, %dot_general3A_1867 {dimension_numbers = #tpu.dot_dimension_numbers<[1], [1], [0], [0], [0, 0, 1, 0], [], []>, transpose_lhs_hint = false} : vector<64x118xf32>, vector<118x118xf32>, vector<64x118xf32> -> vector<64x118xf32>
    %dot_general3A_1869 = arith.constant dense<0.000000e+00> : vector<64x118xf32>
    %dot_general3A_1870 = tpu.matmul %dot_general3A_1726, %get3A_3, %dot_general3A_1869 {dimension_numbers = #tpu.dot_dimension_numbers<[1], [1], [0], [0], [0, 0, 1, 0], [], []>, transpose_lhs_hint = false} : vector<64x118xf32>, vector<118x118xf32>, vector<64x118xf32> -> vector<64x118xf32>
    %dot_general3A_1871 = arith.constant dense<0.000000e+00> : vector<64x118xf32>
    %dot_general3A_1872 = tpu.matmul %dot_general3A_1733, %get3A_3, %dot_general3A_1871 {dimension_numbers = #tpu.dot_dimension_numbers<[1], [1], [0], [0], [0, 0, 1, 0], [], []>, transpose_lhs_hint = false} : vector<64x118xf32>, vector<118x118xf32>, vector<64x118xf32> -> vector<64x118xf32>
    %dot_general3A_1873 = arith.constant dense<0.000000e+00> : vector<64x118xf32>
    %dot_general3A_1874 = tpu.matmul %dot_general3A_1740, %get3A_3, %dot_general3A_1873 {dimension_numbers = #tpu.dot_dimension_numbers<[1], [1], [0], [0], [0, 0, 1, 0], [], []>, transpose_lhs_hint = false} : vector<64x118xf32>, vector<118x118xf32>, vector<64x118xf32> -> vector<64x118xf32>
    %dot_general3A_1875 = arith.constant dense<0.000000e+00> : vector<64x118xf32>
    %dot_general3A_1876 = tpu.matmul %dot_general3A_1747, %get3A_3, %dot_general3A_1875 {dimension_numbers = #tpu.dot_dimension_numbers<[1], [1], [0], [0], [0, 0, 1, 0], [], []>, transpose_lhs_hint = false} : vector<64x118xf32>, vector<118x118xf32>, vector<64x118xf32> -> vector<64x118xf32>
    %dot_general3A_1877 = arith.constant dense<0.000000e+00> : vector<64x118xf32>
    %dot_general3A_1878 = tpu.matmul %dot_general3A_1754, %get3A_3, %dot_general3A_1877 {dimension_numbers = #tpu.dot_dimension_numbers<[1], [1], [0], [0], [0, 0, 1, 0], [], []>, transpose_lhs_hint = false} : vector<64x118xf32>, vector<118x118xf32>, vector<64x118xf32> -> vector<64x118xf32>
    %dot_general3A_1879 = arith.constant dense<0.000000e+00> : vector<64x118xf32>
    %dot_general3A_1880 = tpu.matmul %dot_general3A_1761, %get3A_3, %dot_general3A_1879 {dimension_numbers = #tpu.dot_dimension_numbers<[1], [1], [0], [0], [0, 0, 1, 0], [], []>, transpose_lhs_hint = false} : vector<64x118xf32>, vector<118x118xf32>, vector<64x118xf32> -> vector<64x118xf32>
    %dot_general3A_1881 = arith.constant dense<0.000000e+00> : vector<64x118xf32>
    %dot_general3A_1882 = tpu.matmul %dot_general3A_1768, %get3A_3, %dot_general3A_1881 {dimension_numbers = #tpu.dot_dimension_numbers<[1], [1], [0], [0], [0, 0, 1, 0], [], []>, transpose_lhs_hint = false} : vector<64x118xf32>, vector<118x118xf32>, vector<64x118xf32> -> vector<64x118xf32>
    %dot_general3A_1883 = arith.constant dense<0.000000e+00> : vector<64x118xf32>
    %dot_general3A_1884 = tpu.matmul %dot_general3A_1775, %get3A_3, %dot_general3A_1883 {dimension_numbers = #tpu.dot_dimension_numbers<[1], [1], [0], [0], [0, 0, 1, 0], [], []>, transpose_lhs_hint = false} : vector<64x118xf32>, vector<118x118xf32>, vector<64x118xf32> -> vector<64x118xf32>
    %dot_general3A_1885 = arith.constant dense<0.000000e+00> : vector<64x118xf32>
    %dot_general3A_1886 = tpu.matmul %dot_general3A_1782, %get3A_3, %dot_general3A_1885 {dimension_numbers = #tpu.dot_dimension_numbers<[1], [1], [0], [0], [0, 0, 1, 0], [], []>, transpose_lhs_hint = false} : vector<64x118xf32>, vector<118x118xf32>, vector<64x118xf32> -> vector<64x118xf32>
    %dot_general3A_1887 = arith.constant dense<0.000000e+00> : vector<64x118xf32>
    %dot_general3A_1888 = tpu.matmul %dot_general3A_1789, %get3A_3, %dot_general3A_1887 {dimension_numbers = #tpu.dot_dimension_numbers<[1], [1], [0], [0], [0, 0, 1, 0], [], []>, transpose_lhs_hint = false} : vector<64x118xf32>, vector<118x118xf32>, vector<64x118xf32> -> vector<64x118xf32>
    %dot_general3A_1889 = arith.constant dense<0.000000e+00> : vector<64x118xf32>
    %dot_general3A_1890 = tpu.matmul %dot_general3A_1796, %get3A_3, %dot_general3A_1889 {dimension_numbers = #tpu.dot_dimension_numbers<[1], [1], [0], [0], [0, 0, 1, 0], [], []>, transpose_lhs_hint = false} : vector<64x118xf32>, vector<118x118xf32>, vector<64x118xf32> -> vector<64x118xf32>
    %dot_general3A_1891 = arith.constant dense<0.000000e+00> : vector<64x118xf32>
    %dot_general3A_1892 = tpu.matmul %dot_general3A_1803, %get3A_3, %dot_general3A_1891 {dimension_numbers = #tpu.dot_dimension_numbers<[1], [1], [0], [0], [0, 0, 1, 0], [], []>, transpose_lhs_hint = false} : vector<64x118xf32>, vector<118x118xf32>, vector<64x118xf32> -> vector<64x118xf32>
    %dot_general3A_1893 = arith.constant dense<0.000000e+00> : vector<64x118xf32>
    %dot_general3A_1894 = tpu.matmul %dot_general3A_1810, %get3A_3, %dot_general3A_1893 {dimension_numbers = #tpu.dot_dimension_numbers<[1], [1], [0], [0], [0, 0, 1, 0], [], []>, transpose_lhs_hint = false} : vector<64x118xf32>, vector<118x118xf32>, vector<64x118xf32> -> vector<64x118xf32>
    %dot_general3A_1895 = arith.constant dense<0.000000e+00> : vector<64x118xf32>
    %dot_general3A_1896 = tpu.matmul %dot_general3A_1817, %get3A_3, %dot_general3A_1895 {dimension_numbers = #tpu.dot_dimension_numbers<[1], [1], [0], [0], [0, 0, 1, 0], [], []>, transpose_lhs_hint = false} : vector<64x118xf32>, vector<118x118xf32>, vector<64x118xf32> -> vector<64x118xf32>
    %dot_general3A_1897 = arith.constant dense<0.000000e+00> : vector<64x118xf32>
    %dot_general3A_1898 = tpu.matmul %dot_general3A_1824, %get3A_3, %dot_general3A_1897 {dimension_numbers = #tpu.dot_dimension_numbers<[1], [1], [0], [0], [0, 0, 1, 0], [], []>, transpose_lhs_hint = false} : vector<64x118xf32>, vector<118x118xf32>, vector<64x118xf32> -> vector<64x118xf32>
    %dot_general3A_1899 = arith.constant dense<0.000000e+00> : vector<64x118xf32>
    %dot_general3A_1900 = tpu.matmul %dot_general3A_1831, %get3A_3, %dot_general3A_1899 {dimension_numbers = #tpu.dot_dimension_numbers<[1], [1], [0], [0], [0, 0, 1, 0], [], []>, transpose_lhs_hint = false} : vector<64x118xf32>, vector<118x118xf32>, vector<64x118xf32> -> vector<64x118xf32>
    %dot_general3A_1901 = arith.constant dense<0.000000e+00> : vector<64x118xf32>
    %dot_general3A_1902 = tpu.matmul %dot_general3A_1838, %get3A_3, %dot_general3A_1901 {dimension_numbers = #tpu.dot_dimension_numbers<[1], [1], [0], [0], [0, 0, 1, 0], [], []>, transpose_lhs_hint = false} : vector<64x118xf32>, vector<118x118xf32>, vector<64x118xf32> -> vector<64x118xf32>
    %add3A_1903 = vector.broadcast %get3A_15 : vector<64x1xf32> to vector<64x118xf32>
    %add3A_1904 = arith.addf %dot_general3A_1840, %add3A_1903 : vector<64x118xf32>
    %max3A_1905 = arith.constant 0.000000e+00 : f32
    %max3A_1906 = vector.broadcast %max3A_1905 : f32 to vector<64x118xf32>
    %max3A_1907 = arith.maximumf %add3A_1904, %max3A_1906 : vector<64x118xf32>
    %add3A_1908 = vector.broadcast %get3A_15 : vector<64x1xf32> to vector<64x118xf32>
    %add3A_1909 = arith.addf %dot_general3A_1842, %add3A_1908 : vector<64x118xf32>
    %max3A_1910 = arith.constant 0.000000e+00 : f32
    %max3A_1911 = vector.broadcast %max3A_1910 : f32 to vector<64x118xf32>
    %max3A_1912 = arith.maximumf %add3A_1909, %max3A_1911 : vector<64x118xf32>
    %add3A_1913 = vector.broadcast %get3A_15 : vector<64x1xf32> to vector<64x118xf32>
    %add3A_1914 = arith.addf %dot_general3A_1844, %add3A_1913 : vector<64x118xf32>
    %max3A_1915 = arith.constant 0.000000e+00 : f32
    %max3A_1916 = vector.broadcast %max3A_1915 : f32 to vector<64x118xf32>
    %max3A_1917 = arith.maximumf %add3A_1914, %max3A_1916 : vector<64x118xf32>
    %add3A_1918 = vector.broadcast %get3A_15 : vector<64x1xf32> to vector<64x118xf32>
    %add3A_1919 = arith.addf %dot_general3A_1846, %add3A_1918 : vector<64x118xf32>
    %max3A_1920 = arith.constant 0.000000e+00 : f32
    %max3A_1921 = vector.broadcast %max3A_1920 : f32 to vector<64x118xf32>
    %max3A_1922 = arith.maximumf %add3A_1919, %max3A_1921 : vector<64x118xf32>
    %add3A_1923 = vector.broadcast %get3A_15 : vector<64x1xf32> to vector<64x118xf32>
    %add3A_1924 = arith.addf %dot_general3A_1848, %add3A_1923 : vector<64x118xf32>
    %max3A_1925 = arith.constant 0.000000e+00 : f32
    %max3A_1926 = vector.broadcast %max3A_1925 : f32 to vector<64x118xf32>
    %max3A_1927 = arith.maximumf %add3A_1924, %max3A_1926 : vector<64x118xf32>
    %add3A_1928 = vector.broadcast %get3A_15 : vector<64x1xf32> to vector<64x118xf32>
    %add3A_1929 = arith.addf %dot_general3A_1850, %add3A_1928 : vector<64x118xf32>
    %max3A_1930 = arith.constant 0.000000e+00 : f32
    %max3A_1931 = vector.broadcast %max3A_1930 : f32 to vector<64x118xf32>
    %max3A_1932 = arith.maximumf %add3A_1929, %max3A_1931 : vector<64x118xf32>
    %add3A_1933 = vector.broadcast %get3A_15 : vector<64x1xf32> to vector<64x118xf32>
    %add3A_1934 = arith.addf %dot_general3A_1852, %add3A_1933 : vector<64x118xf32>
    %max3A_1935 = arith.constant 0.000000e+00 : f32
    %max3A_1936 = vector.broadcast %max3A_1935 : f32 to vector<64x118xf32>
    %max3A_1937 = arith.maximumf %add3A_1934, %max3A_1936 : vector<64x118xf32>
    %add3A_1938 = vector.broadcast %get3A_15 : vector<64x1xf32> to vector<64x118xf32>
    %add3A_1939 = arith.addf %dot_general3A_1854, %add3A_1938 : vector<64x118xf32>
    %max3A_1940 = arith.constant 0.000000e+00 : f32
    %max3A_1941 = vector.broadcast %max3A_1940 : f32 to vector<64x118xf32>
    %max3A_1942 = arith.maximumf %add3A_1939, %max3A_1941 : vector<64x118xf32>
    %add3A_1943 = vector.broadcast %get3A_15 : vector<64x1xf32> to vector<64x118xf32>
    %add3A_1944 = arith.addf %dot_general3A_1856, %add3A_1943 : vector<64x118xf32>
    %max3A_1945 = arith.constant 0.000000e+00 : f32
    %max3A_1946 = vector.broadcast %max3A_1945 : f32 to vector<64x118xf32>
    %max3A_1947 = arith.maximumf %add3A_1944, %max3A_1946 : vector<64x118xf32>
    %add3A_1948 = vector.broadcast %get3A_15 : vector<64x1xf32> to vector<64x118xf32>
    %add3A_1949 = arith.addf %dot_general3A_1858, %add3A_1948 : vector<64x118xf32>
    %max3A_1950 = arith.constant 0.000000e+00 : f32
    %max3A_1951 = vector.broadcast %max3A_1950 : f32 to vector<64x118xf32>
    %max3A_1952 = arith.maximumf %add3A_1949, %max3A_1951 : vector<64x118xf32>
    %add3A_1953 = vector.broadcast %get3A_15 : vector<64x1xf32> to vector<64x118xf32>
    %add3A_1954 = arith.addf %dot_general3A_1860, %add3A_1953 : vector<64x118xf32>
    %max3A_1955 = arith.constant 0.000000e+00 : f32
    %max3A_1956 = vector.broadcast %max3A_1955 : f32 to vector<64x118xf32>
    %max3A_1957 = arith.maximumf %add3A_1954, %max3A_1956 : vector<64x118xf32>
    %add3A_1958 = vector.broadcast %get3A_15 : vector<64x1xf32> to vector<64x118xf32>
    %add3A_1959 = arith.addf %dot_general3A_1862, %add3A_1958 : vector<64x118xf32>
    %max3A_1960 = arith.constant 0.000000e+00 : f32
    %max3A_1961 = vector.broadcast %max3A_1960 : f32 to vector<64x118xf32>
    %max3A_1962 = arith.maximumf %add3A_1959, %max3A_1961 : vector<64x118xf32>
    %add3A_1963 = vector.broadcast %get3A_15 : vector<64x1xf32> to vector<64x118xf32>
    %add3A_1964 = arith.addf %dot_general3A_1864, %add3A_1963 : vector<64x118xf32>
    %max3A_1965 = arith.constant 0.000000e+00 : f32
    %max3A_1966 = vector.broadcast %max3A_1965 : f32 to vector<64x118xf32>
    %max3A_1967 = arith.maximumf %add3A_1964, %max3A_1966 : vector<64x118xf32>
    %add3A_1968 = vector.broadcast %get3A_15 : vector<64x1xf32> to vector<64x118xf32>
    %add3A_1969 = arith.addf %dot_general3A_1866, %add3A_1968 : vector<64x118xf32>
    %max3A_1970 = arith.constant 0.000000e+00 : f32
    %max3A_1971 = vector.broadcast %max3A_1970 : f32 to vector<64x118xf32>
    %max3A_1972 = arith.maximumf %add3A_1969, %max3A_1971 : vector<64x118xf32>
    %add3A_1973 = vector.broadcast %get3A_15 : vector<64x1xf32> to vector<64x118xf32>
    %add3A_1974 = arith.addf %dot_general3A_1868, %add3A_1973 : vector<64x118xf32>
    %max3A_1975 = arith.constant 0.000000e+00 : f32
    %max3A_1976 = vector.broadcast %max3A_1975 : f32 to vector<64x118xf32>
    %max3A_1977 = arith.maximumf %add3A_1974, %max3A_1976 : vector<64x118xf32>
    %add3A_1978 = vector.broadcast %get3A_15 : vector<64x1xf32> to vector<64x118xf32>
    %add3A_1979 = arith.addf %dot_general3A_1870, %add3A_1978 : vector<64x118xf32>
    %max3A_1980 = arith.constant 0.000000e+00 : f32
    %max3A_1981 = vector.broadcast %max3A_1980 : f32 to vector<64x118xf32>
    %max3A_1982 = arith.maximumf %add3A_1979, %max3A_1981 : vector<64x118xf32>
    %add3A_1983 = vector.broadcast %get3A_15 : vector<64x1xf32> to vector<64x118xf32>
    %add3A_1984 = arith.addf %dot_general3A_1872, %add3A_1983 : vector<64x118xf32>
    %max3A_1985 = arith.constant 0.000000e+00 : f32
    %max3A_1986 = vector.broadcast %max3A_1985 : f32 to vector<64x118xf32>
    %max3A_1987 = arith.maximumf %add3A_1984, %max3A_1986 : vector<64x118xf32>
    %add3A_1988 = vector.broadcast %get3A_15 : vector<64x1xf32> to vector<64x118xf32>
    %add3A_1989 = arith.addf %dot_general3A_1874, %add3A_1988 : vector<64x118xf32>
    %max3A_1990 = arith.constant 0.000000e+00 : f32
    %max3A_1991 = vector.broadcast %max3A_1990 : f32 to vector<64x118xf32>
    %max3A_1992 = arith.maximumf %add3A_1989, %max3A_1991 : vector<64x118xf32>
    %add3A_1993 = vector.broadcast %get3A_15 : vector<64x1xf32> to vector<64x118xf32>
    %add3A_1994 = arith.addf %dot_general3A_1876, %add3A_1993 : vector<64x118xf32>
    %max3A_1995 = arith.constant 0.000000e+00 : f32
    %max3A_1996 = vector.broadcast %max3A_1995 : f32 to vector<64x118xf32>
    %max3A_1997 = arith.maximumf %add3A_1994, %max3A_1996 : vector<64x118xf32>
    %add3A_1998 = vector.broadcast %get3A_15 : vector<64x1xf32> to vector<64x118xf32>
    %add3A_1999 = arith.addf %dot_general3A_1878, %add3A_1998 : vector<64x118xf32>
    %max3A_2000 = arith.constant 0.000000e+00 : f32
    %max3A_2001 = vector.broadcast %max3A_2000 : f32 to vector<64x118xf32>
    %max3A_2002 = arith.maximumf %add3A_1999, %max3A_2001 : vector<64x118xf32>
    %add3A_2003 = vector.broadcast %get3A_15 : vector<64x1xf32> to vector<64x118xf32>
    %add3A_2004 = arith.addf %dot_general3A_1880, %add3A_2003 : vector<64x118xf32>
    %max3A_2005 = arith.constant 0.000000e+00 : f32
    %max3A_2006 = vector.broadcast %max3A_2005 : f32 to vector<64x118xf32>
    %max3A_2007 = arith.maximumf %add3A_2004, %max3A_2006 : vector<64x118xf32>
    %add3A_2008 = vector.broadcast %get3A_15 : vector<64x1xf32> to vector<64x118xf32>
    %add3A_2009 = arith.addf %dot_general3A_1882, %add3A_2008 : vector<64x118xf32>
    %max3A_2010 = arith.constant 0.000000e+00 : f32
    %max3A_2011 = vector.broadcast %max3A_2010 : f32 to vector<64x118xf32>
    %max3A_2012 = arith.maximumf %add3A_2009, %max3A_2011 : vector<64x118xf32>
    %add3A_2013 = vector.broadcast %get3A_15 : vector<64x1xf32> to vector<64x118xf32>
    %add3A_2014 = arith.addf %dot_general3A_1884, %add3A_2013 : vector<64x118xf32>
    %max3A_2015 = arith.constant 0.000000e+00 : f32
    %max3A_2016 = vector.broadcast %max3A_2015 : f32 to vector<64x118xf32>
    %max3A_2017 = arith.maximumf %add3A_2014, %max3A_2016 : vector<64x118xf32>
    %add3A_2018 = vector.broadcast %get3A_15 : vector<64x1xf32> to vector<64x118xf32>
    %add3A_2019 = arith.addf %dot_general3A_1886, %add3A_2018 : vector<64x118xf32>
    %max3A_2020 = arith.constant 0.000000e+00 : f32
    %max3A_2021 = vector.broadcast %max3A_2020 : f32 to vector<64x118xf32>
    %max3A_2022 = arith.maximumf %add3A_2019, %max3A_2021 : vector<64x118xf32>
    %add3A_2023 = vector.broadcast %get3A_15 : vector<64x1xf32> to vector<64x118xf32>
    %add3A_2024 = arith.addf %dot_general3A_1888, %add3A_2023 : vector<64x118xf32>
    %max3A_2025 = arith.constant 0.000000e+00 : f32
    %max3A_2026 = vector.broadcast %max3A_2025 : f32 to vector<64x118xf32>
    %max3A_2027 = arith.maximumf %add3A_2024, %max3A_2026 : vector<64x118xf32>
    %add3A_2028 = vector.broadcast %get3A_15 : vector<64x1xf32> to vector<64x118xf32>
    %add3A_2029 = arith.addf %dot_general3A_1890, %add3A_2028 : vector<64x118xf32>
    %max3A_2030 = arith.constant 0.000000e+00 : f32
    %max3A_2031 = vector.broadcast %max3A_2030 : f32 to vector<64x118xf32>
    %max3A_2032 = arith.maximumf %add3A_2029, %max3A_2031 : vector<64x118xf32>
    %add3A_2033 = vector.broadcast %get3A_15 : vector<64x1xf32> to vector<64x118xf32>
    %add3A_2034 = arith.addf %dot_general3A_1892, %add3A_2033 : vector<64x118xf32>
    %max3A_2035 = arith.constant 0.000000e+00 : f32
    %max3A_2036 = vector.broadcast %max3A_2035 : f32 to vector<64x118xf32>
    %max3A_2037 = arith.maximumf %add3A_2034, %max3A_2036 : vector<64x118xf32>
    %add3A_2038 = vector.broadcast %get3A_15 : vector<64x1xf32> to vector<64x118xf32>
    %add3A_2039 = arith.addf %dot_general3A_1894, %add3A_2038 : vector<64x118xf32>
    %max3A_2040 = arith.constant 0.000000e+00 : f32
    %max3A_2041 = vector.broadcast %max3A_2040 : f32 to vector<64x118xf32>
    %max3A_2042 = arith.maximumf %add3A_2039, %max3A_2041 : vector<64x118xf32>
    %add3A_2043 = vector.broadcast %get3A_15 : vector<64x1xf32> to vector<64x118xf32>
    %add3A_2044 = arith.addf %dot_general3A_1896, %add3A_2043 : vector<64x118xf32>
    %max3A_2045 = arith.constant 0.000000e+00 : f32
    %max3A_2046 = vector.broadcast %max3A_2045 : f32 to vector<64x118xf32>
    %max3A_2047 = arith.maximumf %add3A_2044, %max3A_2046 : vector<64x118xf32>
    %add3A_2048 = vector.broadcast %get3A_15 : vector<64x1xf32> to vector<64x118xf32>
    %add3A_2049 = arith.addf %dot_general3A_1898, %add3A_2048 : vector<64x118xf32>
    %max3A_2050 = arith.constant 0.000000e+00 : f32
    %max3A_2051 = vector.broadcast %max3A_2050 : f32 to vector<64x118xf32>
    %max3A_2052 = arith.maximumf %add3A_2049, %max3A_2051 : vector<64x118xf32>
    %add3A_2053 = vector.broadcast %get3A_15 : vector<64x1xf32> to vector<64x118xf32>
    %add3A_2054 = arith.addf %dot_general3A_1900, %add3A_2053 : vector<64x118xf32>
    %max3A_2055 = arith.constant 0.000000e+00 : f32
    %max3A_2056 = vector.broadcast %max3A_2055 : f32 to vector<64x118xf32>
    %max3A_2057 = arith.maximumf %add3A_2054, %max3A_2056 : vector<64x118xf32>
    %add3A_2058 = vector.broadcast %get3A_15 : vector<64x1xf32> to vector<64x118xf32>
    %add3A_2059 = arith.addf %dot_general3A_1902, %add3A_2058 : vector<64x118xf32>
    %max3A_2060 = arith.constant 0.000000e+00 : f32
    %max3A_2061 = vector.broadcast %max3A_2060 : f32 to vector<64x118xf32>
    %max3A_2062 = arith.maximumf %add3A_2059, %max3A_2061 : vector<64x118xf32>
    %dot_general3A_2063 = arith.constant dense<0.000000e+00> : vector<24x118xf32>
    %dot_general3A_2064 = tpu.matmul %get3A_12, %max3A_1907, %dot_general3A_2063 {dimension_numbers = #tpu.dot_dimension_numbers<[0], [0], [1], [1], [0, 1, 1, 1], [], []>, transpose_lhs_hint = false} : vector<64x24xf32>, vector<64x118xf32>, vector<24x118xf32> -> vector<24x118xf32>
    %dot_general3A_2065 = arith.constant dense<0.000000e+00> : vector<24x118xf32>
    %dot_general3A_2066 = tpu.matmul %get3A_12, %max3A_1912, %dot_general3A_2065 {dimension_numbers = #tpu.dot_dimension_numbers<[0], [0], [1], [1], [0, 1, 1, 1], [], []>, transpose_lhs_hint = false} : vector<64x24xf32>, vector<64x118xf32>, vector<24x118xf32> -> vector<24x118xf32>
    %dot_general3A_2067 = arith.constant dense<0.000000e+00> : vector<24x118xf32>
    %dot_general3A_2068 = tpu.matmul %get3A_12, %max3A_1917, %dot_general3A_2067 {dimension_numbers = #tpu.dot_dimension_numbers<[0], [0], [1], [1], [0, 1, 1, 1], [], []>, transpose_lhs_hint = false} : vector<64x24xf32>, vector<64x118xf32>, vector<24x118xf32> -> vector<24x118xf32>
    %dot_general3A_2069 = arith.constant dense<0.000000e+00> : vector<24x118xf32>
    %dot_general3A_2070 = tpu.matmul %get3A_12, %max3A_1922, %dot_general3A_2069 {dimension_numbers = #tpu.dot_dimension_numbers<[0], [0], [1], [1], [0, 1, 1, 1], [], []>, transpose_lhs_hint = false} : vector<64x24xf32>, vector<64x118xf32>, vector<24x118xf32> -> vector<24x118xf32>
    %dot_general3A_2071 = arith.constant dense<0.000000e+00> : vector<24x118xf32>
    %dot_general3A_2072 = tpu.matmul %get3A_12, %max3A_1927, %dot_general3A_2071 {dimension_numbers = #tpu.dot_dimension_numbers<[0], [0], [1], [1], [0, 1, 1, 1], [], []>, transpose_lhs_hint = false} : vector<64x24xf32>, vector<64x118xf32>, vector<24x118xf32> -> vector<24x118xf32>
    %dot_general3A_2073 = arith.constant dense<0.000000e+00> : vector<24x118xf32>
    %dot_general3A_2074 = tpu.matmul %get3A_12, %max3A_1932, %dot_general3A_2073 {dimension_numbers = #tpu.dot_dimension_numbers<[0], [0], [1], [1], [0, 1, 1, 1], [], []>, transpose_lhs_hint = false} : vector<64x24xf32>, vector<64x118xf32>, vector<24x118xf32> -> vector<24x118xf32>
    %dot_general3A_2075 = arith.constant dense<0.000000e+00> : vector<24x118xf32>
    %dot_general3A_2076 = tpu.matmul %get3A_12, %max3A_1937, %dot_general3A_2075 {dimension_numbers = #tpu.dot_dimension_numbers<[0], [0], [1], [1], [0, 1, 1, 1], [], []>, transpose_lhs_hint = false} : vector<64x24xf32>, vector<64x118xf32>, vector<24x118xf32> -> vector<24x118xf32>
    %dot_general3A_2077 = arith.constant dense<0.000000e+00> : vector<24x118xf32>
    %dot_general3A_2078 = tpu.matmul %get3A_12, %max3A_1942, %dot_general3A_2077 {dimension_numbers = #tpu.dot_dimension_numbers<[0], [0], [1], [1], [0, 1, 1, 1], [], []>, transpose_lhs_hint = false} : vector<64x24xf32>, vector<64x118xf32>, vector<24x118xf32> -> vector<24x118xf32>
    %dot_general3A_2079 = arith.constant dense<0.000000e+00> : vector<24x118xf32>
    %dot_general3A_2080 = tpu.matmul %get3A_12, %max3A_1947, %dot_general3A_2079 {dimension_numbers = #tpu.dot_dimension_numbers<[0], [0], [1], [1], [0, 1, 1, 1], [], []>, transpose_lhs_hint = false} : vector<64x24xf32>, vector<64x118xf32>, vector<24x118xf32> -> vector<24x118xf32>
    %dot_general3A_2081 = arith.constant dense<0.000000e+00> : vector<24x118xf32>
    %dot_general3A_2082 = tpu.matmul %get3A_12, %max3A_1952, %dot_general3A_2081 {dimension_numbers = #tpu.dot_dimension_numbers<[0], [0], [1], [1], [0, 1, 1, 1], [], []>, transpose_lhs_hint = false} : vector<64x24xf32>, vector<64x118xf32>, vector<24x118xf32> -> vector<24x118xf32>
    %dot_general3A_2083 = arith.constant dense<0.000000e+00> : vector<24x118xf32>
    %dot_general3A_2084 = tpu.matmul %get3A_12, %max3A_1957, %dot_general3A_2083 {dimension_numbers = #tpu.dot_dimension_numbers<[0], [0], [1], [1], [0, 1, 1, 1], [], []>, transpose_lhs_hint = false} : vector<64x24xf32>, vector<64x118xf32>, vector<24x118xf32> -> vector<24x118xf32>
    %dot_general3A_2085 = arith.constant dense<0.000000e+00> : vector<24x118xf32>
    %dot_general3A_2086 = tpu.matmul %get3A_12, %max3A_1962, %dot_general3A_2085 {dimension_numbers = #tpu.dot_dimension_numbers<[0], [0], [1], [1], [0, 1, 1, 1], [], []>, transpose_lhs_hint = false} : vector<64x24xf32>, vector<64x118xf32>, vector<24x118xf32> -> vector<24x118xf32>
    %dot_general3A_2087 = arith.constant dense<0.000000e+00> : vector<24x118xf32>
    %dot_general3A_2088 = tpu.matmul %get3A_12, %max3A_1967, %dot_general3A_2087 {dimension_numbers = #tpu.dot_dimension_numbers<[0], [0], [1], [1], [0, 1, 1, 1], [], []>, transpose_lhs_hint = false} : vector<64x24xf32>, vector<64x118xf32>, vector<24x118xf32> -> vector<24x118xf32>
    %dot_general3A_2089 = arith.constant dense<0.000000e+00> : vector<24x118xf32>
    %dot_general3A_2090 = tpu.matmul %get3A_12, %max3A_1972, %dot_general3A_2089 {dimension_numbers = #tpu.dot_dimension_numbers<[0], [0], [1], [1], [0, 1, 1, 1], [], []>, transpose_lhs_hint = false} : vector<64x24xf32>, vector<64x118xf32>, vector<24x118xf32> -> vector<24x118xf32>
    %dot_general3A_2091 = arith.constant dense<0.000000e+00> : vector<24x118xf32>
    %dot_general3A_2092 = tpu.matmul %get3A_12, %max3A_1977, %dot_general3A_2091 {dimension_numbers = #tpu.dot_dimension_numbers<[0], [0], [1], [1], [0, 1, 1, 1], [], []>, transpose_lhs_hint = false} : vector<64x24xf32>, vector<64x118xf32>, vector<24x118xf32> -> vector<24x118xf32>
    %dot_general3A_2093 = arith.constant dense<0.000000e+00> : vector<24x118xf32>
    %dot_general3A_2094 = tpu.matmul %get3A_12, %max3A_1982, %dot_general3A_2093 {dimension_numbers = #tpu.dot_dimension_numbers<[0], [0], [1], [1], [0, 1, 1, 1], [], []>, transpose_lhs_hint = false} : vector<64x24xf32>, vector<64x118xf32>, vector<24x118xf32> -> vector<24x118xf32>
    %dot_general3A_2095 = arith.constant dense<0.000000e+00> : vector<24x118xf32>
    %dot_general3A_2096 = tpu.matmul %get3A_12, %max3A_1987, %dot_general3A_2095 {dimension_numbers = #tpu.dot_dimension_numbers<[0], [0], [1], [1], [0, 1, 1, 1], [], []>, transpose_lhs_hint = false} : vector<64x24xf32>, vector<64x118xf32>, vector<24x118xf32> -> vector<24x118xf32>
    %dot_general3A_2097 = arith.constant dense<0.000000e+00> : vector<24x118xf32>
    %dot_general3A_2098 = tpu.matmul %get3A_12, %max3A_1992, %dot_general3A_2097 {dimension_numbers = #tpu.dot_dimension_numbers<[0], [0], [1], [1], [0, 1, 1, 1], [], []>, transpose_lhs_hint = false} : vector<64x24xf32>, vector<64x118xf32>, vector<24x118xf32> -> vector<24x118xf32>
    %dot_general3A_2099 = arith.constant dense<0.000000e+00> : vector<24x118xf32>
    %dot_general3A_2100 = tpu.matmul %get3A_12, %max3A_1997, %dot_general3A_2099 {dimension_numbers = #tpu.dot_dimension_numbers<[0], [0], [1], [1], [0, 1, 1, 1], [], []>, transpose_lhs_hint = false} : vector<64x24xf32>, vector<64x118xf32>, vector<24x118xf32> -> vector<24x118xf32>
    %dot_general3A_2101 = arith.constant dense<0.000000e+00> : vector<24x118xf32>
    %dot_general3A_2102 = tpu.matmul %get3A_12, %max3A_2002, %dot_general3A_2101 {dimension_numbers = #tpu.dot_dimension_numbers<[0], [0], [1], [1], [0, 1, 1, 1], [], []>, transpose_lhs_hint = false} : vector<64x24xf32>, vector<64x118xf32>, vector<24x118xf32> -> vector<24x118xf32>
    %dot_general3A_2103 = arith.constant dense<0.000000e+00> : vector<24x118xf32>
    %dot_general3A_2104 = tpu.matmul %get3A_12, %max3A_2007, %dot_general3A_2103 {dimension_numbers = #tpu.dot_dimension_numbers<[0], [0], [1], [1], [0, 1, 1, 1], [], []>, transpose_lhs_hint = false} : vector<64x24xf32>, vector<64x118xf32>, vector<24x118xf32> -> vector<24x118xf32>
    %dot_general3A_2105 = arith.constant dense<0.000000e+00> : vector<24x118xf32>
    %dot_general3A_2106 = tpu.matmul %get3A_12, %max3A_2012, %dot_general3A_2105 {dimension_numbers = #tpu.dot_dimension_numbers<[0], [0], [1], [1], [0, 1, 1, 1], [], []>, transpose_lhs_hint = false} : vector<64x24xf32>, vector<64x118xf32>, vector<24x118xf32> -> vector<24x118xf32>
    %dot_general3A_2107 = arith.constant dense<0.000000e+00> : vector<24x118xf32>
    %dot_general3A_2108 = tpu.matmul %get3A_12, %max3A_2017, %dot_general3A_2107 {dimension_numbers = #tpu.dot_dimension_numbers<[0], [0], [1], [1], [0, 1, 1, 1], [], []>, transpose_lhs_hint = false} : vector<64x24xf32>, vector<64x118xf32>, vector<24x118xf32> -> vector<24x118xf32>
    %dot_general3A_2109 = arith.constant dense<0.000000e+00> : vector<24x118xf32>
    %dot_general3A_2110 = tpu.matmul %get3A_12, %max3A_2022, %dot_general3A_2109 {dimension_numbers = #tpu.dot_dimension_numbers<[0], [0], [1], [1], [0, 1, 1, 1], [], []>, transpose_lhs_hint = false} : vector<64x24xf32>, vector<64x118xf32>, vector<24x118xf32> -> vector<24x118xf32>
    %dot_general3A_2111 = arith.constant dense<0.000000e+00> : vector<24x118xf32>
    %dot_general3A_2112 = tpu.matmul %get3A_12, %max3A_2027, %dot_general3A_2111 {dimension_numbers = #tpu.dot_dimension_numbers<[0], [0], [1], [1], [0, 1, 1, 1], [], []>, transpose_lhs_hint = false} : vector<64x24xf32>, vector<64x118xf32>, vector<24x118xf32> -> vector<24x118xf32>
    %dot_general3A_2113 = arith.constant dense<0.000000e+00> : vector<24x118xf32>
    %dot_general3A_2114 = tpu.matmul %get3A_12, %max3A_2032, %dot_general3A_2113 {dimension_numbers = #tpu.dot_dimension_numbers<[0], [0], [1], [1], [0, 1, 1, 1], [], []>, transpose_lhs_hint = false} : vector<64x24xf32>, vector<64x118xf32>, vector<24x118xf32> -> vector<24x118xf32>
    %dot_general3A_2115 = arith.constant dense<0.000000e+00> : vector<24x118xf32>
    %dot_general3A_2116 = tpu.matmul %get3A_12, %max3A_2037, %dot_general3A_2115 {dimension_numbers = #tpu.dot_dimension_numbers<[0], [0], [1], [1], [0, 1, 1, 1], [], []>, transpose_lhs_hint = false} : vector<64x24xf32>, vector<64x118xf32>, vector<24x118xf32> -> vector<24x118xf32>
    %dot_general3A_2117 = arith.constant dense<0.000000e+00> : vector<24x118xf32>
    %dot_general3A_2118 = tpu.matmul %get3A_12, %max3A_2042, %dot_general3A_2117 {dimension_numbers = #tpu.dot_dimension_numbers<[0], [0], [1], [1], [0, 1, 1, 1], [], []>, transpose_lhs_hint = false} : vector<64x24xf32>, vector<64x118xf32>, vector<24x118xf32> -> vector<24x118xf32>
    %dot_general3A_2119 = arith.constant dense<0.000000e+00> : vector<24x118xf32>
    %dot_general3A_2120 = tpu.matmul %get3A_12, %max3A_2047, %dot_general3A_2119 {dimension_numbers = #tpu.dot_dimension_numbers<[0], [0], [1], [1], [0, 1, 1, 1], [], []>, transpose_lhs_hint = false} : vector<64x24xf32>, vector<64x118xf32>, vector<24x118xf32> -> vector<24x118xf32>
    %dot_general3A_2121 = arith.constant dense<0.000000e+00> : vector<24x118xf32>
    %dot_general3A_2122 = tpu.matmul %get3A_12, %max3A_2052, %dot_general3A_2121 {dimension_numbers = #tpu.dot_dimension_numbers<[0], [0], [1], [1], [0, 1, 1, 1], [], []>, transpose_lhs_hint = false} : vector<64x24xf32>, vector<64x118xf32>, vector<24x118xf32> -> vector<24x118xf32>
    %dot_general3A_2123 = arith.constant dense<0.000000e+00> : vector<24x118xf32>
    %dot_general3A_2124 = tpu.matmul %get3A_12, %max3A_2057, %dot_general3A_2123 {dimension_numbers = #tpu.dot_dimension_numbers<[0], [0], [1], [1], [0, 1, 1, 1], [], []>, transpose_lhs_hint = false} : vector<64x24xf32>, vector<64x118xf32>, vector<24x118xf32> -> vector<24x118xf32>
    %dot_general3A_2125 = arith.constant dense<0.000000e+00> : vector<24x118xf32>
    %dot_general3A_2126 = tpu.matmul %get3A_12, %max3A_2062, %dot_general3A_2125 {dimension_numbers = #tpu.dot_dimension_numbers<[0], [0], [1], [1], [0, 1, 1, 1], [], []>, transpose_lhs_hint = false} : vector<64x24xf32>, vector<64x118xf32>, vector<24x118xf32> -> vector<24x118xf32>
    %dot_general3A_2127 = arith.constant dense<0.000000e+00> : vector<54x24xf32>
    %dot_general3A_2128 = tpu.matmul %get3A_6, %dot_general3A_2064, %dot_general3A_2127 {dimension_numbers = #tpu.dot_dimension_numbers<[1], [1], [0], [0], [0, 0, 1, 0], [], []>, transpose_lhs_hint = false} : vector<54x118xf32>, vector<24x118xf32>, vector<54x24xf32> -> vector<54x24xf32>
    %dot_general3A_2129 = arith.constant dense<0.000000e+00> : vector<54x24xf32>
    %dot_general3A_2130 = tpu.matmul %get3A_6, %dot_general3A_2066, %dot_general3A_2129 {dimension_numbers = #tpu.dot_dimension_numbers<[1], [1], [0], [0], [0, 0, 1, 0], [], []>, transpose_lhs_hint = false} : vector<54x118xf32>, vector<24x118xf32>, vector<54x24xf32> -> vector<54x24xf32>
    %dot_general3A_2131 = arith.constant dense<0.000000e+00> : vector<54x24xf32>
    %dot_general3A_2132 = tpu.matmul %get3A_6, %dot_general3A_2068, %dot_general3A_2131 {dimension_numbers = #tpu.dot_dimension_numbers<[1], [1], [0], [0], [0, 0, 1, 0], [], []>, transpose_lhs_hint = false} : vector<54x118xf32>, vector<24x118xf32>, vector<54x24xf32> -> vector<54x24xf32>
    %dot_general3A_2133 = arith.constant dense<0.000000e+00> : vector<54x24xf32>
    %dot_general3A_2134 = tpu.matmul %get3A_6, %dot_general3A_2070, %dot_general3A_2133 {dimension_numbers = #tpu.dot_dimension_numbers<[1], [1], [0], [0], [0, 0, 1, 0], [], []>, transpose_lhs_hint = false} : vector<54x118xf32>, vector<24x118xf32>, vector<54x24xf32> -> vector<54x24xf32>
    %dot_general3A_2135 = arith.constant dense<0.000000e+00> : vector<54x24xf32>
    %dot_general3A_2136 = tpu.matmul %get3A_6, %dot_general3A_2072, %dot_general3A_2135 {dimension_numbers = #tpu.dot_dimension_numbers<[1], [1], [0], [0], [0, 0, 1, 0], [], []>, transpose_lhs_hint = false} : vector<54x118xf32>, vector<24x118xf32>, vector<54x24xf32> -> vector<54x24xf32>
    %dot_general3A_2137 = arith.constant dense<0.000000e+00> : vector<54x24xf32>
    %dot_general3A_2138 = tpu.matmul %get3A_6, %dot_general3A_2074, %dot_general3A_2137 {dimension_numbers = #tpu.dot_dimension_numbers<[1], [1], [0], [0], [0, 0, 1, 0], [], []>, transpose_lhs_hint = false} : vector<54x118xf32>, vector<24x118xf32>, vector<54x24xf32> -> vector<54x24xf32>
    %dot_general3A_2139 = arith.constant dense<0.000000e+00> : vector<54x24xf32>
    %dot_general3A_2140 = tpu.matmul %get3A_6, %dot_general3A_2076, %dot_general3A_2139 {dimension_numbers = #tpu.dot_dimension_numbers<[1], [1], [0], [0], [0, 0, 1, 0], [], []>, transpose_lhs_hint = false} : vector<54x118xf32>, vector<24x118xf32>, vector<54x24xf32> -> vector<54x24xf32>
    %dot_general3A_2141 = arith.constant dense<0.000000e+00> : vector<54x24xf32>
    %dot_general3A_2142 = tpu.matmul %get3A_6, %dot_general3A_2078, %dot_general3A_2141 {dimension_numbers = #tpu.dot_dimension_numbers<[1], [1], [0], [0], [0, 0, 1, 0], [], []>, transpose_lhs_hint = false} : vector<54x118xf32>, vector<24x118xf32>, vector<54x24xf32> -> vector<54x24xf32>
    %dot_general3A_2143 = arith.constant dense<0.000000e+00> : vector<54x24xf32>
    %dot_general3A_2144 = tpu.matmul %get3A_6, %dot_general3A_2080, %dot_general3A_2143 {dimension_numbers = #tpu.dot_dimension_numbers<[1], [1], [0], [0], [0, 0, 1, 0], [], []>, transpose_lhs_hint = false} : vector<54x118xf32>, vector<24x118xf32>, vector<54x24xf32> -> vector<54x24xf32>
    %dot_general3A_2145 = arith.constant dense<0.000000e+00> : vector<54x24xf32>
    %dot_general3A_2146 = tpu.matmul %get3A_6, %dot_general3A_2082, %dot_general3A_2145 {dimension_numbers = #tpu.dot_dimension_numbers<[1], [1], [0], [0], [0, 0, 1, 0], [], []>, transpose_lhs_hint = false} : vector<54x118xf32>, vector<24x118xf32>, vector<54x24xf32> -> vector<54x24xf32>
    %dot_general3A_2147 = arith.constant dense<0.000000e+00> : vector<54x24xf32>
    %dot_general3A_2148 = tpu.matmul %get3A_6, %dot_general3A_2084, %dot_general3A_2147 {dimension_numbers = #tpu.dot_dimension_numbers<[1], [1], [0], [0], [0, 0, 1, 0], [], []>, transpose_lhs_hint = false} : vector<54x118xf32>, vector<24x118xf32>, vector<54x24xf32> -> vector<54x24xf32>
    %dot_general3A_2149 = arith.constant dense<0.000000e+00> : vector<54x24xf32>
    %dot_general3A_2150 = tpu.matmul %get3A_6, %dot_general3A_2086, %dot_general3A_2149 {dimension_numbers = #tpu.dot_dimension_numbers<[1], [1], [0], [0], [0, 0, 1, 0], [], []>, transpose_lhs_hint = false} : vector<54x118xf32>, vector<24x118xf32>, vector<54x24xf32> -> vector<54x24xf32>
    %dot_general3A_2151 = arith.constant dense<0.000000e+00> : vector<54x24xf32>
    %dot_general3A_2152 = tpu.matmul %get3A_6, %dot_general3A_2088, %dot_general3A_2151 {dimension_numbers = #tpu.dot_dimension_numbers<[1], [1], [0], [0], [0, 0, 1, 0], [], []>, transpose_lhs_hint = false} : vector<54x118xf32>, vector<24x118xf32>, vector<54x24xf32> -> vector<54x24xf32>
    %dot_general3A_2153 = arith.constant dense<0.000000e+00> : vector<54x24xf32>
    %dot_general3A_2154 = tpu.matmul %get3A_6, %dot_general3A_2090, %dot_general3A_2153 {dimension_numbers = #tpu.dot_dimension_numbers<[1], [1], [0], [0], [0, 0, 1, 0], [], []>, transpose_lhs_hint = false} : vector<54x118xf32>, vector<24x118xf32>, vector<54x24xf32> -> vector<54x24xf32>
    %dot_general3A_2155 = arith.constant dense<0.000000e+00> : vector<54x24xf32>
    %dot_general3A_2156 = tpu.matmul %get3A_6, %dot_general3A_2092, %dot_general3A_2155 {dimension_numbers = #tpu.dot_dimension_numbers<[1], [1], [0], [0], [0, 0, 1, 0], [], []>, transpose_lhs_hint = false} : vector<54x118xf32>, vector<24x118xf32>, vector<54x24xf32> -> vector<54x24xf32>
    %dot_general3A_2157 = arith.constant dense<0.000000e+00> : vector<54x24xf32>
    %dot_general3A_2158 = tpu.matmul %get3A_6, %dot_general3A_2094, %dot_general3A_2157 {dimension_numbers = #tpu.dot_dimension_numbers<[1], [1], [0], [0], [0, 0, 1, 0], [], []>, transpose_lhs_hint = false} : vector<54x118xf32>, vector<24x118xf32>, vector<54x24xf32> -> vector<54x24xf32>
    %dot_general3A_2159 = arith.constant dense<0.000000e+00> : vector<54x24xf32>
    %dot_general3A_2160 = tpu.matmul %get3A_6, %dot_general3A_2096, %dot_general3A_2159 {dimension_numbers = #tpu.dot_dimension_numbers<[1], [1], [0], [0], [0, 0, 1, 0], [], []>, transpose_lhs_hint = false} : vector<54x118xf32>, vector<24x118xf32>, vector<54x24xf32> -> vector<54x24xf32>
    %dot_general3A_2161 = arith.constant dense<0.000000e+00> : vector<54x24xf32>
    %dot_general3A_2162 = tpu.matmul %get3A_6, %dot_general3A_2098, %dot_general3A_2161 {dimension_numbers = #tpu.dot_dimension_numbers<[1], [1], [0], [0], [0, 0, 1, 0], [], []>, transpose_lhs_hint = false} : vector<54x118xf32>, vector<24x118xf32>, vector<54x24xf32> -> vector<54x24xf32>
    %dot_general3A_2163 = arith.constant dense<0.000000e+00> : vector<54x24xf32>
    %dot_general3A_2164 = tpu.matmul %get3A_6, %dot_general3A_2100, %dot_general3A_2163 {dimension_numbers = #tpu.dot_dimension_numbers<[1], [1], [0], [0], [0, 0, 1, 0], [], []>, transpose_lhs_hint = false} : vector<54x118xf32>, vector<24x118xf32>, vector<54x24xf32> -> vector<54x24xf32>
    %dot_general3A_2165 = arith.constant dense<0.000000e+00> : vector<54x24xf32>
    %dot_general3A_2166 = tpu.matmul %get3A_6, %dot_general3A_2102, %dot_general3A_2165 {dimension_numbers = #tpu.dot_dimension_numbers<[1], [1], [0], [0], [0, 0, 1, 0], [], []>, transpose_lhs_hint = false} : vector<54x118xf32>, vector<24x118xf32>, vector<54x24xf32> -> vector<54x24xf32>
    %dot_general3A_2167 = arith.constant dense<0.000000e+00> : vector<54x24xf32>
    %dot_general3A_2168 = tpu.matmul %get3A_6, %dot_general3A_2104, %dot_general3A_2167 {dimension_numbers = #tpu.dot_dimension_numbers<[1], [1], [0], [0], [0, 0, 1, 0], [], []>, transpose_lhs_hint = false} : vector<54x118xf32>, vector<24x118xf32>, vector<54x24xf32> -> vector<54x24xf32>
    %dot_general3A_2169 = arith.constant dense<0.000000e+00> : vector<54x24xf32>
    %dot_general3A_2170 = tpu.matmul %get3A_6, %dot_general3A_2106, %dot_general3A_2169 {dimension_numbers = #tpu.dot_dimension_numbers<[1], [1], [0], [0], [0, 0, 1, 0], [], []>, transpose_lhs_hint = false} : vector<54x118xf32>, vector<24x118xf32>, vector<54x24xf32> -> vector<54x24xf32>
    %dot_general3A_2171 = arith.constant dense<0.000000e+00> : vector<54x24xf32>
    %dot_general3A_2172 = tpu.matmul %get3A_6, %dot_general3A_2108, %dot_general3A_2171 {dimension_numbers = #tpu.dot_dimension_numbers<[1], [1], [0], [0], [0, 0, 1, 0], [], []>, transpose_lhs_hint = false} : vector<54x118xf32>, vector<24x118xf32>, vector<54x24xf32> -> vector<54x24xf32>
    %dot_general3A_2173 = arith.constant dense<0.000000e+00> : vector<54x24xf32>
    %dot_general3A_2174 = tpu.matmul %get3A_6, %dot_general3A_2110, %dot_general3A_2173 {dimension_numbers = #tpu.dot_dimension_numbers<[1], [1], [0], [0], [0, 0, 1, 0], [], []>, transpose_lhs_hint = false} : vector<54x118xf32>, vector<24x118xf32>, vector<54x24xf32> -> vector<54x24xf32>
    %dot_general3A_2175 = arith.constant dense<0.000000e+00> : vector<54x24xf32>
    %dot_general3A_2176 = tpu.matmul %get3A_6, %dot_general3A_2112, %dot_general3A_2175 {dimension_numbers = #tpu.dot_dimension_numbers<[1], [1], [0], [0], [0, 0, 1, 0], [], []>, transpose_lhs_hint = false} : vector<54x118xf32>, vector<24x118xf32>, vector<54x24xf32> -> vector<54x24xf32>
    %dot_general3A_2177 = arith.constant dense<0.000000e+00> : vector<54x24xf32>
    %dot_general3A_2178 = tpu.matmul %get3A_6, %dot_general3A_2114, %dot_general3A_2177 {dimension_numbers = #tpu.dot_dimension_numbers<[1], [1], [0], [0], [0, 0, 1, 0], [], []>, transpose_lhs_hint = false} : vector<54x118xf32>, vector<24x118xf32>, vector<54x24xf32> -> vector<54x24xf32>
    %dot_general3A_2179 = arith.constant dense<0.000000e+00> : vector<54x24xf32>
    %dot_general3A_2180 = tpu.matmul %get3A_6, %dot_general3A_2116, %dot_general3A_2179 {dimension_numbers = #tpu.dot_dimension_numbers<[1], [1], [0], [0], [0, 0, 1, 0], [], []>, transpose_lhs_hint = false} : vector<54x118xf32>, vector<24x118xf32>, vector<54x24xf32> -> vector<54x24xf32>
    %dot_general3A_2181 = arith.constant dense<0.000000e+00> : vector<54x24xf32>
    %dot_general3A_2182 = tpu.matmul %get3A_6, %dot_general3A_2118, %dot_general3A_2181 {dimension_numbers = #tpu.dot_dimension_numbers<[1], [1], [0], [0], [0, 0, 1, 0], [], []>, transpose_lhs_hint = false} : vector<54x118xf32>, vector<24x118xf32>, vector<54x24xf32> -> vector<54x24xf32>
    %dot_general3A_2183 = arith.constant dense<0.000000e+00> : vector<54x24xf32>
    %dot_general3A_2184 = tpu.matmul %get3A_6, %dot_general3A_2120, %dot_general3A_2183 {dimension_numbers = #tpu.dot_dimension_numbers<[1], [1], [0], [0], [0, 0, 1, 0], [], []>, transpose_lhs_hint = false} : vector<54x118xf32>, vector<24x118xf32>, vector<54x24xf32> -> vector<54x24xf32>
    %dot_general3A_2185 = arith.constant dense<0.000000e+00> : vector<54x24xf32>
    %dot_general3A_2186 = tpu.matmul %get3A_6, %dot_general3A_2122, %dot_general3A_2185 {dimension_numbers = #tpu.dot_dimension_numbers<[1], [1], [0], [0], [0, 0, 1, 0], [], []>, transpose_lhs_hint = false} : vector<54x118xf32>, vector<24x118xf32>, vector<54x24xf32> -> vector<54x24xf32>
    %dot_general3A_2187 = arith.constant dense<0.000000e+00> : vector<54x24xf32>
    %dot_general3A_2188 = tpu.matmul %get3A_6, %dot_general3A_2124, %dot_general3A_2187 {dimension_numbers = #tpu.dot_dimension_numbers<[1], [1], [0], [0], [0, 0, 1, 0], [], []>, transpose_lhs_hint = false} : vector<54x118xf32>, vector<24x118xf32>, vector<54x24xf32> -> vector<54x24xf32>
    %dot_general3A_2189 = arith.constant dense<0.000000e+00> : vector<54x24xf32>
    %dot_general3A_2190 = tpu.matmul %get3A_6, %dot_general3A_2126, %dot_general3A_2189 {dimension_numbers = #tpu.dot_dimension_numbers<[1], [1], [0], [0], [0, 0, 1, 0], [], []>, transpose_lhs_hint = false} : vector<54x118xf32>, vector<24x118xf32>, vector<54x24xf32> -> vector<54x24xf32>
    %add3A_2191 = arith.addf %dot_general3A_2128, %get3A_18 : vector<54x24xf32>
    %swap3A_2192 = arith.constant 64 : index
    %swap3A_2193 = arith.constant 0 : index
    %swap3A_2194 = arith.constant 0 : index
    %swap3A_2195 = vector.load %arg8[%swap3A_2192, %swap3A_2193, %swap3A_2194] : memref<128x54x24xf32, #tpu.memory_space<vmem>>, vector<1x54x24xf32>
    %swap3A_2196 = vector.shape_cast %swap3A_2195 : vector<1x54x24xf32> to vector<54x24xf32>
    %swap3A_2197 = vector.shape_cast %add3A_2191 : vector<54x24xf32> to vector<1x54x24xf32>
    tpu.vector_store %arg8[%swap3A_2192, %swap3A_2193, %swap3A_2194], %swap3A_2197 {strides = array<i32>} : memref<128x54x24xf32, #tpu.memory_space<vmem>>, vector<1x54x24xf32>,
    %add3A_2198 = arith.addf %dot_general3A_2130, %get3A_18 : vector<54x24xf32>
    %swap3A_2199 = arith.constant 65 : index
    %swap3A_2200 = arith.constant 0 : index
    %swap3A_2201 = arith.constant 0 : index
    %swap3A_2202 = vector.load %arg8[%swap3A_2199, %swap3A_2200, %swap3A_2201] : memref<128x54x24xf32, #tpu.memory_space<vmem>>, vector<1x54x24xf32>
    %swap3A_2203 = vector.shape_cast %swap3A_2202 : vector<1x54x24xf32> to vector<54x24xf32>
    %swap3A_2204 = vector.shape_cast %add3A_2198 : vector<54x24xf32> to vector<1x54x24xf32>
    tpu.vector_store %arg8[%swap3A_2199, %swap3A_2200, %swap3A_2201], %swap3A_2204 {strides = array<i32>} : memref<128x54x24xf32, #tpu.memory_space<vmem>>, vector<1x54x24xf32>,
    %add3A_2205 = arith.addf %dot_general3A_2132, %get3A_18 : vector<54x24xf32>
    %swap3A_2206 = arith.constant 66 : index
    %swap3A_2207 = arith.constant 0 : index
    %swap3A_2208 = arith.constant 0 : index
    %swap3A_2209 = vector.load %arg8[%swap3A_2206, %swap3A_2207, %swap3A_2208] : memref<128x54x24xf32, #tpu.memory_space<vmem>>, vector<1x54x24xf32>
    %swap3A_2210 = vector.shape_cast %swap3A_2209 : vector<1x54x24xf32> to vector<54x24xf32>
    %swap3A_2211 = vector.shape_cast %add3A_2205 : vector<54x24xf32> to vector<1x54x24xf32>
    tpu.vector_store %arg8[%swap3A_2206, %swap3A_2207, %swap3A_2208], %swap3A_2211 {strides = array<i32>} : memref<128x54x24xf32, #tpu.memory_space<vmem>>, vector<1x54x24xf32>,
    %add3A_2212 = arith.addf %dot_general3A_2134, %get3A_18 : vector<54x24xf32>
    %swap3A_2213 = arith.constant 67 : index
    %swap3A_2214 = arith.constant 0 : index
    %swap3A_2215 = arith.constant 0 : index
    %swap3A_2216 = vector.load %arg8[%swap3A_2213, %swap3A_2214, %swap3A_2215] : memref<128x54x24xf32, #tpu.memory_space<vmem>>, vector<1x54x24xf32>
    %swap3A_2217 = vector.shape_cast %swap3A_2216 : vector<1x54x24xf32> to vector<54x24xf32>
    %swap3A_2218 = vector.shape_cast %add3A_2212 : vector<54x24xf32> to vector<1x54x24xf32>
    tpu.vector_store %arg8[%swap3A_2213, %swap3A_2214, %swap3A_2215], %swap3A_2218 {strides = array<i32>} : memref<128x54x24xf32, #tpu.memory_space<vmem>>, vector<1x54x24xf32>,
    %add3A_2219 = arith.addf %dot_general3A_2136, %get3A_18 : vector<54x24xf32>
    %swap3A_2220 = arith.constant 68 : index
    %swap3A_2221 = arith.constant 0 : index
    %swap3A_2222 = arith.constant 0 : index
    %swap3A_2223 = vector.load %arg8[%swap3A_2220, %swap3A_2221, %swap3A_2222] : memref<128x54x24xf32, #tpu.memory_space<vmem>>, vector<1x54x24xf32>
    %swap3A_2224 = vector.shape_cast %swap3A_2223 : vector<1x54x24xf32> to vector<54x24xf32>
    %swap3A_2225 = vector.shape_cast %add3A_2219 : vector<54x24xf32> to vector<1x54x24xf32>
    tpu.vector_store %arg8[%swap3A_2220, %swap3A_2221, %swap3A_2222], %swap3A_2225 {strides = array<i32>} : memref<128x54x24xf32, #tpu.memory_space<vmem>>, vector<1x54x24xf32>,
    %add3A_2226 = arith.addf %dot_general3A_2138, %get3A_18 : vector<54x24xf32>
    %swap3A_2227 = arith.constant 69 : index
    %swap3A_2228 = arith.constant 0 : index
    %swap3A_2229 = arith.constant 0 : index
    %swap3A_2230 = vector.load %arg8[%swap3A_2227, %swap3A_2228, %swap3A_2229] : memref<128x54x24xf32, #tpu.memory_space<vmem>>, vector<1x54x24xf32>
    %swap3A_2231 = vector.shape_cast %swap3A_2230 : vector<1x54x24xf32> to vector<54x24xf32>
    %swap3A_2232 = vector.shape_cast %add3A_2226 : vector<54x24xf32> to vector<1x54x24xf32>
    tpu.vector_store %arg8[%swap3A_2227, %swap3A_2228, %swap3A_2229], %swap3A_2232 {strides = array<i32>} : memref<128x54x24xf32, #tpu.memory_space<vmem>>, vector<1x54x24xf32>,
    %add3A_2233 = arith.addf %dot_general3A_2140, %get3A_18 : vector<54x24xf32>
    %swap3A_2234 = arith.constant 70 : index
    %swap3A_2235 = arith.constant 0 : index
    %swap3A_2236 = arith.constant 0 : index
    %swap3A_2237 = vector.load %arg8[%swap3A_2234, %swap3A_2235, %swap3A_2236] : memref<128x54x24xf32, #tpu.memory_space<vmem>>, vector<1x54x24xf32>
    %swap3A_2238 = vector.shape_cast %swap3A_2237 : vector<1x54x24xf32> to vector<54x24xf32>
    %swap3A_2239 = vector.shape_cast %add3A_2233 : vector<54x24xf32> to vector<1x54x24xf32>
    tpu.vector_store %arg8[%swap3A_2234, %swap3A_2235, %swap3A_2236], %swap3A_2239 {strides = array<i32>} : memref<128x54x24xf32, #tpu.memory_space<vmem>>, vector<1x54x24xf32>,
    %add3A_2240 = arith.addf %dot_general3A_2142, %get3A_18 : vector<54x24xf32>
    %swap3A_2241 = arith.constant 71 : index
    %swap3A_2242 = arith.constant 0 : index
    %swap3A_2243 = arith.constant 0 : index
    %swap3A_2244 = vector.load %arg8[%swap3A_2241, %swap3A_2242, %swap3A_2243] : memref<128x54x24xf32, #tpu.memory_space<vmem>>, vector<1x54x24xf32>
    %swap3A_2245 = vector.shape_cast %swap3A_2244 : vector<1x54x24xf32> to vector<54x24xf32>
    %swap3A_2246 = vector.shape_cast %add3A_2240 : vector<54x24xf32> to vector<1x54x24xf32>
    tpu.vector_store %arg8[%swap3A_2241, %swap3A_2242, %swap3A_2243], %swap3A_2246 {strides = array<i32>} : memref<128x54x24xf32, #tpu.memory_space<vmem>>, vector<1x54x24xf32>,
    %add3A_2247 = arith.addf %dot_general3A_2144, %get3A_18 : vector<54x24xf32>
    %swap3A_2248 = arith.constant 72 : index
    %swap3A_2249 = arith.constant 0 : index
    %swap3A_2250 = arith.constant 0 : index
    %swap3A_2251 = vector.load %arg8[%swap3A_2248, %swap3A_2249, %swap3A_2250] : memref<128x54x24xf32, #tpu.memory_space<vmem>>, vector<1x54x24xf32>
    %swap3A_2252 = vector.shape_cast %swap3A_2251 : vector<1x54x24xf32> to vector<54x24xf32>
    %swap3A_2253 = vector.shape_cast %add3A_2247 : vector<54x24xf32> to vector<1x54x24xf32>
    tpu.vector_store %arg8[%swap3A_2248, %swap3A_2249, %swap3A_2250], %swap3A_2253 {strides = array<i32>} : memref<128x54x24xf32, #tpu.memory_space<vmem>>, vector<1x54x24xf32>,
    %add3A_2254 = arith.addf %dot_general3A_2146, %get3A_18 : vector<54x24xf32>
    %swap3A_2255 = arith.constant 73 : index
    %swap3A_2256 = arith.constant 0 : index
    %swap3A_2257 = arith.constant 0 : index
    %swap3A_2258 = vector.load %arg8[%swap3A_2255, %swap3A_2256, %swap3A_2257] : memref<128x54x24xf32, #tpu.memory_space<vmem>>, vector<1x54x24xf32>
    %swap3A_2259 = vector.shape_cast %swap3A_2258 : vector<1x54x24xf32> to vector<54x24xf32>
    %swap3A_2260 = vector.shape_cast %add3A_2254 : vector<54x24xf32> to vector<1x54x24xf32>
    tpu.vector_store %arg8[%swap3A_2255, %swap3A_2256, %swap3A_2257], %swap3A_2260 {strides = array<i32>} : memref<128x54x24xf32, #tpu.memory_space<vmem>>, vector<1x54x24xf32>,
    %add3A_2261 = arith.addf %dot_general3A_2148, %get3A_18 : vector<54x24xf32>
    %swap3A_2262 = arith.constant 74 : index
    %swap3A_2263 = arith.constant 0 : index
    %swap3A_2264 = arith.constant 0 : index
    %swap3A_2265 = vector.load %arg8[%swap3A_2262, %swap3A_2263, %swap3A_2264] : memref<128x54x24xf32, #tpu.memory_space<vmem>>, vector<1x54x24xf32>
    %swap3A_2266 = vector.shape_cast %swap3A_2265 : vector<1x54x24xf32> to vector<54x24xf32>
    %swap3A_2267 = vector.shape_cast %add3A_2261 : vector<54x24xf32> to vector<1x54x24xf32>
    tpu.vector_store %arg8[%swap3A_2262, %swap3A_2263, %swap3A_2264], %swap3A_2267 {strides = array<i32>} : memref<128x54x24xf32, #tpu.memory_space<vmem>>, vector<1x54x24xf32>,
    %add3A_2268 = arith.addf %dot_general3A_2150, %get3A_18 : vector<54x24xf32>
    %swap3A_2269 = arith.constant 75 : index
    %swap3A_2270 = arith.constant 0 : index
    %swap3A_2271 = arith.constant 0 : index
    %swap3A_2272 = vector.load %arg8[%swap3A_2269, %swap3A_2270, %swap3A_2271] : memref<128x54x24xf32, #tpu.memory_space<vmem>>, vector<1x54x24xf32>
    %swap3A_2273 = vector.shape_cast %swap3A_2272 : vector<1x54x24xf32> to vector<54x24xf32>
    %swap3A_2274 = vector.shape_cast %add3A_2268 : vector<54x24xf32> to vector<1x54x24xf32>
    tpu.vector_store %arg8[%swap3A_2269, %swap3A_2270, %swap3A_2271], %swap3A_2274 {strides = array<i32>} : memref<128x54x24xf32, #tpu.memory_space<vmem>>, vector<1x54x24xf32>,
    %add3A_2275 = arith.addf %dot_general3A_2152, %get3A_18 : vector<54x24xf32>
    %swap3A_2276 = arith.constant 76 : index
    %swap3A_2277 = arith.constant 0 : index
    %swap3A_2278 = arith.constant 0 : index
    %swap3A_2279 = vector.load %arg8[%swap3A_2276, %swap3A_2277, %swap3A_2278] : memref<128x54x24xf32, #tpu.memory_space<vmem>>, vector<1x54x24xf32>
    %swap3A_2280 = vector.shape_cast %swap3A_2279 : vector<1x54x24xf32> to vector<54x24xf32>
    %swap3A_2281 = vector.shape_cast %add3A_2275 : vector<54x24xf32> to vector<1x54x24xf32>
    tpu.vector_store %arg8[%swap3A_2276, %swap3A_2277, %swap3A_2278], %swap3A_2281 {strides = array<i32>} : memref<128x54x24xf32, #tpu.memory_space<vmem>>, vector<1x54x24xf32>,
    %add3A_2282 = arith.addf %dot_general3A_2154, %get3A_18 : vector<54x24xf32>
    %swap3A_2283 = arith.constant 77 : index
    %swap3A_2284 = arith.constant 0 : index
    %swap3A_2285 = arith.constant 0 : index
    %swap3A_2286 = vector.load %arg8[%swap3A_2283, %swap3A_2284, %swap3A_2285] : memref<128x54x24xf32, #tpu.memory_space<vmem>>, vector<1x54x24xf32>
    %swap3A_2287 = vector.shape_cast %swap3A_2286 : vector<1x54x24xf32> to vector<54x24xf32>
    %swap3A_2288 = vector.shape_cast %add3A_2282 : vector<54x24xf32> to vector<1x54x24xf32>
    tpu.vector_store %arg8[%swap3A_2283, %swap3A_2284, %swap3A_2285], %swap3A_2288 {strides = array<i32>} : memref<128x54x24xf32, #tpu.memory_space<vmem>>, vector<1x54x24xf32>,
    %add3A_2289 = arith.addf %dot_general3A_2156, %get3A_18 : vector<54x24xf32>
    %swap3A_2290 = arith.constant 78 : index
    %swap3A_2291 = arith.constant 0 : index
    %swap3A_2292 = arith.constant 0 : index
    %swap3A_2293 = vector.load %arg8[%swap3A_2290, %swap3A_2291, %swap3A_2292] : memref<128x54x24xf32, #tpu.memory_space<vmem>>, vector<1x54x24xf32>
    %swap3A_2294 = vector.shape_cast %swap3A_2293 : vector<1x54x24xf32> to vector<54x24xf32>
    %swap3A_2295 = vector.shape_cast %add3A_2289 : vector<54x24xf32> to vector<1x54x24xf32>
    tpu.vector_store %arg8[%swap3A_2290, %swap3A_2291, %swap3A_2292], %swap3A_2295 {strides = array<i32>} : memref<128x54x24xf32, #tpu.memory_space<vmem>>, vector<1x54x24xf32>,
    %add3A_2296 = arith.addf %dot_general3A_2158, %get3A_18 : vector<54x24xf32>
    %swap3A_2297 = arith.constant 79 : index
    %swap3A_2298 = arith.constant 0 : index
    %swap3A_2299 = arith.constant 0 : index
    %swap3A_2300 = vector.load %arg8[%swap3A_2297, %swap3A_2298, %swap3A_2299] : memref<128x54x24xf32, #tpu.memory_space<vmem>>, vector<1x54x24xf32>
    %swap3A_2301 = vector.shape_cast %swap3A_2300 : vector<1x54x24xf32> to vector<54x24xf32>
    %swap3A_2302 = vector.shape_cast %add3A_2296 : vector<54x24xf32> to vector<1x54x24xf32>
    tpu.vector_store %arg8[%swap3A_2297, %swap3A_2298, %swap3A_2299], %swap3A_2302 {strides = array<i32>} : memref<128x54x24xf32, #tpu.memory_space<vmem>>, vector<1x54x24xf32>,
    %add3A_2303 = arith.addf %dot_general3A_2160, %get3A_18 : vector<54x24xf32>
    %swap3A_2304 = arith.constant 80 : index
    %swap3A_2305 = arith.constant 0 : index
    %swap3A_2306 = arith.constant 0 : index
    %swap3A_2307 = vector.load %arg8[%swap3A_2304, %swap3A_2305, %swap3A_2306] : memref<128x54x24xf32, #tpu.memory_space<vmem>>, vector<1x54x24xf32>
    %swap3A_2308 = vector.shape_cast %swap3A_2307 : vector<1x54x24xf32> to vector<54x24xf32>
    %swap3A_2309 = vector.shape_cast %add3A_2303 : vector<54x24xf32> to vector<1x54x24xf32>
    tpu.vector_store %arg8[%swap3A_2304, %swap3A_2305, %swap3A_2306], %swap3A_2309 {strides = array<i32>} : memref<128x54x24xf32, #tpu.memory_space<vmem>>, vector<1x54x24xf32>,
    %add3A_2310 = arith.addf %dot_general3A_2162, %get3A_18 : vector<54x24xf32>
    %swap3A_2311 = arith.constant 81 : index
    %swap3A_2312 = arith.constant 0 : index
    %swap3A_2313 = arith.constant 0 : index
    %swap3A_2314 = vector.load %arg8[%swap3A_2311, %swap3A_2312, %swap3A_2313] : memref<128x54x24xf32, #tpu.memory_space<vmem>>, vector<1x54x24xf32>
    %swap3A_2315 = vector.shape_cast %swap3A_2314 : vector<1x54x24xf32> to vector<54x24xf32>
    %swap3A_2316 = vector.shape_cast %add3A_2310 : vector<54x24xf32> to vector<1x54x24xf32>
    tpu.vector_store %arg8[%swap3A_2311, %swap3A_2312, %swap3A_2313], %swap3A_2316 {strides = array<i32>} : memref<128x54x24xf32, #tpu.memory_space<vmem>>, vector<1x54x24xf32>,
    %add3A_2317 = arith.addf %dot_general3A_2164, %get3A_18 : vector<54x24xf32>
    %swap3A_2318 = arith.constant 82 : index
    %swap3A_2319 = arith.constant 0 : index
    %swap3A_2320 = arith.constant 0 : index
    %swap3A_2321 = vector.load %arg8[%swap3A_2318, %swap3A_2319, %swap3A_2320] : memref<128x54x24xf32, #tpu.memory_space<vmem>>, vector<1x54x24xf32>
    %swap3A_2322 = vector.shape_cast %swap3A_2321 : vector<1x54x24xf32> to vector<54x24xf32>
    %swap3A_2323 = vector.shape_cast %add3A_2317 : vector<54x24xf32> to vector<1x54x24xf32>
    tpu.vector_store %arg8[%swap3A_2318, %swap3A_2319, %swap3A_2320], %swap3A_2323 {strides = array<i32>} : memref<128x54x24xf32, #tpu.memory_space<vmem>>, vector<1x54x24xf32>,
    %add3A_2324 = arith.addf %dot_general3A_2166, %get3A_18 : vector<54x24xf32>
    %swap3A_2325 = arith.constant 83 : index
    %swap3A_2326 = arith.constant 0 : index
    %swap3A_2327 = arith.constant 0 : index
    %swap3A_2328 = vector.load %arg8[%swap3A_2325, %swap3A_2326, %swap3A_2327] : memref<128x54x24xf32, #tpu.memory_space<vmem>>, vector<1x54x24xf32>
    %swap3A_2329 = vector.shape_cast %swap3A_2328 : vector<1x54x24xf32> to vector<54x24xf32>
    %swap3A_2330 = vector.shape_cast %add3A_2324 : vector<54x24xf32> to vector<1x54x24xf32>
    tpu.vector_store %arg8[%swap3A_2325, %swap3A_2326, %swap3A_2327], %swap3A_2330 {strides = array<i32>} : memref<128x54x24xf32, #tpu.memory_space<vmem>>, vector<1x54x24xf32>,
    %add3A_2331 = arith.addf %dot_general3A_2168, %get3A_18 : vector<54x24xf32>
    %swap3A_2332 = arith.constant 84 : index
    %swap3A_2333 = arith.constant 0 : index
    %swap3A_2334 = arith.constant 0 : index
    %swap3A_2335 = vector.load %arg8[%swap3A_2332, %swap3A_2333, %swap3A_2334] : memref<128x54x24xf32, #tpu.memory_space<vmem>>, vector<1x54x24xf32>
    %swap3A_2336 = vector.shape_cast %swap3A_2335 : vector<1x54x24xf32> to vector<54x24xf32>
    %swap3A_2337 = vector.shape_cast %add3A_2331 : vector<54x24xf32> to vector<1x54x24xf32>
    tpu.vector_store %arg8[%swap3A_2332, %swap3A_2333, %swap3A_2334], %swap3A_2337 {strides = array<i32>} : memref<128x54x24xf32, #tpu.memory_space<vmem>>, vector<1x54x24xf32>,
    %add3A_2338 = arith.addf %dot_general3A_2170, %get3A_18 : vector<54x24xf32>
    %swap3A_2339 = arith.constant 85 : index
    %swap3A_2340 = arith.constant 0 : index
    %swap3A_2341 = arith.constant 0 : index
    %swap3A_2342 = vector.load %arg8[%swap3A_2339, %swap3A_2340, %swap3A_2341] : memref<128x54x24xf32, #tpu.memory_space<vmem>>, vector<1x54x24xf32>
    %swap3A_2343 = vector.shape_cast %swap3A_2342 : vector<1x54x24xf32> to vector<54x24xf32>
    %swap3A_2344 = vector.shape_cast %add3A_2338 : vector<54x24xf32> to vector<1x54x24xf32>
    tpu.vector_store %arg8[%swap3A_2339, %swap3A_2340, %swap3A_2341], %swap3A_2344 {strides = array<i32>} : memref<128x54x24xf32, #tpu.memory_space<vmem>>, vector<1x54x24xf32>,
    %add3A_2345 = arith.addf %dot_general3A_2172, %get3A_18 : vector<54x24xf32>
    %swap3A_2346 = arith.constant 86 : index
    %swap3A_2347 = arith.constant 0 : index
    %swap3A_2348 = arith.constant 0 : index
    %swap3A_2349 = vector.load %arg8[%swap3A_2346, %swap3A_2347, %swap3A_2348] : memref<128x54x24xf32, #tpu.memory_space<vmem>>, vector<1x54x24xf32>
    %swap3A_2350 = vector.shape_cast %swap3A_2349 : vector<1x54x24xf32> to vector<54x24xf32>
    %swap3A_2351 = vector.shape_cast %add3A_2345 : vector<54x24xf32> to vector<1x54x24xf32>
    tpu.vector_store %arg8[%swap3A_2346, %swap3A_2347, %swap3A_2348], %swap3A_2351 {strides = array<i32>} : memref<128x54x24xf32, #tpu.memory_space<vmem>>, vector<1x54x24xf32>,
    %add3A_2352 = arith.addf %dot_general3A_2174, %get3A_18 : vector<54x24xf32>
    %swap3A_2353 = arith.constant 87 : index
    %swap3A_2354 = arith.constant 0 : index
    %swap3A_2355 = arith.constant 0 : index
    %swap3A_2356 = vector.load %arg8[%swap3A_2353, %swap3A_2354, %swap3A_2355] : memref<128x54x24xf32, #tpu.memory_space<vmem>>, vector<1x54x24xf32>
    %swap3A_2357 = vector.shape_cast %swap3A_2356 : vector<1x54x24xf32> to vector<54x24xf32>
    %swap3A_2358 = vector.shape_cast %add3A_2352 : vector<54x24xf32> to vector<1x54x24xf32>
    tpu.vector_store %arg8[%swap3A_2353, %swap3A_2354, %swap3A_2355], %swap3A_2358 {strides = array<i32>} : memref<128x54x24xf32, #tpu.memory_space<vmem>>, vector<1x54x24xf32>,
    %add3A_2359 = arith.addf %dot_general3A_2176, %get3A_18 : vector<54x24xf32>
    %swap3A_2360 = arith.constant 88 : index
    %swap3A_2361 = arith.constant 0 : index
    %swap3A_2362 = arith.constant 0 : index
    %swap3A_2363 = vector.load %arg8[%swap3A_2360, %swap3A_2361, %swap3A_2362] : memref<128x54x24xf32, #tpu.memory_space<vmem>>, vector<1x54x24xf32>
    %swap3A_2364 = vector.shape_cast %swap3A_2363 : vector<1x54x24xf32> to vector<54x24xf32>
    %swap3A_2365 = vector.shape_cast %add3A_2359 : vector<54x24xf32> to vector<1x54x24xf32>
    tpu.vector_store %arg8[%swap3A_2360, %swap3A_2361, %swap3A_2362], %swap3A_2365 {strides = array<i32>} : memref<128x54x24xf32, #tpu.memory_space<vmem>>, vector<1x54x24xf32>,
    %add3A_2366 = arith.addf %dot_general3A_2178, %get3A_18 : vector<54x24xf32>
    %swap3A_2367 = arith.constant 89 : index
    %swap3A_2368 = arith.constant 0 : index
    %swap3A_2369 = arith.constant 0 : index
    %swap3A_2370 = vector.load %arg8[%swap3A_2367, %swap3A_2368, %swap3A_2369] : memref<128x54x24xf32, #tpu.memory_space<vmem>>, vector<1x54x24xf32>
    %swap3A_2371 = vector.shape_cast %swap3A_2370 : vector<1x54x24xf32> to vector<54x24xf32>
    %swap3A_2372 = vector.shape_cast %add3A_2366 : vector<54x24xf32> to vector<1x54x24xf32>
    tpu.vector_store %arg8[%swap3A_2367, %swap3A_2368, %swap3A_2369], %swap3A_2372 {strides = array<i32>} : memref<128x54x24xf32, #tpu.memory_space<vmem>>, vector<1x54x24xf32>,
    %add3A_2373 = arith.addf %dot_general3A_2180, %get3A_18 : vector<54x24xf32>
    %swap3A_2374 = arith.constant 90 : index
    %swap3A_2375 = arith.constant 0 : index
    %swap3A_2376 = arith.constant 0 : index
    %swap3A_2377 = vector.load %arg8[%swap3A_2374, %swap3A_2375, %swap3A_2376] : memref<128x54x24xf32, #tpu.memory_space<vmem>>, vector<1x54x24xf32>
    %swap3A_2378 = vector.shape_cast %swap3A_2377 : vector<1x54x24xf32> to vector<54x24xf32>
    %swap3A_2379 = vector.shape_cast %add3A_2373 : vector<54x24xf32> to vector<1x54x24xf32>
    tpu.vector_store %arg8[%swap3A_2374, %swap3A_2375, %swap3A_2376], %swap3A_2379 {strides = array<i32>} : memref<128x54x24xf32, #tpu.memory_space<vmem>>, vector<1x54x24xf32>,
    %add3A_2380 = arith.addf %dot_general3A_2182, %get3A_18 : vector<54x24xf32>
    %swap3A_2381 = arith.constant 91 : index
    %swap3A_2382 = arith.constant 0 : index
    %swap3A_2383 = arith.constant 0 : index
    %swap3A_2384 = vector.load %arg8[%swap3A_2381, %swap3A_2382, %swap3A_2383] : memref<128x54x24xf32, #tpu.memory_space<vmem>>, vector<1x54x24xf32>
    %swap3A_2385 = vector.shape_cast %swap3A_2384 : vector<1x54x24xf32> to vector<54x24xf32>
    %swap3A_2386 = vector.shape_cast %add3A_2380 : vector<54x24xf32> to vector<1x54x24xf32>
    tpu.vector_store %arg8[%swap3A_2381, %swap3A_2382, %swap3A_2383], %swap3A_2386 {strides = array<i32>} : memref<128x54x24xf32, #tpu.memory_space<vmem>>, vector<1x54x24xf32>,
    %add3A_2387 = arith.addf %dot_general3A_2184, %get3A_18 : vector<54x24xf32>
    %swap3A_2388 = arith.constant 92 : index
    %swap3A_2389 = arith.constant 0 : index
    %swap3A_2390 = arith.constant 0 : index
    %swap3A_2391 = vector.load %arg8[%swap3A_2388, %swap3A_2389, %swap3A_2390] : memref<128x54x24xf32, #tpu.memory_space<vmem>>, vector<1x54x24xf32>
    %swap3A_2392 = vector.shape_cast %swap3A_2391 : vector<1x54x24xf32> to vector<54x24xf32>
    %swap3A_2393 = vector.shape_cast %add3A_2387 : vector<54x24xf32> to vector<1x54x24xf32>
    tpu.vector_store %arg8[%swap3A_2388, %swap3A_2389, %swap3A_2390], %swap3A_2393 {strides = array<i32>} : memref<128x54x24xf32, #tpu.memory_space<vmem>>, vector<1x54x24xf32>,
    %add3A_2394 = arith.addf %dot_general3A_2186, %get3A_18 : vector<54x24xf32>
    %swap3A_2395 = arith.constant 93 : index
    %swap3A_2396 = arith.constant 0 : index
    %swap3A_2397 = arith.constant 0 : index
    %swap3A_2398 = vector.load %arg8[%swap3A_2395, %swap3A_2396, %swap3A_2397] : memref<128x54x24xf32, #tpu.memory_space<vmem>>, vector<1x54x24xf32>
    %swap3A_2399 = vector.shape_cast %swap3A_2398 : vector<1x54x24xf32> to vector<54x24xf32>
    %swap3A_2400 = vector.shape_cast %add3A_2394 : vector<54x24xf32> to vector<1x54x24xf32>
    tpu.vector_store %arg8[%swap3A_2395, %swap3A_2396, %swap3A_2397], %swap3A_2400 {strides = array<i32>} : memref<128x54x24xf32, #tpu.memory_space<vmem>>, vector<1x54x24xf32>,
    %add3A_2401 = arith.addf %dot_general3A_2188, %get3A_18 : vector<54x24xf32>
    %swap3A_2402 = arith.constant 94 : index
    %swap3A_2403 = arith.constant 0 : index
    %swap3A_2404 = arith.constant 0 : index
    %swap3A_2405 = vector.load %arg8[%swap3A_2402, %swap3A_2403, %swap3A_2404] : memref<128x54x24xf32, #tpu.memory_space<vmem>>, vector<1x54x24xf32>
    %swap3A_2406 = vector.shape_cast %swap3A_2405 : vector<1x54x24xf32> to vector<54x24xf32>
    %swap3A_2407 = vector.shape_cast %add3A_2401 : vector<54x24xf32> to vector<1x54x24xf32>
    tpu.vector_store %arg8[%swap3A_2402, %swap3A_2403, %swap3A_2404], %swap3A_2407 {strides = array<i32>} : memref<128x54x24xf32, #tpu.memory_space<vmem>>, vector<1x54x24xf32>,
    %add3A_2408 = arith.addf %dot_general3A_2190, %get3A_18 : vector<54x24xf32>
    %swap3A_2409 = arith.constant 95 : index
    %swap3A_2410 = arith.constant 0 : index
    %swap3A_2411 = arith.constant 0 : index
    %swap3A_2412 = vector.load %arg8[%swap3A_2409, %swap3A_2410, %swap3A_2411] : memref<128x54x24xf32, #tpu.memory_space<vmem>>, vector<1x54x24xf32>
    %swap3A_2413 = vector.shape_cast %swap3A_2412 : vector<1x54x24xf32> to vector<54x24xf32>
    %swap3A_2414 = vector.shape_cast %add3A_2408 : vector<54x24xf32> to vector<1x54x24xf32>
    tpu.vector_store %arg8[%swap3A_2409, %swap3A_2410, %swap3A_2411], %swap3A_2414 {strides = array<i32>} : memref<128x54x24xf32, #tpu.memory_space<vmem>>, vector<1x54x24xf32>,
    %get3A_2415 = arith.constant 96 : index
    %get3A_2416 = arith.constant 0 : index
    %get3A_2417 = arith.constant 0 : index
    %get3A_2418 = vector.load %arg1[%get3A_2415, %get3A_2416, %get3A_2417] : memref<128x128x118xf32, #tpu.memory_space<vmem>>, vector<1x128x118xf32>
    %get3A_2419 = vector.shape_cast %get3A_2418 : vector<1x128x118xf32> to vector<128x118xf32>
    %dot_general3A_2420 = arith.constant dense<0.000000e+00> : vector<64x118xf32>
    %dot_general3A_2421 = tpu.matmul %get3A_9, %get3A_2419, %dot_general3A_2420 {dimension_numbers = #tpu.dot_dimension_numbers<[0], [0], [1], [1], [0, 1, 1, 1], [], []>, transpose_lhs_hint = false} : vector<128x64xf32>, vector<128x118xf32>, vector<64x118xf32> -> vector<64x118xf32>
    %get3A_2422 = arith.constant 97 : index
    %get3A_2423 = arith.constant 0 : index
    %get3A_2424 = arith.constant 0 : index
    %get3A_2425 = vector.load %arg1[%get3A_2422, %get3A_2423, %get3A_2424] : memref<128x128x118xf32, #tpu.memory_space<vmem>>, vector<1x128x118xf32>
    %get3A_2426 = vector.shape_cast %get3A_2425 : vector<1x128x118xf32> to vector<128x118xf32>
    %dot_general3A_2427 = arith.constant dense<0.000000e+00> : vector<64x118xf32>
    %dot_general3A_2428 = tpu.matmul %get3A_9, %get3A_2426, %dot_general3A_2427 {dimension_numbers = #tpu.dot_dimension_numbers<[0], [0], [1], [1], [0, 1, 1, 1], [], []>, transpose_lhs_hint = false} : vector<128x64xf32>, vector<128x118xf32>, vector<64x118xf32> -> vector<64x118xf32>
    %get3A_2429 = arith.constant 98 : index
    %get3A_2430 = arith.constant 0 : index
    %get3A_2431 = arith.constant 0 : index
    %get3A_2432 = vector.load %arg1[%get3A_2429, %get3A_2430, %get3A_2431] : memref<128x128x118xf32, #tpu.memory_space<vmem>>, vector<1x128x118xf32>
    %get3A_2433 = vector.shape_cast %get3A_2432 : vector<1x128x118xf32> to vector<128x118xf32>
    %dot_general3A_2434 = arith.constant dense<0.000000e+00> : vector<64x118xf32>
    %dot_general3A_2435 = tpu.matmul %get3A_9, %get3A_2433, %dot_general3A_2434 {dimension_numbers = #tpu.dot_dimension_numbers<[0], [0], [1], [1], [0, 1, 1, 1], [], []>, transpose_lhs_hint = false} : vector<128x64xf32>, vector<128x118xf32>, vector<64x118xf32> -> vector<64x118xf32>
    %get3A_2436 = arith.constant 99 : index
    %get3A_2437 = arith.constant 0 : index
    %get3A_2438 = arith.constant 0 : index
    %get3A_2439 = vector.load %arg1[%get3A_2436, %get3A_2437, %get3A_2438] : memref<128x128x118xf32, #tpu.memory_space<vmem>>, vector<1x128x118xf32>
    %get3A_2440 = vector.shape_cast %get3A_2439 : vector<1x128x118xf32> to vector<128x118xf32>
    %dot_general3A_2441 = arith.constant dense<0.000000e+00> : vector<64x118xf32>
    %dot_general3A_2442 = tpu.matmul %get3A_9, %get3A_2440, %dot_general3A_2441 {dimension_numbers = #tpu.dot_dimension_numbers<[0], [0], [1], [1], [0, 1, 1, 1], [], []>, transpose_lhs_hint = false} : vector<128x64xf32>, vector<128x118xf32>, vector<64x118xf32> -> vector<64x118xf32>
    %get3A_2443 = arith.constant 100 : index
    %get3A_2444 = arith.constant 0 : index
    %get3A_2445 = arith.constant 0 : index
    %get3A_2446 = vector.load %arg1[%get3A_2443, %get3A_2444, %get3A_2445] : memref<128x128x118xf32, #tpu.memory_space<vmem>>, vector<1x128x118xf32>
    %get3A_2447 = vector.shape_cast %get3A_2446 : vector<1x128x118xf32> to vector<128x118xf32>
    %dot_general3A_2448 = arith.constant dense<0.000000e+00> : vector<64x118xf32>
    %dot_general3A_2449 = tpu.matmul %get3A_9, %get3A_2447, %dot_general3A_2448 {dimension_numbers = #tpu.dot_dimension_numbers<[0], [0], [1], [1], [0, 1, 1, 1], [], []>, transpose_lhs_hint = false} : vector<128x64xf32>, vector<128x118xf32>, vector<64x118xf32> -> vector<64x118xf32>
    %get3A_2450 = arith.constant 101 : index
    %get3A_2451 = arith.constant 0 : index
    %get3A_2452 = arith.constant 0 : index
    %get3A_2453 = vector.load %arg1[%get3A_2450, %get3A_2451, %get3A_2452] : memref<128x128x118xf32, #tpu.memory_space<vmem>>, vector<1x128x118xf32>
    %get3A_2454 = vector.shape_cast %get3A_2453 : vector<1x128x118xf32> to vector<128x118xf32>
    %dot_general3A_2455 = arith.constant dense<0.000000e+00> : vector<64x118xf32>
    %dot_general3A_2456 = tpu.matmul %get3A_9, %get3A_2454, %dot_general3A_2455 {dimension_numbers = #tpu.dot_dimension_numbers<[0], [0], [1], [1], [0, 1, 1, 1], [], []>, transpose_lhs_hint = false} : vector<128x64xf32>, vector<128x118xf32>, vector<64x118xf32> -> vector<64x118xf32>
    %get3A_2457 = arith.constant 102 : index
    %get3A_2458 = arith.constant 0 : index
    %get3A_2459 = arith.constant 0 : index
    %get3A_2460 = vector.load %arg1[%get3A_2457, %get3A_2458, %get3A_2459] : memref<128x128x118xf32, #tpu.memory_space<vmem>>, vector<1x128x118xf32>
    %get3A_2461 = vector.shape_cast %get3A_2460 : vector<1x128x118xf32> to vector<128x118xf32>
    %dot_general3A_2462 = arith.constant dense<0.000000e+00> : vector<64x118xf32>
    %dot_general3A_2463 = tpu.matmul %get3A_9, %get3A_2461, %dot_general3A_2462 {dimension_numbers = #tpu.dot_dimension_numbers<[0], [0], [1], [1], [0, 1, 1, 1], [], []>, transpose_lhs_hint = false} : vector<128x64xf32>, vector<128x118xf32>, vector<64x118xf32> -> vector<64x118xf32>
    %get3A_2464 = arith.constant 103 : index
    %get3A_2465 = arith.constant 0 : index
    %get3A_2466 = arith.constant 0 : index
    %get3A_2467 = vector.load %arg1[%get3A_2464, %get3A_2465, %get3A_2466] : memref<128x128x118xf32, #tpu.memory_space<vmem>>, vector<1x128x118xf32>
    %get3A_2468 = vector.shape_cast %get3A_2467 : vector<1x128x118xf32> to vector<128x118xf32>
    %dot_general3A_2469 = arith.constant dense<0.000000e+00> : vector<64x118xf32>
    %dot_general3A_2470 = tpu.matmul %get3A_9, %get3A_2468, %dot_general3A_2469 {dimension_numbers = #tpu.dot_dimension_numbers<[0], [0], [1], [1], [0, 1, 1, 1], [], []>, transpose_lhs_hint = false} : vector<128x64xf32>, vector<128x118xf32>, vector<64x118xf32> -> vector<64x118xf32>
    %get3A_2471 = arith.constant 104 : index
    %get3A_2472 = arith.constant 0 : index
    %get3A_2473 = arith.constant 0 : index
    %get3A_2474 = vector.load %arg1[%get3A_2471, %get3A_2472, %get3A_2473] : memref<128x128x118xf32, #tpu.memory_space<vmem>>, vector<1x128x118xf32>
    %get3A_2475 = vector.shape_cast %get3A_2474 : vector<1x128x118xf32> to vector<128x118xf32>
    %dot_general3A_2476 = arith.constant dense<0.000000e+00> : vector<64x118xf32>
    %dot_general3A_2477 = tpu.matmul %get3A_9, %get3A_2475, %dot_general3A_2476 {dimension_numbers = #tpu.dot_dimension_numbers<[0], [0], [1], [1], [0, 1, 1, 1], [], []>, transpose_lhs_hint = false} : vector<128x64xf32>, vector<128x118xf32>, vector<64x118xf32> -> vector<64x118xf32>
    %get3A_2478 = arith.constant 105 : index
    %get3A_2479 = arith.constant 0 : index
    %get3A_2480 = arith.constant 0 : index
    %get3A_2481 = vector.load %arg1[%get3A_2478, %get3A_2479, %get3A_2480] : memref<128x128x118xf32, #tpu.memory_space<vmem>>, vector<1x128x118xf32>
    %get3A_2482 = vector.shape_cast %get3A_2481 : vector<1x128x118xf32> to vector<128x118xf32>
    %dot_general3A_2483 = arith.constant dense<0.000000e+00> : vector<64x118xf32>
    %dot_general3A_2484 = tpu.matmul %get3A_9, %get3A_2482, %dot_general3A_2483 {dimension_numbers = #tpu.dot_dimension_numbers<[0], [0], [1], [1], [0, 1, 1, 1], [], []>, transpose_lhs_hint = false} : vector<128x64xf32>, vector<128x118xf32>, vector<64x118xf32> -> vector<64x118xf32>
    %get3A_2485 = arith.constant 106 : index
    %get3A_2486 = arith.constant 0 : index
    %get3A_2487 = arith.constant 0 : index
    %get3A_2488 = vector.load %arg1[%get3A_2485, %get3A_2486, %get3A_2487] : memref<128x128x118xf32, #tpu.memory_space<vmem>>, vector<1x128x118xf32>
    %get3A_2489 = vector.shape_cast %get3A_2488 : vector<1x128x118xf32> to vector<128x118xf32>
    %dot_general3A_2490 = arith.constant dense<0.000000e+00> : vector<64x118xf32>
    %dot_general3A_2491 = tpu.matmul %get3A_9, %get3A_2489, %dot_general3A_2490 {dimension_numbers = #tpu.dot_dimension_numbers<[0], [0], [1], [1], [0, 1, 1, 1], [], []>, transpose_lhs_hint = false} : vector<128x64xf32>, vector<128x118xf32>, vector<64x118xf32> -> vector<64x118xf32>
    %get3A_2492 = arith.constant 107 : index
    %get3A_2493 = arith.constant 0 : index
    %get3A_2494 = arith.constant 0 : index
    %get3A_2495 = vector.load %arg1[%get3A_2492, %get3A_2493, %get3A_2494] : memref<128x128x118xf32, #tpu.memory_space<vmem>>, vector<1x128x118xf32>
    %get3A_2496 = vector.shape_cast %get3A_2495 : vector<1x128x118xf32> to vector<128x118xf32>
    %dot_general3A_2497 = arith.constant dense<0.000000e+00> : vector<64x118xf32>
    %dot_general3A_2498 = tpu.matmul %get3A_9, %get3A_2496, %dot_general3A_2497 {dimension_numbers = #tpu.dot_dimension_numbers<[0], [0], [1], [1], [0, 1, 1, 1], [], []>, transpose_lhs_hint = false} : vector<128x64xf32>, vector<128x118xf32>, vector<64x118xf32> -> vector<64x118xf32>
    %get3A_2499 = arith.constant 108 : index
    %get3A_2500 = arith.constant 0 : index
    %get3A_2501 = arith.constant 0 : index
    %get3A_2502 = vector.load %arg1[%get3A_2499, %get3A_2500, %get3A_2501] : memref<128x128x118xf32, #tpu.memory_space<vmem>>, vector<1x128x118xf32>
    %get3A_2503 = vector.shape_cast %get3A_2502 : vector<1x128x118xf32> to vector<128x118xf32>
    %dot_general3A_2504 = arith.constant dense<0.000000e+00> : vector<64x118xf32>
    %dot_general3A_2505 = tpu.matmul %get3A_9, %get3A_2503, %dot_general3A_2504 {dimension_numbers = #tpu.dot_dimension_numbers<[0], [0], [1], [1], [0, 1, 1, 1], [], []>, transpose_lhs_hint = false} : vector<128x64xf32>, vector<128x118xf32>, vector<64x118xf32> -> vector<64x118xf32>
    %get3A_2506 = arith.constant 109 : index
    %get3A_2507 = arith.constant 0 : index
    %get3A_2508 = arith.constant 0 : index
    %get3A_2509 = vector.load %arg1[%get3A_2506, %get3A_2507, %get3A_2508] : memref<128x128x118xf32, #tpu.memory_space<vmem>>, vector<1x128x118xf32>
    %get3A_2510 = vector.shape_cast %get3A_2509 : vector<1x128x118xf32> to vector<128x118xf32>
    %dot_general3A_2511 = arith.constant dense<0.000000e+00> : vector<64x118xf32>
    %dot_general3A_2512 = tpu.matmul %get3A_9, %get3A_2510, %dot_general3A_2511 {dimension_numbers = #tpu.dot_dimension_numbers<[0], [0], [1], [1], [0, 1, 1, 1], [], []>, transpose_lhs_hint = false} : vector<128x64xf32>, vector<128x118xf32>, vector<64x118xf32> -> vector<64x118xf32>
    %get3A_2513 = arith.constant 110 : index
    %get3A_2514 = arith.constant 0 : index
    %get3A_2515 = arith.constant 0 : index
    %get3A_2516 = vector.load %arg1[%get3A_2513, %get3A_2514, %get3A_2515] : memref<128x128x118xf32, #tpu.memory_space<vmem>>, vector<1x128x118xf32>
    %get3A_2517 = vector.shape_cast %get3A_2516 : vector<1x128x118xf32> to vector<128x118xf32>
    %dot_general3A_2518 = arith.constant dense<0.000000e+00> : vector<64x118xf32>
    %dot_general3A_2519 = tpu.matmul %get3A_9, %get3A_2517, %dot_general3A_2518 {dimension_numbers = #tpu.dot_dimension_numbers<[0], [0], [1], [1], [0, 1, 1, 1], [], []>, transpose_lhs_hint = false} : vector<128x64xf32>, vector<128x118xf32>, vector<64x118xf32> -> vector<64x118xf32>
    %get3A_2520 = arith.constant 111 : index
    %get3A_2521 = arith.constant 0 : index
    %get3A_2522 = arith.constant 0 : index
    %get3A_2523 = vector.load %arg1[%get3A_2520, %get3A_2521, %get3A_2522] : memref<128x128x118xf32, #tpu.memory_space<vmem>>, vector<1x128x118xf32>
    %get3A_2524 = vector.shape_cast %get3A_2523 : vector<1x128x118xf32> to vector<128x118xf32>
    %dot_general3A_2525 = arith.constant dense<0.000000e+00> : vector<64x118xf32>
    %dot_general3A_2526 = tpu.matmul %get3A_9, %get3A_2524, %dot_general3A_2525 {dimension_numbers = #tpu.dot_dimension_numbers<[0], [0], [1], [1], [0, 1, 1, 1], [], []>, transpose_lhs_hint = false} : vector<128x64xf32>, vector<128x118xf32>, vector<64x118xf32> -> vector<64x118xf32>
    %get3A_2527 = arith.constant 112 : index
    %get3A_2528 = arith.constant 0 : index
    %get3A_2529 = arith.constant 0 : index
    %get3A_2530 = vector.load %arg1[%get3A_2527, %get3A_2528, %get3A_2529] : memref<128x128x118xf32, #tpu.memory_space<vmem>>, vector<1x128x118xf32>
    %get3A_2531 = vector.shape_cast %get3A_2530 : vector<1x128x118xf32> to vector<128x118xf32>
    %dot_general3A_2532 = arith.constant dense<0.000000e+00> : vector<64x118xf32>
    %dot_general3A_2533 = tpu.matmul %get3A_9, %get3A_2531, %dot_general3A_2532 {dimension_numbers = #tpu.dot_dimension_numbers<[0], [0], [1], [1], [0, 1, 1, 1], [], []>, transpose_lhs_hint = false} : vector<128x64xf32>, vector<128x118xf32>, vector<64x118xf32> -> vector<64x118xf32>
    %get3A_2534 = arith.constant 113 : index
    %get3A_2535 = arith.constant 0 : index
    %get3A_2536 = arith.constant 0 : index
    %get3A_2537 = vector.load %arg1[%get3A_2534, %get3A_2535, %get3A_2536] : memref<128x128x118xf32, #tpu.memory_space<vmem>>, vector<1x128x118xf32>
    %get3A_2538 = vector.shape_cast %get3A_2537 : vector<1x128x118xf32> to vector<128x118xf32>
    %dot_general3A_2539 = arith.constant dense<0.000000e+00> : vector<64x118xf32>
    %dot_general3A_2540 = tpu.matmul %get3A_9, %get3A_2538, %dot_general3A_2539 {dimension_numbers = #tpu.dot_dimension_numbers<[0], [0], [1], [1], [0, 1, 1, 1], [], []>, transpose_lhs_hint = false} : vector<128x64xf32>, vector<128x118xf32>, vector<64x118xf32> -> vector<64x118xf32>
    %get3A_2541 = arith.constant 114 : index
    %get3A_2542 = arith.constant 0 : index
    %get3A_2543 = arith.constant 0 : index
    %get3A_2544 = vector.load %arg1[%get3A_2541, %get3A_2542, %get3A_2543] : memref<128x128x118xf32, #tpu.memory_space<vmem>>, vector<1x128x118xf32>
    %get3A_2545 = vector.shape_cast %get3A_2544 : vector<1x128x118xf32> to vector<128x118xf32>
    %dot_general3A_2546 = arith.constant dense<0.000000e+00> : vector<64x118xf32>
    %dot_general3A_2547 = tpu.matmul %get3A_9, %get3A_2545, %dot_general3A_2546 {dimension_numbers = #tpu.dot_dimension_numbers<[0], [0], [1], [1], [0, 1, 1, 1], [], []>, transpose_lhs_hint = false} : vector<128x64xf32>, vector<128x118xf32>, vector<64x118xf32> -> vector<64x118xf32>
    %get3A_2548 = arith.constant 115 : index
    %get3A_2549 = arith.constant 0 : index
    %get3A_2550 = arith.constant 0 : index
    %get3A_2551 = vector.load %arg1[%get3A_2548, %get3A_2549, %get3A_2550] : memref<128x128x118xf32, #tpu.memory_space<vmem>>, vector<1x128x118xf32>
    %get3A_2552 = vector.shape_cast %get3A_2551 : vector<1x128x118xf32> to vector<128x118xf32>
    %dot_general3A_2553 = arith.constant dense<0.000000e+00> : vector<64x118xf32>
    %dot_general3A_2554 = tpu.matmul %get3A_9, %get3A_2552, %dot_general3A_2553 {dimension_numbers = #tpu.dot_dimension_numbers<[0], [0], [1], [1], [0, 1, 1, 1], [], []>, transpose_lhs_hint = false} : vector<128x64xf32>, vector<128x118xf32>, vector<64x118xf32> -> vector<64x118xf32>
    %get3A_2555 = arith.constant 116 : index
    %get3A_2556 = arith.constant 0 : index
    %get3A_2557 = arith.constant 0 : index
    %get3A_2558 = vector.load %arg1[%get3A_2555, %get3A_2556, %get3A_2557] : memref<128x128x118xf32, #tpu.memory_space<vmem>>, vector<1x128x118xf32>
    %get3A_2559 = vector.shape_cast %get3A_2558 : vector<1x128x118xf32> to vector<128x118xf32>
    %dot_general3A_2560 = arith.constant dense<0.000000e+00> : vector<64x118xf32>
    %dot_general3A_2561 = tpu.matmul %get3A_9, %get3A_2559, %dot_general3A_2560 {dimension_numbers = #tpu.dot_dimension_numbers<[0], [0], [1], [1], [0, 1, 1, 1], [], []>, transpose_lhs_hint = false} : vector<128x64xf32>, vector<128x118xf32>, vector<64x118xf32> -> vector<64x118xf32>
    %get3A_2562 = arith.constant 117 : index
    %get3A_2563 = arith.constant 0 : index
    %get3A_2564 = arith.constant 0 : index
    %get3A_2565 = vector.load %arg1[%get3A_2562, %get3A_2563, %get3A_2564] : memref<128x128x118xf32, #tpu.memory_space<vmem>>, vector<1x128x118xf32>
    %get3A_2566 = vector.shape_cast %get3A_2565 : vector<1x128x118xf32> to vector<128x118xf32>
    %dot_general3A_2567 = arith.constant dense<0.000000e+00> : vector<64x118xf32>
    %dot_general3A_2568 = tpu.matmul %get3A_9, %get3A_2566, %dot_general3A_2567 {dimension_numbers = #tpu.dot_dimension_numbers<[0], [0], [1], [1], [0, 1, 1, 1], [], []>, transpose_lhs_hint = false} : vector<128x64xf32>, vector<128x118xf32>, vector<64x118xf32> -> vector<64x118xf32>
    %get3A_2569 = arith.constant 118 : index
    %get3A_2570 = arith.constant 0 : index
    %get3A_2571 = arith.constant 0 : index
    %get3A_2572 = vector.load %arg1[%get3A_2569, %get3A_2570, %get3A_2571] : memref<128x128x118xf32, #tpu.memory_space<vmem>>, vector<1x128x118xf32>
    %get3A_2573 = vector.shape_cast %get3A_2572 : vector<1x128x118xf32> to vector<128x118xf32>
    %dot_general3A_2574 = arith.constant dense<0.000000e+00> : vector<64x118xf32>
    %dot_general3A_2575 = tpu.matmul %get3A_9, %get3A_2573, %dot_general3A_2574 {dimension_numbers = #tpu.dot_dimension_numbers<[0], [0], [1], [1], [0, 1, 1, 1], [], []>, transpose_lhs_hint = false} : vector<128x64xf32>, vector<128x118xf32>, vector<64x118xf32> -> vector<64x118xf32>
    %get3A_2576 = arith.constant 119 : index
    %get3A_2577 = arith.constant 0 : index
    %get3A_2578 = arith.constant 0 : index
    %get3A_2579 = vector.load %arg1[%get3A_2576, %get3A_2577, %get3A_2578] : memref<128x128x118xf32, #tpu.memory_space<vmem>>, vector<1x128x118xf32>
    %get3A_2580 = vector.shape_cast %get3A_2579 : vector<1x128x118xf32> to vector<128x118xf32>
    %dot_general3A_2581 = arith.constant dense<0.000000e+00> : vector<64x118xf32>
    %dot_general3A_2582 = tpu.matmul %get3A_9, %get3A_2580, %dot_general3A_2581 {dimension_numbers = #tpu.dot_dimension_numbers<[0], [0], [1], [1], [0, 1, 1, 1], [], []>, transpose_lhs_hint = false} : vector<128x64xf32>, vector<128x118xf32>, vector<64x118xf32> -> vector<64x118xf32>
    %get3A_2583 = arith.constant 120 : index
    %get3A_2584 = arith.constant 0 : index
    %get3A_2585 = arith.constant 0 : index
    %get3A_2586 = vector.load %arg1[%get3A_2583, %get3A_2584, %get3A_2585] : memref<128x128x118xf32, #tpu.memory_space<vmem>>, vector<1x128x118xf32>
    %get3A_2587 = vector.shape_cast %get3A_2586 : vector<1x128x118xf32> to vector<128x118xf32>
    %dot_general3A_2588 = arith.constant dense<0.000000e+00> : vector<64x118xf32>
    %dot_general3A_2589 = tpu.matmul %get3A_9, %get3A_2587, %dot_general3A_2588 {dimension_numbers = #tpu.dot_dimension_numbers<[0], [0], [1], [1], [0, 1, 1, 1], [], []>, transpose_lhs_hint = false} : vector<128x64xf32>, vector<128x118xf32>, vector<64x118xf32> -> vector<64x118xf32>
    %get3A_2590 = arith.constant 121 : index
    %get3A_2591 = arith.constant 0 : index
    %get3A_2592 = arith.constant 0 : index
    %get3A_2593 = vector.load %arg1[%get3A_2590, %get3A_2591, %get3A_2592] : memref<128x128x118xf32, #tpu.memory_space<vmem>>, vector<1x128x118xf32>
    %get3A_2594 = vector.shape_cast %get3A_2593 : vector<1x128x118xf32> to vector<128x118xf32>
    %dot_general3A_2595 = arith.constant dense<0.000000e+00> : vector<64x118xf32>
    %dot_general3A_2596 = tpu.matmul %get3A_9, %get3A_2594, %dot_general3A_2595 {dimension_numbers = #tpu.dot_dimension_numbers<[0], [0], [1], [1], [0, 1, 1, 1], [], []>, transpose_lhs_hint = false} : vector<128x64xf32>, vector<128x118xf32>, vector<64x118xf32> -> vector<64x118xf32>
    %get3A_2597 = arith.constant 122 : index
    %get3A_2598 = arith.constant 0 : index
    %get3A_2599 = arith.constant 0 : index
    %get3A_2600 = vector.load %arg1[%get3A_2597, %get3A_2598, %get3A_2599] : memref<128x128x118xf32, #tpu.memory_space<vmem>>, vector<1x128x118xf32>
    %get3A_2601 = vector.shape_cast %get3A_2600 : vector<1x128x118xf32> to vector<128x118xf32>
    %dot_general3A_2602 = arith.constant dense<0.000000e+00> : vector<64x118xf32>
    %dot_general3A_2603 = tpu.matmul %get3A_9, %get3A_2601, %dot_general3A_2602 {dimension_numbers = #tpu.dot_dimension_numbers<[0], [0], [1], [1], [0, 1, 1, 1], [], []>, transpose_lhs_hint = false} : vector<128x64xf32>, vector<128x118xf32>, vector<64x118xf32> -> vector<64x118xf32>
    %get3A_2604 = arith.constant 123 : index
    %get3A_2605 = arith.constant 0 : index
    %get3A_2606 = arith.constant 0 : index
    %get3A_2607 = vector.load %arg1[%get3A_2604, %get3A_2605, %get3A_2606] : memref<128x128x118xf32, #tpu.memory_space<vmem>>, vector<1x128x118xf32>
    %get3A_2608 = vector.shape_cast %get3A_2607 : vector<1x128x118xf32> to vector<128x118xf32>
    %dot_general3A_2609 = arith.constant dense<0.000000e+00> : vector<64x118xf32>
    %dot_general3A_2610 = tpu.matmul %get3A_9, %get3A_2608, %dot_general3A_2609 {dimension_numbers = #tpu.dot_dimension_numbers<[0], [0], [1], [1], [0, 1, 1, 1], [], []>, transpose_lhs_hint = false} : vector<128x64xf32>, vector<128x118xf32>, vector<64x118xf32> -> vector<64x118xf32>
    %get3A_2611 = arith.constant 124 : index
    %get3A_2612 = arith.constant 0 : index
    %get3A_2613 = arith.constant 0 : index
    %get3A_2614 = vector.load %arg1[%get3A_2611, %get3A_2612, %get3A_2613] : memref<128x128x118xf32, #tpu.memory_space<vmem>>, vector<1x128x118xf32>
    %get3A_2615 = vector.shape_cast %get3A_2614 : vector<1x128x118xf32> to vector<128x118xf32>
    %dot_general3A_2616 = arith.constant dense<0.000000e+00> : vector<64x118xf32>
    %dot_general3A_2617 = tpu.matmul %get3A_9, %get3A_2615, %dot_general3A_2616 {dimension_numbers = #tpu.dot_dimension_numbers<[0], [0], [1], [1], [0, 1, 1, 1], [], []>, transpose_lhs_hint = false} : vector<128x64xf32>, vector<128x118xf32>, vector<64x118xf32> -> vector<64x118xf32>
    %get3A_2618 = arith.constant 125 : index
    %get3A_2619 = arith.constant 0 : index
    %get3A_2620 = arith.constant 0 : index
    %get3A_2621 = vector.load %arg1[%get3A_2618, %get3A_2619, %get3A_2620] : memref<128x128x118xf32, #tpu.memory_space<vmem>>, vector<1x128x118xf32>
    %get3A_2622 = vector.shape_cast %get3A_2621 : vector<1x128x118xf32> to vector<128x118xf32>
    %dot_general3A_2623 = arith.constant dense<0.000000e+00> : vector<64x118xf32>
    %dot_general3A_2624 = tpu.matmul %get3A_9, %get3A_2622, %dot_general3A_2623 {dimension_numbers = #tpu.dot_dimension_numbers<[0], [0], [1], [1], [0, 1, 1, 1], [], []>, transpose_lhs_hint = false} : vector<128x64xf32>, vector<128x118xf32>, vector<64x118xf32> -> vector<64x118xf32>
    %get3A_2625 = arith.constant 126 : index
    %get3A_2626 = arith.constant 0 : index
    %get3A_2627 = arith.constant 0 : index
    %get3A_2628 = vector.load %arg1[%get3A_2625, %get3A_2626, %get3A_2627] : memref<128x128x118xf32, #tpu.memory_space<vmem>>, vector<1x128x118xf32>
    %get3A_2629 = vector.shape_cast %get3A_2628 : vector<1x128x118xf32> to vector<128x118xf32>
    %dot_general3A_2630 = arith.constant dense<0.000000e+00> : vector<64x118xf32>
    %dot_general3A_2631 = tpu.matmul %get3A_9, %get3A_2629, %dot_general3A_2630 {dimension_numbers = #tpu.dot_dimension_numbers<[0], [0], [1], [1], [0, 1, 1, 1], [], []>, transpose_lhs_hint = false} : vector<128x64xf32>, vector<128x118xf32>, vector<64x118xf32> -> vector<64x118xf32>
    %get3A_2632 = arith.constant 127 : index
    %get3A_2633 = arith.constant 0 : index
    %get3A_2634 = arith.constant 0 : index
    %get3A_2635 = vector.load %arg1[%get3A_2632, %get3A_2633, %get3A_2634] : memref<128x128x118xf32, #tpu.memory_space<vmem>>, vector<1x128x118xf32>
    %get3A_2636 = vector.shape_cast %get3A_2635 : vector<1x128x118xf32> to vector<128x118xf32>
    %dot_general3A_2637 = arith.constant dense<0.000000e+00> : vector<64x118xf32>
    %dot_general3A_2638 = tpu.matmul %get3A_9, %get3A_2636, %dot_general3A_2637 {dimension_numbers = #tpu.dot_dimension_numbers<[0], [0], [1], [1], [0, 1, 1, 1], [], []>, transpose_lhs_hint = false} : vector<128x64xf32>, vector<128x118xf32>, vector<64x118xf32> -> vector<64x118xf32>
    %dot_general3A_2639 = arith.constant dense<0.000000e+00> : vector<64x118xf32>
    %dot_general3A_2640 = tpu.matmul %dot_general3A_2421, %get3A_3, %dot_general3A_2639 {dimension_numbers = #tpu.dot_dimension_numbers<[1], [1], [0], [0], [0, 0, 1, 0], [], []>, transpose_lhs_hint = false} : vector<64x118xf32>, vector<118x118xf32>, vector<64x118xf32> -> vector<64x118xf32>
    %dot_general3A_2641 = arith.constant dense<0.000000e+00> : vector<64x118xf32>
    %dot_general3A_2642 = tpu.matmul %dot_general3A_2428, %get3A_3, %dot_general3A_2641 {dimension_numbers = #tpu.dot_dimension_numbers<[1], [1], [0], [0], [0, 0, 1, 0], [], []>, transpose_lhs_hint = false} : vector<64x118xf32>, vector<118x118xf32>, vector<64x118xf32> -> vector<64x118xf32>
    %dot_general3A_2643 = arith.constant dense<0.000000e+00> : vector<64x118xf32>
    %dot_general3A_2644 = tpu.matmul %dot_general3A_2435, %get3A_3, %dot_general3A_2643 {dimension_numbers = #tpu.dot_dimension_numbers<[1], [1], [0], [0], [0, 0, 1, 0], [], []>, transpose_lhs_hint = false} : vector<64x118xf32>, vector<118x118xf32>, vector<64x118xf32> -> vector<64x118xf32>
    %dot_general3A_2645 = arith.constant dense<0.000000e+00> : vector<64x118xf32>
    %dot_general3A_2646 = tpu.matmul %dot_general3A_2442, %get3A_3, %dot_general3A_2645 {dimension_numbers = #tpu.dot_dimension_numbers<[1], [1], [0], [0], [0, 0, 1, 0], [], []>, transpose_lhs_hint = false} : vector<64x118xf32>, vector<118x118xf32>, vector<64x118xf32> -> vector<64x118xf32>
    %dot_general3A_2647 = arith.constant dense<0.000000e+00> : vector<64x118xf32>
    %dot_general3A_2648 = tpu.matmul %dot_general3A_2449, %get3A_3, %dot_general3A_2647 {dimension_numbers = #tpu.dot_dimension_numbers<[1], [1], [0], [0], [0, 0, 1, 0], [], []>, transpose_lhs_hint = false} : vector<64x118xf32>, vector<118x118xf32>, vector<64x118xf32> -> vector<64x118xf32>
    %dot_general3A_2649 = arith.constant dense<0.000000e+00> : vector<64x118xf32>
    %dot_general3A_2650 = tpu.matmul %dot_general3A_2456, %get3A_3, %dot_general3A_2649 {dimension_numbers = #tpu.dot_dimension_numbers<[1], [1], [0], [0], [0, 0, 1, 0], [], []>, transpose_lhs_hint = false} : vector<64x118xf32>, vector<118x118xf32>, vector<64x118xf32> -> vector<64x118xf32>
    %dot_general3A_2651 = arith.constant dense<0.000000e+00> : vector<64x118xf32>
    %dot_general3A_2652 = tpu.matmul %dot_general3A_2463, %get3A_3, %dot_general3A_2651 {dimension_numbers = #tpu.dot_dimension_numbers<[1], [1], [0], [0], [0, 0, 1, 0], [], []>, transpose_lhs_hint = false} : vector<64x118xf32>, vector<118x118xf32>, vector<64x118xf32> -> vector<64x118xf32>
    %dot_general3A_2653 = arith.constant dense<0.000000e+00> : vector<64x118xf32>
    %dot_general3A_2654 = tpu.matmul %dot_general3A_2470, %get3A_3, %dot_general3A_2653 {dimension_numbers = #tpu.dot_dimension_numbers<[1], [1], [0], [0], [0, 0, 1, 0], [], []>, transpose_lhs_hint = false} : vector<64x118xf32>, vector<118x118xf32>, vector<64x118xf32> -> vector<64x118xf32>
    %dot_general3A_2655 = arith.constant dense<0.000000e+00> : vector<64x118xf32>
    %dot_general3A_2656 = tpu.matmul %dot_general3A_2477, %get3A_3, %dot_general3A_2655 {dimension_numbers = #tpu.dot_dimension_numbers<[1], [1], [0], [0], [0, 0, 1, 0], [], []>, transpose_lhs_hint = false} : vector<64x118xf32>, vector<118x118xf32>, vector<64x118xf32> -> vector<64x118xf32>
    %dot_general3A_2657 = arith.constant dense<0.000000e+00> : vector<64x118xf32>
    %dot_general3A_2658 = tpu.matmul %dot_general3A_2484, %get3A_3, %dot_general3A_2657 {dimension_numbers = #tpu.dot_dimension_numbers<[1], [1], [0], [0], [0, 0, 1, 0], [], []>, transpose_lhs_hint = false} : vector<64x118xf32>, vector<118x118xf32>, vector<64x118xf32> -> vector<64x118xf32>
    %dot_general3A_2659 = arith.constant dense<0.000000e+00> : vector<64x118xf32>
    %dot_general3A_2660 = tpu.matmul %dot_general3A_2491, %get3A_3, %dot_general3A_2659 {dimension_numbers = #tpu.dot_dimension_numbers<[1], [1], [0], [0], [0, 0, 1, 0], [], []>, transpose_lhs_hint = false} : vector<64x118xf32>, vector<118x118xf32>, vector<64x118xf32> -> vector<64x118xf32>
    %dot_general3A_2661 = arith.constant dense<0.000000e+00> : vector<64x118xf32>
    %dot_general3A_2662 = tpu.matmul %dot_general3A_2498, %get3A_3, %dot_general3A_2661 {dimension_numbers = #tpu.dot_dimension_numbers<[1], [1], [0], [0], [0, 0, 1, 0], [], []>, transpose_lhs_hint = false} : vector<64x118xf32>, vector<118x118xf32>, vector<64x118xf32> -> vector<64x118xf32>
    %dot_general3A_2663 = arith.constant dense<0.000000e+00> : vector<64x118xf32>
    %dot_general3A_2664 = tpu.matmul %dot_general3A_2505, %get3A_3, %dot_general3A_2663 {dimension_numbers = #tpu.dot_dimension_numbers<[1], [1], [0], [0], [0, 0, 1, 0], [], []>, transpose_lhs_hint = false} : vector<64x118xf32>, vector<118x118xf32>, vector<64x118xf32> -> vector<64x118xf32>
    %dot_general3A_2665 = arith.constant dense<0.000000e+00> : vector<64x118xf32>
    %dot_general3A_2666 = tpu.matmul %dot_general3A_2512, %get3A_3, %dot_general3A_2665 {dimension_numbers = #tpu.dot_dimension_numbers<[1], [1], [0], [0], [0, 0, 1, 0], [], []>, transpose_lhs_hint = false} : vector<64x118xf32>, vector<118x118xf32>, vector<64x118xf32> -> vector<64x118xf32>
    %dot_general3A_2667 = arith.constant dense<0.000000e+00> : vector<64x118xf32>
    %dot_general3A_2668 = tpu.matmul %dot_general3A_2519, %get3A_3, %dot_general3A_2667 {dimension_numbers = #tpu.dot_dimension_numbers<[1], [1], [0], [0], [0, 0, 1, 0], [], []>, transpose_lhs_hint = false} : vector<64x118xf32>, vector<118x118xf32>, vector<64x118xf32> -> vector<64x118xf32>
    %dot_general3A_2669 = arith.constant dense<0.000000e+00> : vector<64x118xf32>
    %dot_general3A_2670 = tpu.matmul %dot_general3A_2526, %get3A_3, %dot_general3A_2669 {dimension_numbers = #tpu.dot_dimension_numbers<[1], [1], [0], [0], [0, 0, 1, 0], [], []>, transpose_lhs_hint = false} : vector<64x118xf32>, vector<118x118xf32>, vector<64x118xf32> -> vector<64x118xf32>
    %dot_general3A_2671 = arith.constant dense<0.000000e+00> : vector<64x118xf32>
    %dot_general3A_2672 = tpu.matmul %dot_general3A_2533, %get3A_3, %dot_general3A_2671 {dimension_numbers = #tpu.dot_dimension_numbers<[1], [1], [0], [0], [0, 0, 1, 0], [], []>, transpose_lhs_hint = false} : vector<64x118xf32>, vector<118x118xf32>, vector<64x118xf32> -> vector<64x118xf32>
    %dot_general3A_2673 = arith.constant dense<0.000000e+00> : vector<64x118xf32>
    %dot_general3A_2674 = tpu.matmul %dot_general3A_2540, %get3A_3, %dot_general3A_2673 {dimension_numbers = #tpu.dot_dimension_numbers<[1], [1], [0], [0], [0, 0, 1, 0], [], []>, transpose_lhs_hint = false} : vector<64x118xf32>, vector<118x118xf32>, vector<64x118xf32> -> vector<64x118xf32>
    %dot_general3A_2675 = arith.constant dense<0.000000e+00> : vector<64x118xf32>
    %dot_general3A_2676 = tpu.matmul %dot_general3A_2547, %get3A_3, %dot_general3A_2675 {dimension_numbers = #tpu.dot_dimension_numbers<[1], [1], [0], [0], [0, 0, 1, 0], [], []>, transpose_lhs_hint = false} : vector<64x118xf32>, vector<118x118xf32>, vector<64x118xf32> -> vector<64x118xf32>
    %dot_general3A_2677 = arith.constant dense<0.000000e+00> : vector<64x118xf32>
    %dot_general3A_2678 = tpu.matmul %dot_general3A_2554, %get3A_3, %dot_general3A_2677 {dimension_numbers = #tpu.dot_dimension_numbers<[1], [1], [0], [0], [0, 0, 1, 0], [], []>, transpose_lhs_hint = false} : vector<64x118xf32>, vector<118x118xf32>, vector<64x118xf32> -> vector<64x118xf32>
    %dot_general3A_2679 = arith.constant dense<0.000000e+00> : vector<64x118xf32>
    %dot_general3A_2680 = tpu.matmul %dot_general3A_2561, %get3A_3, %dot_general3A_2679 {dimension_numbers = #tpu.dot_dimension_numbers<[1], [1], [0], [0], [0, 0, 1, 0], [], []>, transpose_lhs_hint = false} : vector<64x118xf32>, vector<118x118xf32>, vector<64x118xf32> -> vector<64x118xf32>
    %dot_general3A_2681 = arith.constant dense<0.000000e+00> : vector<64x118xf32>
    %dot_general3A_2682 = tpu.matmul %dot_general3A_2568, %get3A_3, %dot_general3A_2681 {dimension_numbers = #tpu.dot_dimension_numbers<[1], [1], [0], [0], [0, 0, 1, 0], [], []>, transpose_lhs_hint = false} : vector<64x118xf32>, vector<118x118xf32>, vector<64x118xf32> -> vector<64x118xf32>
    %dot_general3A_2683 = arith.constant dense<0.000000e+00> : vector<64x118xf32>
    %dot_general3A_2684 = tpu.matmul %dot_general3A_2575, %get3A_3, %dot_general3A_2683 {dimension_numbers = #tpu.dot_dimension_numbers<[1], [1], [0], [0], [0, 0, 1, 0], [], []>, transpose_lhs_hint = false} : vector<64x118xf32>, vector<118x118xf32>, vector<64x118xf32> -> vector<64x118xf32>
    %dot_general3A_2685 = arith.constant dense<0.000000e+00> : vector<64x118xf32>
    %dot_general3A_2686 = tpu.matmul %dot_general3A_2582, %get3A_3, %dot_general3A_2685 {dimension_numbers = #tpu.dot_dimension_numbers<[1], [1], [0], [0], [0, 0, 1, 0], [], []>, transpose_lhs_hint = false} : vector<64x118xf32>, vector<118x118xf32>, vector<64x118xf32> -> vector<64x118xf32>
    %dot_general3A_2687 = arith.constant dense<0.000000e+00> : vector<64x118xf32>
    %dot_general3A_2688 = tpu.matmul %dot_general3A_2589, %get3A_3, %dot_general3A_2687 {dimension_numbers = #tpu.dot_dimension_numbers<[1], [1], [0], [0], [0, 0, 1, 0], [], []>, transpose_lhs_hint = false} : vector<64x118xf32>, vector<118x118xf32>, vector<64x118xf32> -> vector<64x118xf32>
    %dot_general3A_2689 = arith.constant dense<0.000000e+00> : vector<64x118xf32>
    %dot_general3A_2690 = tpu.matmul %dot_general3A_2596, %get3A_3, %dot_general3A_2689 {dimension_numbers = #tpu.dot_dimension_numbers<[1], [1], [0], [0], [0, 0, 1, 0], [], []>, transpose_lhs_hint = false} : vector<64x118xf32>, vector<118x118xf32>, vector<64x118xf32> -> vector<64x118xf32>
    %dot_general3A_2691 = arith.constant dense<0.000000e+00> : vector<64x118xf32>
    %dot_general3A_2692 = tpu.matmul %dot_general3A_2603, %get3A_3, %dot_general3A_2691 {dimension_numbers = #tpu.dot_dimension_numbers<[1], [1], [0], [0], [0, 0, 1, 0], [], []>, transpose_lhs_hint = false} : vector<64x118xf32>, vector<118x118xf32>, vector<64x118xf32> -> vector<64x118xf32>
    %dot_general3A_2693 = arith.constant dense<0.000000e+00> : vector<64x118xf32>
    %dot_general3A_2694 = tpu.matmul %dot_general3A_2610, %get3A_3, %dot_general3A_2693 {dimension_numbers = #tpu.dot_dimension_numbers<[1], [1], [0], [0], [0, 0, 1, 0], [], []>, transpose_lhs_hint = false} : vector<64x118xf32>, vector<118x118xf32>, vector<64x118xf32> -> vector<64x118xf32>
    %dot_general3A_2695 = arith.constant dense<0.000000e+00> : vector<64x118xf32>
    %dot_general3A_2696 = tpu.matmul %dot_general3A_2617, %get3A_3, %dot_general3A_2695 {dimension_numbers = #tpu.dot_dimension_numbers<[1], [1], [0], [0], [0, 0, 1, 0], [], []>, transpose_lhs_hint = false} : vector<64x118xf32>, vector<118x118xf32>, vector<64x118xf32> -> vector<64x118xf32>
    %dot_general3A_2697 = arith.constant dense<0.000000e+00> : vector<64x118xf32>
    %dot_general3A_2698 = tpu.matmul %dot_general3A_2624, %get3A_3, %dot_general3A_2697 {dimension_numbers = #tpu.dot_dimension_numbers<[1], [1], [0], [0], [0, 0, 1, 0], [], []>, transpose_lhs_hint = false} : vector<64x118xf32>, vector<118x118xf32>, vector<64x118xf32> -> vector<64x118xf32>
    %dot_general3A_2699 = arith.constant dense<0.000000e+00> : vector<64x118xf32>
    %dot_general3A_2700 = tpu.matmul %dot_general3A_2631, %get3A_3, %dot_general3A_2699 {dimension_numbers = #tpu.dot_dimension_numbers<[1], [1], [0], [0], [0, 0, 1, 0], [], []>, transpose_lhs_hint = false} : vector<64x118xf32>, vector<118x118xf32>, vector<64x118xf32> -> vector<64x118xf32>
    %dot_general3A_2701 = arith.constant dense<0.000000e+00> : vector<64x118xf32>
    %dot_general3A_2702 = tpu.matmul %dot_general3A_2638, %get3A_3, %dot_general3A_2701 {dimension_numbers = #tpu.dot_dimension_numbers<[1], [1], [0], [0], [0, 0, 1, 0], [], []>, transpose_lhs_hint = false} : vector<64x118xf32>, vector<118x118xf32>, vector<64x118xf32> -> vector<64x118xf32>
    %add3A_2703 = vector.broadcast %get3A_15 : vector<64x1xf32> to vector<64x118xf32>
    %add3A_2704 = arith.addf %dot_general3A_2640, %add3A_2703 : vector<64x118xf32>
    %max3A_2705 = arith.constant 0.000000e+00 : f32
    %max3A_2706 = vector.broadcast %max3A_2705 : f32 to vector<64x118xf32>
    %max3A_2707 = arith.maximumf %add3A_2704, %max3A_2706 : vector<64x118xf32>
    %add3A_2708 = vector.broadcast %get3A_15 : vector<64x1xf32> to vector<64x118xf32>
    %add3A_2709 = arith.addf %dot_general3A_2642, %add3A_2708 : vector<64x118xf32>
    %max3A_2710 = arith.constant 0.000000e+00 : f32
    %max3A_2711 = vector.broadcast %max3A_2710 : f32 to vector<64x118xf32>
    %max3A_2712 = arith.maximumf %add3A_2709, %max3A_2711 : vector<64x118xf32>
    %add3A_2713 = vector.broadcast %get3A_15 : vector<64x1xf32> to vector<64x118xf32>
    %add3A_2714 = arith.addf %dot_general3A_2644, %add3A_2713 : vector<64x118xf32>
    %max3A_2715 = arith.constant 0.000000e+00 : f32
    %max3A_2716 = vector.broadcast %max3A_2715 : f32 to vector<64x118xf32>
    %max3A_2717 = arith.maximumf %add3A_2714, %max3A_2716 : vector<64x118xf32>
    %add3A_2718 = vector.broadcast %get3A_15 : vector<64x1xf32> to vector<64x118xf32>
    %add3A_2719 = arith.addf %dot_general3A_2646, %add3A_2718 : vector<64x118xf32>
    %max3A_2720 = arith.constant 0.000000e+00 : f32
    %max3A_2721 = vector.broadcast %max3A_2720 : f32 to vector<64x118xf32>
    %max3A_2722 = arith.maximumf %add3A_2719, %max3A_2721 : vector<64x118xf32>
    %add3A_2723 = vector.broadcast %get3A_15 : vector<64x1xf32> to vector<64x118xf32>
    %add3A_2724 = arith.addf %dot_general3A_2648, %add3A_2723 : vector<64x118xf32>
    %max3A_2725 = arith.constant 0.000000e+00 : f32
    %max3A_2726 = vector.broadcast %max3A_2725 : f32 to vector<64x118xf32>
    %max3A_2727 = arith.maximumf %add3A_2724, %max3A_2726 : vector<64x118xf32>
    %add3A_2728 = vector.broadcast %get3A_15 : vector<64x1xf32> to vector<64x118xf32>
    %add3A_2729 = arith.addf %dot_general3A_2650, %add3A_2728 : vector<64x118xf32>
    %max3A_2730 = arith.constant 0.000000e+00 : f32
    %max3A_2731 = vector.broadcast %max3A_2730 : f32 to vector<64x118xf32>
    %max3A_2732 = arith.maximumf %add3A_2729, %max3A_2731 : vector<64x118xf32>
    %add3A_2733 = vector.broadcast %get3A_15 : vector<64x1xf32> to vector<64x118xf32>
    %add3A_2734 = arith.addf %dot_general3A_2652, %add3A_2733 : vector<64x118xf32>
    %max3A_2735 = arith.constant 0.000000e+00 : f32
    %max3A_2736 = vector.broadcast %max3A_2735 : f32 to vector<64x118xf32>
    %max3A_2737 = arith.maximumf %add3A_2734, %max3A_2736 : vector<64x118xf32>
    %add3A_2738 = vector.broadcast %get3A_15 : vector<64x1xf32> to vector<64x118xf32>
    %add3A_2739 = arith.addf %dot_general3A_2654, %add3A_2738 : vector<64x118xf32>
    %max3A_2740 = arith.constant 0.000000e+00 : f32
    %max3A_2741 = vector.broadcast %max3A_2740 : f32 to vector<64x118xf32>
    %max3A_2742 = arith.maximumf %add3A_2739, %max3A_2741 : vector<64x118xf32>
    %add3A_2743 = vector.broadcast %get3A_15 : vector<64x1xf32> to vector<64x118xf32>
    %add3A_2744 = arith.addf %dot_general3A_2656, %add3A_2743 : vector<64x118xf32>
    %max3A_2745 = arith.constant 0.000000e+00 : f32
    %max3A_2746 = vector.broadcast %max3A_2745 : f32 to vector<64x118xf32>
    %max3A_2747 = arith.maximumf %add3A_2744, %max3A_2746 : vector<64x118xf32>
    %add3A_2748 = vector.broadcast %get3A_15 : vector<64x1xf32> to vector<64x118xf32>
    %add3A_2749 = arith.addf %dot_general3A_2658, %add3A_2748 : vector<64x118xf32>
    %max3A_2750 = arith.constant 0.000000e+00 : f32
    %max3A_2751 = vector.broadcast %max3A_2750 : f32 to vector<64x118xf32>
    %max3A_2752 = arith.maximumf %add3A_2749, %max3A_2751 : vector<64x118xf32>
    %add3A_2753 = vector.broadcast %get3A_15 : vector<64x1xf32> to vector<64x118xf32>
    %add3A_2754 = arith.addf %dot_general3A_2660, %add3A_2753 : vector<64x118xf32>
    %max3A_2755 = arith.constant 0.000000e+00 : f32
    %max3A_2756 = vector.broadcast %max3A_2755 : f32 to vector<64x118xf32>
    %max3A_2757 = arith.maximumf %add3A_2754, %max3A_2756 : vector<64x118xf32>
    %add3A_2758 = vector.broadcast %get3A_15 : vector<64x1xf32> to vector<64x118xf32>
    %add3A_2759 = arith.addf %dot_general3A_2662, %add3A_2758 : vector<64x118xf32>
    %max3A_2760 = arith.constant 0.000000e+00 : f32
    %max3A_2761 = vector.broadcast %max3A_2760 : f32 to vector<64x118xf32>
    %max3A_2762 = arith.maximumf %add3A_2759, %max3A_2761 : vector<64x118xf32>
    %add3A_2763 = vector.broadcast %get3A_15 : vector<64x1xf32> to vector<64x118xf32>
    %add3A_2764 = arith.addf %dot_general3A_2664, %add3A_2763 : vector<64x118xf32>
    %max3A_2765 = arith.constant 0.000000e+00 : f32
    %max3A_2766 = vector.broadcast %max3A_2765 : f32 to vector<64x118xf32>
    %max3A_2767 = arith.maximumf %add3A_2764, %max3A_2766 : vector<64x118xf32>
    %add3A_2768 = vector.broadcast %get3A_15 : vector<64x1xf32> to vector<64x118xf32>
    %add3A_2769 = arith.addf %dot_general3A_2666, %add3A_2768 : vector<64x118xf32>
    %max3A_2770 = arith.constant 0.000000e+00 : f32
    %max3A_2771 = vector.broadcast %max3A_2770 : f32 to vector<64x118xf32>
    %max3A_2772 = arith.maximumf %add3A_2769, %max3A_2771 : vector<64x118xf32>
    %add3A_2773 = vector.broadcast %get3A_15 : vector<64x1xf32> to vector<64x118xf32>
    %add3A_2774 = arith.addf %dot_general3A_2668, %add3A_2773 : vector<64x118xf32>
    %max3A_2775 = arith.constant 0.000000e+00 : f32
    %max3A_2776 = vector.broadcast %max3A_2775 : f32 to vector<64x118xf32>
    %max3A_2777 = arith.maximumf %add3A_2774, %max3A_2776 : vector<64x118xf32>
    %add3A_2778 = vector.broadcast %get3A_15 : vector<64x1xf32> to vector<64x118xf32>
    %add3A_2779 = arith.addf %dot_general3A_2670, %add3A_2778 : vector<64x118xf32>
    %max3A_2780 = arith.constant 0.000000e+00 : f32
    %max3A_2781 = vector.broadcast %max3A_2780 : f32 to vector<64x118xf32>
    %max3A_2782 = arith.maximumf %add3A_2779, %max3A_2781 : vector<64x118xf32>
    %add3A_2783 = vector.broadcast %get3A_15 : vector<64x1xf32> to vector<64x118xf32>
    %add3A_2784 = arith.addf %dot_general3A_2672, %add3A_2783 : vector<64x118xf32>
    %max3A_2785 = arith.constant 0.000000e+00 : f32
    %max3A_2786 = vector.broadcast %max3A_2785 : f32 to vector<64x118xf32>
    %max3A_2787 = arith.maximumf %add3A_2784, %max3A_2786 : vector<64x118xf32>
    %add3A_2788 = vector.broadcast %get3A_15 : vector<64x1xf32> to vector<64x118xf32>
    %add3A_2789 = arith.addf %dot_general3A_2674, %add3A_2788 : vector<64x118xf32>
    %max3A_2790 = arith.constant 0.000000e+00 : f32
    %max3A_2791 = vector.broadcast %max3A_2790 : f32 to vector<64x118xf32>
    %max3A_2792 = arith.maximumf %add3A_2789, %max3A_2791 : vector<64x118xf32>
    %add3A_2793 = vector.broadcast %get3A_15 : vector<64x1xf32> to vector<64x118xf32>
    %add3A_2794 = arith.addf %dot_general3A_2676, %add3A_2793 : vector<64x118xf32>
    %max3A_2795 = arith.constant 0.000000e+00 : f32
    %max3A_2796 = vector.broadcast %max3A_2795 : f32 to vector<64x118xf32>
    %max3A_2797 = arith.maximumf %add3A_2794, %max3A_2796 : vector<64x118xf32>
    %add3A_2798 = vector.broadcast %get3A_15 : vector<64x1xf32> to vector<64x118xf32>
    %add3A_2799 = arith.addf %dot_general3A_2678, %add3A_2798 : vector<64x118xf32>
    %max3A_2800 = arith.constant 0.000000e+00 : f32
    %max3A_2801 = vector.broadcast %max3A_2800 : f32 to vector<64x118xf32>
    %max3A_2802 = arith.maximumf %add3A_2799, %max3A_2801 : vector<64x118xf32>
    %add3A_2803 = vector.broadcast %get3A_15 : vector<64x1xf32> to vector<64x118xf32>
    %add3A_2804 = arith.addf %dot_general3A_2680, %add3A_2803 : vector<64x118xf32>
    %max3A_2805 = arith.constant 0.000000e+00 : f32
    %max3A_2806 = vector.broadcast %max3A_2805 : f32 to vector<64x118xf32>
    %max3A_2807 = arith.maximumf %add3A_2804, %max3A_2806 : vector<64x118xf32>
    %add3A_2808 = vector.broadcast %get3A_15 : vector<64x1xf32> to vector<64x118xf32>
    %add3A_2809 = arith.addf %dot_general3A_2682, %add3A_2808 : vector<64x118xf32>
    %max3A_2810 = arith.constant 0.000000e+00 : f32
    %max3A_2811 = vector.broadcast %max3A_2810 : f32 to vector<64x118xf32>
    %max3A_2812 = arith.maximumf %add3A_2809, %max3A_2811 : vector<64x118xf32>
    %add3A_2813 = vector.broadcast %get3A_15 : vector<64x1xf32> to vector<64x118xf32>
    %add3A_2814 = arith.addf %dot_general3A_2684, %add3A_2813 : vector<64x118xf32>
    %max3A_2815 = arith.constant 0.000000e+00 : f32
    %max3A_2816 = vector.broadcast %max3A_2815 : f32 to vector<64x118xf32>
    %max3A_2817 = arith.maximumf %add3A_2814, %max3A_2816 : vector<64x118xf32>
    %add3A_2818 = vector.broadcast %get3A_15 : vector<64x1xf32> to vector<64x118xf32>
    %add3A_2819 = arith.addf %dot_general3A_2686, %add3A_2818 : vector<64x118xf32>
    %max3A_2820 = arith.constant 0.000000e+00 : f32
    %max3A_2821 = vector.broadcast %max3A_2820 : f32 to vector<64x118xf32>
    %max3A_2822 = arith.maximumf %add3A_2819, %max3A_2821 : vector<64x118xf32>
    %add3A_2823 = vector.broadcast %get3A_15 : vector<64x1xf32> to vector<64x118xf32>
    %add3A_2824 = arith.addf %dot_general3A_2688, %add3A_2823 : vector<64x118xf32>
    %max3A_2825 = arith.constant 0.000000e+00 : f32
    %max3A_2826 = vector.broadcast %max3A_2825 : f32 to vector<64x118xf32>
    %max3A_2827 = arith.maximumf %add3A_2824, %max3A_2826 : vector<64x118xf32>
    %add3A_2828 = vector.broadcast %get3A_15 : vector<64x1xf32> to vector<64x118xf32>
    %add3A_2829 = arith.addf %dot_general3A_2690, %add3A_2828 : vector<64x118xf32>
    %max3A_2830 = arith.constant 0.000000e+00 : f32
    %max3A_2831 = vector.broadcast %max3A_2830 : f32 to vector<64x118xf32>
    %max3A_2832 = arith.maximumf %add3A_2829, %max3A_2831 : vector<64x118xf32>
    %add3A_2833 = vector.broadcast %get3A_15 : vector<64x1xf32> to vector<64x118xf32>
    %add3A_2834 = arith.addf %dot_general3A_2692, %add3A_2833 : vector<64x118xf32>
    %max3A_2835 = arith.constant 0.000000e+00 : f32
    %max3A_2836 = vector.broadcast %max3A_2835 : f32 to vector<64x118xf32>
    %max3A_2837 = arith.maximumf %add3A_2834, %max3A_2836 : vector<64x118xf32>
    %add3A_2838 = vector.broadcast %get3A_15 : vector<64x1xf32> to vector<64x118xf32>
    %add3A_2839 = arith.addf %dot_general3A_2694, %add3A_2838 : vector<64x118xf32>
    %max3A_2840 = arith.constant 0.000000e+00 : f32
    %max3A_2841 = vector.broadcast %max3A_2840 : f32 to vector<64x118xf32>
    %max3A_2842 = arith.maximumf %add3A_2839, %max3A_2841 : vector<64x118xf32>
    %add3A_2843 = vector.broadcast %get3A_15 : vector<64x1xf32> to vector<64x118xf32>
    %add3A_2844 = arith.addf %dot_general3A_2696, %add3A_2843 : vector<64x118xf32>
    %max3A_2845 = arith.constant 0.000000e+00 : f32
    %max3A_2846 = vector.broadcast %max3A_2845 : f32 to vector<64x118xf32>
    %max3A_2847 = arith.maximumf %add3A_2844, %max3A_2846 : vector<64x118xf32>
    %add3A_2848 = vector.broadcast %get3A_15 : vector<64x1xf32> to vector<64x118xf32>
    %add3A_2849 = arith.addf %dot_general3A_2698, %add3A_2848 : vector<64x118xf32>
    %max3A_2850 = arith.constant 0.000000e+00 : f32
    %max3A_2851 = vector.broadcast %max3A_2850 : f32 to vector<64x118xf32>
    %max3A_2852 = arith.maximumf %add3A_2849, %max3A_2851 : vector<64x118xf32>
    %add3A_2853 = vector.broadcast %get3A_15 : vector<64x1xf32> to vector<64x118xf32>
    %add3A_2854 = arith.addf %dot_general3A_2700, %add3A_2853 : vector<64x118xf32>
    %max3A_2855 = arith.constant 0.000000e+00 : f32
    %max3A_2856 = vector.broadcast %max3A_2855 : f32 to vector<64x118xf32>
    %max3A_2857 = arith.maximumf %add3A_2854, %max3A_2856 : vector<64x118xf32>
    %add3A_2858 = vector.broadcast %get3A_15 : vector<64x1xf32> to vector<64x118xf32>
    %add3A_2859 = arith.addf %dot_general3A_2702, %add3A_2858 : vector<64x118xf32>
    %max3A_2860 = arith.constant 0.000000e+00 : f32
    %max3A_2861 = vector.broadcast %max3A_2860 : f32 to vector<64x118xf32>
    %max3A_2862 = arith.maximumf %add3A_2859, %max3A_2861 : vector<64x118xf32>
    %dot_general3A_2863 = arith.constant dense<0.000000e+00> : vector<24x118xf32>
    %dot_general3A_2864 = tpu.matmul %get3A_12, %max3A_2707, %dot_general3A_2863 {dimension_numbers = #tpu.dot_dimension_numbers<[0], [0], [1], [1], [0, 1, 1, 1], [], []>, transpose_lhs_hint = false} : vector<64x24xf32>, vector<64x118xf32>, vector<24x118xf32> -> vector<24x118xf32>
    %dot_general3A_2865 = arith.constant dense<0.000000e+00> : vector<24x118xf32>
    %dot_general3A_2866 = tpu.matmul %get3A_12, %max3A_2712, %dot_general3A_2865 {dimension_numbers = #tpu.dot_dimension_numbers<[0], [0], [1], [1], [0, 1, 1, 1], [], []>, transpose_lhs_hint = false} : vector<64x24xf32>, vector<64x118xf32>, vector<24x118xf32> -> vector<24x118xf32>
    %dot_general3A_2867 = arith.constant dense<0.000000e+00> : vector<24x118xf32>
    %dot_general3A_2868 = tpu.matmul %get3A_12, %max3A_2717, %dot_general3A_2867 {dimension_numbers = #tpu.dot_dimension_numbers<[0], [0], [1], [1], [0, 1, 1, 1], [], []>, transpose_lhs_hint = false} : vector<64x24xf32>, vector<64x118xf32>, vector<24x118xf32> -> vector<24x118xf32>
    %dot_general3A_2869 = arith.constant dense<0.000000e+00> : vector<24x118xf32>
    %dot_general3A_2870 = tpu.matmul %get3A_12, %max3A_2722, %dot_general3A_2869 {dimension_numbers = #tpu.dot_dimension_numbers<[0], [0], [1], [1], [0, 1, 1, 1], [], []>, transpose_lhs_hint = false} : vector<64x24xf32>, vector<64x118xf32>, vector<24x118xf32> -> vector<24x118xf32>
    %dot_general3A_2871 = arith.constant dense<0.000000e+00> : vector<24x118xf32>
    %dot_general3A_2872 = tpu.matmul %get3A_12, %max3A_2727, %dot_general3A_2871 {dimension_numbers = #tpu.dot_dimension_numbers<[0], [0], [1], [1], [0, 1, 1, 1], [], []>, transpose_lhs_hint = false} : vector<64x24xf32>, vector<64x118xf32>, vector<24x118xf32> -> vector<24x118xf32>
    %dot_general3A_2873 = arith.constant dense<0.000000e+00> : vector<24x118xf32>
    %dot_general3A_2874 = tpu.matmul %get3A_12, %max3A_2732, %dot_general3A_2873 {dimension_numbers = #tpu.dot_dimension_numbers<[0], [0], [1], [1], [0, 1, 1, 1], [], []>, transpose_lhs_hint = false} : vector<64x24xf32>, vector<64x118xf32>, vector<24x118xf32> -> vector<24x118xf32>
    %dot_general3A_2875 = arith.constant dense<0.000000e+00> : vector<24x118xf32>
    %dot_general3A_2876 = tpu.matmul %get3A_12, %max3A_2737, %dot_general3A_2875 {dimension_numbers = #tpu.dot_dimension_numbers<[0], [0], [1], [1], [0, 1, 1, 1], [], []>, transpose_lhs_hint = false} : vector<64x24xf32>, vector<64x118xf32>, vector<24x118xf32> -> vector<24x118xf32>
    %dot_general3A_2877 = arith.constant dense<0.000000e+00> : vector<24x118xf32>
    %dot_general3A_2878 = tpu.matmul %get3A_12, %max3A_2742, %dot_general3A_2877 {dimension_numbers = #tpu.dot_dimension_numbers<[0], [0], [1], [1], [0, 1, 1, 1], [], []>, transpose_lhs_hint = false} : vector<64x24xf32>, vector<64x118xf32>, vector<24x118xf32> -> vector<24x118xf32>
    %dot_general3A_2879 = arith.constant dense<0.000000e+00> : vector<24x118xf32>
    %dot_general3A_2880 = tpu.matmul %get3A_12, %max3A_2747, %dot_general3A_2879 {dimension_numbers = #tpu.dot_dimension_numbers<[0], [0], [1], [1], [0, 1, 1, 1], [], []>, transpose_lhs_hint = false} : vector<64x24xf32>, vector<64x118xf32>, vector<24x118xf32> -> vector<24x118xf32>
    %dot_general3A_2881 = arith.constant dense<0.000000e+00> : vector<24x118xf32>
    %dot_general3A_2882 = tpu.matmul %get3A_12, %max3A_2752, %dot_general3A_2881 {dimension_numbers = #tpu.dot_dimension_numbers<[0], [0], [1], [1], [0, 1, 1, 1], [], []>, transpose_lhs_hint = false} : vector<64x24xf32>, vector<64x118xf32>, vector<24x118xf32> -> vector<24x118xf32>
    %dot_general3A_2883 = arith.constant dense<0.000000e+00> : vector<24x118xf32>
    %dot_general3A_2884 = tpu.matmul %get3A_12, %max3A_2757, %dot_general3A_2883 {dimension_numbers = #tpu.dot_dimension_numbers<[0], [0], [1], [1], [0, 1, 1, 1], [], []>, transpose_lhs_hint = false} : vector<64x24xf32>, vector<64x118xf32>, vector<24x118xf32> -> vector<24x118xf32>
    %dot_general3A_2885 = arith.constant dense<0.000000e+00> : vector<24x118xf32>
    %dot_general3A_2886 = tpu.matmul %get3A_12, %max3A_2762, %dot_general3A_2885 {dimension_numbers = #tpu.dot_dimension_numbers<[0], [0], [1], [1], [0, 1, 1, 1], [], []>, transpose_lhs_hint = false} : vector<64x24xf32>, vector<64x118xf32>, vector<24x118xf32> -> vector<24x118xf32>
    %dot_general3A_2887 = arith.constant dense<0.000000e+00> : vector<24x118xf32>
    %dot_general3A_2888 = tpu.matmul %get3A_12, %max3A_2767, %dot_general3A_2887 {dimension_numbers = #tpu.dot_dimension_numbers<[0], [0], [1], [1], [0, 1, 1, 1], [], []>, transpose_lhs_hint = false} : vector<64x24xf32>, vector<64x118xf32>, vector<24x118xf32> -> vector<24x118xf32>
    %dot_general3A_2889 = arith.constant dense<0.000000e+00> : vector<24x118xf32>
    %dot_general3A_2890 = tpu.matmul %get3A_12, %max3A_2772, %dot_general3A_2889 {dimension_numbers = #tpu.dot_dimension_numbers<[0], [0], [1], [1], [0, 1, 1, 1], [], []>, transpose_lhs_hint = false} : vector<64x24xf32>, vector<64x118xf32>, vector<24x118xf32> -> vector<24x118xf32>
    %dot_general3A_2891 = arith.constant dense<0.000000e+00> : vector<24x118xf32>
    %dot_general3A_2892 = tpu.matmul %get3A_12, %max3A_2777, %dot_general3A_2891 {dimension_numbers = #tpu.dot_dimension_numbers<[0], [0], [1], [1], [0, 1, 1, 1], [], []>, transpose_lhs_hint = false} : vector<64x24xf32>, vector<64x118xf32>, vector<24x118xf32> -> vector<24x118xf32>
    %dot_general3A_2893 = arith.constant dense<0.000000e+00> : vector<24x118xf32>
    %dot_general3A_2894 = tpu.matmul %get3A_12, %max3A_2782, %dot_general3A_2893 {dimension_numbers = #tpu.dot_dimension_numbers<[0], [0], [1], [1], [0, 1, 1, 1], [], []>, transpose_lhs_hint = false} : vector<64x24xf32>, vector<64x118xf32>, vector<24x118xf32> -> vector<24x118xf32>
    %dot_general3A_2895 = arith.constant dense<0.000000e+00> : vector<24x118xf32>
    %dot_general3A_2896 = tpu.matmul %get3A_12, %max3A_2787, %dot_general3A_2895 {dimension_numbers = #tpu.dot_dimension_numbers<[0], [0], [1], [1], [0, 1, 1, 1], [], []>, transpose_lhs_hint = false} : vector<64x24xf32>, vector<64x118xf32>, vector<24x118xf32> -> vector<24x118xf32>
    %dot_general3A_2897 = arith.constant dense<0.000000e+00> : vector<24x118xf32>
    %dot_general3A_2898 = tpu.matmul %get3A_12, %max3A_2792, %dot_general3A_2897 {dimension_numbers = #tpu.dot_dimension_numbers<[0], [0], [1], [1], [0, 1, 1, 1], [], []>, transpose_lhs_hint = false} : vector<64x24xf32>, vector<64x118xf32>, vector<24x118xf32> -> vector<24x118xf32>
    %dot_general3A_2899 = arith.constant dense<0.000000e+00> : vector<24x118xf32>
    %dot_general3A_2900 = tpu.matmul %get3A_12, %max3A_2797, %dot_general3A_2899 {dimension_numbers = #tpu.dot_dimension_numbers<[0], [0], [1], [1], [0, 1, 1, 1], [], []>, transpose_lhs_hint = false} : vector<64x24xf32>, vector<64x118xf32>, vector<24x118xf32> -> vector<24x118xf32>
    %dot_general3A_2901 = arith.constant dense<0.000000e+00> : vector<24x118xf32>
    %dot_general3A_2902 = tpu.matmul %get3A_12, %max3A_2802, %dot_general3A_2901 {dimension_numbers = #tpu.dot_dimension_numbers<[0], [0], [1], [1], [0, 1, 1, 1], [], []>, transpose_lhs_hint = false} : vector<64x24xf32>, vector<64x118xf32>, vector<24x118xf32> -> vector<24x118xf32>
    %dot_general3A_2903 = arith.constant dense<0.000000e+00> : vector<24x118xf32>
    %dot_general3A_2904 = tpu.matmul %get3A_12, %max3A_2807, %dot_general3A_2903 {dimension_numbers = #tpu.dot_dimension_numbers<[0], [0], [1], [1], [0, 1, 1, 1], [], []>, transpose_lhs_hint = false} : vector<64x24xf32>, vector<64x118xf32>, vector<24x118xf32> -> vector<24x118xf32>
    %dot_general3A_2905 = arith.constant dense<0.000000e+00> : vector<24x118xf32>
    %dot_general3A_2906 = tpu.matmul %get3A_12, %max3A_2812, %dot_general3A_2905 {dimension_numbers = #tpu.dot_dimension_numbers<[0], [0], [1], [1], [0, 1, 1, 1], [], []>, transpose_lhs_hint = false} : vector<64x24xf32>, vector<64x118xf32>, vector<24x118xf32> -> vector<24x118xf32>
    %dot_general3A_2907 = arith.constant dense<0.000000e+00> : vector<24x118xf32>
    %dot_general3A_2908 = tpu.matmul %get3A_12, %max3A_2817, %dot_general3A_2907 {dimension_numbers = #tpu.dot_dimension_numbers<[0], [0], [1], [1], [0, 1, 1, 1], [], []>, transpose_lhs_hint = false} : vector<64x24xf32>, vector<64x118xf32>, vector<24x118xf32> -> vector<24x118xf32>
    %dot_general3A_2909 = arith.constant dense<0.000000e+00> : vector<24x118xf32>
    %dot_general3A_2910 = tpu.matmul %get3A_12, %max3A_2822, %dot_general3A_2909 {dimension_numbers = #tpu.dot_dimension_numbers<[0], [0], [1], [1], [0, 1, 1, 1], [], []>, transpose_lhs_hint = false} : vector<64x24xf32>, vector<64x118xf32>, vector<24x118xf32> -> vector<24x118xf32>
    %dot_general3A_2911 = arith.constant dense<0.000000e+00> : vector<24x118xf32>
    %dot_general3A_2912 = tpu.matmul %get3A_12, %max3A_2827, %dot_general3A_2911 {dimension_numbers = #tpu.dot_dimension_numbers<[0], [0], [1], [1], [0, 1, 1, 1], [], []>, transpose_lhs_hint = false} : vector<64x24xf32>, vector<64x118xf32>, vector<24x118xf32> -> vector<24x118xf32>
    %dot_general3A_2913 = arith.constant dense<0.000000e+00> : vector<24x118xf32>
    %dot_general3A_2914 = tpu.matmul %get3A_12, %max3A_2832, %dot_general3A_2913 {dimension_numbers = #tpu.dot_dimension_numbers<[0], [0], [1], [1], [0, 1, 1, 1], [], []>, transpose_lhs_hint = false} : vector<64x24xf32>, vector<64x118xf32>, vector<24x118xf32> -> vector<24x118xf32>
    %dot_general3A_2915 = arith.constant dense<0.000000e+00> : vector<24x118xf32>
    %dot_general3A_2916 = tpu.matmul %get3A_12, %max3A_2837, %dot_general3A_2915 {dimension_numbers = #tpu.dot_dimension_numbers<[0], [0], [1], [1], [0, 1, 1, 1], [], []>, transpose_lhs_hint = false} : vector<64x24xf32>, vector<64x118xf32>, vector<24x118xf32> -> vector<24x118xf32>
    %dot_general3A_2917 = arith.constant dense<0.000000e+00> : vector<24x118xf32>
    %dot_general3A_2918 = tpu.matmul %get3A_12, %max3A_2842, %dot_general3A_2917 {dimension_numbers = #tpu.dot_dimension_numbers<[0], [0], [1], [1], [0, 1, 1, 1], [], []>, transpose_lhs_hint = false} : vector<64x24xf32>, vector<64x118xf32>, vector<24x118xf32> -> vector<24x118xf32>
    %dot_general3A_2919 = arith.constant dense<0.000000e+00> : vector<24x118xf32>
    %dot_general3A_2920 = tpu.matmul %get3A_12, %max3A_2847, %dot_general3A_2919 {dimension_numbers = #tpu.dot_dimension_numbers<[0], [0], [1], [1], [0, 1, 1, 1], [], []>, transpose_lhs_hint = false} : vector<64x24xf32>, vector<64x118xf32>, vector<24x118xf32> -> vector<24x118xf32>
    %dot_general3A_2921 = arith.constant dense<0.000000e+00> : vector<24x118xf32>
    %dot_general3A_2922 = tpu.matmul %get3A_12, %max3A_2852, %dot_general3A_2921 {dimension_numbers = #tpu.dot_dimension_numbers<[0], [0], [1], [1], [0, 1, 1, 1], [], []>, transpose_lhs_hint = false} : vector<64x24xf32>, vector<64x118xf32>, vector<24x118xf32> -> vector<24x118xf32>
    %dot_general3A_2923 = arith.constant dense<0.000000e+00> : vector<24x118xf32>
    %dot_general3A_2924 = tpu.matmul %get3A_12, %max3A_2857, %dot_general3A_2923 {dimension_numbers = #tpu.dot_dimension_numbers<[0], [0], [1], [1], [0, 1, 1, 1], [], []>, transpose_lhs_hint = false} : vector<64x24xf32>, vector<64x118xf32>, vector<24x118xf32> -> vector<24x118xf32>
    %dot_general3A_2925 = arith.constant dense<0.000000e+00> : vector<24x118xf32>
    %dot_general3A_2926 = tpu.matmul %get3A_12, %max3A_2862, %dot_general3A_2925 {dimension_numbers = #tpu.dot_dimension_numbers<[0], [0], [1], [1], [0, 1, 1, 1], [], []>, transpose_lhs_hint = false} : vector<64x24xf32>, vector<64x118xf32>, vector<24x118xf32> -> vector<24x118xf32>
    %dot_general3A_2927 = arith.constant dense<0.000000e+00> : vector<54x24xf32>
    %dot_general3A_2928 = tpu.matmul %get3A_6, %dot_general3A_2864, %dot_general3A_2927 {dimension_numbers = #tpu.dot_dimension_numbers<[1], [1], [0], [0], [0, 0, 1, 0], [], []>, transpose_lhs_hint = false} : vector<54x118xf32>, vector<24x118xf32>, vector<54x24xf32> -> vector<54x24xf32>
    %dot_general3A_2929 = arith.constant dense<0.000000e+00> : vector<54x24xf32>
    %dot_general3A_2930 = tpu.matmul %get3A_6, %dot_general3A_2866, %dot_general3A_2929 {dimension_numbers = #tpu.dot_dimension_numbers<[1], [1], [0], [0], [0, 0, 1, 0], [], []>, transpose_lhs_hint = false} : vector<54x118xf32>, vector<24x118xf32>, vector<54x24xf32> -> vector<54x24xf32>
    %dot_general3A_2931 = arith.constant dense<0.000000e+00> : vector<54x24xf32>
    %dot_general3A_2932 = tpu.matmul %get3A_6, %dot_general3A_2868, %dot_general3A_2931 {dimension_numbers = #tpu.dot_dimension_numbers<[1], [1], [0], [0], [0, 0, 1, 0], [], []>, transpose_lhs_hint = false} : vector<54x118xf32>, vector<24x118xf32>, vector<54x24xf32> -> vector<54x24xf32>
    %dot_general3A_2933 = arith.constant dense<0.000000e+00> : vector<54x24xf32>
    %dot_general3A_2934 = tpu.matmul %get3A_6, %dot_general3A_2870, %dot_general3A_2933 {dimension_numbers = #tpu.dot_dimension_numbers<[1], [1], [0], [0], [0, 0, 1, 0], [], []>, transpose_lhs_hint = false} : vector<54x118xf32>, vector<24x118xf32>, vector<54x24xf32> -> vector<54x24xf32>
    %dot_general3A_2935 = arith.constant dense<0.000000e+00> : vector<54x24xf32>
    %dot_general3A_2936 = tpu.matmul %get3A_6, %dot_general3A_2872, %dot_general3A_2935 {dimension_numbers = #tpu.dot_dimension_numbers<[1], [1], [0], [0], [0, 0, 1, 0], [], []>, transpose_lhs_hint = false} : vector<54x118xf32>, vector<24x118xf32>, vector<54x24xf32> -> vector<54x24xf32>
    %dot_general3A_2937 = arith.constant dense<0.000000e+00> : vector<54x24xf32>
    %dot_general3A_2938 = tpu.matmul %get3A_6, %dot_general3A_2874, %dot_general3A_2937 {dimension_numbers = #tpu.dot_dimension_numbers<[1], [1], [0], [0], [0, 0, 1, 0], [], []>, transpose_lhs_hint = false} : vector<54x118xf32>, vector<24x118xf32>, vector<54x24xf32> -> vector<54x24xf32>
    %dot_general3A_2939 = arith.constant dense<0.000000e+00> : vector<54x24xf32>
    %dot_general3A_2940 = tpu.matmul %get3A_6, %dot_general3A_2876, %dot_general3A_2939 {dimension_numbers = #tpu.dot_dimension_numbers<[1], [1], [0], [0], [0, 0, 1, 0], [], []>, transpose_lhs_hint = false} : vector<54x118xf32>, vector<24x118xf32>, vector<54x24xf32> -> vector<54x24xf32>
    %dot_general3A_2941 = arith.constant dense<0.000000e+00> : vector<54x24xf32>
    %dot_general3A_2942 = tpu.matmul %get3A_6, %dot_general3A_2878, %dot_general3A_2941 {dimension_numbers = #tpu.dot_dimension_numbers<[1], [1], [0], [0], [0, 0, 1, 0], [], []>, transpose_lhs_hint = false} : vector<54x118xf32>, vector<24x118xf32>, vector<54x24xf32> -> vector<54x24xf32>
    %dot_general3A_2943 = arith.constant dense<0.000000e+00> : vector<54x24xf32>
    %dot_general3A_2944 = tpu.matmul %get3A_6, %dot_general3A_2880, %dot_general3A_2943 {dimension_numbers = #tpu.dot_dimension_numbers<[1], [1], [0], [0], [0, 0, 1, 0], [], []>, transpose_lhs_hint = false} : vector<54x118xf32>, vector<24x118xf32>, vector<54x24xf32> -> vector<54x24xf32>
    %dot_general3A_2945 = arith.constant dense<0.000000e+00> : vector<54x24xf32>
    %dot_general3A_2946 = tpu.matmul %get3A_6, %dot_general3A_2882, %dot_general3A_2945 {dimension_numbers = #tpu.dot_dimension_numbers<[1], [1], [0], [0], [0, 0, 1, 0], [], []>, transpose_lhs_hint = false} : vector<54x118xf32>, vector<24x118xf32>, vector<54x24xf32> -> vector<54x24xf32>
    %dot_general3A_2947 = arith.constant dense<0.000000e+00> : vector<54x24xf32>
    %dot_general3A_2948 = tpu.matmul %get3A_6, %dot_general3A_2884, %dot_general3A_2947 {dimension_numbers = #tpu.dot_dimension_numbers<[1], [1], [0], [0], [0, 0, 1, 0], [], []>, transpose_lhs_hint = false} : vector<54x118xf32>, vector<24x118xf32>, vector<54x24xf32> -> vector<54x24xf32>
    %dot_general3A_2949 = arith.constant dense<0.000000e+00> : vector<54x24xf32>
    %dot_general3A_2950 = tpu.matmul %get3A_6, %dot_general3A_2886, %dot_general3A_2949 {dimension_numbers = #tpu.dot_dimension_numbers<[1], [1], [0], [0], [0, 0, 1, 0], [], []>, transpose_lhs_hint = false} : vector<54x118xf32>, vector<24x118xf32>, vector<54x24xf32> -> vector<54x24xf32>
    %dot_general3A_2951 = arith.constant dense<0.000000e+00> : vector<54x24xf32>
    %dot_general3A_2952 = tpu.matmul %get3A_6, %dot_general3A_2888, %dot_general3A_2951 {dimension_numbers = #tpu.dot_dimension_numbers<[1], [1], [0], [0], [0, 0, 1, 0], [], []>, transpose_lhs_hint = false} : vector<54x118xf32>, vector<24x118xf32>, vector<54x24xf32> -> vector<54x24xf32>
    %dot_general3A_2953 = arith.constant dense<0.000000e+00> : vector<54x24xf32>
    %dot_general3A_2954 = tpu.matmul %get3A_6, %dot_general3A_2890, %dot_general3A_2953 {dimension_numbers = #tpu.dot_dimension_numbers<[1], [1], [0], [0], [0, 0, 1, 0], [], []>, transpose_lhs_hint = false} : vector<54x118xf32>, vector<24x118xf32>, vector<54x24xf32> -> vector<54x24xf32>
    %dot_general3A_2955 = arith.constant dense<0.000000e+00> : vector<54x24xf32>
    %dot_general3A_2956 = tpu.matmul %get3A_6, %dot_general3A_2892, %dot_general3A_2955 {dimension_numbers = #tpu.dot_dimension_numbers<[1], [1], [0], [0], [0, 0, 1, 0], [], []>, transpose_lhs_hint = false} : vector<54x118xf32>, vector<24x118xf32>, vector<54x24xf32> -> vector<54x24xf32>
    %dot_general3A_2957 = arith.constant dense<0.000000e+00> : vector<54x24xf32>
    %dot_general3A_2958 = tpu.matmul %get3A_6, %dot_general3A_2894, %dot_general3A_2957 {dimension_numbers = #tpu.dot_dimension_numbers<[1], [1], [0], [0], [0, 0, 1, 0], [], []>, transpose_lhs_hint = false} : vector<54x118xf32>, vector<24x118xf32>, vector<54x24xf32> -> vector<54x24xf32>
    %dot_general3A_2959 = arith.constant dense<0.000000e+00> : vector<54x24xf32>
    %dot_general3A_2960 = tpu.matmul %get3A_6, %dot_general3A_2896, %dot_general3A_2959 {dimension_numbers = #tpu.dot_dimension_numbers<[1], [1], [0], [0], [0, 0, 1, 0], [], []>, transpose_lhs_hint = false} : vector<54x118xf32>, vector<24x118xf32>, vector<54x24xf32> -> vector<54x24xf32>
    %dot_general3A_2961 = arith.constant dense<0.000000e+00> : vector<54x24xf32>
    %dot_general3A_2962 = tpu.matmul %get3A_6, %dot_general3A_2898, %dot_general3A_2961 {dimension_numbers = #tpu.dot_dimension_numbers<[1], [1], [0], [0], [0, 0, 1, 0], [], []>, transpose_lhs_hint = false} : vector<54x118xf32>, vector<24x118xf32>, vector<54x24xf32> -> vector<54x24xf32>
    %dot_general3A_2963 = arith.constant dense<0.000000e+00> : vector<54x24xf32>
    %dot_general3A_2964 = tpu.matmul %get3A_6, %dot_general3A_2900, %dot_general3A_2963 {dimension_numbers = #tpu.dot_dimension_numbers<[1], [1], [0], [0], [0, 0, 1, 0], [], []>, transpose_lhs_hint = false} : vector<54x118xf32>, vector<24x118xf32>, vector<54x24xf32> -> vector<54x24xf32>
    %dot_general3A_2965 = arith.constant dense<0.000000e+00> : vector<54x24xf32>
    %dot_general3A_2966 = tpu.matmul %get3A_6, %dot_general3A_2902, %dot_general3A_2965 {dimension_numbers = #tpu.dot_dimension_numbers<[1], [1], [0], [0], [0, 0, 1, 0], [], []>, transpose_lhs_hint = false} : vector<54x118xf32>, vector<24x118xf32>, vector<54x24xf32> -> vector<54x24xf32>
    %dot_general3A_2967 = arith.constant dense<0.000000e+00> : vector<54x24xf32>
    %dot_general3A_2968 = tpu.matmul %get3A_6, %dot_general3A_2904, %dot_general3A_2967 {dimension_numbers = #tpu.dot_dimension_numbers<[1], [1], [0], [0], [0, 0, 1, 0], [], []>, transpose_lhs_hint = false} : vector<54x118xf32>, vector<24x118xf32>, vector<54x24xf32> -> vector<54x24xf32>
    %dot_general3A_2969 = arith.constant dense<0.000000e+00> : vector<54x24xf32>
    %dot_general3A_2970 = tpu.matmul %get3A_6, %dot_general3A_2906, %dot_general3A_2969 {dimension_numbers = #tpu.dot_dimension_numbers<[1], [1], [0], [0], [0, 0, 1, 0], [], []>, transpose_lhs_hint = false} : vector<54x118xf32>, vector<24x118xf32>, vector<54x24xf32> -> vector<54x24xf32>
    %dot_general3A_2971 = arith.constant dense<0.000000e+00> : vector<54x24xf32>
    %dot_general3A_2972 = tpu.matmul %get3A_6, %dot_general3A_2908, %dot_general3A_2971 {dimension_numbers = #tpu.dot_dimension_numbers<[1], [1], [0], [0], [0, 0, 1, 0], [], []>, transpose_lhs_hint = false} : vector<54x118xf32>, vector<24x118xf32>, vector<54x24xf32> -> vector<54x24xf32>
    %dot_general3A_2973 = arith.constant dense<0.000000e+00> : vector<54x24xf32>
    %dot_general3A_2974 = tpu.matmul %get3A_6, %dot_general3A_2910, %dot_general3A_2973 {dimension_numbers = #tpu.dot_dimension_numbers<[1], [1], [0], [0], [0, 0, 1, 0], [], []>, transpose_lhs_hint = false} : vector<54x118xf32>, vector<24x118xf32>, vector<54x24xf32> -> vector<54x24xf32>
    %dot_general3A_2975 = arith.constant dense<0.000000e+00> : vector<54x24xf32>
    %dot_general3A_2976 = tpu.matmul %get3A_6, %dot_general3A_2912, %dot_general3A_2975 {dimension_numbers = #tpu.dot_dimension_numbers<[1], [1], [0], [0], [0, 0, 1, 0], [], []>, transpose_lhs_hint = false} : vector<54x118xf32>, vector<24x118xf32>, vector<54x24xf32> -> vector<54x24xf32>
    %dot_general3A_2977 = arith.constant dense<0.000000e+00> : vector<54x24xf32>
    %dot_general3A_2978 = tpu.matmul %get3A_6, %dot_general3A_2914, %dot_general3A_2977 {dimension_numbers = #tpu.dot_dimension_numbers<[1], [1], [0], [0], [0, 0, 1, 0], [], []>, transpose_lhs_hint = false} : vector<54x118xf32>, vector<24x118xf32>, vector<54x24xf32> -> vector<54x24xf32>
    %dot_general3A_2979 = arith.constant dense<0.000000e+00> : vector<54x24xf32>
    %dot_general3A_2980 = tpu.matmul %get3A_6, %dot_general3A_2916, %dot_general3A_2979 {dimension_numbers = #tpu.dot_dimension_numbers<[1], [1], [0], [0], [0, 0, 1, 0], [], []>, transpose_lhs_hint = false} : vector<54x118xf32>, vector<24x118xf32>, vector<54x24xf32> -> vector<54x24xf32>
    %dot_general3A_2981 = arith.constant dense<0.000000e+00> : vector<54x24xf32>
    %dot_general3A_2982 = tpu.matmul %get3A_6, %dot_general3A_2918, %dot_general3A_2981 {dimension_numbers = #tpu.dot_dimension_numbers<[1], [1], [0], [0], [0, 0, 1, 0], [], []>, transpose_lhs_hint = false} : vector<54x118xf32>, vector<24x118xf32>, vector<54x24xf32> -> vector<54x24xf32>
    %dot_general3A_2983 = arith.constant dense<0.000000e+00> : vector<54x24xf32>
    %dot_general3A_2984 = tpu.matmul %get3A_6, %dot_general3A_2920, %dot_general3A_2983 {dimension_numbers = #tpu.dot_dimension_numbers<[1], [1], [0], [0], [0, 0, 1, 0], [], []>, transpose_lhs_hint = false} : vector<54x118xf32>, vector<24x118xf32>, vector<54x24xf32> -> vector<54x24xf32>
    %dot_general3A_2985 = arith.constant dense<0.000000e+00> : vector<54x24xf32>
    %dot_general3A_2986 = tpu.matmul %get3A_6, %dot_general3A_2922, %dot_general3A_2985 {dimension_numbers = #tpu.dot_dimension_numbers<[1], [1], [0], [0], [0, 0, 1, 0], [], []>, transpose_lhs_hint = false} : vector<54x118xf32>, vector<24x118xf32>, vector<54x24xf32> -> vector<54x24xf32>
    %dot_general3A_2987 = arith.constant dense<0.000000e+00> : vector<54x24xf32>
    %dot_general3A_2988 = tpu.matmul %get3A_6, %dot_general3A_2924, %dot_general3A_2987 {dimension_numbers = #tpu.dot_dimension_numbers<[1], [1], [0], [0], [0, 0, 1, 0], [], []>, transpose_lhs_hint = false} : vector<54x118xf32>, vector<24x118xf32>, vector<54x24xf32> -> vector<54x24xf32>
    %dot_general3A_2989 = arith.constant dense<0.000000e+00> : vector<54x24xf32>
    %dot_general3A_2990 = tpu.matmul %get3A_6, %dot_general3A_2926, %dot_general3A_2989 {dimension_numbers = #tpu.dot_dimension_numbers<[1], [1], [0], [0], [0, 0, 1, 0], [], []>, transpose_lhs_hint = false} : vector<54x118xf32>, vector<24x118xf32>, vector<54x24xf32> -> vector<54x24xf32>
    %add3A_2991 = arith.addf %dot_general3A_2928, %get3A_18 : vector<54x24xf32>
    %swap3A_2992 = arith.constant 96 : index
    %swap3A_2993 = arith.constant 0 : index
    %swap3A_2994 = arith.constant 0 : index
    %swap3A_2995 = vector.load %arg8[%swap3A_2992, %swap3A_2993, %swap3A_2994] : memref<128x54x24xf32, #tpu.memory_space<vmem>>, vector<1x54x24xf32>
    %swap3A_2996 = vector.shape_cast %swap3A_2995 : vector<1x54x24xf32> to vector<54x24xf32>
    %swap3A_2997 = vector.shape_cast %add3A_2991 : vector<54x24xf32> to vector<1x54x24xf32>
    tpu.vector_store %arg8[%swap3A_2992, %swap3A_2993, %swap3A_2994], %swap3A_2997 {strides = array<i32>} : memref<128x54x24xf32, #tpu.memory_space<vmem>>, vector<1x54x24xf32>,
    %add3A_2998 = arith.addf %dot_general3A_2930, %get3A_18 : vector<54x24xf32>
    %swap3A_2999 = arith.constant 97 : index
    %swap3A_3000 = arith.constant 0 : index
    %swap3A_3001 = arith.constant 0 : index
    %swap3A_3002 = vector.load %arg8[%swap3A_2999, %swap3A_3000, %swap3A_3001] : memref<128x54x24xf32, #tpu.memory_space<vmem>>, vector<1x54x24xf32>
    %swap3A_3003 = vector.shape_cast %swap3A_3002 : vector<1x54x24xf32> to vector<54x24xf32>
    %swap3A_3004 = vector.shape_cast %add3A_2998 : vector<54x24xf32> to vector<1x54x24xf32>
    tpu.vector_store %arg8[%swap3A_2999, %swap3A_3000, %swap3A_3001], %swap3A_3004 {strides = array<i32>} : memref<128x54x24xf32, #tpu.memory_space<vmem>>, vector<1x54x24xf32>,
    %add3A_3005 = arith.addf %dot_general3A_2932, %get3A_18 : vector<54x24xf32>
    %swap3A_3006 = arith.constant 98 : index
    %swap3A_3007 = arith.constant 0 : index
    %swap3A_3008 = arith.constant 0 : index
    %swap3A_3009 = vector.load %arg8[%swap3A_3006, %swap3A_3007, %swap3A_3008] : memref<128x54x24xf32, #tpu.memory_space<vmem>>, vector<1x54x24xf32>
    %swap3A_3010 = vector.shape_cast %swap3A_3009 : vector<1x54x24xf32> to vector<54x24xf32>
    %swap3A_3011 = vector.shape_cast %add3A_3005 : vector<54x24xf32> to vector<1x54x24xf32>
    tpu.vector_store %arg8[%swap3A_3006, %swap3A_3007, %swap3A_3008], %swap3A_3011 {strides = array<i32>} : memref<128x54x24xf32, #tpu.memory_space<vmem>>, vector<1x54x24xf32>,
    %add3A_3012 = arith.addf %dot_general3A_2934, %get3A_18 : vector<54x24xf32>
    %swap3A_3013 = arith.constant 99 : index
    %swap3A_3014 = arith.constant 0 : index
    %swap3A_3015 = arith.constant 0 : index
    %swap3A_3016 = vector.load %arg8[%swap3A_3013, %swap3A_3014, %swap3A_3015] : memref<128x54x24xf32, #tpu.memory_space<vmem>>, vector<1x54x24xf32>
    %swap3A_3017 = vector.shape_cast %swap3A_3016 : vector<1x54x24xf32> to vector<54x24xf32>
    %swap3A_3018 = vector.shape_cast %add3A_3012 : vector<54x24xf32> to vector<1x54x24xf32>
    tpu.vector_store %arg8[%swap3A_3013, %swap3A_3014, %swap3A_3015], %swap3A_3018 {strides = array<i32>} : memref<128x54x24xf32, #tpu.memory_space<vmem>>, vector<1x54x24xf32>,
    %add3A_3019 = arith.addf %dot_general3A_2936, %get3A_18 : vector<54x24xf32>
    %swap3A_3020 = arith.constant 100 : index
    %swap3A_3021 = arith.constant 0 : index
    %swap3A_3022 = arith.constant 0 : index
    %swap3A_3023 = vector.load %arg8[%swap3A_3020, %swap3A_3021, %swap3A_3022] : memref<128x54x24xf32, #tpu.memory_space<vmem>>, vector<1x54x24xf32>
    %swap3A_3024 = vector.shape_cast %swap3A_3023 : vector<1x54x24xf32> to vector<54x24xf32>
    %swap3A_3025 = vector.shape_cast %add3A_3019 : vector<54x24xf32> to vector<1x54x24xf32>
    tpu.vector_store %arg8[%swap3A_3020, %swap3A_3021, %swap3A_3022], %swap3A_3025 {strides = array<i32>} : memref<128x54x24xf32, #tpu.memory_space<vmem>>, vector<1x54x24xf32>,
    %add3A_3026 = arith.addf %dot_general3A_2938, %get3A_18 : vector<54x24xf32>
    %swap3A_3027 = arith.constant 101 : index
    %swap3A_3028 = arith.constant 0 : index
    %swap3A_3029 = arith.constant 0 : index
    %swap3A_3030 = vector.load %arg8[%swap3A_3027, %swap3A_3028, %swap3A_3029] : memref<128x54x24xf32, #tpu.memory_space<vmem>>, vector<1x54x24xf32>
    %swap3A_3031 = vector.shape_cast %swap3A_3030 : vector<1x54x24xf32> to vector<54x24xf32>
    %swap3A_3032 = vector.shape_cast %add3A_3026 : vector<54x24xf32> to vector<1x54x24xf32>
    tpu.vector_store %arg8[%swap3A_3027, %swap3A_3028, %swap3A_3029], %swap3A_3032 {strides = array<i32>} : memref<128x54x24xf32, #tpu.memory_space<vmem>>, vector<1x54x24xf32>,
    %add3A_3033 = arith.addf %dot_general3A_2940, %get3A_18 : vector<54x24xf32>
    %swap3A_3034 = arith.constant 102 : index
    %swap3A_3035 = arith.constant 0 : index
    %swap3A_3036 = arith.constant 0 : index
    %swap3A_3037 = vector.load %arg8[%swap3A_3034, %swap3A_3035, %swap3A_3036] : memref<128x54x24xf32, #tpu.memory_space<vmem>>, vector<1x54x24xf32>
    %swap3A_3038 = vector.shape_cast %swap3A_3037 : vector<1x54x24xf32> to vector<54x24xf32>
    %swap3A_3039 = vector.shape_cast %add3A_3033 : vector<54x24xf32> to vector<1x54x24xf32>
    tpu.vector_store %arg8[%swap3A_3034, %swap3A_3035, %swap3A_3036], %swap3A_3039 {strides = array<i32>} : memref<128x54x24xf32, #tpu.memory_space<vmem>>, vector<1x54x24xf32>,
    %add3A_3040 = arith.addf %dot_general3A_2942, %get3A_18 : vector<54x24xf32>
    %swap3A_3041 = arith.constant 103 : index
    %swap3A_3042 = arith.constant 0 : index
    %swap3A_3043 = arith.constant 0 : index
    %swap3A_3044 = vector.load %arg8[%swap3A_3041, %swap3A_3042, %swap3A_3043] : memref<128x54x24xf32, #tpu.memory_space<vmem>>, vector<1x54x24xf32>
    %swap3A_3045 = vector.shape_cast %swap3A_3044 : vector<1x54x24xf32> to vector<54x24xf32>
    %swap3A_3046 = vector.shape_cast %add3A_3040 : vector<54x24xf32> to vector<1x54x24xf32>
    tpu.vector_store %arg8[%swap3A_3041, %swap3A_3042, %swap3A_3043], %swap3A_3046 {strides = array<i32>} : memref<128x54x24xf32, #tpu.memory_space<vmem>>, vector<1x54x24xf32>,
    %add3A_3047 = arith.addf %dot_general3A_2944, %get3A_18 : vector<54x24xf32>
    %swap3A_3048 = arith.constant 104 : index
    %swap3A_3049 = arith.constant 0 : index
    %swap3A_3050 = arith.constant 0 : index
    %swap3A_3051 = vector.load %arg8[%swap3A_3048, %swap3A_3049, %swap3A_3050] : memref<128x54x24xf32, #tpu.memory_space<vmem>>, vector<1x54x24xf32>
    %swap3A_3052 = vector.shape_cast %swap3A_3051 : vector<1x54x24xf32> to vector<54x24xf32>
    %swap3A_3053 = vector.shape_cast %add3A_3047 : vector<54x24xf32> to vector<1x54x24xf32>
    tpu.vector_store %arg8[%swap3A_3048, %swap3A_3049, %swap3A_3050], %swap3A_3053 {strides = array<i32>} : memref<128x54x24xf32, #tpu.memory_space<vmem>>, vector<1x54x24xf32>,
    %add3A_3054 = arith.addf %dot_general3A_2946, %get3A_18 : vector<54x24xf32>
    %swap3A_3055 = arith.constant 105 : index
    %swap3A_3056 = arith.constant 0 : index
    %swap3A_3057 = arith.constant 0 : index
    %swap3A_3058 = vector.load %arg8[%swap3A_3055, %swap3A_3056, %swap3A_3057] : memref<128x54x24xf32, #tpu.memory_space<vmem>>, vector<1x54x24xf32>
    %swap3A_3059 = vector.shape_cast %swap3A_3058 : vector<1x54x24xf32> to vector<54x24xf32>
    %swap3A_3060 = vector.shape_cast %add3A_3054 : vector<54x24xf32> to vector<1x54x24xf32>
    tpu.vector_store %arg8[%swap3A_3055, %swap3A_3056, %swap3A_3057], %swap3A_3060 {strides = array<i32>} : memref<128x54x24xf32, #tpu.memory_space<vmem>>, vector<1x54x24xf32>,
    %add3A_3061 = arith.addf %dot_general3A_2948, %get3A_18 : vector<54x24xf32>
    %swap3A_3062 = arith.constant 106 : index
    %swap3A_3063 = arith.constant 0 : index
    %swap3A_3064 = arith.constant 0 : index
    %swap3A_3065 = vector.load %arg8[%swap3A_3062, %swap3A_3063, %swap3A_3064] : memref<128x54x24xf32, #tpu.memory_space<vmem>>, vector<1x54x24xf32>
    %swap3A_3066 = vector.shape_cast %swap3A_3065 : vector<1x54x24xf32> to vector<54x24xf32>
    %swap3A_3067 = vector.shape_cast %add3A_3061 : vector<54x24xf32> to vector<1x54x24xf32>
    tpu.vector_store %arg8[%swap3A_3062, %swap3A_3063, %swap3A_3064], %swap3A_3067 {strides = array<i32>} : memref<128x54x24xf32, #tpu.memory_space<vmem>>, vector<1x54x24xf32>,
    %add3A_3068 = arith.addf %dot_general3A_2950, %get3A_18 : vector<54x24xf32>
    %swap3A_3069 = arith.constant 107 : index
    %swap3A_3070 = arith.constant 0 : index
    %swap3A_3071 = arith.constant 0 : index
    %swap3A_3072 = vector.load %arg8[%swap3A_3069, %swap3A_3070, %swap3A_3071] : memref<128x54x24xf32, #tpu.memory_space<vmem>>, vector<1x54x24xf32>
    %swap3A_3073 = vector.shape_cast %swap3A_3072 : vector<1x54x24xf32> to vector<54x24xf32>
    %swap3A_3074 = vector.shape_cast %add3A_3068 : vector<54x24xf32> to vector<1x54x24xf32>
    tpu.vector_store %arg8[%swap3A_3069, %swap3A_3070, %swap3A_3071], %swap3A_3074 {strides = array<i32>} : memref<128x54x24xf32, #tpu.memory_space<vmem>>, vector<1x54x24xf32>,
    %add3A_3075 = arith.addf %dot_general3A_2952, %get3A_18 : vector<54x24xf32>
    %swap3A_3076 = arith.constant 108 : index
    %swap3A_3077 = arith.constant 0 : index
    %swap3A_3078 = arith.constant 0 : index
    %swap3A_3079 = vector.load %arg8[%swap3A_3076, %swap3A_3077, %swap3A_3078] : memref<128x54x24xf32, #tpu.memory_space<vmem>>, vector<1x54x24xf32>
    %swap3A_3080 = vector.shape_cast %swap3A_3079 : vector<1x54x24xf32> to vector<54x24xf32>
    %swap3A_3081 = vector.shape_cast %add3A_3075 : vector<54x24xf32> to vector<1x54x24xf32>
    tpu.vector_store %arg8[%swap3A_3076, %swap3A_3077, %swap3A_3078], %swap3A_3081 {strides = array<i32>} : memref<128x54x24xf32, #tpu.memory_space<vmem>>, vector<1x54x24xf32>,
    %add3A_3082 = arith.addf %dot_general3A_2954, %get3A_18 : vector<54x24xf32>
    %swap3A_3083 = arith.constant 109 : index
    %swap3A_3084 = arith.constant 0 : index
    %swap3A_3085 = arith.constant 0 : index
    %swap3A_3086 = vector.load %arg8[%swap3A_3083, %swap3A_3084, %swap3A_3085] : memref<128x54x24xf32, #tpu.memory_space<vmem>>, vector<1x54x24xf32>
    %swap3A_3087 = vector.shape_cast %swap3A_3086 : vector<1x54x24xf32> to vector<54x24xf32>
    %swap3A_3088 = vector.shape_cast %add3A_3082 : vector<54x24xf32> to vector<1x54x24xf32>
    tpu.vector_store %arg8[%swap3A_3083, %swap3A_3084, %swap3A_3085], %swap3A_3088 {strides = array<i32>} : memref<128x54x24xf32, #tpu.memory_space<vmem>>, vector<1x54x24xf32>,
    %add3A_3089 = arith.addf %dot_general3A_2956, %get3A_18 : vector<54x24xf32>
    %swap3A_3090 = arith.constant 110 : index
    %swap3A_3091 = arith.constant 0 : index
    %swap3A_3092 = arith.constant 0 : index
    %swap3A_3093 = vector.load %arg8[%swap3A_3090, %swap3A_3091, %swap3A_3092] : memref<128x54x24xf32, #tpu.memory_space<vmem>>, vector<1x54x24xf32>
    %swap3A_3094 = vector.shape_cast %swap3A_3093 : vector<1x54x24xf32> to vector<54x24xf32>
    %swap3A_3095 = vector.shape_cast %add3A_3089 : vector<54x24xf32> to vector<1x54x24xf32>
    tpu.vector_store %arg8[%swap3A_3090, %swap3A_3091, %swap3A_3092], %swap3A_3095 {strides = array<i32>} : memref<128x54x24xf32, #tpu.memory_space<vmem>>, vector<1x54x24xf32>,
    %add3A_3096 = arith.addf %dot_general3A_2958, %get3A_18 : vector<54x24xf32>
    %swap3A_3097 = arith.constant 111 : index
    %swap3A_3098 = arith.constant 0 : index
    %swap3A_3099 = arith.constant 0 : index
    %swap3A_3100 = vector.load %arg8[%swap3A_3097, %swap3A_3098, %swap3A_3099] : memref<128x54x24xf32, #tpu.memory_space<vmem>>, vector<1x54x24xf32>
    %swap3A_3101 = vector.shape_cast %swap3A_3100 : vector<1x54x24xf32> to vector<54x24xf32>
    %swap3A_3102 = vector.shape_cast %add3A_3096 : vector<54x24xf32> to vector<1x54x24xf32>
    tpu.vector_store %arg8[%swap3A_3097, %swap3A_3098, %swap3A_3099], %swap3A_3102 {strides = array<i32>} : memref<128x54x24xf32, #tpu.memory_space<vmem>>, vector<1x54x24xf32>,
    %add3A_3103 = arith.addf %dot_general3A_2960, %get3A_18 : vector<54x24xf32>
    %swap3A_3104 = arith.constant 112 : index
    %swap3A_3105 = arith.constant 0 : index
    %swap3A_3106 = arith.constant 0 : index
    %swap3A_3107 = vector.load %arg8[%swap3A_3104, %swap3A_3105, %swap3A_3106] : memref<128x54x24xf32, #tpu.memory_space<vmem>>, vector<1x54x24xf32>
    %swap3A_3108 = vector.shape_cast %swap3A_3107 : vector<1x54x24xf32> to vector<54x24xf32>
    %swap3A_3109 = vector.shape_cast %add3A_3103 : vector<54x24xf32> to vector<1x54x24xf32>
    tpu.vector_store %arg8[%swap3A_3104, %swap3A_3105, %swap3A_3106], %swap3A_3109 {strides = array<i32>} : memref<128x54x24xf32, #tpu.memory_space<vmem>>, vector<1x54x24xf32>,
    %add3A_3110 = arith.addf %dot_general3A_2962, %get3A_18 : vector<54x24xf32>
    %swap3A_3111 = arith.constant 113 : index
    %swap3A_3112 = arith.constant 0 : index
    %swap3A_3113 = arith.constant 0 : index
    %swap3A_3114 = vector.load %arg8[%swap3A_3111, %swap3A_3112, %swap3A_3113] : memref<128x54x24xf32, #tpu.memory_space<vmem>>, vector<1x54x24xf32>
    %swap3A_3115 = vector.shape_cast %swap3A_3114 : vector<1x54x24xf32> to vector<54x24xf32>
    %swap3A_3116 = vector.shape_cast %add3A_3110 : vector<54x24xf32> to vector<1x54x24xf32>
    tpu.vector_store %arg8[%swap3A_3111, %swap3A_3112, %swap3A_3113], %swap3A_3116 {strides = array<i32>} : memref<128x54x24xf32, #tpu.memory_space<vmem>>, vector<1x54x24xf32>,
    %add3A_3117 = arith.addf %dot_general3A_2964, %get3A_18 : vector<54x24xf32>
    %swap3A_3118 = arith.constant 114 : index
    %swap3A_3119 = arith.constant 0 : index
    %swap3A_3120 = arith.constant 0 : index
    %swap3A_3121 = vector.load %arg8[%swap3A_3118, %swap3A_3119, %swap3A_3120] : memref<128x54x24xf32, #tpu.memory_space<vmem>>, vector<1x54x24xf32>
    %swap3A_3122 = vector.shape_cast %swap3A_3121 : vector<1x54x24xf32> to vector<54x24xf32>
    %swap3A_3123 = vector.shape_cast %add3A_3117 : vector<54x24xf32> to vector<1x54x24xf32>
    tpu.vector_store %arg8[%swap3A_3118, %swap3A_3119, %swap3A_3120], %swap3A_3123 {strides = array<i32>} : memref<128x54x24xf32, #tpu.memory_space<vmem>>, vector<1x54x24xf32>,
    %add3A_3124 = arith.addf %dot_general3A_2966, %get3A_18 : vector<54x24xf32>
    %swap3A_3125 = arith.constant 115 : index
    %swap3A_3126 = arith.constant 0 : index
    %swap3A_3127 = arith.constant 0 : index
    %swap3A_3128 = vector.load %arg8[%swap3A_3125, %swap3A_3126, %swap3A_3127] : memref<128x54x24xf32, #tpu.memory_space<vmem>>, vector<1x54x24xf32>
    %swap3A_3129 = vector.shape_cast %swap3A_3128 : vector<1x54x24xf32> to vector<54x24xf32>
    %swap3A_3130 = vector.shape_cast %add3A_3124 : vector<54x24xf32> to vector<1x54x24xf32>
    tpu.vector_store %arg8[%swap3A_3125, %swap3A_3126, %swap3A_3127], %swap3A_3130 {strides = array<i32>} : memref<128x54x24xf32, #tpu.memory_space<vmem>>, vector<1x54x24xf32>,
    %add3A_3131 = arith.addf %dot_general3A_2968, %get3A_18 : vector<54x24xf32>
    %swap3A_3132 = arith.constant 116 : index
    %swap3A_3133 = arith.constant 0 : index
    %swap3A_3134 = arith.constant 0 : index
    %swap3A_3135 = vector.load %arg8[%swap3A_3132, %swap3A_3133, %swap3A_3134] : memref<128x54x24xf32, #tpu.memory_space<vmem>>, vector<1x54x24xf32>
    %swap3A_3136 = vector.shape_cast %swap3A_3135 : vector<1x54x24xf32> to vector<54x24xf32>
    %swap3A_3137 = vector.shape_cast %add3A_3131 : vector<54x24xf32> to vector<1x54x24xf32>
    tpu.vector_store %arg8[%swap3A_3132, %swap3A_3133, %swap3A_3134], %swap3A_3137 {strides = array<i32>} : memref<128x54x24xf32, #tpu.memory_space<vmem>>, vector<1x54x24xf32>,
    %add3A_3138 = arith.addf %dot_general3A_2970, %get3A_18 : vector<54x24xf32>
    %swap3A_3139 = arith.constant 117 : index
    %swap3A_3140 = arith.constant 0 : index
    %swap3A_3141 = arith.constant 0 : index
    %swap3A_3142 = vector.load %arg8[%swap3A_3139, %swap3A_3140, %swap3A_3141] : memref<128x54x24xf32, #tpu.memory_space<vmem>>, vector<1x54x24xf32>
    %swap3A_3143 = vector.shape_cast %swap3A_3142 : vector<1x54x24xf32> to vector<54x24xf32>
    %swap3A_3144 = vector.shape_cast %add3A_3138 : vector<54x24xf32> to vector<1x54x24xf32>
    tpu.vector_store %arg8[%swap3A_3139, %swap3A_3140, %swap3A_3141], %swap3A_3144 {strides = array<i32>} : memref<128x54x24xf32, #tpu.memory_space<vmem>>, vector<1x54x24xf32>,
    %add3A_3145 = arith.addf %dot_general3A_2972, %get3A_18 : vector<54x24xf32>
    %swap3A_3146 = arith.constant 118 : index
    %swap3A_3147 = arith.constant 0 : index
    %swap3A_3148 = arith.constant 0 : index
    %swap3A_3149 = vector.load %arg8[%swap3A_3146, %swap3A_3147, %swap3A_3148] : memref<128x54x24xf32, #tpu.memory_space<vmem>>, vector<1x54x24xf32>
    %swap3A_3150 = vector.shape_cast %swap3A_3149 : vector<1x54x24xf32> to vector<54x24xf32>
    %swap3A_3151 = vector.shape_cast %add3A_3145 : vector<54x24xf32> to vector<1x54x24xf32>
    tpu.vector_store %arg8[%swap3A_3146, %swap3A_3147, %swap3A_3148], %swap3A_3151 {strides = array<i32>} : memref<128x54x24xf32, #tpu.memory_space<vmem>>, vector<1x54x24xf32>,
    %add3A_3152 = arith.addf %dot_general3A_2974, %get3A_18 : vector<54x24xf32>
    %swap3A_3153 = arith.constant 119 : index
    %swap3A_3154 = arith.constant 0 : index
    %swap3A_3155 = arith.constant 0 : index
    %swap3A_3156 = vector.load %arg8[%swap3A_3153, %swap3A_3154, %swap3A_3155] : memref<128x54x24xf32, #tpu.memory_space<vmem>>, vector<1x54x24xf32>
    %swap3A_3157 = vector.shape_cast %swap3A_3156 : vector<1x54x24xf32> to vector<54x24xf32>
    %swap3A_3158 = vector.shape_cast %add3A_3152 : vector<54x24xf32> to vector<1x54x24xf32>
    tpu.vector_store %arg8[%swap3A_3153, %swap3A_3154, %swap3A_3155], %swap3A_3158 {strides = array<i32>} : memref<128x54x24xf32, #tpu.memory_space<vmem>>, vector<1x54x24xf32>,
    %add3A_3159 = arith.addf %dot_general3A_2976, %get3A_18 : vector<54x24xf32>
    %swap3A_3160 = arith.constant 120 : index
    %swap3A_3161 = arith.constant 0 : index
    %swap3A_3162 = arith.constant 0 : index
    %swap3A_3163 = vector.load %arg8[%swap3A_3160, %swap3A_3161, %swap3A_3162] : memref<128x54x24xf32, #tpu.memory_space<vmem>>, vector<1x54x24xf32>
    %swap3A_3164 = vector.shape_cast %swap3A_3163 : vector<1x54x24xf32> to vector<54x24xf32>
    %swap3A_3165 = vector.shape_cast %add3A_3159 : vector<54x24xf32> to vector<1x54x24xf32>
    tpu.vector_store %arg8[%swap3A_3160, %swap3A_3161, %swap3A_3162], %swap3A_3165 {strides = array<i32>} : memref<128x54x24xf32, #tpu.memory_space<vmem>>, vector<1x54x24xf32>,
    %add3A_3166 = arith.addf %dot_general3A_2978, %get3A_18 : vector<54x24xf32>
    %swap3A_3167 = arith.constant 121 : index
    %swap3A_3168 = arith.constant 0 : index
    %swap3A_3169 = arith.constant 0 : index
    %swap3A_3170 = vector.load %arg8[%swap3A_3167, %swap3A_3168, %swap3A_3169] : memref<128x54x24xf32, #tpu.memory_space<vmem>>, vector<1x54x24xf32>
    %swap3A_3171 = vector.shape_cast %swap3A_3170 : vector<1x54x24xf32> to vector<54x24xf32>
    %swap3A_3172 = vector.shape_cast %add3A_3166 : vector<54x24xf32> to vector<1x54x24xf32>
    tpu.vector_store %arg8[%swap3A_3167, %swap3A_3168, %swap3A_3169], %swap3A_3172 {strides = array<i32>} : memref<128x54x24xf32, #tpu.memory_space<vmem>>, vector<1x54x24xf32>,
    %add3A_3173 = arith.addf %dot_general3A_2980, %get3A_18 : vector<54x24xf32>
    %swap3A_3174 = arith.constant 122 : index
    %swap3A_3175 = arith.constant 0 : index
    %swap3A_3176 = arith.constant 0 : index
    %swap3A_3177 = vector.load %arg8[%swap3A_3174, %swap3A_3175, %swap3A_3176] : memref<128x54x24xf32, #tpu.memory_space<vmem>>, vector<1x54x24xf32>
    %swap3A_3178 = vector.shape_cast %swap3A_3177 : vector<1x54x24xf32> to vector<54x24xf32>
    %swap3A_3179 = vector.shape_cast %add3A_3173 : vector<54x24xf32> to vector<1x54x24xf32>
    tpu.vector_store %arg8[%swap3A_3174, %swap3A_3175, %swap3A_3176], %swap3A_3179 {strides = array<i32>} : memref<128x54x24xf32, #tpu.memory_space<vmem>>, vector<1x54x24xf32>,
    %add3A_3180 = arith.addf %dot_general3A_2982, %get3A_18 : vector<54x24xf32>
    %swap3A_3181 = arith.constant 123 : index
    %swap3A_3182 = arith.constant 0 : index
    %swap3A_3183 = arith.constant 0 : index
    %swap3A_3184 = vector.load %arg8[%swap3A_3181, %swap3A_3182, %swap3A_3183] : memref<128x54x24xf32, #tpu.memory_space<vmem>>, vector<1x54x24xf32>
    %swap3A_3185 = vector.shape_cast %swap3A_3184 : vector<1x54x24xf32> to vector<54x24xf32>
    %swap3A_3186 = vector.shape_cast %add3A_3180 : vector<54x24xf32> to vector<1x54x24xf32>
    tpu.vector_store %arg8[%swap3A_3181, %swap3A_3182, %swap3A_3183], %swap3A_3186 {strides = array<i32>} : memref<128x54x24xf32, #tpu.memory_space<vmem>>, vector<1x54x24xf32>,
    %add3A_3187 = arith.addf %dot_general3A_2984, %get3A_18 : vector<54x24xf32>
    %swap3A_3188 = arith.constant 124 : index
    %swap3A_3189 = arith.constant 0 : index
    %swap3A_3190 = arith.constant 0 : index
    %swap3A_3191 = vector.load %arg8[%swap3A_3188, %swap3A_3189, %swap3A_3190] : memref<128x54x24xf32, #tpu.memory_space<vmem>>, vector<1x54x24xf32>
    %swap3A_3192 = vector.shape_cast %swap3A_3191 : vector<1x54x24xf32> to vector<54x24xf32>
    %swap3A_3193 = vector.shape_cast %add3A_3187 : vector<54x24xf32> to vector<1x54x24xf32>
    tpu.vector_store %arg8[%swap3A_3188, %swap3A_3189, %swap3A_3190], %swap3A_3193 {strides = array<i32>} : memref<128x54x24xf32, #tpu.memory_space<vmem>>, vector<1x54x24xf32>,
    %add3A_3194 = arith.addf %dot_general3A_2986, %get3A_18 : vector<54x24xf32>
    %swap3A_3195 = arith.constant 125 : index
    %swap3A_3196 = arith.constant 0 : index
    %swap3A_3197 = arith.constant 0 : index
    %swap3A_3198 = vector.load %arg8[%swap3A_3195, %swap3A_3196, %swap3A_3197] : memref<128x54x24xf32, #tpu.memory_space<vmem>>, vector<1x54x24xf32>
    %swap3A_3199 = vector.shape_cast %swap3A_3198 : vector<1x54x24xf32> to vector<54x24xf32>
    %swap3A_3200 = vector.shape_cast %add3A_3194 : vector<54x24xf32> to vector<1x54x24xf32>
    tpu.vector_store %arg8[%swap3A_3195, %swap3A_3196, %swap3A_3197], %swap3A_3200 {strides = array<i32>} : memref<128x54x24xf32, #tpu.memory_space<vmem>>, vector<1x54x24xf32>,
    %add3A_3201 = arith.addf %dot_general3A_2988, %get3A_18 : vector<54x24xf32>
    %swap3A_3202 = arith.constant 126 : index
    %swap3A_3203 = arith.constant 0 : index
    %swap3A_3204 = arith.constant 0 : index
    %swap3A_3205 = vector.load %arg8[%swap3A_3202, %swap3A_3203, %swap3A_3204] : memref<128x54x24xf32, #tpu.memory_space<vmem>>, vector<1x54x24xf32>
    %swap3A_3206 = vector.shape_cast %swap3A_3205 : vector<1x54x24xf32> to vector<54x24xf32>
    %swap3A_3207 = vector.shape_cast %add3A_3201 : vector<54x24xf32> to vector<1x54x24xf32>
    tpu.vector_store %arg8[%swap3A_3202, %swap3A_3203, %swap3A_3204], %swap3A_3207 {strides = array<i32>} : memref<128x54x24xf32, #tpu.memory_space<vmem>>, vector<1x54x24xf32>,
    %add3A_3208 = arith.addf %dot_general3A_2990, %get3A_18 : vector<54x24xf32>
    %swap3A_3209 = arith.constant 127 : index
    %swap3A_3210 = arith.constant 0 : index
    %swap3A_3211 = arith.constant 0 : index
    %swap3A_3212 = vector.load %arg8[%swap3A_3209, %swap3A_3210, %swap3A_3211] : memref<128x54x24xf32, #tpu.memory_space<vmem>>, vector<1x54x24xf32>
    %swap3A_3213 = vector.shape_cast %swap3A_3212 : vector<1x54x24xf32> to vector<54x24xf32>
    %swap3A_3214 = vector.shape_cast %add3A_3208 : vector<54x24xf32> to vector<1x54x24xf32>
    tpu.vector_store %arg8[%swap3A_3209, %swap3A_3210, %swap3A_3211], %swap3A_3214 {strides = array<i32>} : memref<128x54x24xf32, #tpu.memory_space<vmem>>, vector<1x54x24xf32>,
    return
  }
  func.func @transform_0(%arg0: i32) -> (i32, i32, i32) {
    %c0_i32 = arith.constant 0 : i32
    %c0_i32_0 = arith.constant 0 : i32
    %c0_i32_1 = arith.constant 0 : i32
    return %arg0, %c0_i32, %c0_i32_0 : i32, i32, i32
  }
  func.func @transform_1(%arg0: i32) -> (i32, i32) {
    %c0_i32 = arith.constant 0 : i32
    %c0_i32_0 = arith.constant 0 : i32
    %c0_i32_1 = arith.constant 0 : i32
    return %c0_i32, %c0_i32_0 : i32, i32
  }
  func.func @transform_2(%arg0: i32) -> (i32, i32) {
    %c0_i32 = arith.constant 0 : i32
    %c0_i32_0 = arith.constant 0 : i32
    %c0_i32_1 = arith.constant 0 : i32
    return %c0_i32, %c0_i32_0 : i32, i32
  }
  func.func @transform_3(%arg0: i32) -> (i32, i32) {
    %c0_i32 = arith.constant 0 : i32
    %c0_i32_0 = arith.constant 0 : i32
    %c0_i32_1 = arith.constant 0 : i32
    return %c0_i32, %c0_i32_0 : i32, i32
  }
  func.func @transform_4(%arg0: i32) -> (i32, i32) {
    %c0_i32 = arith.constant 0 : i32
    %c0_i32_0 = arith.constant 0 : i32
    %c0_i32_1 = arith.constant 0 : i32
    return %c0_i32, %c0_i32_0 : i32, i32
  }
  func.func @transform_5(%arg0: i32) -> (i32, i32) {
    %c0_i32 = arith.constant 0 : i32
    %c0_i32_0 = arith.constant 0 : i32
    %c0_i32_1 = arith.constant 0 : i32
    return %c0_i32, %c0_i32_0 : i32, i32
  }
  func.func @transform_6(%arg0: i32) -> (i32, i32) {
    %c0_i32 = arith.constant 0 : i32
    %c0_i32_0 = arith.constant 0 : i32
    %c0_i32_1 = arith.constant 0 : i32
    return %c0_i32, %c0_i32_0 : i32, i32
  }
  func.func @transform_7(%arg0: i32) -> (i32, i32, i32) {
    %c0_i32 = arith.constant 0 : i32
    %c0_i32_0 = arith.constant 0 : i32
    %c0_i32_1 = arith.constant 0 : i32
    return %arg0, %c0_i32, %c0_i32_0 : i32, i32, i32
  }
}

</mosaic_0001>

<sc_bundles>
// kernel: kernel.4.cloned.1.call-start
scs
__scs_entry_jumppad:
0x0: {  	(pc) =	sbr.rel $0x88, $3  }
0x1: {  	(tag) =	ssettag $0x0;
	lr =	simm.s32 $0x1  }
0x2: {  	[smem:$0x3F99] =	sst lr;
	_ =	strace $0xD0000000  }
0x3: {  	_ = 	snop  }
0x4: {  	_ = 	snop  }
0x5: {  	_ = 	snop  }
0x6: {  	_ = 	snop  }
0x7: {  	_ = 	snop  }
__scs_overlays_trampoline_lowered:
0x8: {  	[smem:$0x3FA8] =	sst s0  }
0x9: {  	[smem:$0x3FA9] =	sst s1  }
0xa: {  	[smem:$0x3FAA] =	sst s2  }
0xb: {  	[smem:$0x3FAB] =	sst s3  }
0xc: {  	[smem:$0x3FAC] =	sst s4  }
0xd: {  	[smem:$0x3FAD] =	sst s5  }
0xe: {  	[smem:$0x3FAE] =	sst s6  }
0xf: {  	[smem:$0x3FAF] =	sst s7  }
0x10: {  	[smem:$0x3FB0] =	sst s8  }
0x11: {  	[smem:$0x3FB1] =	sst s9;
	s0 =	simm.s32 @!p0 $0x0  }
0x12: {  	s1 =	sld [smem:$0x3F97];
	s0 =	simm.s32 @p0 $0x1  }
0x13: {  	[smem:$0x3FB2] =	sst s0;
	s0 =	simm.s32 @!p1 $0x0  }
0x14: {  	s2 =	sld [smem:$0x3F96];
	s0 =	simm.s32 @p1 $0x1  }
0x15: {  	[smem:$0x3FB3] =	sst s0;
	s0 =	simm.s32 @!p2 $0x0  }
0x16: {  	s3 =	sld [smem:$0x3FDB];
	s0 =	simm.s32 @p2 $0x1  }
0x17: {  	s4 =	simm.s32 $0x1BF5;
	[smem:$0x3FB5] =	sst s0  }
0x18: {  	s0 =	sld [smem:$0x3F98];
	_ =	swait.ge [sflag:s4], $0x0  }
0x19: {  	s7 =	sld [smem:$0x3F99]  }
0x1a: {  	s8 =	sadd.s32 $0xFFFFE003, lr  }
0x1b: {  	s9 =	sadd.s32 $0xFFFFFEF7, lr;
	s5 =	simm.s32 $0xFFFFFFFF;
	p2 =	slt.u32 s8, $0xFFFFF086  }
0x1c: {  	p1 =	slt.u32 s9, $0xF7A;
	s5 =	simm.s32 @!p2 $0x0  }
0x1d: {  	s5 =	simm.s32 @p1 $0x1;
	p0 =	seq.s32 s7, s2  }
0x1e: {  	s7 =	smul.u32 @!p0 $0xF7A, s2;
	p2 =	seq.s32 @!p0 s5, $0x0  }
0x1f: {  	s9 =	smul.u32 $0xF7A, s1;
	s8 =	simm.s32 @!p0 $0x1BF5;
	p2 =	por !p2, p0  }
0x20: {  	[sflag:s8] =	ssyncset.s32 @!p0 $0xFFFFF086;
	s6 =	sadd.s32 @!p0 s3, s7;
	s7 =	simm.s32 @!p0 $0x108  }
0x21: {  	s3 =	sadd.s32 s3, s9;
	s6 =	sadd.s32 @!p0 $0x88, s6;
	s7 =	simm.s32 @p2 $0x1082  }
0x22: {  	[simem:s7], [sflag:s8] =	dma.local @!p0 [hbm:s6], $0xF7A  }
0x23: {  	s9 =	sor.u32 $0xD0000000, s2;
	s6 =	simm.s32 $0x108;
	_ =	swait.ge @!p0 [sflag:s8], $0x0  }
0x24: {  	s3 =	sadd.s32 $0x88, s3;
	s6 =	simm.s32 @!p1 $0x1082;
	[sflag:s4] =	ssyncset.s32 $0xFFFFF086  }
0x25: {  	[simem:s6], [sflag:s4] =	dma.local [hbm:s3], $0xF7A  }
0x26: {  	[smem:$0x3F99] =	sst s1;
	(tag) =	ssettag s2;
	_ =	strace s9  }
0x27: {  	s1 =	sld [smem:$0x3FA9]  }
0x28: {  	s2 =	sld [smem:$0x3FAA]  }
0x29: {  	s4 =	sld [smem:$0x3FAC]  }
0x2a: {  	p0 =	seq.s32 s5, $0x0;
	s5 =	sld [smem:$0x3FAD]  }
0x2b: {  	s6 =	sld [smem:$0x3FAE]  }
0x2c: {  	s7 =	sld [smem:$0x3FAF]  }
0x2d: {  	s3 =	simm.s32 $0x108;
	s8 =	sld [smem:$0x3FB0]  }
0x2e: {  	s3 =	simm.s32 @!p0 $0x1082;
	s9 =	sld [smem:$0x3FB1]  }
0x2f: {  	lr =	sadd.s32 s0, s3;
	s0 =	sld [smem:$0x3FA8]  }
0x30: {  	s3 =	sld [smem:$0x3FAB]  }
0x31: {  	[smem:$0x3FB4] =	sst s10  }
0x32: {  	s10 =	sld [smem:$0x3FB2];
	_ =	sdelay $0x3  }
0x33: {  	p0 =	seq.s32 s10, $0x1;
	s10 =	sld [smem:$0x3FB4];
	_ =	sdelay $0x3  }
0x34: {  	[smem:$0x3FB4] =	sst s10  }
0x35: {  	s10 =	sld [smem:$0x3FB3];
	_ =	sdelay $0x3  }
0x36: {  	p1 =	seq.s32 s10, $0x1;
	s10 =	sld [smem:$0x3FB4];
	_ =	sdelay $0x3  }
0x37: {  	[smem:$0x3FB4] =	sst s10  }
0x38: {  	s10 =	sld [smem:$0x3FB5]  }
0x39: {  	_ = 	snop;
	(pc) =	sbr.ind lr, $3  }
0x3a: {  	_ = 	snop  }
0x3b: {  	_ = 	snop  }
0x3c: {  	p2 =	seq.s32 s10, $0x1;
	s10 =	sld [smem:$0x3FB4]  }
0x3d: {  	_ =	shalt  }
0x3e: {  	_ =	shalt  }
0x3f: {  	_ =	shalt  }
0x40: {  	_ =	shalt  }
0x41: {  	_ =	shalt  }
0x42: {  	_ =	shalt  }
0x43: {  	_ =	shalt  }
0x44: {  	_ =	shalt  }
0x45: {  	_ =	shalt  }
0x46: {  	_ =	shalt  }
0x47: {  	_ =	shalt  }
0x48: {  	_ =	shalt  }
0x49: {  	_ =	shalt  }
0x4a: {  	_ =	shalt  }
0x4b: {  	_ =	shalt  }
0x4c: {  	_ =	shalt  }
0x4d: {  	_ =	shalt  }
0x4e: {  	_ =	shalt  }
0x4f: {  	_ =	shalt  }
0x50: {  	_ =	shalt  }
0x51: {  	_ =	shalt  }
0x52: {  	_ =	shalt  }
0x53: {  	_ =	shalt  }
0x54: {  	_ =	shalt  }
0x55: {  	_ =	shalt  }
0x56: {  	_ =	shalt  }
0x57: {  	_ =	shalt  }
0x58: {  	_ =	shalt  }
0x59: {  	_ =	shalt  }
0x5a: {  	_ =	shalt  }
0x5b: {  	_ =	shalt  }
0x5c: {  	_ =	shalt  }
0x5d: {  	_ =	shalt  }
0x5e: {  	_ =	shalt  }
0x5f: {  	_ =	shalt  }
0x60: {  	_ =	shalt  }
0x61: {  	_ =	shalt  }
0x62: {  	_ =	shalt  }
0x63: {  	_ =	shalt  }
0x64: {  	_ =	shalt  }
0x65: {  	_ =	shalt  }
0x66: {  	_ =	shalt  }
0x67: {  	_ =	shalt  }
0x68: {  	_ =	shalt  }
0x69: {  	_ =	shalt  }
0x6a: {  	_ =	shalt  }
0x6b: {  	_ =	shalt  }
0x6c: {  	_ =	shalt  }
0x6d: {  	_ =	shalt  }
0x6e: {  	_ =	shalt  }
0x6f: {  	_ =	shalt  }
0x70: {  	_ =	shalt  }
0x71: {  	_ =	shalt  }
0x72: {  	_ =	shalt  }
0x73: {  	_ =	shalt  }
0x74: {  	_ =	shalt  }
0x75: {  	_ =	shalt  }
0x76: {  	_ =	shalt  }
0x77: {  	_ =	shalt  }
0x78: {  	_ =	shalt  }
0x79: {  	_ =	shalt  }
0x7a: {  	_ =	shalt  }
0x7b: {  	_ =	shalt  }
0x7c: {  	_ =	shalt  }
0x7d: {  	_ =	shalt  }
0x7e: {  	_ =	shalt  }
0x7f: {  	_ =	shalt  }
0x80: {  	_ =	shalt  }
0x81: {  	_ =	shalt  }
0x82: {  	_ =	shalt  }
0x83: {  	_ =	shalt  }
0x84: {  	_ =	shalt  }
0x85: {  	_ =	shalt  }
0x86: {  	_ =	shalt  }
0x87: {  	_ =	shalt  }
.Lfunc_end0:
.L_simem_size_0:
called_computation_lowered:
.L_overlay_start_0:
0x88: {  	s2 =	sld [smem:$0x3FD9]  }
0x89: {  	s3 =	sld [smem:$0x3FFE];
	_ =	sdelay $0x1  }
0x8a: {  	s1 =	srdreg.scid  }
0x8b: {  	s0 =	sand.u32 $0x1, s1  }
0x8c: {  	s17 =	sshll.u32 s0, $0xA;
	s2 =	sadd.s32 s3, s2  }
0x8d: {  	s2 =	sadd.s32 s2, s17  }
0x8e: {  	[smem:$0x3FC0] =	sst s2  }
0x8f: {  	_ = 	snop  }
0x90: {  	s2 =	sld [smem:$0x3FD0];
	(tm) =	ssettm $0x1  }
0x91: {  	s18 =	sld [smem:$0x3FFB];
	_ =	sdelay $0x3  }
0x92: {  	_ =	strace s18  }
0x93: {  	s3 =	sld [smem:$0x3FFC];
	_ =	sdelay $0x3  }
0x94: {  	_ =	strace s3  }
0x95: {  	s3 =	sld [smem:$0x3FFD];
	_ =	sdelay $0x3  }
0x96: {  	_ =	strace s3  }
0x97: {  	_ =	strace $0x8FFFFFFF  }
0x98: {  	s19 =	sld [smem:$0x3FDB];
	_ =	sdelay $0x1  }
0x99: {  	s4 =	simm.s32 $_scs_section_size  }
0x9a: {  	s5 =	simm.s32 $_size__tile_overlayer_lowered;
	s6 =	simm.s32 $_tile_overlayer_lowered  }
0x9b: {  	s22 =	simm.s32 $0x1BFF;
	s21 =	sshll.u32 s6, $0x1;
	s3 =	sadd.s32 s4, s19  }
0x9c: {  	s7 =	simm.s32 $0x0;
	s20 =	sshll.u32 s5, $0x1;
	s5 =	sadd.s32 s21, s3  }
0x9d: {  	[timem:s7], [sflag:s22] =	dma.local [hbm:s5], s20  }
0x9e: {  	_ =	swait.ge [sflag:s22], s20  }
0x9f: {  	s4 =	ssub.s32 $0x0, s20;
	[sflag:s22] =	ssyncset.done $0x0  }
0xa0: {  	[sflag:s22] =	ssyncadd.s32 s4;
	_ =	sdelay $0x1  }
0xa1: {  	s23 =	simm.s32 $0x1B8B  }
0xa2: {  	_ =	swait.ge [sflag:s23], $0x1  }
0xa3: {  	[sflag:s23] =	ssyncset.done $0x0  }
0xa4: {  	s25 =	simm.s32 $0x1B8E;
	s24 =	sld [smem:$0x3FFE];
	[sflag:s23] =	ssyncadd.s32 $0xFFFFFFFF  }
0xa5: {  	s26 =	simm.s32 $execute0_lowered;
	[smem:$0x3FD2] =	sst s25  }
0xa6: {  	s5 =	sshll.u32 s26, $0x1;
	_ =	strace $0x80000046;
	[dreg:$0x1] =	wrdreg $0xFFFFFFFF  }
0xa7: {  	s28 =	simm.s32 $_size_execute0_lowered;
	s3 =	sadd.s32 s3, s5;
	[dreg:$0x0] =	wrdreg $0x0  }
0xa8: {  	s5 =	sshll.u32 s28, $0x1;
	[dreg:$0x2] =	wrdreg s3  }
0xa9: {  	[dreg:$0x3] =	wrdreg s5  }
0xaa: {  	[dreg:$0x4] =	wrdreg $0xC0  }
0xab: {  	_ =	task [dreg:s7], $0x5FFFF  }
0xac: {  	[dreg:$0x1] =	wrdreg $0xFFFFFFFF  }
0xad: {  	[dreg:$0x0] =	wrdreg $0x60  }
0xae: {  	[dreg:$0x2] =	wrdreg s24  }
0xaf: {  	[dreg:$0x3] =	wrdreg s2  }
0xb0: {  	[dreg:$0x4] =	wrdreg $0x9  }
0xb1: {  	_ =	task.clear_ibuf [dreg:s7], $0x5FFFF;
	_ =	strace $0x90000046  }
0xb2: {  	s29 =	simm.s32 $0x9;
	_ =	strace $0x80000048  }
0xb3: {  	_ =	swait.ge [sflag:s29], $0x1  }
0xb4: {  	[sflag:s29] =	ssyncadd.s32 $0xFFFFFFFF  }
0xb5: {  	_ =	strace $0x90000048  }
0xb6: {  	_ =	sfence  }
0xb7: {  	s30 =	sld [smem:$0x0];
	_ =	sdelay $0x2  }
0xb8: {  	s31 =	sshll.u32 s1, $0xD;
	s1 =	sshrl.u32 s1, $0x2  }
0xb9: {  	s3 =	sand.u32 $0x4000, s31;
	s1 =	sadd.s32 s1, s30  }
0xba: {  	s0 =	sor.u32 s3, s0;
	s1 =	sshll.u32 s1, $0x11  }
0xbb: {  	s0 =	sor.u32 s1, s0  }
0xbc: {  	s0 =	sadd.s32 $0x8F2B, s0  }
0xbd: {  	[sflag:s0] =	ssyncadd.remote.s32 $0x1  }
0xbe: {  	_ =	sfence.sel $0xFFFF  }
0xbf: {  	[dreg:$0x0] =	wrdreg $0xFFFFFFFF;
	(pc) =	sbr.abs _section_cstart, $3  }
0xc0: {  	[dreg:$0x1] =	wrdreg $0xFFFFFFFF  }
0xc1: {  	_ =	task.clear_ibuf [dreg:s7], $0x2FFFF;
	_ =	strace $0x9FFFFFFF  }
0xc2: {  	(tm) =	ssettm $0x7FFFFFFF  }
0xc3: {  	_ =	shalt  }
tec
execute0_lowered:
.L_overlay_start_1:
0x0: {  	(tag) =	ssettag $0x1  }
0x1: {  	s0 =	srdreg.scid  }
0x2: {  	s4 =	sand.u32 $0x1, s0;
	s0 =	stileid.u32  }
0x3: {  	s5 =	sshll.u32 s0, $0x1;
	s6 =	ssub.s32 $0x0, s4  }
0x4: {  	p0 =	sne.s32 s5, s6  }
.Ltmp0:
0x5: {  	_ = 	snop;
	(pc) =	sbr.rel @p0 .LBB2_5-.Ltmp0, $4  }
0x6: {  	_ = 	snop  }
0x7: {  	s2 =	rddreg [dreg:$0x0]  }
0x8: {  	s3 =	rddreg [dreg:$0x1]  }
0x9: {  	s1 =	rddreg [dreg:$0x2];
	_ =	strace $0x80000047  }
0xa: {  	v0 =	vlaneseq.u32  }
0xb: {  	v0 =	vmul.u32 $0x81, v0  }
0xc: {  	s4 =	ssub.s32 $0x2, s4;
	s6 =	simm.s32 $0x0;
	s7 =	simm.s32 $0x1  }
0xd: {  	v1 =	vimm.f32 $0.0e+00;
	v2 =	vimm.f32 $1.000000000e+00;
	s8 =	simm.s32 $0x180;
	s9 =	simm.s32 $0x300;
	s5 =	sshrl.u32 s4, $0x1;
	v3 =	vadd.s32 $0x810, v0  }
0xe: {  	s10 =	simm.s32 $0x380;
	s11 =	simm.s32 $0x400;
	s5 =	ssub.s32 s4, s5;
	v4 =	vadd.s32 $0x1020, v0;
	v5 =	vadd.s32 $0x1830, v0;
	v6 =	vadd.s32 $0x2040, v0  }
0xf: {  	s12 =	simm.s32 $0x0;
	s4 =	sadd.s32 $0x200, s2;
	s5 =	smax.u32 s5, $0x1;
	v7 =	vadd.s32 $0x2850, v0;
	v8 =	vadd.s32 $0x3060, v0;
	v9 =	vadd.s32 $0x3870, v0  }
.LBB2_2:
0x10: {  	[tilespmem:s6], [sflag:$0x1] =	stream.linear.gather [hbm4b:s4+s6], $0x180, $0x38;
	[tilespmem:$0x4400] =	vst v63  }
0x11: {  	_ =	swait.ge [sflag:s7], $0x180  }
0x12: {  	[sflag:s7] =	ssyncset.done $0x0  }
0x13: {  	[sflag:s7] =	ssyncadd.s32 $0xFFFFFE80  }
0x14: {  	[tilespmem:s8], [sflag:$0x1] =	stream.linear.gather [hbm4b:s2+s6], $0x180, $0x38;
	[tilespmem:$0x4400] =	vst v63  }
0x15: {  	_ =	swait.ge [sflag:s7], $0x180  }
0x16: {  	[sflag:s7] =	ssyncset.done $0x0  }
0x17: {  	s13 =	simm.s32 $0x40;
	s14 =	simm.s32 $0x0;
	[sflag:s7] =	ssyncadd.s32 $0xFFFFFE80  }
.LBB2_3:
0x18: {  	p0 =	sne.s32 s13, $0xFFC0;
	[tilespmem:s14+$0x400] =	vst v1;
	s14 =	smov.u32 s13;
	s13 =	sadd.s32 $0x40, s13  }
.Ltmp1:
0x19: {  	(pc) =	sbr.rel @p0 .LBB2_3-.Ltmp1, $2  }
0x1a: {  	_ =	sdelay $0x2  }
0x1b: {  	s14 =	sshra.s32 s14, $0x2  }
0x1c: {  	[tilespmem:s14+$0x400] =	vst v1  }
0x1d: {  	[tilespmem:$0x300] =	vst v2;
	v10 =	vld [tilespmem:$0x180]  }
0x1e: {  	[tilespmem:$0x310] =	vst v2  }
0x1f: {  	[tilespmem:$0x320] =	vst v2  }
0x20: {  	[tilespmem:$0x330] =	vst v2  }
0x21: {  	[tilespmem:$0x340] =	vst v2  }
0x22: {  	[tilespmem:$0x350] =	vst v2  }
0x23: {  	[tilespmem:$0x360] =	vst v2  }
0x24: {  	[tilespmem:$0x370] =	vst v2  }
0x25: {  	[tilespmem:v10+s9+$0x0] =	vst.idx.add.f32.msk $0xffff, v2  }
0x26: {  	v10 =	vld [tilespmem:$0x190];
	_ =	sdelay $0x7  }
0x27: {  	[tilespmem:v10+s9+$0x0] =	vst.idx.add.f32.msk $0xffff, v2  }
0x28: {  	v10 =	vld [tilespmem:$0x1A0];
	_ =	sdelay $0x7  }
0x29: {  	[tilespmem:v10+s9+$0x0] =	vst.idx.add.f32.msk $0xffff, v2  }
0x2a: {  	v10 =	vld [tilespmem:$0x1B0];
	_ =	sdelay $0x7  }
0x2b: {  	[tilespmem:v10+s9+$0x0] =	vst.idx.add.f32.msk $0xffff, v2  }
0x2c: {  	v10 =	vld [tilespmem:$0x1C0];
	_ =	sdelay $0x7  }
0x2d: {  	[tilespmem:v10+s9+$0x0] =	vst.idx.add.f32.msk $0xffff, v2  }
0x2e: {  	v10 =	vld [tilespmem:$0x1D0];
	_ =	sdelay $0x7  }
0x2f: {  	[tilespmem:v10+s9+$0x0] =	vst.idx.add.f32.msk $0xffff, v2  }
0x30: {  	v10 =	vld [tilespmem:$0x1E0];
	_ =	sdelay $0x7  }
0x31: {  	[tilespmem:v10+s9+$0x0] =	vst.idx.add.f32.msk $0xffff, v2  }
0x32: {  	v10 =	vld [tilespmem:$0x1F0];
	_ =	sdelay $0x7  }
0x33: {  	[tilespmem:v10+s9+$0x0] =	vst.idx.add.f32.msk $0xffff, v2  }
0x34: {  	v10 =	vld [tilespmem:$0x200];
	_ =	sdelay $0x7  }
0x35: {  	[tilespmem:v10+s9+$0x0] =	vst.idx.add.f32.msk $0xffff, v2  }
0x36: {  	v10 =	vld [tilespmem:$0x210];
	_ =	sdelay $0x7  }
0x37: {  	[tilespmem:v10+s9+$0x0] =	vst.idx.add.f32.msk $0xffff, v2  }
0x38: {  	v10 =	vld [tilespmem:$0x220];
	_ =	sdelay $0x7  }
0x39: {  	[tilespmem:v10+s9+$0x0] =	vst.idx.add.f32.msk $0xffff, v2  }
0x3a: {  	v10 =	vld [tilespmem:$0x230];
	_ =	sdelay $0x7  }
0x3b: {  	[tilespmem:v10+s9+$0x0] =	vst.idx.add.f32.msk $0xffff, v2  }
0x3c: {  	v10 =	vld [tilespmem:$0x240];
	_ =	sdelay $0x7  }
0x3d: {  	[tilespmem:v10+s9+$0x0] =	vst.idx.add.f32.msk $0xffff, v2  }
0x3e: {  	v10 =	vld [tilespmem:$0x250];
	_ =	sdelay $0x7  }
0x3f: {  	[tilespmem:v10+s9+$0x0] =	vst.idx.add.f32.msk $0xffff, v2  }
0x40: {  	v10 =	vld [tilespmem:$0x260];
	_ =	sdelay $0x7  }
0x41: {  	[tilespmem:v10+s9+$0x0] =	vst.idx.add.f32.msk $0xffff, v2  }
0x42: {  	v10 =	vld [tilespmem:$0x270];
	_ =	sdelay $0x7  }
0x43: {  	[tilespmem:v10+s9+$0x0] =	vst.idx.add.f32.msk $0xffff, v2  }
0x44: {  	v10 =	vld [tilespmem:$0x280];
	_ =	sdelay $0x7  }
0x45: {  	[tilespmem:v10+s9+$0x0] =	vst.idx.add.f32.msk $0xffff, v2  }
0x46: {  	v10 =	vld [tilespmem:$0x290];
	_ =	sdelay $0x7  }
0x47: {  	[tilespmem:v10+s9+$0x0] =	vst.idx.add.f32.msk $0xffff, v2  }
0x48: {  	v10 =	vld [tilespmem:$0x2A0];
	_ =	sdelay $0x7  }
0x49: {  	[tilespmem:v10+s9+$0x0] =	vst.idx.add.f32.msk $0xffff, v2  }
0x4a: {  	v10 =	vld [tilespmem:$0x2B0];
	_ =	sdelay $0x7  }
0x4b: {  	[tilespmem:v10+s9+$0x0] =	vst.idx.add.f32.msk $0xffff, v2  }
0x4c: {  	v10 =	vld [tilespmem:$0x2C0];
	_ =	sdelay $0x7  }
0x4d: {  	[tilespmem:v10+s9+$0x0] =	vst.idx.add.f32.msk $0xffff, v2  }
0x4e: {  	v10 =	vld [tilespmem:$0x2D0];
	_ =	sdelay $0x7  }
0x4f: {  	[tilespmem:v10+s9+$0x0] =	vst.idx.add.f32.msk $0xffff, v2  }
0x50: {  	v10 =	vld [tilespmem:$0x2E0];
	_ =	sdelay $0x7  }
0x51: {  	[tilespmem:v10+s9+$0x0] =	vst.idx.add.f32.msk $0xffff, v2  }
0x52: {  	v10 =	vld [tilespmem:$0x2F0];
	_ =	sdelay $0x7  }
0x53: {  	[tilespmem:v10+s9+$0x0] =	vst.idx.add.f32.msk $0xf, v2  }
0x54: {  	v10 =	vld [tilespmem:$0x300];
	_ =	sdelay $0x3  }
0x55: {  	v11 =	vld [tilespmem:$0x310]  }
0x56: {  	v12 =	vshra.s32 v10, $0x1;
	v10 =	vmul.f32 $5.000000000e-01, v10  }
0x57: {  	v12 =	vsub.s32 $0x5F3759DF, v12  }
0x58: {  	v14 =	vmul.f32 v12, v10;
	_ =	sdelay $0x1  }
0x59: {  	v16 =	vld [tilespmem:$0x320];
	v13 =	vshra.s32 v11, $0x1;
	v11 =	vmul.f32 $5.000000000e-01, v11;
	v14 =	vmul.f32 v12, v14  }
0x5a: {  	v17 =	vld [tilespmem:$0x330];
	v13 =	vsub.s32 $0x5F3759DF, v13  }
0x5b: {  	v19 =	vld [tilespmem:$0x340];
	v15 =	vmul.f32 v13, v11;
	v14 =	vsub.f32 $1.500000000e+00, v14;
	_ =	sdelay $0x1  }
0x5c: {  	v21 =	vld [tilespmem:$0x350];
	v15 =	vmul.f32 v13, v15;
	v12 =	vmul.f32 v12, v14  }
0x5d: {  	v40 =	vshra.s32 v16, $0x1;
	v41 =	vmul.f32 $5.000000000e-01, v16  }
0x5e: {  	v43 =	vld [tilespmem:$0x360];
	v18 =	vshra.s32 v17, $0x1;
	v15 =	vsub.f32 $1.500000000e+00, v15;
	v14 =	vmul.f32 v12, v10  }
0x5f: {  	v17 =	vmul.f32 $5.000000000e-01, v17;
	v46 =	vshra.s32 v19, $0x1;
	v19 =	vmul.f32 $5.000000000e-01, v19  }
0x60: {  	v18 =	vsub.s32 $0x5F3759DF, v18;
	v13 =	vmul.f32 v13, v15;
	v14 =	vmul.f32 v14, v12  }
0x61: {  	v22 =	vshra.s32 v21, $0x1;
	v21 =	vmul.f32 $5.000000000e-01, v21;
	v20 =	vmul.f32 v18, v17  }
0x62: {  	v45 =	vld [tilespmem:$0x370];
	v22 =	vsub.s32 $0x5F3759DF, v22;
	v15 =	vmul.f32 v13, v11;
	v14 =	vsub.f32 $1.500000000e+00, v14  }
0x63: {  	v24 =	vshra.s32 v43, $0x1;
	v23 =	vmul.f32 v22, v21;
	v42 =	vmul.f32 v18, v20  }
0x64: {  	v15 =	vmul.f32 v15, v13;
	v12 =	vmul.f32 v14, v12;
	v14 =	vsub.s32 $0x5F3759DF, v40  }
0x65: {  	v24 =	vsub.s32 $0x5F3759DF, v24;
	v20 =	vmul.f32 $5.000000000e-01, v43;
	v16 =	vmul.f32 v14, v41  }
0x66: {  	v23 =	vmul.f32 v22, v23;
	v15 =	vsub.f32 $1.500000000e+00, v15;
	v10 =	vmul.f32 v12, v10  }
0x67: {  	v25 =	vshra.s32 v45, $0x1;
	v26 =	vmul.f32 v24, v20;
	v16 =	vmul.f32 v14, v16  }
0x68: {  	v23 =	vsub.f32 $1.500000000e+00, v23;
	v13 =	vmul.f32 v15, v13;
	v10 =	vmul.f32 v10, v12  }
0x69: {  	v25 =	vsub.s32 $0x5F3759DF, v25;
	v26 =	vmul.f32 v24, v26;
	v16 =	vsub.f32 $1.500000000e+00, v16  }
0x6a: {  	v22 =	vmul.f32 v22, v23;
	v11 =	vmul.f32 v13, v11;
	v10 =	vsub.f32 $1.500000000e+00, v10  }
0x6b: {  	v44 =	vmul.f32 v14, v16;
	v16 =	vsub.s32 $0x5F3759DF, v46;
	v14 =	vmul.f32 $5.000000000e-01, v45  }
0x6c: {  	v10 =	vmul.f32 v10, v12;
	v12 =	vsub.f32 $1.500000000e+00, v42;
	v47 =	vmul.f32 v16, v19  }
0x6d: {  	v11 =	vmul.f32 v11, v13;
	v27 =	vmul.f32 v25, v14  }
0x6e: {  	v12 =	vmul.f32 v18, v12;
	v18 =	vmul.f32 v16, v47  }
0x6f: {  	v52 =	vmul.f32 v22, v21;
	v28 =	vmul.f32 v44, v41  }
0x70: {  	v11 =	vsub.f32 $1.500000000e+00, v11;
	v27 =	vmul.f32 v25, v27;
	v18 =	vsub.f32 $1.500000000e+00, v18  }
0x71: {  	v48 =	vsub.f32 $1.500000000e+00, v26;
	v28 =	vmul.f32 v28, v44;
	v29 =	vmul.f32 v12, v17  }
0x72: {  	v11 =	vmul.f32 v11, v13;
	v50 =	vsub.f32 $1.500000000e+00, v27;
	v16 =	vmul.f32 v16, v18  }
0x73: {  	v28 =	vsub.f32 $1.500000000e+00, v28;
	v49 =	vmul.f32 v29, v12;
	v18 =	vmul.f32 v24, v48  }
0x74: {  	v24 =	vmul.f32 v52, v22;
	v51 =	vmul.f32 v16, v19  }
0x75: {  	v23 =	vmul.f32 v25, v50;
	v13 =	vmul.f32 v28, v44  }
0x76: {  	v54 =	vmul.f32 v18, v20;
	v26 =	vsub.f32 $1.500000000e+00, v49;
	v53 =	vmul.f32 v51, v16  }
0x77: {  	v24 =	vsub.f32 $1.500000000e+00, v24;
	v55 =	vmul.f32 v23, v14;
	v15 =	vmul.f32 v13, v41  }
0x78: {  	v27 =	vmul.f32 v54, v18;
	v12 =	vmul.f32 v26, v12;
	v25 =	vsub.f32 $1.500000000e+00, v53  }
0x79: {  	v22 =	vmul.f32 v24, v22;
	v29 =	vmul.f32 v55, v23  }
0x7a: {  	v15 =	vmul.f32 v15, v13;
	v56 =	vsub.f32 $1.500000000e+00, v27;
	v16 =	vmul.f32 v25, v16  }
0x7b: {  	v17 =	vmul.f32 v12, v17;
	v21 =	vmul.f32 v22, v21;
	v57 =	vsub.f32 $1.500000000e+00, v29  }
0x7c: {  	v18 =	vmul.f32 v56, v18;
	v19 =	vmul.f32 v16, v19  }
0x7d: {  	v17 =	vmul.f32 v17, v12;
	v23 =	vmul.f32 v57, v23  }
0x7e: {  	v15 =	vsub.f32 $1.500000000e+00, v15;
	v20 =	vmul.f32 v18, v20;
	v19 =	vmul.f32 v19, v16  }
0x7f: {  	v21 =	vmul.f32 v21, v22;
	v17 =	vsub.f32 $1.500000000e+00, v17;
	v14 =	vmul.f32 v23, v14  }
0x80: {  	v60 =	vld [tilespmem:$0x0];
	[tilespmem:$0x380] =	vst v10;
	v10 =	vmul.f32 v15, v13;
	v59 =	vmul.f32 v20, v18;
	v58 =	vsub.f32 $1.500000000e+00, v19  }
0x81: {  	v62 =	vld [tilespmem:$0x180];
	[tilespmem:$0x390] =	vst v11;
	v61 =	vsub.f32 $1.500000000e+00, v21;
	v11 =	vmul.f32 v17, v12;
	v14 =	vmul.f32 v14, v23  }
0x82: {  	[tilespmem:$0x3A0] =	vst v10;
	v63 =	vsub.f32 $1.500000000e+00, v59;
	v10 =	vmul.f32 v58, v16  }
0x83: {  	[tilespmem:$0x3B0] =	vst v11;
	v11 =	vmul.f32 v61, v22;
	v16 =	vsub.f32 $1.500000000e+00, v14  }
0x84: {  	[tilespmem:$0x3C0] =	vst v10;
	v10 =	vmul.f32 v63, v18  }
0x85: {  	[tilespmem:$0x3D0] =	vst v11;
	v11 =	vmul.f32 v16, v23  }
0x86: {  	[tilespmem:$0x3E0] =	vst v10  }
0x87: {  	[tilespmem:$0x3F0] =	vst v11  }
0x88: {  	v10 =	vld.idx.msk [tilespmem:v60+s10+$0x0], $0xffff  }
0x89: {  	v11 =	vld.idx.msk [tilespmem:v62+s10+$0x0], $0xffff  }
0x8a: {  	v18 =	vshll.u32 v62, $0x7  }
0x8b: {  	v12 =	vadd.s32 v60, v18;
	_ =	sdelay $0x2  }
0x8c: {  	v10 =	vmul.f32 v11, v10;
	_ =	sdelay $0x1  }
0x8d: {  	[tilespmem:v12+s11+$0x0] =	vst.idx.add.f32.msk $0xffff, v10  }
0x8e: {  	v10 =	vld [tilespmem:$0x10]  }
0x8f: {  	v11 =	vld [tilespmem:$0x190];
	_ =	sdelay $0x6  }
0x90: {  	v12 =	vld.idx.msk [tilespmem:v10+s10+$0x0], $0xffff  }
0x91: {  	v19 =	vld.idx.msk [tilespmem:v11+s10+$0x0], $0xffff  }
0x92: {  	v11 =	vshll.u32 v11, $0x7  }
0x93: {  	v10 =	vadd.s32 v10, v11;
	_ =	sdelay $0x2  }
0x94: {  	v11 =	vmul.f32 v19, v12;
	_ =	sdelay $0x1  }
0x95: {  	[tilespmem:v10+s11+$0x0] =	vst.idx.add.f32.msk $0xffff, v11  }
0x96: {  	v10 =	vld [tilespmem:$0x20]  }
0x97: {  	v11 =	vld [tilespmem:$0x1A0];
	_ =	sdelay $0x6  }
0x98: {  	v20 =	vld.idx.msk [tilespmem:v10+s10+$0x0], $0xffff  }
0x99: {  	v21 =	vld.idx.msk [tilespmem:v11+s10+$0x0], $0xffff  }
0x9a: {  	v11 =	vshll.u32 v11, $0x7  }
0x9b: {  	v10 =	vadd.s32 v10, v11;
	_ =	sdelay $0x2  }
0x9c: {  	v11 =	vmul.f32 v21, v20;
	_ =	sdelay $0x1  }
0x9d: {  	[tilespmem:v10+s11+$0x0] =	vst.idx.add.f32.msk $0xffff, v11  }
0x9e: {  	v10 =	vld [tilespmem:$0x30]  }
0x9f: {  	v11 =	vld [tilespmem:$0x1B0];
	_ =	sdelay $0x6  }
0xa0: {  	v22 =	vld.idx.msk [tilespmem:v10+s10+$0x0], $0xffff  }
0xa1: {  	v23 =	vld.idx.msk [tilespmem:v11+s10+$0x0], $0xffff  }
0xa2: {  	v11 =	vshll.u32 v11, $0x7  }
0xa3: {  	v10 =	vadd.s32 v10, v11;
	_ =	sdelay $0x2  }
0xa4: {  	v11 =	vmul.f32 v23, v22;
	_ =	sdelay $0x1  }
0xa5: {  	[tilespmem:v10+s11+$0x0] =	vst.idx.add.f32.msk $0xffff, v11  }
0xa6: {  	v10 =	vld [tilespmem:$0x40]  }
0xa7: {  	v11 =	vld [tilespmem:$0x1C0];
	_ =	sdelay $0x6  }
0xa8: {  	v24 =	vld.idx.msk [tilespmem:v10+s10+$0x0], $0xffff  }
0xa9: {  	v25 =	vld.idx.msk [tilespmem:v11+s10+$0x0], $0xffff  }
0xaa: {  	v11 =	vshll.u32 v11, $0x7  }
0xab: {  	v10 =	vadd.s32 v10, v11;
	_ =	sdelay $0x2  }
0xac: {  	v11 =	vmul.f32 v25, v24;
	_ =	sdelay $0x1  }
0xad: {  	[tilespmem:v10+s11+$0x0] =	vst.idx.add.f32.msk $0xffff, v11  }
0xae: {  	v10 =	vld [tilespmem:$0x50]  }
0xaf: {  	v11 =	vld [tilespmem:$0x1D0];
	_ =	sdelay $0x6  }
0xb0: {  	v26 =	vld.idx.msk [tilespmem:v10+s10+$0x0], $0xffff  }
0xb1: {  	v27 =	vld.idx.msk [tilespmem:v11+s10+$0x0], $0xffff  }
0xb2: {  	v11 =	vshll.u32 v11, $0x7  }
0xb3: {  	v10 =	vadd.s32 v10, v11;
	_ =	sdelay $0x2  }
0xb4: {  	v11 =	vmul.f32 v27, v26;
	_ =	sdelay $0x1  }
0xb5: {  	[tilespmem:v10+s11+$0x0] =	vst.idx.add.f32.msk $0xffff, v11  }
0xb6: {  	v10 =	vld [tilespmem:$0x60]  }
0xb7: {  	v11 =	vld [tilespmem:$0x1E0];
	_ =	sdelay $0x6  }
0xb8: {  	v28 =	vld.idx.msk [tilespmem:v10+s10+$0x0], $0xffff  }
0xb9: {  	v29 =	vld.idx.msk [tilespmem:v11+s10+$0x0], $0xffff  }
0xba: {  	v11 =	vshll.u32 v11, $0x7  }
0xbb: {  	v10 =	vadd.s32 v10, v11;
	_ =	sdelay $0x2  }
0xbc: {  	v11 =	vmul.f32 v29, v28;
	_ =	sdelay $0x1  }
0xbd: {  	[tilespmem:v10+s11+$0x0] =	vst.idx.add.f32.msk $0xffff, v11  }
0xbe: {  	v10 =	vld [tilespmem:$0x70]  }
0xbf: {  	v11 =	vld [tilespmem:$0x1F0];
	_ =	sdelay $0x6  }
0xc0: {  	v30 =	vld.idx.msk [tilespmem:v10+s10+$0x0], $0xffff  }
0xc1: {  	v31 =	vld.idx.msk [tilespmem:v11+s10+$0x0], $0xffff  }
0xc2: {  	v11 =	vshll.u32 v11, $0x7  }
0xc3: {  	v10 =	vadd.s32 v10, v11;
	_ =	sdelay $0x2  }
0xc4: {  	v11 =	vmul.f32 v31, v30;
	_ =	sdelay $0x1  }
0xc5: {  	[tilespmem:v10+s11+$0x0] =	vst.idx.add.f32.msk $0xffff, v11  }
0xc6: {  	v10 =	vld [tilespmem:$0x80]  }
0xc7: {  	v11 =	vld [tilespmem:$0x200];
	_ =	sdelay $0x6  }
0xc8: {  	v32 =	vld.idx.msk [tilespmem:v10+s10+$0x0], $0xffff  }
0xc9: {  	v33 =	vld.idx.msk [tilespmem:v11+s10+$0x0], $0xffff  }
0xca: {  	v11 =	vshll.u32 v11, $0x7  }
0xcb: {  	v10 =	vadd.s32 v10, v11;
	_ =	sdelay $0x2  }
0xcc: {  	v11 =	vmul.f32 v33, v32;
	_ =	sdelay $0x1  }
0xcd: {  	[tilespmem:v10+s11+$0x0] =	vst.idx.add.f32.msk $0xffff, v11  }
0xce: {  	v10 =	vld [tilespmem:$0x90]  }
0xcf: {  	v11 =	vld [tilespmem:$0x210];
	_ =	sdelay $0x6  }
0xd0: {  	v34 =	vld.idx.msk [tilespmem:v10+s10+$0x0], $0xffff  }
0xd1: {  	v35 =	vld.idx.msk [tilespmem:v11+s10+$0x0], $0xffff  }
0xd2: {  	v11 =	vshll.u32 v11, $0x7  }
0xd3: {  	v10 =	vadd.s32 v10, v11;
	_ =	sdelay $0x2  }
0xd4: {  	v11 =	vmul.f32 v35, v34;
	_ =	sdelay $0x1  }
0xd5: {  	[tilespmem:v10+s11+$0x0] =	vst.idx.add.f32.msk $0xffff, v11  }
0xd6: {  	v10 =	vld [tilespmem:$0xA0]  }
0xd7: {  	v11 =	vld [tilespmem:$0x220];
	_ =	sdelay $0x6  }
0xd8: {  	v36 =	vld.idx.msk [tilespmem:v10+s10+$0x0], $0xffff  }
0xd9: {  	v37 =	vld.idx.msk [tilespmem:v11+s10+$0x0], $0xffff  }
0xda: {  	v11 =	vshll.u32 v11, $0x7  }
0xdb: {  	v10 =	vadd.s32 v10, v11;
	_ =	sdelay $0x2  }
0xdc: {  	v11 =	vmul.f32 v37, v36;
	_ =	sdelay $0x1  }
0xdd: {  	[tilespmem:v10+s11+$0x0] =	vst.idx.add.f32.msk $0xffff, v11  }
0xde: {  	v10 =	vld [tilespmem:$0xB0]  }
0xdf: {  	v11 =	vld [tilespmem:$0x230];
	_ =	sdelay $0x6  }
0xe0: {  	v38 =	vld.idx.msk [tilespmem:v10+s10+$0x0], $0xffff  }
0xe1: {  	v39 =	vld.idx.msk [tilespmem:v11+s10+$0x0], $0xffff  }
0xe2: {  	v11 =	vshll.u32 v11, $0x7  }
0xe3: {  	v10 =	vadd.s32 v10, v11;
	_ =	sdelay $0x2  }
0xe4: {  	v11 =	vmul.f32 v39, v38;
	_ =	sdelay $0x1  }
0xe5: {  	[tilespmem:v10+s11+$0x0] =	vst.idx.add.f32.msk $0xffff, v11  }
0xe6: {  	v10 =	vld [tilespmem:$0xC0]  }
0xe7: {  	v11 =	vld [tilespmem:$0x240];
	_ =	sdelay $0x6  }
0xe8: {  	v40 =	vld.idx.msk [tilespmem:v10+s10+$0x0], $0xffff  }
0xe9: {  	v41 =	vld.idx.msk [tilespmem:v11+s10+$0x0], $0xffff  }
0xea: {  	v11 =	vshll.u32 v11, $0x7  }
0xeb: {  	v10 =	vadd.s32 v10, v11;
	_ =	sdelay $0x2  }
0xec: {  	v11 =	vmul.f32 v41, v40;
	_ =	sdelay $0x1  }
0xed: {  	[tilespmem:v10+s11+$0x0] =	vst.idx.add.f32.msk $0xffff, v11  }
0xee: {  	v10 =	vld [tilespmem:$0xD0]  }
0xef: {  	v11 =	vld [tilespmem:$0x250];
	_ =	sdelay $0x6  }
0xf0: {  	v42 =	vld.idx.msk [tilespmem:v10+s10+$0x0], $0xffff  }
0xf1: {  	v43 =	vld.idx.msk [tilespmem:v11+s10+$0x0], $0xffff  }
0xf2: {  	v11 =	vshll.u32 v11, $0x7  }
0xf3: {  	v10 =	vadd.s32 v10, v11;
	_ =	sdelay $0x2  }
0xf4: {  	v11 =	vmul.f32 v43, v42;
	_ =	sdelay $0x1  }
0xf5: {  	[tilespmem:v10+s11+$0x0] =	vst.idx.add.f32.msk $0xffff, v11  }
0xf6: {  	v10 =	vld [tilespmem:$0xE0]  }
0xf7: {  	v11 =	vld [tilespmem:$0x260];
	_ =	sdelay $0x6  }
0xf8: {  	v44 =	vld.idx.msk [tilespmem:v10+s10+$0x0], $0xffff  }
0xf9: {  	v45 =	vld.idx.msk [tilespmem:v11+s10+$0x0], $0xffff  }
0xfa: {  	v11 =	vshll.u32 v11, $0x7  }
0xfb: {  	v10 =	vadd.s32 v10, v11;
	_ =	sdelay $0x2  }
0xfc: {  	v11 =	vmul.f32 v45, v44;
	_ =	sdelay $0x1  }
0xfd: {  	[tilespmem:v10+s11+$0x0] =	vst.idx.add.f32.msk $0xffff, v11  }
0xfe: {  	v10 =	vld [tilespmem:$0xF0]  }
0xff: {  	v11 =	vld [tilespmem:$0x270];
	_ =	sdelay $0x6  }
0x100: {  	v46 =	vld.idx.msk [tilespmem:v10+s10+$0x0], $0xffff  }
0x101: {  	v47 =	vld.idx.msk [tilespmem:v11+s10+$0x0], $0xffff  }
0x102: {  	v11 =	vshll.u32 v11, $0x7  }
0x103: {  	v10 =	vadd.s32 v10, v11;
	_ =	sdelay $0x2  }
0x104: {  	v11 =	vmul.f32 v47, v46;
	_ =	sdelay $0x1  }
0x105: {  	[tilespmem:v10+s11+$0x0] =	vst.idx.add.f32.msk $0xffff, v11  }
0x106: {  	v10 =	vld [tilespmem:$0x100]  }
0x107: {  	v11 =	vld [tilespmem:$0x280];
	_ =	sdelay $0x6  }
0x108: {  	v48 =	vld.idx.msk [tilespmem:v10+s10+$0x0], $0xffff  }
0x109: {  	v49 =	vld.idx.msk [tilespmem:v11+s10+$0x0], $0xffff  }
0x10a: {  	v11 =	vshll.u32 v11, $0x7  }
0x10b: {  	v10 =	vadd.s32 v10, v11;
	_ =	sdelay $0x2  }
0x10c: {  	v11 =	vmul.f32 v49, v48;
	_ =	sdelay $0x1  }
0x10d: {  	[tilespmem:v10+s11+$0x0] =	vst.idx.add.f32.msk $0xffff, v11  }
0x10e: {  	v10 =	vld [tilespmem:$0x110]  }
0x10f: {  	v11 =	vld [tilespmem:$0x290];
	_ =	sdelay $0x6  }
0x110: {  	v50 =	vld.idx.msk [tilespmem:v10+s10+$0x0], $0xffff  }
0x111: {  	v51 =	vld.idx.msk [tilespmem:v11+s10+$0x0], $0xffff  }
0x112: {  	v11 =	vshll.u32 v11, $0x7  }
0x113: {  	v10 =	vadd.s32 v10, v11;
	_ =	sdelay $0x2  }
0x114: {  	v11 =	vmul.f32 v51, v50;
	_ =	sdelay $0x1  }
0x115: {  	[tilespmem:v10+s11+$0x0] =	vst.idx.add.f32.msk $0xffff, v11  }
0x116: {  	v10 =	vld [tilespmem:$0x120]  }
0x117: {  	v11 =	vld [tilespmem:$0x2A0];
	_ =	sdelay $0x6  }
0x118: {  	v52 =	vld.idx.msk [tilespmem:v10+s10+$0x0], $0xffff  }
0x119: {  	v53 =	vld.idx.msk [tilespmem:v11+s10+$0x0], $0xffff  }
0x11a: {  	v11 =	vshll.u32 v11, $0x7  }
0x11b: {  	v10 =	vadd.s32 v10, v11;
	_ =	sdelay $0x2  }
0x11c: {  	v11 =	vmul.f32 v53, v52;
	_ =	sdelay $0x1  }
0x11d: {  	[tilespmem:v10+s11+$0x0] =	vst.idx.add.f32.msk $0xffff, v11  }
0x11e: {  	v10 =	vld [tilespmem:$0x130]  }
0x11f: {  	v11 =	vld [tilespmem:$0x2B0];
	_ =	sdelay $0x6  }
0x120: {  	v54 =	vld.idx.msk [tilespmem:v10+s10+$0x0], $0xffff  }
0x121: {  	v55 =	vld.idx.msk [tilespmem:v11+s10+$0x0], $0xffff  }
0x122: {  	v11 =	vshll.u32 v11, $0x7  }
0x123: {  	v10 =	vadd.s32 v10, v11;
	_ =	sdelay $0x2  }
0x124: {  	v11 =	vmul.f32 v55, v54;
	_ =	sdelay $0x1  }
0x125: {  	[tilespmem:v10+s11+$0x0] =	vst.idx.add.f32.msk $0xffff, v11  }
0x126: {  	v10 =	vld [tilespmem:$0x140]  }
0x127: {  	v11 =	vld [tilespmem:$0x2C0];
	_ =	sdelay $0x6  }
0x128: {  	v56 =	vld.idx.msk [tilespmem:v10+s10+$0x0], $0xffff  }
0x129: {  	v57 =	vld.idx.msk [tilespmem:v11+s10+$0x0], $0xffff  }
0x12a: {  	v11 =	vshll.u32 v11, $0x7  }
0x12b: {  	v10 =	vadd.s32 v10, v11;
	_ =	sdelay $0x2  }
0x12c: {  	v11 =	vmul.f32 v57, v56;
	_ =	sdelay $0x1  }
0x12d: {  	[tilespmem:v10+s11+$0x0] =	vst.idx.add.f32.msk $0xffff, v11  }
0x12e: {  	v10 =	vld [tilespmem:$0x150]  }
0x12f: {  	v11 =	vld [tilespmem:$0x2D0];
	_ =	sdelay $0x6  }
0x130: {  	v58 =	vld.idx.msk [tilespmem:v10+s10+$0x0], $0xffff  }
0x131: {  	v59 =	vld.idx.msk [tilespmem:v11+s10+$0x0], $0xffff  }
0x132: {  	v11 =	vshll.u32 v11, $0x7  }
0x133: {  	v10 =	vadd.s32 v10, v11;
	_ =	sdelay $0x2  }
0x134: {  	v11 =	vmul.f32 v59, v58;
	_ =	sdelay $0x1  }
0x135: {  	[tilespmem:v10+s11+$0x0] =	vst.idx.add.f32.msk $0xffff, v11  }
0x136: {  	v10 =	vld [tilespmem:$0x160]  }
0x137: {  	v11 =	vld [tilespmem:$0x2E0];
	_ =	sdelay $0x6  }
0x138: {  	v60 =	vld.idx.msk [tilespmem:v10+s10+$0x0], $0xffff  }
0x139: {  	v61 =	vld.idx.msk [tilespmem:v11+s10+$0x0], $0xffff  }
0x13a: {  	v11 =	vshll.u32 v11, $0x7  }
0x13b: {  	v10 =	vadd.s32 v10, v11;
	_ =	sdelay $0x2  }
0x13c: {  	v11 =	vmul.f32 v61, v60;
	_ =	sdelay $0x1  }
0x13d: {  	[tilespmem:v10+s11+$0x0] =	vst.idx.add.f32.msk $0xffff, v11  }
0x13e: {  	v10 =	vld [tilespmem:$0x170]  }
0x13f: {  	v11 =	vld [tilespmem:$0x2F0];
	_ =	sdelay $0x6  }
0x140: {  	v62 =	vld.idx.msk [tilespmem:v10+s10+$0x0], $0xf  }
0x141: {  	v63 =	vld.idx.msk [tilespmem:v11+s10+$0x0], $0xf  }
0x142: {  	v11 =	vshll.u32 v11, $0x7  }
0x143: {  	v10 =	vadd.s32 v10, v11;
	_ =	sdelay $0x2  }
0x144: {  	v11 =	vmul.f32 v63, v62;
	_ =	sdelay $0x1  }
0x145: {  	[tilespmem:v10+s11+$0x0] =	vst.idx.add.f32.msk $0xf, v11  }
0x146: {  	v10 =	vld [tilespmem:$0x380];
	_ =	sdelay $0x4  }
0x147: {  	v10 =	vmul.f32 v10, v10;
	_ =	sdelay $0x1  }
0x148: {  	[tilespmem:v0+s11+$0x0] =	vst.idx.add.f32.msk $0xffff, v10  }
0x149: {  	v10 =	vld [tilespmem:$0x390];
	_ =	sdelay $0x4  }
0x14a: {  	v10 =	vmul.f32 v10, v10;
	_ =	sdelay $0x1  }
0x14b: {  	[tilespmem:v3+s11+$0x0] =	vst.idx.add.f32.msk $0xffff, v10  }
0x14c: {  	v10 =	vld [tilespmem:$0x3A0];
	_ =	sdelay $0x4  }
0x14d: {  	v10 =	vmul.f32 v10, v10;
	_ =	sdelay $0x1  }
0x14e: {  	[tilespmem:v4+s11+$0x0] =	vst.idx.add.f32.msk $0xffff, v10  }
0x14f: {  	v10 =	vld [tilespmem:$0x3B0];
	_ =	sdelay $0x4  }
0x150: {  	v10 =	vmul.f32 v10, v10;
	_ =	sdelay $0x1  }
0x151: {  	[tilespmem:v5+s11+$0x0] =	vst.idx.add.f32.msk $0xffff, v10  }
0x152: {  	v10 =	vld [tilespmem:$0x3C0];
	_ =	sdelay $0x4  }
0x153: {  	v10 =	vmul.f32 v10, v10;
	_ =	sdelay $0x1  }
0x154: {  	[tilespmem:v6+s11+$0x0] =	vst.idx.add.f32.msk $0xffff, v10  }
0x155: {  	v10 =	vld [tilespmem:$0x3D0];
	_ =	sdelay $0x4  }
0x156: {  	v10 =	vmul.f32 v10, v10;
	_ =	sdelay $0x1  }
0x157: {  	[tilespmem:v7+s11+$0x0] =	vst.idx.add.f32.msk $0xffff, v10  }
0x158: {  	v10 =	vld [tilespmem:$0x3E0];
	_ =	sdelay $0x4  }
0x159: {  	v10 =	vmul.f32 v10, v10;
	_ =	sdelay $0x1  }
0x15a: {  	[tilespmem:v8+s11+$0x0] =	vst.idx.add.f32.msk $0xffff, v10  }
0x15b: {  	v10 =	vld [tilespmem:$0x3F0];
	_ =	sdelay $0x4  }
0x15c: {  	s12 =	sadd.s32 $0x1, s12;
	v10 =	vmul.f32 v10, v10  }
0x15d: {  	p0 =	sne.s32 s12, s5  }
.Ltmp2:
0x15e: {  	[tilespmem:v9+s11+$0x0] =	vst.idx.add.f32.msk $0x3f, v10;
	(pc) =	sbr.rel @p0 .LBB2_2-.Ltmp2, $4  }
0x15f: {  	[hbm4b:s3+s6] =	stream.linear.scatter [tilespmem:s11], [sflag:$0x1], $0x4000, $0x38;
	[tilespmem:$0x4400] =	vst v63  }
0x160: {  	_ =	swait.ge [sflag:s7], $0x4000  }
0x161: {  	[sflag:s7] =	ssyncset.done $0x0  }
0x162: {  	[sflag:s7] =	ssyncadd.s32 $0xFFFFC000  }
.LBB2_5:
0x163: {  	_ =	sfence.sel $0x180000  }
0x164: {  	[bflag:$0x0] =	sbarrier.arrive $0xFFFF  }
0x165: {  	p0 =	sne.s32 s0, $0x0;
	_ =	strace $0x90000047  }
0x166: {  	s0 =	sadd.s32 @!p0 $0x100000, s1;
	[bflag:$0x2] =	sbarrier.arrive $0xFFFF  }
0x167: {  	[sflag:s0] =	ssyncadd.tile.s32 @!p0 $0x1;
	_ =	shalt  }
.Lfunc_end2:
_tile_overlayer_lowered:
.L_overlay_start_2:
0x168: {  	(tag) =	ssettag $0x2  }
0x169: {  	s0 =	rddreg [dreg:$0x0];
	s2 =	stileid.u32  }
0x16a: {  	s1 =	rddreg [dreg:$0x1];
	p0 =	sne.s32 s2, $0x0  }
0x16b: {  	s3 =	rddreg [dreg:$0x2];
	[bflag:$0x3] =	sbarrier.arrive $0xFFFF;
	s2 =	simm.s32 @!p0 $0x1C01  }
0x16c: {  	[timem:s3], [sflag:s2] =	dma.local @!p0 [hbm:s0], s1  }
0x16d: {  	s0 =	simm.s32 @!p0 $0x1  }
0x16e: {  	_ =	swait.ge @!p0 [sflag:s0], s1  }
0x16f: {  	s1 =	ssub.s32 @!p0 $0x0, s1;
	[sflag:s0] =	ssyncset.done @!p0 $0x0  }
0x170: {  	[sflag:s0] =	ssyncadd.s32 @!p0 s1  }
0x171: {  	[bflag:$0x3] =	sbarrier.arrive $0xFFFF  }
0x172: {  	_ =	shalt  }

</sc_bundles>
